<compile_context>
chip_gen: v7x
topology: tpu7x:2x2x1
jax: 0.10.2.dev20260603
libtpu: 0.0.44.dev20260713+nightly
codegen_flags: <defaults>
</compile_context>

<pallas_src>
import functools
import math

import jax
import jax.numpy as jnp
from jax import lax
from jax.experimental import pallas as pl
from jax.experimental.pallas import tpu as pltpu
from jax.experimental.pallas import tpu_sc as plsc

_N_NODES = 50000
_N_EDGES = 800000
_N_GRAPHS = 1024
_D_H = 128
_D_QK = 64
_D_V = 64
_E_PAD = 8


def _ln(z, g, b):
    mu = jnp.mean(z, axis=-1, keepdims=True)
    var = jnp.var(z, axis=-1, keepdims=True)
    return (z - mu) * jax.lax.rsqrt(var + 1e-5) * g + b


def _mlp2(z, p):
    h = jnp.maximum(z @ p['W1'] + p['b1'], 0.0)
    h = _ln(h, p['lg'], p['lb'])
    return h @ p['W2'] + p['b2']


def _row_call(body, n_rows, blk, out_shapes, blocked, full):
    grid = (n_rows // blk,)
    in_specs = (
        [pl.BlockSpec((blk,) + a.shape[1:],
                      lambda i, n=a.ndim: (i,) + (0,) * (n - 1))
         for a in blocked]
        + [pl.BlockSpec(a.shape, lambda i, n=a.ndim: (0,) * n) for a in full])
    out_specs = [pl.BlockSpec((blk,) + s[1:],
                              lambda i, n=len(s): (i,) + (0,) * (n - 1))
                 for s in out_shapes]
    n_out = len(out_shapes)
    n_blk = len(blocked)

    def kern(*refs):
        ins = refs[:n_blk + len(full)]
        outs = refs[n_blk + len(full):]
        body(outs, ins[:n_blk], ins[n_blk:])

    res = pl.pallas_call(
        kern,
        grid=grid,
        in_specs=in_specs,
        out_specs=out_specs if n_out > 1 else out_specs[0],
        out_shape=([jax.ShapeDtypeStruct(s, jnp.float32) for s in out_shapes]
                   if n_out > 1 else jax.ShapeDtypeStruct(out_shapes[0], jnp.float32)),
    )(*blocked, *full)
    return res


def _emb_kernel(x6, W, b, g, bb):
    def body(outs, blk, full):
        xr, = blk
        Wr, br, gr, bbr = full
        h = xr[...] @ Wr[...] + br[...]
        outs[0][...] = _ln(h, gr[...], bbr[...])
    return _row_call(body, _N_NODES, 400, [(_N_NODES, _D_H)], [x6], [W, b, g, bb])


def _qkv_kernel(hs, lp, WeT):
    flat = []
    for nm in ('q', 'k', 'v'):
        p = lp[nm]
        flat += [p['W1'], p['b1'], p['lg'], p['lb'], p['W2'], p['b2']]
    flat.append(WeT)

    def body(outs, blk, full):
        hr, = blk
        h = hr[...]
        outs_l = []
        for j in range(3):
            W1, b1, lg, lb, W2, b2 = [full[6 * j + t][...] for t in range(6)]
            z = jnp.maximum(h @ W1 + b1, 0.0)
            z = _ln(z, lg, lb)
            outs_l.append(z @ W2 + b2)
        q, k, v = outs_l
        outs[0][...] = q
        outs[1][...] = k
        outs[2][...] = v
        outs[3][...] = q @ full[18][...]

    return _row_call(
        body, _N_NODES, 400,
        [(_N_NODES, _D_QK), (_N_NODES, _D_QK), (_N_NODES, _D_V),
         (_N_NODES, _E_PAD)],
        [hs], flat)


def _edge_exp_kernel(qg, kg, qeg, ea):
    def body(outs, blk, full):
        q, k, qe, e = [r[...] for r in blk]
        logit = (jnp.sum(q * k, axis=-1, keepdims=True)
                 + jnp.sum(qe * e, axis=-1, keepdims=True)) / math.sqrt(_D_QK)
        outs[0][...] = jnp.exp(logit)
    return _row_call(body, _E_SC, 1600, [(_E_SC, 1)],
                     [qg, kg, qeg, ea], [])


def _post_attn_kernel(agg_raw, denom, hs, lp):
    p = lp['o']
    flat = [p['W1'], p['b1'], p['lg'], p['lb'], p['W2'], p['b2'],
            lp['Wg'], lp['bg'], lp['ng'], lp['nb']]

    def body(outs, blk, full):
        ar, dr, hr = blk
        W1, b1, lg, lb, W2, b2, Wg, bg, ng, nb = [r[...] for r in full]
        agg = ar[...] / (dr[...] + 1e-9)
        z = jnp.maximum(agg @ W1 + b1, 0.0)
        z = _ln(z, lg, lb)
        out = z @ W2 + b2
        h = hr[...]
        gate = jax.nn.sigmoid(h @ Wg + bg)
        hn = gate * h + (1.0 - gate) * out
        outs[0][...] = _ln(hn, ng, nb)

    return _row_call(body, _N_NODES, 400, [(_N_NODES, _D_H)],
                     [agg_raw, denom, hs], flat)


def _node_res_kernel(hs, p):
    flat = [p['W1'], p['b1'], p['lg'], p['lb'], p['W2'], p['b2']]

    def body(outs, blk, full):
        hr, = blk
        W1, b1, lg, lb, W2, b2 = [r[...] for r in full]
        h = hr[...]
        z = jnp.maximum(h @ W1 + b1, 0.0)
        z = _ln(z, lg, lb)
        outs[0][...] = z @ W2 + b2 + h

    return _row_call(body, _N_NODES, 400, [(_N_NODES, _D_H)], [hs], flat)


def _graph_kernel(pooled, p):
    flat = [p['W1'], p['b1'], p['lg'], p['lb'], p['W2'], p['b2']]

    def body(outs, blk, full):
        hr, = blk
        W1, b1, lg, lb, W2, b2 = [r[...] for r in full]
        z = jnp.maximum(hr[...] @ W1 + b1, 0.0)
        z = _ln(z, lg, lb)
        outs[0][...] = z @ W2 + b2

    return _row_call(body, _N_GRAPHS, _N_GRAPHS, [(_N_GRAPHS, 1)], [pooled], flat)



_E_SC = 819200
_N_SC = 50048
_N_DUMMY = 50000
_CH = 128
_MESH = dict(core_axis_name="c", subcore_axis_name="s")
_SC_PARAMS = pltpu.CompilerParams(use_tc_tiling_on_sc=False,
                                  needs_layout_passes=False)


def _sc_gather(qt, kt, qet, src, dst):
    epw = _E_SC // 32
    nch = epw // _CH

    @functools.partial(
        pl.kernel,
        mesh=plsc.VectorSubcoreMesh(**_MESH),
        compiler_params=_SC_PARAMS,
        out_type=[jax.ShapeDtypeStruct((_E_SC, _D_QK), jnp.float32),
                  jax.ShapeDtypeStruct((_E_SC, _D_QK), jnp.float32),
                  jax.ShapeDtypeStruct((_E_SC, _E_PAD), jnp.float32)],
        scratch_types=[pltpu.VMEM((_CH,), jnp.int32),
                       pltpu.VMEM((_CH,), jnp.int32),
                       pltpu.VMEM((_CH, _D_QK), jnp.float32),
                       pltpu.VMEM((_CH, _E_PAD), jnp.float32),
                       pltpu.SemaphoreType.DMA],
    )
    def k_(q_hbm, k_hbm, qe_hbm, src_hbm, dst_hbm,
           qg_hbm, kg_hbm, qeg_hbm, idxd, idxs, buf, buf8, sem):
        wid = lax.axis_index("s") * 2 + lax.axis_index("c")
        base0 = wid * epw

        def chunk(i, carry):
            base = base0 + i * _CH
            sl = pl.ds(base, _CH)
            pltpu.sync_copy(dst_hbm.at[sl], idxd)
            pltpu.sync_copy(src_hbm.at[sl], idxs)
            pltpu.async_copy(q_hbm.at[idxd], buf, sem).wait()
            pltpu.sync_copy(buf, qg_hbm.at[sl])
            pltpu.async_copy(k_hbm.at[idxs], buf, sem).wait()
            pltpu.sync_copy(buf, kg_hbm.at[sl])
            pltpu.async_copy(qe_hbm.at[idxd], buf8, sem).wait()
            pltpu.sync_copy(buf8, qeg_hbm.at[sl])
            return carry

        lax.fori_loop(0, nch, chunk, 0)

    return k_(qt, kt, qet, src, dst)


def _sc_scatter(e, src, dst, v0, v1, z32, zden):
    ept = _E_SC // 16
    nch = ept // _CH
    rpt = _N_SC // 16

    @functools.partial(
        pl.kernel,
        mesh=plsc.VectorSubcoreMesh(**_MESH),
        compiler_params=_SC_PARAMS,
        out_type=[jax.ShapeDtypeStruct((_N_SC, 32), jnp.float32),
                  jax.ShapeDtypeStruct((_N_SC, 32), jnp.float32),
                  jax.ShapeDtypeStruct((_N_SC,), jnp.float32)],
        scratch_types=[pltpu.VMEM((_CH,), jnp.int32),
                       pltpu.VMEM((_CH,), jnp.int32),
                       pltpu.VMEM((_CH,), jnp.float32),
                       pltpu.VMEM((_CH, 32), jnp.float32),
                       pltpu.VMEM_SHARED((_N_SC, 32), jnp.float32),
                       pltpu.VMEM_SHARED((_N_SC,), jnp.float32),
                       pltpu.SemaphoreType.DMA],
    )
    def k_(e_hbm, src_hbm, dst_hbm, v0_hbm, v1_hbm, z32_hbm, zden_hbm,
           agg0_hbm, agg1_hbm, den_hbm, idxd, idxs, e_v, vbuf,
           sagg, sden, sem):
        c = lax.axis_index("c")
        t = lax.axis_index("s")
        rows = pl.ds(t * rpt, rpt)
        pltpu.sync_copy(z32_hbm, sagg.at[rows])
        pltpu.sync_copy(zden_hbm, sden.at[rows])
        plsc.subcore_barrier()

        def chunk(i, carry):
            base = t * ept + i * _CH
            sl = pl.ds(base, _CH)
            pltpu.sync_copy(dst_hbm.at[sl], idxd)
            pltpu.sync_copy(src_hbm.at[sl], idxs)
            pltpu.sync_copy(e_hbm.at[sl], e_v)

            @pl.when(c == 0)
            def _():
                pltpu.async_copy(v0_hbm.at[idxs], vbuf, sem).wait()

            @pl.when(c == 1)
            def _():
                pltpu.async_copy(v1_hbm.at[idxs], vbuf, sem).wait()

            def mul(j, carry2):
                eb = plsc.load_gather(e_v, [jnp.full((16,), j, jnp.int32)])
                vbuf[j, pl.ds(0, 16)] = vbuf[j, pl.ds(0, 16)] * eb
                vbuf[j, pl.ds(16, 16)] = vbuf[j, pl.ds(16, 16)] * eb
                return carry2

            lax.fori_loop(0, _CH, mul, 0)
            pltpu.sync_copy(vbuf, sagg.at[idxd], add=True)

            @pl.when(c == 0)
            def _():
                pltpu.sync_copy(e_v, sden.at[idxd], add=True)

            return carry

        lax.fori_loop(0, nch, chunk, 0)
        plsc.subcore_barrier()

        @pl.when(c == 0)
        def _():
            pltpu.sync_copy(sagg.at[rows], agg0_hbm.at[rows])
            pltpu.sync_copy(sden.at[rows], den_hbm.at[rows])

        @pl.when(c == 1)
        def _():
            pltpu.sync_copy(sagg.at[rows], agg1_hbm.at[rows])

    agg0, agg1, den = k_(e, src, dst, v0, v1, z32, zden)
    agg = jnp.concatenate([agg0[:_N_NODES], agg1[:_N_NODES]], axis=1)
    return agg, den[:_N_NODES].reshape(_N_NODES, 1)


def _pool_stage(feat, bounds):
    gpw = _N_GRAPHS // 32

    @functools.partial(
        pl.kernel,
        mesh=plsc.VectorSubcoreMesh(**_MESH),
        compiler_params=_SC_PARAMS,
        out_type=jax.ShapeDtypeStruct((_N_GRAPHS, _D_H), jnp.float32),
        scratch_types=[pltpu.VMEM((48,), jnp.int32),
                       pltpu.VMEM((1, _D_H), jnp.float32),
                       pltpu.VMEM((gpw, _D_H), jnp.float32)],
    )
    def k_(feat_hbm, bounds_hbm, out_hbm, bnd, rowbuf, outbuf):
        wid = lax.axis_index("s") * 2 + lax.axis_index("c")
        pltpu.sync_copy(bounds_hbm.at[pl.ds(wid * gpw, 48)], bnd)
        lanes = lax.iota(jnp.int32, 16)

        def _bval(j):
            vec = bnd[pl.ds((j // 16) * 16, 16)]
            return jnp.sum(jnp.where(lanes == (j % 16), vec, 0), axis=0)

        neg = jnp.full((16,), -3.0e38, jnp.float32)
        for g in range(gpw):
            s = _bval(g)
            e = _bval(g + 1)

            def node(n, acc):
                pltpu.sync_copy(feat_hbm.at[pl.ds(n, 1)], rowbuf)
                return tuple(
                    jnp.maximum(acc[h], rowbuf[0, pl.ds(16 * h, 16)])
                    for h in range(8))

            acc = lax.fori_loop(s, e, node, (neg,) * 8)
            for h in range(8):
                outbuf[g, pl.ds(16 * h, 16)] = jnp.where(
                    acc[h] <= -1.0e38, 0.0, acc[h])
        pltpu.sync_copy(outbuf, out_hbm.at[pl.ds(wid * gpw, gpw)])

    return k_(feat, bounds)


def kernel(x, edge_attr, params, edge_index, graph_ids):
    f = x[:, :, 0]
    f = f.at[:, 5].divide(9.0)
    x6 = jnp.pad(f, ((0, 0), (0, 2)))
    epad = _E_SC - _N_EDGES
    src = jnp.pad(edge_index[0], (0, epad)).astype(jnp.int32)
    dst = jnp.pad(edge_index[1], (0, epad),
                  constant_values=_N_DUMMY).astype(jnp.int32)
    ones = jnp.ones((_N_EDGES, 1), jnp.float32)
    ea = jnp.concatenate(
        [edge_attr, ones, jnp.zeros((_N_EDGES, 2), jnp.float32)], axis=1)
    ea = jnp.pad(ea, ((0, epad), (0, 0)))
    z32 = jnp.zeros((_N_SC // 16, 32), jnp.float32)
    zden = jnp.zeros((_N_SC // 16,), jnp.float32)

    Wemb = jnp.pad(params['emb']['W'], ((0, 2), (0, 0)))
    hs = _emb_kernel(x6, Wemb, params['emb']['b'],
                     params['ln0']['g'], params['ln0']['b'])

    for lp in params['layers']:
        WeT = jnp.concatenate(
            [lp['We'].T, lp['be'][:, None],
             jnp.zeros((_D_QK, 2), jnp.float32)], axis=1)
        q, k, v, qe = _qkv_kernel(hs, lp, WeT)
        npad = ((0, _N_SC - _N_NODES), (0, 0))
        qg, kg, qeg = _sc_gather(jnp.pad(q, npad), jnp.pad(k, npad),
                                 jnp.pad(qe, npad), src, dst)
        e = _edge_exp_kernel(qg, kg, qeg, ea)
        v0 = jnp.pad(v[:, :32], npad)
        v1 = jnp.pad(v[:, 32:], npad)
        er = e.reshape(_E_SC)
        denom = jax.ops.segment_sum(er, dst, num_segments=_N_NODES)
        agg_raw = jax.ops.segment_sum(e * jnp.pad(v, npad)[src], dst,
                                      num_segments=_N_NODES)
        denom = denom.reshape(_N_NODES, 1)
        hs = _post_attn_kernel(agg_raw, denom, hs, lp)

    feat = _node_res_kernel(hs, params['node'])
    bounds = jnp.pad(
        jnp.searchsorted(graph_ids, jnp.arange(_N_GRAPHS + 1)).astype(jnp.int32),
        (0, 39), constant_values=_N_NODES)
    pooled = jax.ops.segment_max(feat, graph_ids, num_segments=_N_GRAPHS)
    pooled = jnp.where(jnp.isfinite(pooled), pooled, 0.0)
    return _graph_kernel(pooled, params['graph'])

# --- scband reference (transcript-rebuilt; emitter-appended) ---
"""Pipeline reference for scband-qm9-model-69544110457376 (READ-ONLY COPY).

The authoritative reference and input builder live on the scoring server;
editing this copy changes nothing except your own understanding.
"""

import jax, jax.numpy as jnp
import numpy as np

N_NODES = 50000
N_EDGES = 800000
N_GRAPHS = 1024
D_IN = 6
D_H = 128
D_QK = 64
D_V = 64
E_DIM = 5
NUM_LAYERS = 2


def _ln(x, g, b):
    mu = jnp.mean(x, axis=-1, keepdims=True)
    var = jnp.var(x, axis=-1, keepdims=True)
    return (x - mu) / jnp.sqrt(var + 1e-5) * g + b


def _mlp2(x, p):
    z = x @ p['W1'] + p['b1']
    z = jax.nn.relu(z)
    z = _ln(z, p['lg'], p['lb'])
    return z @ p['W2'] + p['b2']


def _mlp2_params(key, din, dh, dout):
    k1, k2 = jax.random.split(key)
    return {
        'W1': jax.random.normal(k1, (din, dh), jnp.float32) / np.sqrt(din),
        'b1': jnp.zeros((dh,), jnp.float32),
        'lg': jnp.ones((dh,), jnp.float32),
        'lb': jnp.zeros((dh,), jnp.float32),
        'W2': jax.random.normal(k2, (dh, dout), jnp.float32) / np.sqrt(dh),
        'b2': jnp.zeros((dout,), jnp.float32),
    }


def _make_params(key):
    keys = jax.random.split(key, 3 + NUM_LAYERS)
    p = {}
    p['emb'] = {'W': jax.random.normal(keys[0], (D_IN, D_H), jnp.float32) / np.sqrt(D_IN),
                'b': jnp.zeros((D_H,), jnp.float32)}
    p['ln0'] = {'g': jnp.ones((D_H,), jnp.float32), 'b': jnp.zeros((D_H,), jnp.float32)}
    layers = []
    for i in range(NUM_LAYERS):
        lk = jax.random.split(keys[1 + i], 6)
        layers.append({
            'q': _mlp2_params(lk[0], D_H, D_H, D_QK),
            'k': _mlp2_params(lk[1], D_H, D_H, D_QK),
            'v': _mlp2_params(lk[2], D_H, D_H, D_V),
            'We': jax.random.normal(lk[3], (E_DIM, D_QK), jnp.float32) / np.sqrt(E_DIM),
            'be': jnp.zeros((D_QK,), jnp.float32),
            'o': _mlp2_params(lk[4], D_V, D_H, D_H),
            'Wg': jax.random.normal(lk[5], (D_H, D_H), jnp.float32) / np.sqrt(D_H),
            'bg': jnp.zeros((D_H,), jnp.float32),
            'ng': jnp.ones((D_H,), jnp.float32),
            'nb': jnp.zeros((D_H,), jnp.float32),
        })
    p['layers'] = layers
    p['node'] = _mlp2_params(keys[1 + NUM_LAYERS], D_H, D_H, D_H)
    p['graph'] = _mlp2_params(keys[2 + NUM_LAYERS], D_H, D_H, 1)
    return p


def setup_inputs(seed: int = 0):
    key = jax.random.key(seed)
    ks = jax.random.split(key, 5)
    x = jax.random.normal(ks[0], (N_NODES, D_IN, 1), jnp.float32)
    edge_index = jax.random.randint(ks[1], (2, N_EDGES), 0, N_NODES)
    edge_attr = jax.random.uniform(ks[2], (N_EDGES, E_DIM), jnp.float32)
    graph_ids = jnp.sort(jax.random.randint(ks[3], (N_NODES,), 0, N_GRAPHS))
    params = _make_params(ks[4])
    return {'x': x, 'edge_attr': edge_attr, 'params': params,
            'edge_index': edge_index, 'graph_ids': graph_ids}


def _forward(x, edge_attr, params, edge_index, graph_ids):
    # input scaling: channel 5 divided by 9.0 (QM9 atomic number normalization)
    f = x.at[:, 5, :].divide(9.0)
    # embedding (scalar l=0 rep, m-dim=1) -> [N, D_H]
    hs = f[..., 0] @ params['emb']['W'] + params['emb']['b']
    # SO3LayerNorm on scalar channels
    hs = _ln(hs, params['ln0']['g'], params['ln0']['b'])
    src = edge_index[0]
    dst = edge_index[1]
    for lp in params['layers']:
        # SO3EquivariantAttenRes (scalar channels only)
        q = _mlp2(hs, lp['q'])
        k = _mlp2(hs, lp['k'])
        v = _mlp2(hs, lp['v'])
        ke = edge_attr @ lp['We'] + lp['be']
        logits = jnp.sum(q[dst] * (k[src] + ke), axis=-1) / np.sqrt(D_QK)
        m = jax.ops.segment_max(logits, dst, num_segments=N_NODES)
        m = jnp.where(jnp.isfinite(m), m, 0.0)
        e = jnp.exp(logits - m[dst])
        denom = jax.ops.segment_sum(e, dst, num_segments=N_NODES)
        alpha = e / (denom[dst] + 1e-9)
        agg = jax.ops.segment_sum(alpha[:, None] * v[src], dst, num_segments=N_NODES)
        out = _mlp2(agg, lp['o'])
        # gated skip connection
        gate = jax.nn.sigmoid(hs @ lp['Wg'] + lp['bg'])
        hs = gate * hs + (1.0 - gate) * out
        # NormBias (shifted norm + learned bias, init zero)
        mu = jnp.mean(hs, axis=-1, keepdims=True)
        var = jnp.var(hs, axis=-1, keepdims=True)
        hs = (hs - mu) / jnp.sqrt(var + 1e-5) * lp['ng'] + lp['nb']
    node = _mlp2(hs, params['node'])
    feat = node + hs  # res_drop is identity in eval mode
    pooled = jax.ops.segment_max(feat, graph_ids, num_segments=N_GRAPHS)
    pooled = jnp.where(jnp.isfinite(pooled), pooled, 0.0)
    return _mlp2(pooled, params['graph'])


def reference(x, edge_attr, params, edge_index, graph_ids):
    return _forward(x, edge_attr, params, edge_index, graph_ids)

if __name__ == "__main__":
    import jax
    _d = setup_inputs()
    print(jax.jit(kernel)(*tuple(_d.values())))

</pallas_src>

<mosaic_0001>
#map = affine_map<(d0, d1) -> (0, 0)>
#map1 = affine_map<(d0, d1) -> (0)>
module attributes {stable_mosaic.version = 14 : i64} {
  func.func @k_(%arg0: i32, %arg1: i32, %arg2: memref<50048x64xf32, #tpu.memory_space<hbm>>, %arg3: memref<50048x64xf32, #tpu.memory_space<hbm>>, %arg4: memref<50048x8xf32, #tpu.memory_space<hbm>>, %arg5: memref<819200xi32, #tpu.memory_space<hbm>>, %arg6: memref<819200xi32, #tpu.memory_space<hbm>>, %arg7: memref<819200x64xf32, #tpu.memory_space<hbm>>, %arg8: memref<819200x64xf32, #tpu.memory_space<hbm>>, %arg9: memref<819200x8xf32, #tpu.memory_space<hbm>>, %arg10: memref<128xi32, #tpu.memory_space<vmem>>, %arg11: memref<128xi32, #tpu.memory_space<vmem>>, %arg12: memref<128x64xf32, #tpu.memory_space<vmem>>, %arg13: memref<128x8xf32, #tpu.memory_space<vmem>>, %arg14: memref<!tpu.dma_semaphore, #tpu.memory_space<semaphore_mem>>) attributes {dimension_semantics = [#tpu.dimension_semantics<core_parallel>, #tpu.dimension_semantics<subcore_parallel>], iteration_bounds = array<i64: 2, 16>, scalar_prefetch = 0 : i64, scratch_operands = 5 : i64, tpu.core_type = #tpu.core_type<sc_vector_subcore>, window_params = [{transform_indices = #map}, {transform_indices = #map}, {transform_indices = #map}, {transform_indices = #map1}, {transform_indices = #map1}, {transform_indices = #map}, {transform_indices = #map}, {transform_indices = #map}]} {
    %mul3A = arith.constant 2 : i32
    %mul3A_0 = arith.muli %arg1, %mul3A : i32
    %add3A = arith.addi %mul3A_0, %arg0 : i32
    %mul3A_1 = arith.constant 25600 : i32
    %mul3A_2 = arith.muli %add3A, %mul3A_1 : i32
    %scan3A = arith.constant 0 : i32
    %scan3A_3 = arith.constant 0 : i32
    %scan3A_4 = arith.constant 200 : i32
    %scan3A_5 = arith.addi %scan3A_3, %scan3A_4 : i32
    %scan3A_6 = arith.constant 1 : i32
    scf.for %scan3A_8 = %scan3A_3 to %scan3A_5 step %scan3A_6  : i32 {
      %mul3A_9 = arith.constant 128 : i32
      %mul3A_10 = arith.muli %scan3A_8, %mul3A_9 : i32
      %add3A_11 = arith.addi %mul3A_2, %mul3A_10 : i32
      "tpu.region"() ({
        %run_scoped3A = tpu.sem_alloc : memref<!tpu.dma_semaphore, #tpu.memory_space<semaphore_mem>>
        %dma_start3A_28 = tpu.memref_slice %arg6[%add3A_11] : memref<819200xi32, #tpu.memory_space<hbm>> -> memref<128xi32, #tpu.memory_space<hbm>>
        %dma_start3A_29 = tpu.memref_slice %arg6[%add3A_11] : memref<819200xi32, #tpu.memory_space<hbm>> -> memref<128xi32, #tpu.memory_space<hbm>>
        tpu.enqueue_dma source(%dma_start3A_29 : memref<128xi32, #tpu.memory_space<hbm>>) target(%arg10 : memref<128xi32, #tpu.memory_space<vmem>>) target_semaphore(%run_scoped3A : memref<!tpu.dma_semaphore, #tpu.memory_space<semaphore_mem>>)
        %dma_wait3A_30 = tpu.memref_slice %arg6[%add3A_11] : memref<819200xi32, #tpu.memory_space<hbm>> -> memref<128xi32, #tpu.memory_space<hbm>>
        %dma_wait3A_31 = tpu.memref_slice %arg6[%add3A_11] : memref<819200xi32, #tpu.memory_space<hbm>> -> memref<128xi32, #tpu.memory_space<hbm>>
        tpu.wait_dma2 semaphore(%run_scoped3A : memref<!tpu.dma_semaphore, #tpu.memory_space<semaphore_mem>>) src(%dma_wait3A_31 : memref<128xi32, #tpu.memory_space<hbm>>) dst(%arg10 : memref<128xi32, #tpu.memory_space<vmem>>)
        tpu.yield
      }) : () -> ()
      "tpu.region"() ({
        %run_scoped3A = tpu.sem_alloc : memref<!tpu.dma_semaphore, #tpu.memory_space<semaphore_mem>>
        %dma_start3A_28 = tpu.memref_slice %arg5[%add3A_11] : memref<819200xi32, #tpu.memory_space<hbm>> -> memref<128xi32, #tpu.memory_space<hbm>>
        %dma_start3A_29 = tpu.memref_slice %arg5[%add3A_11] : memref<819200xi32, #tpu.memory_space<hbm>> -> memref<128xi32, #tpu.memory_space<hbm>>
        tpu.enqueue_dma source(%dma_start3A_29 : memref<128xi32, #tpu.memory_space<hbm>>) target(%arg11 : memref<128xi32, #tpu.memory_space<vmem>>) target_semaphore(%run_scoped3A : memref<!tpu.dma_semaphore, #tpu.memory_space<semaphore_mem>>)
        %dma_wait3A_30 = tpu.memref_slice %arg5[%add3A_11] : memref<819200xi32, #tpu.memory_space<hbm>> -> memref<128xi32, #tpu.memory_space<hbm>>
        %dma_wait3A_31 = tpu.memref_slice %arg5[%add3A_11] : memref<819200xi32, #tpu.memory_space<hbm>> -> memref<128xi32, #tpu.memory_space<hbm>>
        tpu.wait_dma2 semaphore(%run_scoped3A : memref<!tpu.dma_semaphore, #tpu.memory_space<semaphore_mem>>) src(%dma_wait3A_31 : memref<128xi32, #tpu.memory_space<hbm>>) dst(%arg11 : memref<128xi32, #tpu.memory_space<vmem>>)
        tpu.yield
      }) : () -> ()
      %dma_start3A = arith.constant 0 : i32
      %dma_start3A_12 = arith.constant 0 : i32
      %dma_start3A_13 = tpu.memref_slice %arg2[%dma_start3A, %dma_start3A_12] : memref<50048x64xf32, #tpu.memory_space<hbm>> -> memref<50048x64xf32, #tpu.memory_space<hbm>>
      tpu.enqueue_indirect_dma source(%dma_start3A_13 : memref<50048x64xf32, #tpu.memory_space<hbm>>) target(%arg12 : memref<128x64xf32, #tpu.memory_space<vmem>>) offsets(%arg10 : memref<128xi32, #tpu.memory_space<vmem>>) semaphore(%arg14 : memref<!tpu.dma_semaphore, #tpu.memory_space<semaphore_mem>>)
      %dma_wait3A = arith.constant 0 : i32
      %dma_wait3A_14 = arith.constant 0 : i32
      %dma_wait3A_15 = tpu.memref_slice %arg2[%dma_wait3A, %dma_wait3A_14] : memref<50048x64xf32, #tpu.memory_space<hbm>> -> memref<50048x64xf32, #tpu.memory_space<hbm>>
      tpu.wait_indirect_dma semaphore(%arg14 : memref<!tpu.dma_semaphore, #tpu.memory_space<semaphore_mem>>) src(%dma_wait3A_15 : memref<50048x64xf32, #tpu.memory_space<hbm>>) dst(%arg12 : memref<128x64xf32, #tpu.memory_space<vmem>>)
      "tpu.region"() ({
        %run_scoped3A = tpu.sem_alloc : memref<!tpu.dma_semaphore, #tpu.memory_space<semaphore_mem>>
        %dma_start3A_28 = arith.constant 0 : i32
        %dma_start3A_29 = tpu.memref_slice %arg7[%add3A_11, %dma_start3A_28] : memref<819200x64xf32, #tpu.memory_space<hbm>> -> memref<128x64xf32, #tpu.memory_space<hbm>>
        %dma_start3A_30 = arith.constant 0 : i32
        %dma_start3A_31 = tpu.memref_slice %arg7[%add3A_11, %dma_start3A_30] : memref<819200x64xf32, #tpu.memory_space<hbm>> -> memref<128x64xf32, #tpu.memory_space<hbm>>
        tpu.enqueue_dma source(%arg12 : memref<128x64xf32, #tpu.memory_space<vmem>>) target(%dma_start3A_31 : memref<128x64xf32, #tpu.memory_space<hbm>>) target_semaphore(%run_scoped3A : memref<!tpu.dma_semaphore, #tpu.memory_space<semaphore_mem>>)
        %dma_wait3A_32 = arith.constant 0 : i32
        %dma_wait3A_33 = tpu.memref_slice %arg7[%add3A_11, %dma_wait3A_32] : memref<819200x64xf32, #tpu.memory_space<hbm>> -> memref<128x64xf32, #tpu.memory_space<hbm>>
        %dma_wait3A_34 = arith.constant 0 : i32
        %dma_wait3A_35 = tpu.memref_slice %arg7[%add3A_11, %dma_wait3A_34] : memref<819200x64xf32, #tpu.memory_space<hbm>> -> memref<128x64xf32, #tpu.memory_space<hbm>>
        tpu.wait_dma2 semaphore(%run_scoped3A : memref<!tpu.dma_semaphore, #tpu.memory_space<semaphore_mem>>) src(%arg12 : memref<128x64xf32, #tpu.memory_space<vmem>>) dst(%dma_wait3A_35 : memref<128x64xf32, #tpu.memory_space<hbm>>)
        tpu.yield
      }) : () -> ()
      %dma_start3A_16 = arith.constant 0 : i32
      %dma_start3A_17 = arith.constant 0 : i32
      %dma_start3A_18 = tpu.memref_slice %arg3[%dma_start3A_16, %dma_start3A_17] : memref<50048x64xf32, #tpu.memory_space<hbm>> -> memref<50048x64xf32, #tpu.memory_space<hbm>>
      tpu.enqueue_indirect_dma source(%dma_start3A_18 : memref<50048x64xf32, #tpu.memory_space<hbm>>) target(%arg12 : memref<128x64xf32, #tpu.memory_space<vmem>>) offsets(%arg11 : memref<128xi32, #tpu.memory_space<vmem>>) semaphore(%arg14 : memref<!tpu.dma_semaphore, #tpu.memory_space<semaphore_mem>>)
      %dma_wait3A_19 = arith.constant 0 : i32
      %dma_wait3A_20 = arith.constant 0 : i32
      %dma_wait3A_21 = tpu.memref_slice %arg3[%dma_wait3A_19, %dma_wait3A_20] : memref<50048x64xf32, #tpu.memory_space<hbm>> -> memref<50048x64xf32, #tpu.memory_space<hbm>>
      tpu.wait_indirect_dma semaphore(%arg14 : memref<!tpu.dma_semaphore, #tpu.memory_space<semaphore_mem>>) src(%dma_wait3A_21 : memref<50048x64xf32, #tpu.memory_space<hbm>>) dst(%arg12 : memref<128x64xf32, #tpu.memory_space<vmem>>)
      "tpu.region"() ({
        %run_scoped3A = tpu.sem_alloc : memref<!tpu.dma_semaphore, #tpu.memory_space<semaphore_mem>>
        %dma_start3A_28 = arith.constant 0 : i32
        %dma_start3A_29 = tpu.memref_slice %arg8[%add3A_11, %dma_start3A_28] : memref<819200x64xf32, #tpu.memory_space<hbm>> -> memref<128x64xf32, #tpu.memory_space<hbm>>
        %dma_start3A_30 = arith.constant 0 : i32
        %dma_start3A_31 = tpu.memref_slice %arg8[%add3A_11, %dma_start3A_30] : memref<819200x64xf32, #tpu.memory_space<hbm>> -> memref<128x64xf32, #tpu.memory_space<hbm>>
        tpu.enqueue_dma source(%arg12 : memref<128x64xf32, #tpu.memory_space<vmem>>) target(%dma_start3A_31 : memref<128x64xf32, #tpu.memory_space<hbm>>) target_semaphore(%run_scoped3A : memref<!tpu.dma_semaphore, #tpu.memory_space<semaphore_mem>>)
        %dma_wait3A_32 = arith.constant 0 : i32
        %dma_wait3A_33 = tpu.memref_slice %arg8[%add3A_11, %dma_wait3A_32] : memref<819200x64xf32, #tpu.memory_space<hbm>> -> memref<128x64xf32, #tpu.memory_space<hbm>>
        %dma_wait3A_34 = arith.constant 0 : i32
        %dma_wait3A_35 = tpu.memref_slice %arg8[%add3A_11, %dma_wait3A_34] : memref<819200x64xf32, #tpu.memory_space<hbm>> -> memref<128x64xf32, #tpu.memory_space<hbm>>
        tpu.wait_dma2 semaphore(%run_scoped3A : memref<!tpu.dma_semaphore, #tpu.memory_space<semaphore_mem>>) src(%arg12 : memref<128x64xf32, #tpu.memory_space<vmem>>) dst(%dma_wait3A_35 : memref<128x64xf32, #tpu.memory_space<hbm>>)
        tpu.yield
      }) : () -> ()
      %dma_start3A_22 = arith.constant 0 : i32
      %dma_start3A_23 = arith.constant 0 : i32
      %dma_start3A_24 = tpu.memref_slice %arg4[%dma_start3A_22, %dma_start3A_23] : memref<50048x8xf32, #tpu.memory_space<hbm>> -> memref<50048x8xf32, #tpu.memory_space<hbm>>
      tpu.enqueue_indirect_dma source(%dma_start3A_24 : memref<50048x8xf32, #tpu.memory_space<hbm>>) target(%arg13 : memref<128x8xf32, #tpu.memory_space<vmem>>) offsets(%arg10 : memref<128xi32, #tpu.memory_space<vmem>>) semaphore(%arg14 : memref<!tpu.dma_semaphore, #tpu.memory_space<semaphore_mem>>)
      %dma_wait3A_25 = arith.constant 0 : i32
      %dma_wait3A_26 = arith.constant 0 : i32
      %dma_wait3A_27 = tpu.memref_slice %arg4[%dma_wait3A_25, %dma_wait3A_26] : memref<50048x8xf32, #tpu.memory_space<hbm>> -> memref<50048x8xf32, #tpu.memory_space<hbm>>
      tpu.wait_indirect_dma semaphore(%arg14 : memref<!tpu.dma_semaphore, #tpu.memory_space<semaphore_mem>>) src(%dma_wait3A_27 : memref<50048x8xf32, #tpu.memory_space<hbm>>) dst(%arg13 : memref<128x8xf32, #tpu.memory_space<vmem>>)
      "tpu.region"() ({
        %run_scoped3A = tpu.sem_alloc : memref<!tpu.dma_semaphore, #tpu.memory_space<semaphore_mem>>
        %dma_start3A_28 = arith.constant 0 : i32
        %dma_start3A_29 = tpu.memref_slice %arg9[%add3A_11, %dma_start3A_28] : memref<819200x8xf32, #tpu.memory_space<hbm>> -> memref<128x8xf32, #tpu.memory_space<hbm>>
        %dma_start3A_30 = arith.constant 0 : i32
        %dma_start3A_31 = tpu.memref_slice %arg9[%add3A_11, %dma_start3A_30] : memref<819200x8xf32, #tpu.memory_space<hbm>> -> memref<128x8xf32, #tpu.memory_space<hbm>>
        tpu.enqueue_dma source(%arg13 : memref<128x8xf32, #tpu.memory_space<vmem>>) target(%dma_start3A_31 : memref<128x8xf32, #tpu.memory_space<hbm>>) target_semaphore(%run_scoped3A : memref<!tpu.dma_semaphore, #tpu.memory_space<semaphore_mem>>)
        %dma_wait3A_32 = arith.constant 0 : i32
        %dma_wait3A_33 = tpu.memref_slice %arg9[%add3A_11, %dma_wait3A_32] : memref<819200x8xf32, #tpu.memory_space<hbm>> -> memref<128x8xf32, #tpu.memory_space<hbm>>
        %dma_wait3A_34 = arith.constant 0 : i32
        %dma_wait3A_35 = tpu.memref_slice %arg9[%add3A_11, %dma_wait3A_34] : memref<819200x8xf32, #tpu.memory_space<hbm>> -> memref<128x8xf32, #tpu.memory_space<hbm>>
        tpu.wait_dma2 semaphore(%run_scoped3A : memref<!tpu.dma_semaphore, #tpu.memory_space<semaphore_mem>>) src(%arg13 : memref<128x8xf32, #tpu.memory_space<vmem>>) dst(%dma_wait3A_35 : memref<128x8xf32, #tpu.memory_space<hbm>>)
        tpu.yield
      }) : () -> ()
    }
    %scan3A_7 = arith.constant 200 : i32
    return
  }
}

#map = affine_map<(d0, d1) -> (0, 0)>
#map1 = affine_map<(d0, d1) -> (0)>
module attributes {stable_mosaic.version = 14 : i64} {
  func.func @k_(%arg0: i32, %arg1: i32, %arg2: memref<50048x64xf32, #tpu.memory_space<hbm>>, %arg3: memref<50048x64xf32, #tpu.memory_space<hbm>>, %arg4: memref<50048x8xf32, #tpu.memory_space<hbm>>, %arg5: memref<819200xi32, #tpu.memory_space<hbm>>, %arg6: memref<819200xi32, #tpu.memory_space<hbm>>, %arg7: memref<819200x64xf32, #tpu.memory_space<hbm>>, %arg8: memref<819200x64xf32, #tpu.memory_space<hbm>>, %arg9: memref<819200x8xf32, #tpu.memory_space<hbm>>, %arg10: memref<128xi32, #tpu.memory_space<vmem>>, %arg11: memref<128xi32, #tpu.memory_space<vmem>>, %arg12: memref<128x64xf32, #tpu.memory_space<vmem>>, %arg13: memref<128x8xf32, #tpu.memory_space<vmem>>, %arg14: memref<!tpu.dma_semaphore, #tpu.memory_space<semaphore_mem>>) attributes {dimension_semantics = [#tpu.dimension_semantics<core_parallel>, #tpu.dimension_semantics<subcore_parallel>], iteration_bounds = array<i64: 2, 16>, scalar_prefetch = 0 : i64, scratch_operands = 5 : i64, tpu.core_type = #tpu.core_type<sc_vector_subcore>, window_params = [{transform_indices = #map}, {transform_indices = #map}, {transform_indices = #map}, {transform_indices = #map1}, {transform_indices = #map1}, {transform_indices = #map}, {transform_indices = #map}, {transform_indices = #map}]} {
    %mul3A = arith.constant 2 : i32
    %mul3A_0 = arith.muli %arg1, %mul3A : i32
    %add3A = arith.addi %mul3A_0, %arg0 : i32
    %mul3A_1 = arith.constant 25600 : i32
    %mul3A_2 = arith.muli %add3A, %mul3A_1 : i32
    %scan3A = arith.constant 0 : i32
    %scan3A_3 = arith.constant 0 : i32
    %scan3A_4 = arith.constant 200 : i32
    %scan3A_5 = arith.addi %scan3A_3, %scan3A_4 : i32
    %scan3A_6 = arith.constant 1 : i32
    scf.for %scan3A_8 = %scan3A_3 to %scan3A_5 step %scan3A_6  : i32 {
      %mul3A_9 = arith.constant 128 : i32
      %mul3A_10 = arith.muli %scan3A_8, %mul3A_9 : i32
      %add3A_11 = arith.addi %mul3A_2, %mul3A_10 : i32
      "tpu.region"() ({
        %run_scoped3A = tpu.sem_alloc : memref<!tpu.dma_semaphore, #tpu.memory_space<semaphore_mem>>
        %dma_start3A_28 = tpu.memref_slice %arg6[%add3A_11] : memref<819200xi32, #tpu.memory_space<hbm>> -> memref<128xi32, #tpu.memory_space<hbm>>
        %dma_start3A_29 = tpu.memref_slice %arg6[%add3A_11] : memref<819200xi32, #tpu.memory_space<hbm>> -> memref<128xi32, #tpu.memory_space<hbm>>
        tpu.enqueue_dma source(%dma_start3A_29 : memref<128xi32, #tpu.memory_space<hbm>>) target(%arg10 : memref<128xi32, #tpu.memory_space<vmem>>) target_semaphore(%run_scoped3A : memref<!tpu.dma_semaphore, #tpu.memory_space<semaphore_mem>>)
        %dma_wait3A_30 = tpu.memref_slice %arg6[%add3A_11] : memref<819200xi32, #tpu.memory_space<hbm>> -> memref<128xi32, #tpu.memory_space<hbm>>
        %dma_wait3A_31 = tpu.memref_slice %arg6[%add3A_11] : memref<819200xi32, #tpu.memory_space<hbm>> -> memref<128xi32, #tpu.memory_space<hbm>>
        tpu.wait_dma2 semaphore(%run_scoped3A : memref<!tpu.dma_semaphore, #tpu.memory_space<semaphore_mem>>) src(%dma_wait3A_31 : memref<128xi32, #tpu.memory_space<hbm>>) dst(%arg10 : memref<128xi32, #tpu.memory_space<vmem>>)
        tpu.yield
      }) : () -> ()
      "tpu.region"() ({
        %run_scoped3A = tpu.sem_alloc : memref<!tpu.dma_semaphore, #tpu.memory_space<semaphore_mem>>
        %dma_start3A_28 = tpu.memref_slice %arg5[%add3A_11] : memref<819200xi32, #tpu.memory_space<hbm>> -> memref<128xi32, #tpu.memory_space<hbm>>
        %dma_start3A_29 = tpu.memref_slice %arg5[%add3A_11] : memref<819200xi32, #tpu.memory_space<hbm>> -> memref<128xi32, #tpu.memory_space<hbm>>
        tpu.enqueue_dma source(%dma_start3A_29 : memref<128xi32, #tpu.memory_space<hbm>>) target(%arg11 : memref<128xi32, #tpu.memory_space<vmem>>) target_semaphore(%run_scoped3A : memref<!tpu.dma_semaphore, #tpu.memory_space<semaphore_mem>>)
        %dma_wait3A_30 = tpu.memref_slice %arg5[%add3A_11] : memref<819200xi32, #tpu.memory_space<hbm>> -> memref<128xi32, #tpu.memory_space<hbm>>
        %dma_wait3A_31 = tpu.memref_slice %arg5[%add3A_11] : memref<819200xi32, #tpu.memory_space<hbm>> -> memref<128xi32, #tpu.memory_space<hbm>>
        tpu.wait_dma2 semaphore(%run_scoped3A : memref<!tpu.dma_semaphore, #tpu.memory_space<semaphore_mem>>) src(%dma_wait3A_31 : memref<128xi32, #tpu.memory_space<hbm>>) dst(%arg11 : memref<128xi32, #tpu.memory_space<vmem>>)
        tpu.yield
      }) : () -> ()
      %dma_start3A = arith.constant 0 : i32
      %dma_start3A_12 = arith.constant 0 : i32
      %dma_start3A_13 = tpu.memref_slice %arg2[%dma_start3A, %dma_start3A_12] : memref<50048x64xf32, #tpu.memory_space<hbm>> -> memref<50048x64xf32, #tpu.memory_space<hbm>>
      tpu.enqueue_indirect_dma source(%dma_start3A_13 : memref<50048x64xf32, #tpu.memory_space<hbm>>) target(%arg12 : memref<128x64xf32, #tpu.memory_space<vmem>>) offsets(%arg10 : memref<128xi32, #tpu.memory_space<vmem>>) semaphore(%arg14 : memref<!tpu.dma_semaphore, #tpu.memory_space<semaphore_mem>>)
      %dma_wait3A = arith.constant 0 : i32
      %dma_wait3A_14 = arith.constant 0 : i32
      %dma_wait3A_15 = tpu.memref_slice %arg2[%dma_wait3A, %dma_wait3A_14] : memref<50048x64xf32, #tpu.memory_space<hbm>> -> memref<50048x64xf32, #tpu.memory_space<hbm>>
      tpu.wait_indirect_dma semaphore(%arg14 : memref<!tpu.dma_semaphore, #tpu.memory_space<semaphore_mem>>) src(%dma_wait3A_15 : memref<50048x64xf32, #tpu.memory_space<hbm>>) dst(%arg12 : memref<128x64xf32, #tpu.memory_space<vmem>>)
      "tpu.region"() ({
        %run_scoped3A = tpu.sem_alloc : memref<!tpu.dma_semaphore, #tpu.memory_space<semaphore_mem>>
        %dma_start3A_28 = arith.constant 0 : i32
        %dma_start3A_29 = tpu.memref_slice %arg7[%add3A_11, %dma_start3A_28] : memref<819200x64xf32, #tpu.memory_space<hbm>> -> memref<128x64xf32, #tpu.memory_space<hbm>>
        %dma_start3A_30 = arith.constant 0 : i32
        %dma_start3A_31 = tpu.memref_slice %arg7[%add3A_11, %dma_start3A_30] : memref<819200x64xf32, #tpu.memory_space<hbm>> -> memref<128x64xf32, #tpu.memory_space<hbm>>
        tpu.enqueue_dma source(%arg12 : memref<128x64xf32, #tpu.memory_space<vmem>>) target(%dma_start3A_31 : memref<128x64xf32, #tpu.memory_space<hbm>>) target_semaphore(%run_scoped3A : memref<!tpu.dma_semaphore, #tpu.memory_space<semaphore_mem>>)
        %dma_wait3A_32 = arith.constant 0 : i32
        %dma_wait3A_33 = tpu.memref_slice %arg7[%add3A_11, %dma_wait3A_32] : memref<819200x64xf32, #tpu.memory_space<hbm>> -> memref<128x64xf32, #tpu.memory_space<hbm>>
        %dma_wait3A_34 = arith.constant 0 : i32
        %dma_wait3A_35 = tpu.memref_slice %arg7[%add3A_11, %dma_wait3A_34] : memref<819200x64xf32, #tpu.memory_space<hbm>> -> memref<128x64xf32, #tpu.memory_space<hbm>>
        tpu.wait_dma2 semaphore(%run_scoped3A : memref<!tpu.dma_semaphore, #tpu.memory_space<semaphore_mem>>) src(%arg12 : memref<128x64xf32, #tpu.memory_space<vmem>>) dst(%dma_wait3A_35 : memref<128x64xf32, #tpu.memory_space<hbm>>)
        tpu.yield
      }) : () -> ()
      %dma_start3A_16 = arith.constant 0 : i32
      %dma_start3A_17 = arith.constant 0 : i32
      %dma_start3A_18 = tpu.memref_slice %arg3[%dma_start3A_16, %dma_start3A_17] : memref<50048x64xf32, #tpu.memory_space<hbm>> -> memref<50048x64xf32, #tpu.memory_space<hbm>>
      tpu.enqueue_indirect_dma source(%dma_start3A_18 : memref<50048x64xf32, #tpu.memory_space<hbm>>) target(%arg12 : memref<128x64xf32, #tpu.memory_space<vmem>>) offsets(%arg11 : memref<128xi32, #tpu.memory_space<vmem>>) semaphore(%arg14 : memref<!tpu.dma_semaphore, #tpu.memory_space<semaphore_mem>>)
      %dma_wait3A_19 = arith.constant 0 : i32
      %dma_wait3A_20 = arith.constant 0 : i32
      %dma_wait3A_21 = tpu.memref_slice %arg3[%dma_wait3A_19, %dma_wait3A_20] : memref<50048x64xf32, #tpu.memory_space<hbm>> -> memref<50048x64xf32, #tpu.memory_space<hbm>>
      tpu.wait_indirect_dma semaphore(%arg14 : memref<!tpu.dma_semaphore, #tpu.memory_space<semaphore_mem>>) src(%dma_wait3A_21 : memref<50048x64xf32, #tpu.memory_space<hbm>>) dst(%arg12 : memref<128x64xf32, #tpu.memory_space<vmem>>)
      "tpu.region"() ({
        %run_scoped3A = tpu.sem_alloc : memref<!tpu.dma_semaphore, #tpu.memory_space<semaphore_mem>>
        %dma_start3A_28 = arith.constant 0 : i32
        %dma_start3A_29 = tpu.memref_slice %arg8[%add3A_11, %dma_start3A_28] : memref<819200x64xf32, #tpu.memory_space<hbm>> -> memref<128x64xf32, #tpu.memory_space<hbm>>
        %dma_start3A_30 = arith.constant 0 : i32
        %dma_start3A_31 = tpu.memref_slice %arg8[%add3A_11, %dma_start3A_30] : memref<819200x64xf32, #tpu.memory_space<hbm>> -> memref<128x64xf32, #tpu.memory_space<hbm>>
        tpu.enqueue_dma source(%arg12 : memref<128x64xf32, #tpu.memory_space<vmem>>) target(%dma_start3A_31 : memref<128x64xf32, #tpu.memory_space<hbm>>) target_semaphore(%run_scoped3A : memref<!tpu.dma_semaphore, #tpu.memory_space<semaphore_mem>>)
        %dma_wait3A_32 = arith.constant 0 : i32
        %dma_wait3A_33 = tpu.memref_slice %arg8[%add3A_11, %dma_wait3A_32] : memref<819200x64xf32, #tpu.memory_space<hbm>> -> memref<128x64xf32, #tpu.memory_space<hbm>>
        %dma_wait3A_34 = arith.constant 0 : i32
        %dma_wait3A_35 = tpu.memref_slice %arg8[%add3A_11, %dma_wait3A_34] : memref<819200x64xf32, #tpu.memory_space<hbm>> -> memref<128x64xf32, #tpu.memory_space<hbm>>
        tpu.wait_dma2 semaphore(%run_scoped3A : memref<!tpu.dma_semaphore, #tpu.memory_space<semaphore_mem>>) src(%arg12 : memref<128x64xf32, #tpu.memory_space<vmem>>) dst(%dma_wait3A_35 : memref<128x64xf32, #tpu.memory_space<hbm>>)
        tpu.yield
      }) : () -> ()
      %dma_start3A_22 = arith.constant 0 : i32
      %dma_start3A_23 = arith.constant 0 : i32
      %dma_start3A_24 = tpu.memref_slice %arg4[%dma_start3A_22, %dma_start3A_23] : memref<50048x8xf32, #tpu.memory_space<hbm>> -> memref<50048x8xf32, #tpu.memory_space<hbm>>
      tpu.enqueue_indirect_dma source(%dma_start3A_24 : memref<50048x8xf32, #tpu.memory_space<hbm>>) target(%arg13 : memref<128x8xf32, #tpu.memory_space<vmem>>) offsets(%arg10 : memref<128xi32, #tpu.memory_space<vmem>>) semaphore(%arg14 : memref<!tpu.dma_semaphore, #tpu.memory_space<semaphore_mem>>)
      %dma_wait3A_25 = arith.constant 0 : i32
      %dma_wait3A_26 = arith.constant 0 : i32
      %dma_wait3A_27 = tpu.memref_slice %arg4[%dma_wait3A_25, %dma_wait3A_26] : memref<50048x8xf32, #tpu.memory_space<hbm>> -> memref<50048x8xf32, #tpu.memory_space<hbm>>
      tpu.wait_indirect_dma semaphore(%arg14 : memref<!tpu.dma_semaphore, #tpu.memory_space<semaphore_mem>>) src(%dma_wait3A_27 : memref<50048x8xf32, #tpu.memory_space<hbm>>) dst(%arg13 : memref<128x8xf32, #tpu.memory_space<vmem>>)
      "tpu.region"() ({
        %run_scoped3A = tpu.sem_alloc : memref<!tpu.dma_semaphore, #tpu.memory_space<semaphore_mem>>
        %dma_start3A_28 = arith.constant 0 : i32
        %dma_start3A_29 = tpu.memref_slice %arg9[%add3A_11, %dma_start3A_28] : memref<819200x8xf32, #tpu.memory_space<hbm>> -> memref<128x8xf32, #tpu.memory_space<hbm>>
        %dma_start3A_30 = arith.constant 0 : i32
        %dma_start3A_31 = tpu.memref_slice %arg9[%add3A_11, %dma_start3A_30] : memref<819200x8xf32, #tpu.memory_space<hbm>> -> memref<128x8xf32, #tpu.memory_space<hbm>>
        tpu.enqueue_dma source(%arg13 : memref<128x8xf32, #tpu.memory_space<vmem>>) target(%dma_start3A_31 : memref<128x8xf32, #tpu.memory_space<hbm>>) target_semaphore(%run_scoped3A : memref<!tpu.dma_semaphore, #tpu.memory_space<semaphore_mem>>)
        %dma_wait3A_32 = arith.constant 0 : i32
        %dma_wait3A_33 = tpu.memref_slice %arg9[%add3A_11, %dma_wait3A_32] : memref<819200x8xf32, #tpu.memory_space<hbm>> -> memref<128x8xf32, #tpu.memory_space<hbm>>
        %dma_wait3A_34 = arith.constant 0 : i32
        %dma_wait3A_35 = tpu.memref_slice %arg9[%add3A_11, %dma_wait3A_34] : memref<819200x8xf32, #tpu.memory_space<hbm>> -> memref<128x8xf32, #tpu.memory_space<hbm>>
        tpu.wait_dma2 semaphore(%run_scoped3A : memref<!tpu.dma_semaphore, #tpu.memory_space<semaphore_mem>>) src(%arg13 : memref<128x8xf32, #tpu.memory_space<vmem>>) dst(%dma_wait3A_35 : memref<128x8xf32, #tpu.memory_space<hbm>>)
        tpu.yield
      }) : () -> ()
    }
    %scan3A_7 = arith.constant 200 : i32
    return
  }
}

module attributes {stable_mosaic.version = 14 : i64} {
  func.func @kern(%arg0: i32, %arg1: memref<400x8xf32, #tpu.memory_space<vmem>>, %arg2: memref<8x128xf32, #tpu.memory_space<vmem>>, %arg3: memref<128xf32, #tpu.memory_space<vmem>>, %arg4: memref<128xf32, #tpu.memory_space<vmem>>, %arg5: memref<128xf32, #tpu.memory_space<vmem>>, %arg6: memref<400x128xf32, #tpu.memory_space<vmem>>) attributes {dimension_semantics = [#tpu.dimension_semantics<arbitrary>], iteration_bounds = array<i64: 125>, scalar_prefetch = 0 : i64, scratch_operands = 0 : i64, tpu.core_type = #tpu.core_type<tc>, window_params = [{transform_indices = @transform_0, window_bounds = array<i64: 400, 8>}, {pipeline_mode = #tpu.pipeline_mode<synchronous>, transform_indices = @transform_1, window_bounds = array<i64: 8, 128>}, {pipeline_mode = #tpu.pipeline_mode<synchronous>, transform_indices = @transform_2, window_bounds = array<i64: 128>}, {pipeline_mode = #tpu.pipeline_mode<synchronous>, transform_indices = @transform_3, window_bounds = array<i64: 128>}, {pipeline_mode = #tpu.pipeline_mode<synchronous>, transform_indices = @transform_4, window_bounds = array<i64: 128>}, {transform_indices = @transform_5, window_bounds = array<i64: 400, 128>}]} {
    %get3A = arith.constant 0 : index
    %get3A_0 = arith.constant 0 : index
    %get3A_1 = vector.load %arg1[%get3A, %get3A_0] : memref<400x8xf32, #tpu.memory_space<vmem>>, vector<400x8xf32>
    %get3A_2 = arith.constant 0 : index
    %get3A_3 = arith.constant 0 : index
    %get3A_4 = vector.load %arg2[%get3A_2, %get3A_3] : memref<8x128xf32, #tpu.memory_space<vmem>>, vector<8x128xf32>
    %dot_general3A = arith.constant dense<0.000000e+00> : vector<400x128xf32>
    %dot_general3A_5 = tpu.matmul %get3A_1, %get3A_4, %dot_general3A {dimension_numbers = #tpu.dot_dimension_numbers<[1], [0], [0], [1], [0, 0, 1, 1], [], []>, transpose_lhs_hint = false} : vector<400x8xf32>, vector<8x128xf32>, vector<400x128xf32> -> vector<400x128xf32>
    %get3A_6 = arith.constant 0 : index
    %get3A_7 = vector.load %arg3[%get3A_6] : memref<128xf32, #tpu.memory_space<vmem>>, vector<128xf32>
    %broadcast_in_dim3A = vector.shape_cast %get3A_7 : vector<128xf32> to vector<1x128xf32>
    %add3A = vector.broadcast %broadcast_in_dim3A : vector<1x128xf32> to vector<400x128xf32>
    %add3A_8 = arith.addf %dot_general3A_5, %add3A : vector<400x128xf32>
    %get3A_9 = arith.constant 0 : index
    %get3A_10 = vector.load %arg4[%get3A_9] : memref<128xf32, #tpu.memory_space<vmem>>, vector<128xf32>
    %get3A_11 = arith.constant 0 : index
    %get3A_12 = vector.load %arg5[%get3A_11] : memref<128xf32, #tpu.memory_space<vmem>>, vector<128xf32>
    %reduce_sum3A = arith.constant dense<0.000000e+00> : vector<400xf32>
    %reduce_sum3A_13 = vector.multi_reduction <add>, %add3A_8, %reduce_sum3A [1] : vector<400x128xf32> to vector<400xf32>
    %broadcast_in_dim3A_14 = vector.shape_cast %reduce_sum3A_13 : vector<400xf32> to vector<400x1xf32>
    %div3A = arith.constant 1.280000e+02 : f32
    %div3A_15 = vector.broadcast %div3A : f32 to vector<400x1xf32>
    %div3A_16 = arith.divf %broadcast_in_dim3A_14, %div3A_15 : vector<400x1xf32>
    %jit3A = arith.constant 0 : i32
    %reduce_sum3A_17 = arith.constant dense<0.000000e+00> : vector<400xf32>
    %reduce_sum3A_18 = vector.multi_reduction <add>, %add3A_8, %reduce_sum3A_17 [1] : vector<400x128xf32> to vector<400xf32>
    %broadcast_in_dim3A_19 = vector.shape_cast %reduce_sum3A_18 : vector<400xf32> to vector<400x1xf32>
    %div3A_20 = arith.constant 1.280000e+02 : f32
    %div3A_21 = vector.broadcast %div3A_20 : f32 to vector<400x1xf32>
    %div3A_22 = arith.divf %broadcast_in_dim3A_19, %div3A_21 : vector<400x1xf32>
    %sub3A = vector.broadcast %div3A_22 : vector<400x1xf32> to vector<400x128xf32>
    %sub3A_23 = arith.subf %add3A_8, %sub3A : vector<400x128xf32>
    %square3A = arith.mulf %sub3A_23, %sub3A_23 : vector<400x128xf32>
    %convert_element_type3A = arith.sitofp %jit3A : i32 to f32
    %sub3A_24 = arith.constant 1.280000e+02 : f32
    %sub3A_25 = arith.subf %sub3A_24, %convert_element_type3A : f32
    %reduce_sum3A_26 = arith.constant dense<0.000000e+00> : vector<400xf32>
    %reduce_sum3A_27 = vector.multi_reduction <add>, %square3A, %reduce_sum3A_26 [1] : vector<400x128xf32> to vector<400xf32>
    %broadcast_in_dim3A_28 = vector.shape_cast %reduce_sum3A_27 : vector<400xf32> to vector<400x1xf32>
    %div3A_29 = vector.broadcast %sub3A_25 : f32 to vector<400x1xf32>
    %div3A_30 = arith.divf %broadcast_in_dim3A_28, %div3A_29 : vector<400x1xf32>
    %gt3A = arith.constant 0.000000e+00 : f32
    %gt3A_31 = arith.cmpf ogt, %sub3A_25, %gt3A : f32
    %jit3A_32 = arith.constant 0x7FC00000 : f32
    %broadcast_in_dim3A_33 = vector.broadcast %jit3A_32 : f32 to vector<400x1xf32>
    %select_n3A = arith.select %gt3A_31, %div3A_30, %broadcast_in_dim3A_33 : vector<400x1xf32>
    %sub3A_34 = vector.broadcast %div3A_16 : vector<400x1xf32> to vector<400x128xf32>
    %sub3A_35 = arith.subf %add3A_8, %sub3A_34 : vector<400x128xf32>
    %add3A_36 = arith.constant 9.99999974E-6 : f32
    %add3A_37 = vector.broadcast %add3A_36 : f32 to vector<400x1xf32>
    %add3A_38 = arith.addf %select_n3A, %add3A_37 : vector<400x1xf32>
    %sqrt3A = math.sqrt %add3A_38 : vector<400x1xf32>
    %div3A_39 = vector.broadcast %sqrt3A : vector<400x1xf32> to vector<400x128xf32>
    %div3A_40 = arith.divf %sub3A_35, %div3A_39 : vector<400x128xf32>
    %broadcast_in_dim3A_41 = vector.shape_cast %get3A_10 : vector<128xf32> to vector<1x128xf32>
    %mul3A = vector.broadcast %broadcast_in_dim3A_41 : vector<1x128xf32> to vector<400x128xf32>
    %mul3A_42 = arith.mulf %div3A_40, %mul3A : vector<400x128xf32>
    %broadcast_in_dim3A_43 = vector.shape_cast %get3A_12 : vector<128xf32> to vector<1x128xf32>
    %add3A_44 = vector.broadcast %broadcast_in_dim3A_43 : vector<1x128xf32> to vector<400x128xf32>
    %add3A_45 = arith.addf %mul3A_42, %add3A_44 : vector<400x128xf32>
    %swap3A = arith.constant 0 : index
    %swap3A_46 = arith.constant 0 : index
    %swap3A_47 = vector.load %arg6[%swap3A, %swap3A_46] : memref<400x128xf32, #tpu.memory_space<vmem>>, vector<400x128xf32>
    tpu.vector_store %arg6[%swap3A, %swap3A_46], %add3A_45 {strides = array<i32>} : memref<400x128xf32, #tpu.memory_space<vmem>>, vector<400x128xf32>,
    return
  }
  func.func @transform_0(%arg0: i32) -> (i32, i32) {
    %c0_i32 = arith.constant 0 : i32
    %c0_i32_0 = arith.constant 0 : i32
    return %arg0, %c0_i32 : i32, i32
  }
  func.func @transform_1(%arg0: i32) -> (i32, i32) {
    %c0_i32 = arith.constant 0 : i32
    %c0_i32_0 = arith.constant 0 : i32
    %c0_i32_1 = arith.constant 0 : i32
    return %c0_i32, %c0_i32_0 : i32, i32
  }
  func.func @transform_2(%arg0: i32) -> i32 {
    %c0_i32 = arith.constant 0 : i32
    %c0_i32_0 = arith.constant 0 : i32
    return %c0_i32 : i32
  }
  func.func @transform_3(%arg0: i32) -> i32 {
    %c0_i32 = arith.constant 0 : i32
    %c0_i32_0 = arith.constant 0 : i32
    return %c0_i32 : i32
  }
  func.func @transform_4(%arg0: i32) -> i32 {
    %c0_i32 = arith.constant 0 : i32
    %c0_i32_0 = arith.constant 0 : i32
    return %c0_i32 : i32
  }
  func.func @transform_5(%arg0: i32) -> (i32, i32) {
    %c0_i32 = arith.constant 0 : i32
    %c0_i32_0 = arith.constant 0 : i32
    return %arg0, %c0_i32 : i32, i32
  }
}

module attributes {stable_mosaic.version = 14 : i64} {
  func.func @kern(%arg0: i32, %arg1: memref<400x128xf32, #tpu.memory_space<vmem>>, %arg2: memref<128x128xf32, #tpu.memory_space<vmem>>, %arg3: memref<128xf32, #tpu.memory_space<vmem>>, %arg4: memref<128xf32, #tpu.memory_space<vmem>>, %arg5: memref<128xf32, #tpu.memory_space<vmem>>, %arg6: memref<128x64xf32, #tpu.memory_space<vmem>>, %arg7: memref<64xf32, #tpu.memory_space<vmem>>, %arg8: memref<128x128xf32, #tpu.memory_space<vmem>>, %arg9: memref<128xf32, #tpu.memory_space<vmem>>, %arg10: memref<128xf32, #tpu.memory_space<vmem>>, %arg11: memref<128xf32, #tpu.memory_space<vmem>>, %arg12: memref<128x64xf32, #tpu.memory_space<vmem>>, %arg13: memref<64xf32, #tpu.memory_space<vmem>>, %arg14: memref<128x128xf32, #tpu.memory_space<vmem>>, %arg15: memref<128xf32, #tpu.memory_space<vmem>>, %arg16: memref<128xf32, #tpu.memory_space<vmem>>, %arg17: memref<128xf32, #tpu.memory_space<vmem>>, %arg18: memref<128x64xf32, #tpu.memory_space<vmem>>, %arg19: memref<64xf32, #tpu.memory_space<vmem>>, %arg20: memref<64x8xf32, #tpu.memory_space<vmem>>, %arg21: memref<400x64xf32, #tpu.memory_space<vmem>>, %arg22: memref<400x64xf32, #tpu.memory_space<vmem>>, %arg23: memref<400x64xf32, #tpu.memory_space<vmem>>, %arg24: memref<400x8xf32, #tpu.memory_space<vmem>>) attributes {dimension_semantics = [#tpu.dimension_semantics<arbitrary>], iteration_bounds = array<i64: 125>, scalar_prefetch = 0 : i64, scratch_operands = 0 : i64, tpu.core_type = #tpu.core_type<tc>, window_params = [{transform_indices = @transform_0, window_bounds = array<i64: 400, 128>}, {pipeline_mode = #tpu.pipeline_mode<synchronous>, transform_indices = @transform_1, window_bounds = array<i64: 128, 128>}, {pipeline_mode = #tpu.pipeline_mode<synchronous>, transform_indices = @transform_2, window_bounds = array<i64: 128>}, {pipeline_mode = #tpu.pipeline_mode<synchronous>, transform_indices = @transform_3, window_bounds = array<i64: 128>}, {pipeline_mode = #tpu.pipeline_mode<synchronous>, transform_indices = @transform_4, window_bounds = array<i64: 128>}, {pipeline_mode = #tpu.pipeline_mode<synchronous>, transform_indices = @transform_5, window_bounds = array<i64: 128, 64>}, {pipeline_mode = #tpu.pipeline_mode<synchronous>, transform_indices = @transform_6, window_bounds = array<i64: 64>}, {pipeline_mode = #tpu.pipeline_mode<synchronous>, transform_indices = @transform_7, window_bounds = array<i64: 128, 128>}, {pipeline_mode = #tpu.pipeline_mode<synchronous>, transform_indices = @transform_8, window_bounds = array<i64: 128>}, {pipeline_mode = #tpu.pipeline_mode<synchronous>, transform_indices = @transform_9, window_bounds = array<i64: 128>}, {pipeline_mode = #tpu.pipeline_mode<synchronous>, transform_indices = @transform_10, window_bounds = array<i64: 128>}, {pipeline_mode = #tpu.pipeline_mode<synchronous>, transform_indices = @transform_11, window_bounds = array<i64: 128, 64>}, {pipeline_mode = #tpu.pipeline_mode<synchronous>, transform_indices = @transform_12, window_bounds = array<i64: 64>}, {pipeline_mode = #tpu.pipeline_mode<synchronous>, transform_indices = @transform_13, window_bounds = array<i64: 128, 128>}, {pipeline_mode = #tpu.pipeline_mode<synchronous>, transform_indices = @transform_14, window_bounds = array<i64: 128>}, {pipeline_mode = #tpu.pipeline_mode<synchronous>, transform_indices = @transform_15, window_bounds = array<i64: 128>}, {pipeline_mode = #tpu.pipeline_mode<synchronous>, transform_indices = @transform_16, window_bounds = array<i64: 128>}, {pipeline_mode = #tpu.pipeline_mode<synchronous>, transform_indices = @transform_17, window_bounds = array<i64: 128, 64>}, {pipeline_mode = #tpu.pipeline_mode<synchronous>, transform_indices = @transform_18, window_bounds = array<i64: 64>}, {pipeline_mode = #tpu.pipeline_mode<synchronous>, transform_indices = @transform_19, window_bounds = array<i64: 64, 8>}, {transform_indices = @transform_20, window_bounds = array<i64: 400, 64>}, {transform_indices = @transform_21, window_bounds = array<i64: 400, 64>}, {transform_indices = @transform_22, window_bounds = array<i64: 400, 64>}, {transform_indices = @transform_23, window_bounds = array<i64: 400, 8>}]} {
    %get3A = arith.constant 0 : index
    %get3A_0 = arith.constant 0 : index
    %get3A_1 = vector.load %arg1[%get3A, %get3A_0] : memref<400x128xf32, #tpu.memory_space<vmem>>, vector<400x128xf32>
    %get3A_2 = arith.constant 0 : index
    %get3A_3 = arith.constant 0 : index
    %get3A_4 = vector.load %arg2[%get3A_2, %get3A_3] : memref<128x128xf32, #tpu.memory_space<vmem>>, vector<128x128xf32>
    %get3A_5 = arith.constant 0 : index
    %get3A_6 = vector.load %arg3[%get3A_5] : memref<128xf32, #tpu.memory_space<vmem>>, vector<128xf32>
    %get3A_7 = arith.constant 0 : index
    %get3A_8 = vector.load %arg4[%get3A_7] : memref<128xf32, #tpu.memory_space<vmem>>, vector<128xf32>
    %get3A_9 = arith.constant 0 : index
    %get3A_10 = vector.load %arg5[%get3A_9] : memref<128xf32, #tpu.memory_space<vmem>>, vector<128xf32>
    %get3A_11 = arith.constant 0 : index
    %get3A_12 = arith.constant 0 : index
    %get3A_13 = vector.load %arg6[%get3A_11, %get3A_12] : memref<128x64xf32, #tpu.memory_space<vmem>>, vector<128x64xf32>
    %get3A_14 = arith.constant 0 : index
    %get3A_15 = vector.load %arg7[%get3A_14] : memref<64xf32, #tpu.memory_space<vmem>>, vector<64xf32>
    %dot_general3A = arith.constant dense<0.000000e+00> : vector<400x128xf32>
    %dot_general3A_16 = tpu.matmul %get3A_1, %get3A_4, %dot_general3A {dimension_numbers = #tpu.dot_dimension_numbers<[1], [0], [0], [1], [0, 0, 1, 1], [], []>, transpose_lhs_hint = false} : vector<400x128xf32>, vector<128x128xf32>, vector<400x128xf32> -> vector<400x128xf32>
    %broadcast_in_dim3A = vector.shape_cast %get3A_6 : vector<128xf32> to vector<1x128xf32>
    %add3A = vector.broadcast %broadcast_in_dim3A : vector<1x128xf32> to vector<400x128xf32>
    %add3A_17 = arith.addf %dot_general3A_16, %add3A : vector<400x128xf32>
    %max3A = arith.constant 0.000000e+00 : f32
    %max3A_18 = vector.broadcast %max3A : f32 to vector<400x128xf32>
    %max3A_19 = arith.maximumf %add3A_17, %max3A_18 : vector<400x128xf32>
    %reduce_sum3A = arith.constant dense<0.000000e+00> : vector<400xf32>
    %reduce_sum3A_20 = vector.multi_reduction <add>, %max3A_19, %reduce_sum3A [1] : vector<400x128xf32> to vector<400xf32>
    %broadcast_in_dim3A_21 = vector.shape_cast %reduce_sum3A_20 : vector<400xf32> to vector<400x1xf32>
    %div3A = arith.constant 1.280000e+02 : f32
    %div3A_22 = vector.broadcast %div3A : f32 to vector<400x1xf32>
    %div3A_23 = arith.divf %broadcast_in_dim3A_21, %div3A_22 : vector<400x1xf32>
    %jit3A = arith.constant 0 : i32
    %reduce_sum3A_24 = arith.constant dense<0.000000e+00> : vector<400xf32>
    %reduce_sum3A_25 = vector.multi_reduction <add>, %max3A_19, %reduce_sum3A_24 [1] : vector<400x128xf32> to vector<400xf32>
    %broadcast_in_dim3A_26 = vector.shape_cast %reduce_sum3A_25 : vector<400xf32> to vector<400x1xf32>
    %div3A_27 = arith.constant 1.280000e+02 : f32
    %div3A_28 = vector.broadcast %div3A_27 : f32 to vector<400x1xf32>
    %div3A_29 = arith.divf %broadcast_in_dim3A_26, %div3A_28 : vector<400x1xf32>
    %sub3A = vector.broadcast %div3A_29 : vector<400x1xf32> to vector<400x128xf32>
    %sub3A_30 = arith.subf %max3A_19, %sub3A : vector<400x128xf32>
    %square3A = arith.mulf %sub3A_30, %sub3A_30 : vector<400x128xf32>
    %convert_element_type3A = arith.sitofp %jit3A : i32 to f32
    %sub3A_31 = arith.constant 1.280000e+02 : f32
    %sub3A_32 = arith.subf %sub3A_31, %convert_element_type3A : f32
    %reduce_sum3A_33 = arith.constant dense<0.000000e+00> : vector<400xf32>
    %reduce_sum3A_34 = vector.multi_reduction <add>, %square3A, %reduce_sum3A_33 [1] : vector<400x128xf32> to vector<400xf32>
    %broadcast_in_dim3A_35 = vector.shape_cast %reduce_sum3A_34 : vector<400xf32> to vector<400x1xf32>
    %div3A_36 = vector.broadcast %sub3A_32 : f32 to vector<400x1xf32>
    %div3A_37 = arith.divf %broadcast_in_dim3A_35, %div3A_36 : vector<400x1xf32>
    %gt3A = arith.constant 0.000000e+00 : f32
    %gt3A_38 = arith.cmpf ogt, %sub3A_32, %gt3A : f32
    %jit3A_39 = arith.constant 0x7FC00000 : f32
    %broadcast_in_dim3A_40 = vector.broadcast %jit3A_39 : f32 to vector<400x1xf32>
    %select_n3A = arith.select %gt3A_38, %div3A_37, %broadcast_in_dim3A_40 : vector<400x1xf32>
    %sub3A_41 = vector.broadcast %div3A_23 : vector<400x1xf32> to vector<400x128xf32>
    %sub3A_42 = arith.subf %max3A_19, %sub3A_41 : vector<400x128xf32>
    %add3A_43 = arith.constant 9.99999974E-6 : f32
    %add3A_44 = vector.broadcast %add3A_43 : f32 to vector<400x1xf32>
    %add3A_45 = arith.addf %select_n3A, %add3A_44 : vector<400x1xf32>
    %sqrt3A = math.sqrt %add3A_45 : vector<400x1xf32>
    %div3A_46 = vector.broadcast %sqrt3A : vector<400x1xf32> to vector<400x128xf32>
    %div3A_47 = arith.divf %sub3A_42, %div3A_46 : vector<400x128xf32>
    %broadcast_in_dim3A_48 = vector.shape_cast %get3A_8 : vector<128xf32> to vector<1x128xf32>
    %mul3A = vector.broadcast %broadcast_in_dim3A_48 : vector<1x128xf32> to vector<400x128xf32>
    %mul3A_49 = arith.mulf %div3A_47, %mul3A : vector<400x128xf32>
    %broadcast_in_dim3A_50 = vector.shape_cast %get3A_10 : vector<128xf32> to vector<1x128xf32>
    %add3A_51 = vector.broadcast %broadcast_in_dim3A_50 : vector<1x128xf32> to vector<400x128xf32>
    %add3A_52 = arith.addf %mul3A_49, %add3A_51 : vector<400x128xf32>
    %dot_general3A_53 = arith.constant dense<0.000000e+00> : vector<400x64xf32>
    %dot_general3A_54 = tpu.matmul %add3A_52, %get3A_13, %dot_general3A_53 {dimension_numbers = #tpu.dot_dimension_numbers<[1], [0], [0], [1], [0, 0, 1, 1], [], []>, transpose_lhs_hint = false} : vector<400x128xf32>, vector<128x64xf32>, vector<400x64xf32> -> vector<400x64xf32>
    %broadcast_in_dim3A_55 = vector.shape_cast %get3A_15 : vector<64xf32> to vector<1x64xf32>
    %add3A_56 = vector.broadcast %broadcast_in_dim3A_55 : vector<1x64xf32> to vector<400x64xf32>
    %add3A_57 = arith.addf %dot_general3A_54, %add3A_56 : vector<400x64xf32>
    %get3A_58 = arith.constant 0 : index
    %get3A_59 = arith.constant 0 : index
    %get3A_60 = vector.load %arg8[%get3A_58, %get3A_59] : memref<128x128xf32, #tpu.memory_space<vmem>>, vector<128x128xf32>
    %get3A_61 = arith.constant 0 : index
    %get3A_62 = vector.load %arg9[%get3A_61] : memref<128xf32, #tpu.memory_space<vmem>>, vector<128xf32>
    %get3A_63 = arith.constant 0 : index
    %get3A_64 = vector.load %arg10[%get3A_63] : memref<128xf32, #tpu.memory_space<vmem>>, vector<128xf32>
    %get3A_65 = arith.constant 0 : index
    %get3A_66 = vector.load %arg11[%get3A_65] : memref<128xf32, #tpu.memory_space<vmem>>, vector<128xf32>
    %get3A_67 = arith.constant 0 : index
    %get3A_68 = arith.constant 0 : index
    %get3A_69 = vector.load %arg12[%get3A_67, %get3A_68] : memref<128x64xf32, #tpu.memory_space<vmem>>, vector<128x64xf32>
    %get3A_70 = arith.constant 0 : index
    %get3A_71 = vector.load %arg13[%get3A_70] : memref<64xf32, #tpu.memory_space<vmem>>, vector<64xf32>
    %dot_general3A_72 = arith.constant dense<0.000000e+00> : vector<400x128xf32>
    %dot_general3A_73 = tpu.matmul %get3A_1, %get3A_60, %dot_general3A_72 {dimension_numbers = #tpu.dot_dimension_numbers<[1], [0], [0], [1], [0, 0, 1, 1], [], []>, transpose_lhs_hint = false} : vector<400x128xf32>, vector<128x128xf32>, vector<400x128xf32> -> vector<400x128xf32>
    %broadcast_in_dim3A_74 = vector.shape_cast %get3A_62 : vector<128xf32> to vector<1x128xf32>
    %add3A_75 = vector.broadcast %broadcast_in_dim3A_74 : vector<1x128xf32> to vector<400x128xf32>
    %add3A_76 = arith.addf %dot_general3A_73, %add3A_75 : vector<400x128xf32>
    %max3A_77 = arith.constant 0.000000e+00 : f32
    %max3A_78 = vector.broadcast %max3A_77 : f32 to vector<400x128xf32>
    %max3A_79 = arith.maximumf %add3A_76, %max3A_78 : vector<400x128xf32>
    %reduce_sum3A_80 = arith.constant dense<0.000000e+00> : vector<400xf32>
    %reduce_sum3A_81 = vector.multi_reduction <add>, %max3A_79, %reduce_sum3A_80 [1] : vector<400x128xf32> to vector<400xf32>
    %broadcast_in_dim3A_82 = vector.shape_cast %reduce_sum3A_81 : vector<400xf32> to vector<400x1xf32>
    %div3A_83 = arith.constant 1.280000e+02 : f32
    %div3A_84 = vector.broadcast %div3A_83 : f32 to vector<400x1xf32>
    %div3A_85 = arith.divf %broadcast_in_dim3A_82, %div3A_84 : vector<400x1xf32>
    %jit3A_86 = arith.constant 0 : i32
    %reduce_sum3A_87 = arith.constant dense<0.000000e+00> : vector<400xf32>
    %reduce_sum3A_88 = vector.multi_reduction <add>, %max3A_79, %reduce_sum3A_87 [1] : vector<400x128xf32> to vector<400xf32>
    %broadcast_in_dim3A_89 = vector.shape_cast %reduce_sum3A_88 : vector<400xf32> to vector<400x1xf32>
    %div3A_90 = arith.constant 1.280000e+02 : f32
    %div3A_91 = vector.broadcast %div3A_90 : f32 to vector<400x1xf32>
    %div3A_92 = arith.divf %broadcast_in_dim3A_89, %div3A_91 : vector<400x1xf32>
    %sub3A_93 = vector.broadcast %div3A_92 : vector<400x1xf32> to vector<400x128xf32>
    %sub3A_94 = arith.subf %max3A_79, %sub3A_93 : vector<400x128xf32>
    %square3A_95 = arith.mulf %sub3A_94, %sub3A_94 : vector<400x128xf32>
    %convert_element_type3A_96 = arith.sitofp %jit3A_86 : i32 to f32
    %sub3A_97 = arith.constant 1.280000e+02 : f32
    %sub3A_98 = arith.subf %sub3A_97, %convert_element_type3A_96 : f32
    %reduce_sum3A_99 = arith.constant dense<0.000000e+00> : vector<400xf32>
    %reduce_sum3A_100 = vector.multi_reduction <add>, %square3A_95, %reduce_sum3A_99 [1] : vector<400x128xf32> to vector<400xf32>
    %broadcast_in_dim3A_101 = vector.shape_cast %reduce_sum3A_100 : vector<400xf32> to vector<400x1xf32>
    %div3A_102 = vector.broadcast %sub3A_98 : f32 to vector<400x1xf32>
    %div3A_103 = arith.divf %broadcast_in_dim3A_101, %div3A_102 : vector<400x1xf32>
    %gt3A_104 = arith.constant 0.000000e+00 : f32
    %gt3A_105 = arith.cmpf ogt, %sub3A_98, %gt3A_104 : f32
    %jit3A_106 = arith.constant 0x7FC00000 : f32
    %broadcast_in_dim3A_107 = vector.broadcast %jit3A_106 : f32 to vector<400x1xf32>
    %select_n3A_108 = arith.select %gt3A_105, %div3A_103, %broadcast_in_dim3A_107 : vector<400x1xf32>
    %sub3A_109 = vector.broadcast %div3A_85 : vector<400x1xf32> to vector<400x128xf32>
    %sub3A_110 = arith.subf %max3A_79, %sub3A_109 : vector<400x128xf32>
    %add3A_111 = arith.constant 9.99999974E-6 : f32
    %add3A_112 = vector.broadcast %add3A_111 : f32 to vector<400x1xf32>
    %add3A_113 = arith.addf %select_n3A_108, %add3A_112 : vector<400x1xf32>
    %sqrt3A_114 = math.sqrt %add3A_113 : vector<400x1xf32>
    %div3A_115 = vector.broadcast %sqrt3A_114 : vector<400x1xf32> to vector<400x128xf32>
    %div3A_116 = arith.divf %sub3A_110, %div3A_115 : vector<400x128xf32>
    %broadcast_in_dim3A_117 = vector.shape_cast %get3A_64 : vector<128xf32> to vector<1x128xf32>
    %mul3A_118 = vector.broadcast %broadcast_in_dim3A_117 : vector<1x128xf32> to vector<400x128xf32>
    %mul3A_119 = arith.mulf %div3A_116, %mul3A_118 : vector<400x128xf32>
    %broadcast_in_dim3A_120 = vector.shape_cast %get3A_66 : vector<128xf32> to vector<1x128xf32>
    %add3A_121 = vector.broadcast %broadcast_in_dim3A_120 : vector<1x128xf32> to vector<400x128xf32>
    %add3A_122 = arith.addf %mul3A_119, %add3A_121 : vector<400x128xf32>
    %dot_general3A_123 = arith.constant dense<0.000000e+00> : vector<400x64xf32>
    %dot_general3A_124 = tpu.matmul %add3A_122, %get3A_69, %dot_general3A_123 {dimension_numbers = #tpu.dot_dimension_numbers<[1], [0], [0], [1], [0, 0, 1, 1], [], []>, transpose_lhs_hint = false} : vector<400x128xf32>, vector<128x64xf32>, vector<400x64xf32> -> vector<400x64xf32>
    %broadcast_in_dim3A_125 = vector.shape_cast %get3A_71 : vector<64xf32> to vector<1x64xf32>
    %add3A_126 = vector.broadcast %broadcast_in_dim3A_125 : vector<1x64xf32> to vector<400x64xf32>
    %add3A_127 = arith.addf %dot_general3A_124, %add3A_126 : vector<400x64xf32>
    %get3A_128 = arith.constant 0 : index
    %get3A_129 = arith.constant 0 : index
    %get3A_130 = vector.load %arg14[%get3A_128, %get3A_129] : memref<128x128xf32, #tpu.memory_space<vmem>>, vector<128x128xf32>
    %get3A_131 = arith.constant 0 : index
    %get3A_132 = vector.load %arg15[%get3A_131] : memref<128xf32, #tpu.memory_space<vmem>>, vector<128xf32>
    %get3A_133 = arith.constant 0 : index
    %get3A_134 = vector.load %arg16[%get3A_133] : memref<128xf32, #tpu.memory_space<vmem>>, vector<128xf32>
    %get3A_135 = arith.constant 0 : index
    %get3A_136 = vector.load %arg17[%get3A_135] : memref<128xf32, #tpu.memory_space<vmem>>, vector<128xf32>
    %get3A_137 = arith.constant 0 : index
    %get3A_138 = arith.constant 0 : index
    %get3A_139 = vector.load %arg18[%get3A_137, %get3A_138] : memref<128x64xf32, #tpu.memory_space<vmem>>, vector<128x64xf32>
    %get3A_140 = arith.constant 0 : index
    %get3A_141 = vector.load %arg19[%get3A_140] : memref<64xf32, #tpu.memory_space<vmem>>, vector<64xf32>
    %dot_general3A_142 = arith.constant dense<0.000000e+00> : vector<400x128xf32>
    %dot_general3A_143 = tpu.matmul %get3A_1, %get3A_130, %dot_general3A_142 {dimension_numbers = #tpu.dot_dimension_numbers<[1], [0], [0], [1], [0, 0, 1, 1], [], []>, transpose_lhs_hint = false} : vector<400x128xf32>, vector<128x128xf32>, vector<400x128xf32> -> vector<400x128xf32>
    %broadcast_in_dim3A_144 = vector.shape_cast %get3A_132 : vector<128xf32> to vector<1x128xf32>
    %add3A_145 = vector.broadcast %broadcast_in_dim3A_144 : vector<1x128xf32> to vector<400x128xf32>
    %add3A_146 = arith.addf %dot_general3A_143, %add3A_145 : vector<400x128xf32>
    %max3A_147 = arith.constant 0.000000e+00 : f32
    %max3A_148 = vector.broadcast %max3A_147 : f32 to vector<400x128xf32>
    %max3A_149 = arith.maximumf %add3A_146, %max3A_148 : vector<400x128xf32>
    %reduce_sum3A_150 = arith.constant dense<0.000000e+00> : vector<400xf32>
    %reduce_sum3A_151 = vector.multi_reduction <add>, %max3A_149, %reduce_sum3A_150 [1] : vector<400x128xf32> to vector<400xf32>
    %broadcast_in_dim3A_152 = vector.shape_cast %reduce_sum3A_151 : vector<400xf32> to vector<400x1xf32>
    %div3A_153 = arith.constant 1.280000e+02 : f32
    %div3A_154 = vector.broadcast %div3A_153 : f32 to vector<400x1xf32>
    %div3A_155 = arith.divf %broadcast_in_dim3A_152, %div3A_154 : vector<400x1xf32>
    %jit3A_156 = arith.constant 0 : i32
    %reduce_sum3A_157 = arith.constant dense<0.000000e+00> : vector<400xf32>
    %reduce_sum3A_158 = vector.multi_reduction <add>, %max3A_149, %reduce_sum3A_157 [1] : vector<400x128xf32> to vector<400xf32>
    %broadcast_in_dim3A_159 = vector.shape_cast %reduce_sum3A_158 : vector<400xf32> to vector<400x1xf32>
    %div3A_160 = arith.constant 1.280000e+02 : f32
    %div3A_161 = vector.broadcast %div3A_160 : f32 to vector<400x1xf32>
    %div3A_162 = arith.divf %broadcast_in_dim3A_159, %div3A_161 : vector<400x1xf32>
    %sub3A_163 = vector.broadcast %div3A_162 : vector<400x1xf32> to vector<400x128xf32>
    %sub3A_164 = arith.subf %max3A_149, %sub3A_163 : vector<400x128xf32>
    %square3A_165 = arith.mulf %sub3A_164, %sub3A_164 : vector<400x128xf32>
    %convert_element_type3A_166 = arith.sitofp %jit3A_156 : i32 to f32
    %sub3A_167 = arith.constant 1.280000e+02 : f32
    %sub3A_168 = arith.subf %sub3A_167, %convert_element_type3A_166 : f32
    %reduce_sum3A_169 = arith.constant dense<0.000000e+00> : vector<400xf32>
    %reduce_sum3A_170 = vector.multi_reduction <add>, %square3A_165, %reduce_sum3A_169 [1] : vector<400x128xf32> to vector<400xf32>
    %broadcast_in_dim3A_171 = vector.shape_cast %reduce_sum3A_170 : vector<400xf32> to vector<400x1xf32>
    %div3A_172 = vector.broadcast %sub3A_168 : f32 to vector<400x1xf32>
    %div3A_173 = arith.divf %broadcast_in_dim3A_171, %div3A_172 : vector<400x1xf32>
    %gt3A_174 = arith.constant 0.000000e+00 : f32
    %gt3A_175 = arith.cmpf ogt, %sub3A_168, %gt3A_174 : f32
    %jit3A_176 = arith.constant 0x7FC00000 : f32
    %broadcast_in_dim3A_177 = vector.broadcast %jit3A_176 : f32 to vector<400x1xf32>
    %select_n3A_178 = arith.select %gt3A_175, %div3A_173, %broadcast_in_dim3A_177 : vector<400x1xf32>
    %sub3A_179 = vector.broadcast %div3A_155 : vector<400x1xf32> to vector<400x128xf32>
    %sub3A_180 = arith.subf %max3A_149, %sub3A_179 : vector<400x128xf32>
    %add3A_181 = arith.constant 9.99999974E-6 : f32
    %add3A_182 = vector.broadcast %add3A_181 : f32 to vector<400x1xf32>
    %add3A_183 = arith.addf %select_n3A_178, %add3A_182 : vector<400x1xf32>
    %sqrt3A_184 = math.sqrt %add3A_183 : vector<400x1xf32>
    %div3A_185 = vector.broadcast %sqrt3A_184 : vector<400x1xf32> to vector<400x128xf32>
    %div3A_186 = arith.divf %sub3A_180, %div3A_185 : vector<400x128xf32>
    %broadcast_in_dim3A_187 = vector.shape_cast %get3A_134 : vector<128xf32> to vector<1x128xf32>
    %mul3A_188 = vector.broadcast %broadcast_in_dim3A_187 : vector<1x128xf32> to vector<400x128xf32>
    %mul3A_189 = arith.mulf %div3A_186, %mul3A_188 : vector<400x128xf32>
    %broadcast_in_dim3A_190 = vector.shape_cast %get3A_136 : vector<128xf32> to vector<1x128xf32>
    %add3A_191 = vector.broadcast %broadcast_in_dim3A_190 : vector<1x128xf32> to vector<400x128xf32>
    %add3A_192 = arith.addf %mul3A_189, %add3A_191 : vector<400x128xf32>
    %dot_general3A_193 = arith.constant dense<0.000000e+00> : vector<400x64xf32>
    %dot_general3A_194 = tpu.matmul %add3A_192, %get3A_139, %dot_general3A_193 {dimension_numbers = #tpu.dot_dimension_numbers<[1], [0], [0], [1], [0, 0, 1, 1], [], []>, transpose_lhs_hint = false} : vector<400x128xf32>, vector<128x64xf32>, vector<400x64xf32> -> vector<400x64xf32>
    %broadcast_in_dim3A_195 = vector.shape_cast %get3A_141 : vector<64xf32> to vector<1x64xf32>
    %add3A_196 = vector.broadcast %broadcast_in_dim3A_195 : vector<1x64xf32> to vector<400x64xf32>
    %add3A_197 = arith.addf %dot_general3A_194, %add3A_196 : vector<400x64xf32>
    %swap3A = arith.constant 0 : index
    %swap3A_198 = arith.constant 0 : index
    %swap3A_199 = vector.load %arg21[%swap3A, %swap3A_198] : memref<400x64xf32, #tpu.memory_space<vmem>>, vector<400x64xf32>
    tpu.vector_store %arg21[%swap3A, %swap3A_198], %add3A_57 {strides = array<i32>} : memref<400x64xf32, #tpu.memory_space<vmem>>, vector<400x64xf32>,
    %swap3A_200 = arith.constant 0 : index
    %swap3A_201 = arith.constant 0 : index
    %swap3A_202 = vector.load %arg22[%swap3A_200, %swap3A_201] : memref<400x64xf32, #tpu.memory_space<vmem>>, vector<400x64xf32>
    tpu.vector_store %arg22[%swap3A_200, %swap3A_201], %add3A_127 {strides = array<i32>} : memref<400x64xf32, #tpu.memory_space<vmem>>, vector<400x64xf32>,
    %swap3A_203 = arith.constant 0 : index
    %swap3A_204 = arith.constant 0 : index
    %swap3A_205 = vector.load %arg23[%swap3A_203, %swap3A_204] : memref<400x64xf32, #tpu.memory_space<vmem>>, vector<400x64xf32>
    tpu.vector_store %arg23[%swap3A_203, %swap3A_204], %add3A_197 {strides = array<i32>} : memref<400x64xf32, #tpu.memory_space<vmem>>, vector<400x64xf32>,
    %get3A_206 = arith.constant 0 : index
    %get3A_207 = arith.constant 0 : index
    %get3A_208 = vector.load %arg20[%get3A_206, %get3A_207] : memref<64x8xf32, #tpu.memory_space<vmem>>, vector<64x8xf32>
    %dot_general3A_209 = arith.constant dense<0.000000e+00> : vector<400x8xf32>
    %dot_general3A_210 = tpu.matmul %add3A_57, %get3A_208, %dot_general3A_209 {dimension_numbers = #tpu.dot_dimension_numbers<[1], [0], [0], [1], [0, 0, 1, 1], [], []>, transpose_lhs_hint = false} : vector<400x64xf32>, vector<64x8xf32>, vector<400x8xf32> -> vector<400x8xf32>
    %swap3A_211 = arith.constant 0 : index
    %swap3A_212 = arith.constant 0 : index
    %swap3A_213 = vector.load %arg24[%swap3A_211, %swap3A_212] : memref<400x8xf32, #tpu.memory_space<vmem>>, vector<400x8xf32>
    tpu.vector_store %arg24[%swap3A_211, %swap3A_212], %dot_general3A_210 {strides = array<i32>} : memref<400x8xf32, #tpu.memory_space<vmem>>, vector<400x8xf32>,
    return
  }
  func.func @transform_0(%arg0: i32) -> (i32, i32) {
    %c0_i32 = arith.constant 0 : i32
    %c0_i32_0 = arith.constant 0 : i32
    return %arg0, %c0_i32 : i32, i32
  }
  func.func @transform_1(%arg0: i32) -> (i32, i32) {
    %c0_i32 = arith.constant 0 : i32
    %c0_i32_0 = arith.constant 0 : i32
    %c0_i32_1 = arith.constant 0 : i32
    return %c0_i32, %c0_i32_0 : i32, i32
  }
  func.func @transform_2(%arg0: i32) -> i32 {
    %c0_i32 = arith.constant 0 : i32
    %c0_i32_0 = arith.constant 0 : i32
    return %c0_i32 : i32
  }
  func.func @transform_3(%arg0: i32) -> i32 {
    %c0_i32 = arith.constant 0 : i32
    %c0_i32_0 = arith.constant 0 : i32
    return %c0_i32 : i32
  }
  func.func @transform_4(%arg0: i32) -> i32 {
    %c0_i32 = arith.constant 0 : i32
    %c0_i32_0 = arith.constant 0 : i32
    return %c0_i32 : i32
  }
  func.func @transform_5(%arg0: i32) -> (i32, i32) {
    %c0_i32 = arith.constant 0 : i32
    %c0_i32_0 = arith.constant 0 : i32
    %c0_i32_1 = arith.constant 0 : i32
    return %c0_i32, %c0_i32_0 : i32, i32
  }
  func.func @transform_6(%arg0: i32) -> i32 {
    %c0_i32 = arith.constant 0 : i32
    %c0_i32_0 = arith.constant 0 : i32
    return %c0_i32 : i32
  }
  func.func @transform_7(%arg0: i32) -> (i32, i32) {
    %c0_i32 = arith.constant 0 : i32
    %c0_i32_0 = arith.constant 0 : i32
    %c0_i32_1 = arith.constant 0 : i32
    return %c0_i32, %c0_i32_0 : i32, i32
  }
  func.func @transform_8(%arg0: i32) -> i32 {
    %c0_i32 = arith.constant 0 : i32
    %c0_i32_0 = arith.constant 0 : i32
    return %c0_i32 : i32
  }
  func.func @transform_9(%arg0: i32) -> i32 {
    %c0_i32 = arith.constant 0 : i32
    %c0_i32_0 = arith.constant 0 : i32
    return %c0_i32 : i32
  }
  func.func @transform_10(%arg0: i32) -> i32 {
    %c0_i32 = arith.constant 0 : i32
    %c0_i32_0 = arith.constant 0 : i32
    return %c0_i32 : i32
  }
  func.func @transform_11(%arg0: i32) -> (i32, i32) {
    %c0_i32 = arith.constant 0 : i32
    %c0_i32_0 = arith.constant 0 : i32
    %c0_i32_1 = arith.constant 0 : i32
    return %c0_i32, %c0_i32_0 : i32, i32
  }
  func.func @transform_12(%arg0: i32) -> i32 {
    %c0_i32 = arith.constant 0 : i32
    %c0_i32_0 = arith.constant 0 : i32
    return %c0_i32 : i32
  }
  func.func @transform_13(%arg0: i32) -> (i32, i32) {
    %c0_i32 = arith.constant 0 : i32
    %c0_i32_0 = arith.constant 0 : i32
    %c0_i32_1 = arith.constant 0 : i32
    return %c0_i32, %c0_i32_0 : i32, i32
  }
  func.func @transform_14(%arg0: i32) -> i32 {
    %c0_i32 = arith.constant 0 : i32
    %c0_i32_0 = arith.constant 0 : i32
    return %c0_i32 : i32
  }
  func.func @transform_15(%arg0: i32) -> i32 {
    %c0_i32 = arith.constant 0 : i32
    %c0_i32_0 = arith.constant 0 : i32
    return %c0_i32 : i32
  }
  func.func @transform_16(%arg0: i32) -> i32 {
    %c0_i32 = arith.constant 0 : i32
    %c0_i32_0 = arith.constant 0 : i32
    return %c0_i32 : i32
  }
  func.func @transform_17(%arg0: i32) -> (i32, i32) {
    %c0_i32 = arith.constant 0 : i32
    %c0_i32_0 = arith.constant 0 : i32
    %c0_i32_1 = arith.constant 0 : i32
    return %c0_i32, %c0_i32_0 : i32, i32
  }
  func.func @transform_18(%arg0: i32) -> i32 {
    %c0_i32 = arith.constant 0 : i32
    %c0_i32_0 = arith.constant 0 : i32
    return %c0_i32 : i32
  }
  func.func @transform_19(%arg0: i32) -> (i32, i32) {
    %c0_i32 = arith.constant 0 : i32
    %c0_i32_0 = arith.constant 0 : i32
    %c0_i32_1 = arith.constant 0 : i32
    return %c0_i32, %c0_i32_0 : i32, i32
  }
  func.func @transform_20(%arg0: i32) -> (i32, i32) {
    %c0_i32 = arith.constant 0 : i32
    %c0_i32_0 = arith.constant 0 : i32
    return %arg0, %c0_i32 : i32, i32
  }
  func.func @transform_21(%arg0: i32) -> (i32, i32) {
    %c0_i32 = arith.constant 0 : i32
    %c0_i32_0 = arith.constant 0 : i32
    return %arg0, %c0_i32 : i32, i32
  }
  func.func @transform_22(%arg0: i32) -> (i32, i32) {
    %c0_i32 = arith.constant 0 : i32
    %c0_i32_0 = arith.constant 0 : i32
    return %arg0, %c0_i32 : i32, i32
  }
  func.func @transform_23(%arg0: i32) -> (i32, i32) {
    %c0_i32 = arith.constant 0 : i32
    %c0_i32_0 = arith.constant 0 : i32
    return %arg0, %c0_i32 : i32, i32
  }
}

module attributes {stable_mosaic.version = 14 : i64} {
  func.func @kern(%arg0: i32, %arg1: memref<1600x64xf32, #tpu.memory_space<vmem>>, %arg2: memref<1600x64xf32, #tpu.memory_space<vmem>>, %arg3: memref<1600x8xf32, #tpu.memory_space<vmem>>, %arg4: memref<1600x8xf32, #tpu.memory_space<vmem>>, %arg5: memref<1600x1xf32, #tpu.memory_space<vmem>>) attributes {dimension_semantics = [#tpu.dimension_semantics<arbitrary>], iteration_bounds = array<i64: 512>, scalar_prefetch = 0 : i64, scratch_operands = 0 : i64, tpu.core_type = #tpu.core_type<tc>, window_params = [{transform_indices = @transform_0, window_bounds = array<i64: 1600, 64>}, {transform_indices = @transform_1, window_bounds = array<i64: 1600, 64>}, {transform_indices = @transform_2, window_bounds = array<i64: 1600, 8>}, {transform_indices = @transform_3, window_bounds = array<i64: 1600, 8>}, {transform_indices = @transform_4, window_bounds = array<i64: 1600, 1>}]} {
    %get3A = arith.constant 0 : index
    %get3A_0 = arith.constant 0 : index
    %get3A_1 = vector.load %arg1[%get3A, %get3A_0] : memref<1600x64xf32, #tpu.memory_space<vmem>>, vector<1600x64xf32>
    %get3A_2 = arith.constant 0 : index
    %get3A_3 = arith.constant 0 : index
    %get3A_4 = vector.load %arg2[%get3A_2, %get3A_3] : memref<1600x64xf32, #tpu.memory_space<vmem>>, vector<1600x64xf32>
    %get3A_5 = arith.constant 0 : index
    %get3A_6 = arith.constant 0 : index
    %get3A_7 = vector.load %arg3[%get3A_5, %get3A_6] : memref<1600x8xf32, #tpu.memory_space<vmem>>, vector<1600x8xf32>
    %get3A_8 = arith.constant 0 : index
    %get3A_9 = arith.constant 0 : index
    %get3A_10 = vector.load %arg4[%get3A_8, %get3A_9] : memref<1600x8xf32, #tpu.memory_space<vmem>>, vector<1600x8xf32>
    %mul3A = arith.mulf %get3A_1, %get3A_4 : vector<1600x64xf32>
    %reduce_sum3A = arith.constant dense<0.000000e+00> : vector<1600xf32>
    %reduce_sum3A_11 = vector.multi_reduction <add>, %mul3A, %reduce_sum3A [1] : vector<1600x64xf32> to vector<1600xf32>
    %broadcast_in_dim3A = vector.shape_cast %reduce_sum3A_11 : vector<1600xf32> to vector<1600x1xf32>
    %mul3A_12 = arith.mulf %get3A_7, %get3A_10 : vector<1600x8xf32>
    %reduce_sum3A_13 = arith.constant dense<0.000000e+00> : vector<1600xf32>
    %reduce_sum3A_14 = vector.multi_reduction <add>, %mul3A_12, %reduce_sum3A_13 [1] : vector<1600x8xf32> to vector<1600xf32>
    %broadcast_in_dim3A_15 = vector.shape_cast %reduce_sum3A_14 : vector<1600xf32> to vector<1600x1xf32>
    %add3A = arith.addf %broadcast_in_dim3A, %broadcast_in_dim3A_15 : vector<1600x1xf32>
    %div3A = arith.constant 8.000000e+00 : f32
    %div3A_16 = vector.broadcast %div3A : f32 to vector<1600x1xf32>
    %div3A_17 = arith.divf %add3A, %div3A_16 : vector<1600x1xf32>
    %exp3A = math.exp %div3A_17 : vector<1600x1xf32>
    %swap3A = arith.constant 0 : index
    %swap3A_18 = arith.constant 0 : index
    %swap3A_19 = vector.load %arg5[%swap3A, %swap3A_18] : memref<1600x1xf32, #tpu.memory_space<vmem>>, vector<1600x1xf32>
    tpu.vector_store %arg5[%swap3A, %swap3A_18], %exp3A {strides = array<i32>} : memref<1600x1xf32, #tpu.memory_space<vmem>>, vector<1600x1xf32>,
    return
  }
  func.func @transform_0(%arg0: i32) -> (i32, i32) {
    %c0_i32 = arith.constant 0 : i32
    %c0_i32_0 = arith.constant 0 : i32
    return %arg0, %c0_i32 : i32, i32
  }
  func.func @transform_1(%arg0: i32) -> (i32, i32) {
    %c0_i32 = arith.constant 0 : i32
    %c0_i32_0 = arith.constant 0 : i32
    return %arg0, %c0_i32 : i32, i32
  }
  func.func @transform_2(%arg0: i32) -> (i32, i32) {
    %c0_i32 = arith.constant 0 : i32
    %c0_i32_0 = arith.constant 0 : i32
    return %arg0, %c0_i32 : i32, i32
  }
  func.func @transform_3(%arg0: i32) -> (i32, i32) {
    %c0_i32 = arith.constant 0 : i32
    %c0_i32_0 = arith.constant 0 : i32
    return %arg0, %c0_i32 : i32, i32
  }
  func.func @transform_4(%arg0: i32) -> (i32, i32) {
    %c0_i32 = arith.constant 0 : i32
    %c0_i32_0 = arith.constant 0 : i32
    return %arg0, %c0_i32 : i32, i32
  }
}

module attributes {stable_mosaic.version = 14 : i64} {
  func.func @kern(%arg0: i32, %arg1: memref<400x64xf32, #tpu.memory_space<vmem>>, %arg2: memref<400x1xf32, #tpu.memory_space<vmem>>, %arg3: memref<400x128xf32, #tpu.memory_space<vmem>>, %arg4: memref<64x128xf32, #tpu.memory_space<vmem>>, %arg5: memref<128xf32, #tpu.memory_space<vmem>>, %arg6: memref<128xf32, #tpu.memory_space<vmem>>, %arg7: memref<128xf32, #tpu.memory_space<vmem>>, %arg8: memref<128x128xf32, #tpu.memory_space<vmem>>, %arg9: memref<128xf32, #tpu.memory_space<vmem>>, %arg10: memref<128x128xf32, #tpu.memory_space<vmem>>, %arg11: memref<128xf32, #tpu.memory_space<vmem>>, %arg12: memref<128xf32, #tpu.memory_space<vmem>>, %arg13: memref<128xf32, #tpu.memory_space<vmem>>, %arg14: memref<400x128xf32, #tpu.memory_space<vmem>>) attributes {dimension_semantics = [#tpu.dimension_semantics<arbitrary>], iteration_bounds = array<i64: 125>, scalar_prefetch = 0 : i64, scratch_operands = 0 : i64, tpu.core_type = #tpu.core_type<tc>, window_params = [{transform_indices = @transform_0, window_bounds = array<i64: 400, 64>}, {transform_indices = @transform_1, window_bounds = array<i64: 400, 1>}, {transform_indices = @transform_2, window_bounds = array<i64: 400, 128>}, {pipeline_mode = #tpu.pipeline_mode<synchronous>, transform_indices = @transform_3, window_bounds = array<i64: 64, 128>}, {pipeline_mode = #tpu.pipeline_mode<synchronous>, transform_indices = @transform_4, window_bounds = array<i64: 128>}, {pipeline_mode = #tpu.pipeline_mode<synchronous>, transform_indices = @transform_5, window_bounds = array<i64: 128>}, {pipeline_mode = #tpu.pipeline_mode<synchronous>, transform_indices = @transform_6, window_bounds = array<i64: 128>}, {pipeline_mode = #tpu.pipeline_mode<synchronous>, transform_indices = @transform_7, window_bounds = array<i64: 128, 128>}, {pipeline_mode = #tpu.pipeline_mode<synchronous>, transform_indices = @transform_8, window_bounds = array<i64: 128>}, {pipeline_mode = #tpu.pipeline_mode<synchronous>, transform_indices = @transform_9, window_bounds = array<i64: 128, 128>}, {pipeline_mode = #tpu.pipeline_mode<synchronous>, transform_indices = @transform_10, window_bounds = array<i64: 128>}, {pipeline_mode = #tpu.pipeline_mode<synchronous>, transform_indices = @transform_11, window_bounds = array<i64: 128>}, {pipeline_mode = #tpu.pipeline_mode<synchronous>, transform_indices = @transform_12, window_bounds = array<i64: 128>}, {transform_indices = @transform_13, window_bounds = array<i64: 400, 128>}]} {
    %get3A = arith.constant 0 : index
    %get3A_0 = arith.constant 0 : index
    %get3A_1 = vector.load %arg4[%get3A, %get3A_0] : memref<64x128xf32, #tpu.memory_space<vmem>>, vector<64x128xf32>
    %get3A_2 = arith.constant 0 : index
    %get3A_3 = vector.load %arg5[%get3A_2] : memref<128xf32, #tpu.memory_space<vmem>>, vector<128xf32>
    %get3A_4 = arith.constant 0 : index
    %get3A_5 = vector.load %arg6[%get3A_4] : memref<128xf32, #tpu.memory_space<vmem>>, vector<128xf32>
    %get3A_6 = arith.constant 0 : index
    %get3A_7 = vector.load %arg7[%get3A_6] : memref<128xf32, #tpu.memory_space<vmem>>, vector<128xf32>
    %get3A_8 = arith.constant 0 : index
    %get3A_9 = arith.constant 0 : index
    %get3A_10 = vector.load %arg8[%get3A_8, %get3A_9] : memref<128x128xf32, #tpu.memory_space<vmem>>, vector<128x128xf32>
    %get3A_11 = arith.constant 0 : index
    %get3A_12 = vector.load %arg9[%get3A_11] : memref<128xf32, #tpu.memory_space<vmem>>, vector<128xf32>
    %get3A_13 = arith.constant 0 : index
    %get3A_14 = arith.constant 0 : index
    %get3A_15 = vector.load %arg10[%get3A_13, %get3A_14] : memref<128x128xf32, #tpu.memory_space<vmem>>, vector<128x128xf32>
    %get3A_16 = arith.constant 0 : index
    %get3A_17 = vector.load %arg11[%get3A_16] : memref<128xf32, #tpu.memory_space<vmem>>, vector<128xf32>
    %get3A_18 = arith.constant 0 : index
    %get3A_19 = vector.load %arg12[%get3A_18] : memref<128xf32, #tpu.memory_space<vmem>>, vector<128xf32>
    %get3A_20 = arith.constant 0 : index
    %get3A_21 = vector.load %arg13[%get3A_20] : memref<128xf32, #tpu.memory_space<vmem>>, vector<128xf32>
    %get3A_22 = arith.constant 0 : index
    %get3A_23 = arith.constant 0 : index
    %get3A_24 = vector.load %arg1[%get3A_22, %get3A_23] : memref<400x64xf32, #tpu.memory_space<vmem>>, vector<400x64xf32>
    %get3A_25 = arith.constant 0 : index
    %get3A_26 = arith.constant 0 : index
    %get3A_27 = vector.load %arg2[%get3A_25, %get3A_26] : memref<400x1xf32, #tpu.memory_space<vmem>>, vector<400x1xf32>
    %add3A = arith.constant 9.99999971E-10 : f32
    %add3A_28 = vector.broadcast %add3A : f32 to vector<400x1xf32>
    %add3A_29 = arith.addf %get3A_27, %add3A_28 : vector<400x1xf32>
    %div3A = vector.broadcast %add3A_29 : vector<400x1xf32> to vector<400x64xf32>
    %div3A_30 = arith.divf %get3A_24, %div3A : vector<400x64xf32>
    %dot_general3A = arith.constant dense<0.000000e+00> : vector<400x128xf32>
    %dot_general3A_31 = tpu.matmul %div3A_30, %get3A_1, %dot_general3A {dimension_numbers = #tpu.dot_dimension_numbers<[1], [0], [0], [1], [0, 0, 1, 1], [], []>, transpose_lhs_hint = false} : vector<400x64xf32>, vector<64x128xf32>, vector<400x128xf32> -> vector<400x128xf32>
    %broadcast_in_dim3A = vector.shape_cast %get3A_3 : vector<128xf32> to vector<1x128xf32>
    %add3A_32 = vector.broadcast %broadcast_in_dim3A : vector<1x128xf32> to vector<400x128xf32>
    %add3A_33 = arith.addf %dot_general3A_31, %add3A_32 : vector<400x128xf32>
    %max3A = arith.constant 0.000000e+00 : f32
    %max3A_34 = vector.broadcast %max3A : f32 to vector<400x128xf32>
    %max3A_35 = arith.maximumf %add3A_33, %max3A_34 : vector<400x128xf32>
    %reduce_sum3A = arith.constant dense<0.000000e+00> : vector<400xf32>
    %reduce_sum3A_36 = vector.multi_reduction <add>, %max3A_35, %reduce_sum3A [1] : vector<400x128xf32> to vector<400xf32>
    %broadcast_in_dim3A_37 = vector.shape_cast %reduce_sum3A_36 : vector<400xf32> to vector<400x1xf32>
    %div3A_38 = arith.constant 1.280000e+02 : f32
    %div3A_39 = vector.broadcast %div3A_38 : f32 to vector<400x1xf32>
    %div3A_40 = arith.divf %broadcast_in_dim3A_37, %div3A_39 : vector<400x1xf32>
    %jit3A = arith.constant 0 : i32
    %reduce_sum3A_41 = arith.constant dense<0.000000e+00> : vector<400xf32>
    %reduce_sum3A_42 = vector.multi_reduction <add>, %max3A_35, %reduce_sum3A_41 [1] : vector<400x128xf32> to vector<400xf32>
    %broadcast_in_dim3A_43 = vector.shape_cast %reduce_sum3A_42 : vector<400xf32> to vector<400x1xf32>
    %div3A_44 = arith.constant 1.280000e+02 : f32
    %div3A_45 = vector.broadcast %div3A_44 : f32 to vector<400x1xf32>
    %div3A_46 = arith.divf %broadcast_in_dim3A_43, %div3A_45 : vector<400x1xf32>
    %sub3A = vector.broadcast %div3A_46 : vector<400x1xf32> to vector<400x128xf32>
    %sub3A_47 = arith.subf %max3A_35, %sub3A : vector<400x128xf32>
    %square3A = arith.mulf %sub3A_47, %sub3A_47 : vector<400x128xf32>
    %convert_element_type3A = arith.sitofp %jit3A : i32 to f32
    %sub3A_48 = arith.constant 1.280000e+02 : f32
    %sub3A_49 = arith.subf %sub3A_48, %convert_element_type3A : f32
    %reduce_sum3A_50 = arith.constant dense<0.000000e+00> : vector<400xf32>
    %reduce_sum3A_51 = vector.multi_reduction <add>, %square3A, %reduce_sum3A_50 [1] : vector<400x128xf32> to vector<400xf32>
    %broadcast_in_dim3A_52 = vector.shape_cast %reduce_sum3A_51 : vector<400xf32> to vector<400x1xf32>
    %div3A_53 = vector.broadcast %sub3A_49 : f32 to vector<400x1xf32>
    %div3A_54 = arith.divf %broadcast_in_dim3A_52, %div3A_53 : vector<400x1xf32>
    %gt3A = arith.constant 0.000000e+00 : f32
    %gt3A_55 = arith.cmpf ogt, %sub3A_49, %gt3A : f32
    %jit3A_56 = arith.constant 0x7FC00000 : f32
    %broadcast_in_dim3A_57 = vector.broadcast %jit3A_56 : f32 to vector<400x1xf32>
    %select_n3A = arith.select %gt3A_55, %div3A_54, %broadcast_in_dim3A_57 : vector<400x1xf32>
    %sub3A_58 = vector.broadcast %div3A_40 : vector<400x1xf32> to vector<400x128xf32>
    %sub3A_59 = arith.subf %max3A_35, %sub3A_58 : vector<400x128xf32>
    %add3A_60 = arith.constant 9.99999974E-6 : f32
    %add3A_61 = vector.broadcast %add3A_60 : f32 to vector<400x1xf32>
    %add3A_62 = arith.addf %select_n3A, %add3A_61 : vector<400x1xf32>
    %sqrt3A = math.sqrt %add3A_62 : vector<400x1xf32>
    %div3A_63 = vector.broadcast %sqrt3A : vector<400x1xf32> to vector<400x128xf32>
    %div3A_64 = arith.divf %sub3A_59, %div3A_63 : vector<400x128xf32>
    %broadcast_in_dim3A_65 = vector.shape_cast %get3A_5 : vector<128xf32> to vector<1x128xf32>
    %mul3A = vector.broadcast %broadcast_in_dim3A_65 : vector<1x128xf32> to vector<400x128xf32>
    %mul3A_66 = arith.mulf %div3A_64, %mul3A : vector<400x128xf32>
    %broadcast_in_dim3A_67 = vector.shape_cast %get3A_7 : vector<128xf32> to vector<1x128xf32>
    %add3A_68 = vector.broadcast %broadcast_in_dim3A_67 : vector<1x128xf32> to vector<400x128xf32>
    %add3A_69 = arith.addf %mul3A_66, %add3A_68 : vector<400x128xf32>
    %dot_general3A_70 = arith.constant dense<0.000000e+00> : vector<400x128xf32>
    %dot_general3A_71 = tpu.matmul %add3A_69, %get3A_10, %dot_general3A_70 {dimension_numbers = #tpu.dot_dimension_numbers<[1], [0], [0], [1], [0, 0, 1, 1], [], []>, transpose_lhs_hint = false} : vector<400x128xf32>, vector<128x128xf32>, vector<400x128xf32> -> vector<400x128xf32>
    %broadcast_in_dim3A_72 = vector.shape_cast %get3A_12 : vector<128xf32> to vector<1x128xf32>
    %add3A_73 = vector.broadcast %broadcast_in_dim3A_72 : vector<1x128xf32> to vector<400x128xf32>
    %add3A_74 = arith.addf %dot_general3A_71, %add3A_73 : vector<400x128xf32>
    %get3A_75 = arith.constant 0 : index
    %get3A_76 = arith.constant 0 : index
    %get3A_77 = vector.load %arg3[%get3A_75, %get3A_76] : memref<400x128xf32, #tpu.memory_space<vmem>>, vector<400x128xf32>
    %dot_general3A_78 = arith.constant dense<0.000000e+00> : vector<400x128xf32>
    %dot_general3A_79 = tpu.matmul %get3A_77, %get3A_15, %dot_general3A_78 {dimension_numbers = #tpu.dot_dimension_numbers<[1], [0], [0], [1], [0, 0, 1, 1], [], []>, transpose_lhs_hint = false} : vector<400x128xf32>, vector<128x128xf32>, vector<400x128xf32> -> vector<400x128xf32>
    %broadcast_in_dim3A_80 = vector.shape_cast %get3A_17 : vector<128xf32> to vector<1x128xf32>
    %add3A_81 = vector.broadcast %broadcast_in_dim3A_80 : vector<1x128xf32> to vector<400x128xf32>
    %add3A_82 = arith.addf %dot_general3A_79, %add3A_81 : vector<400x128xf32>
    %logistic3A = arith.negf %add3A_82 : vector<400x128xf32>
    %logistic3A_83 = math.exp %logistic3A : vector<400x128xf32>
    %logistic3A_84 = arith.constant 1.000000e+00 : f32
    %logistic3A_85 = vector.broadcast %logistic3A_84 : f32 to vector<400x128xf32>
    %logistic3A_86 = arith.addf %logistic3A_85, %logistic3A_83 : vector<400x128xf32>
    %logistic3A_87 = arith.divf %logistic3A_85, %logistic3A_86 : vector<400x128xf32>
    %mul3A_88 = arith.mulf %logistic3A_87, %get3A_77 : vector<400x128xf32>
    %sub3A_89 = arith.constant 1.000000e+00 : f32
    %sub3A_90 = vector.broadcast %sub3A_89 : f32 to vector<400x128xf32>
    %sub3A_91 = arith.subf %sub3A_90, %logistic3A_87 : vector<400x128xf32>
    %mul3A_92 = arith.mulf %sub3A_91, %add3A_74 : vector<400x128xf32>
    %add3A_93 = arith.addf %mul3A_88, %mul3A_92 : vector<400x128xf32>
    %reduce_sum3A_94 = arith.constant dense<0.000000e+00> : vector<400xf32>
    %reduce_sum3A_95 = vector.multi_reduction <add>, %add3A_93, %reduce_sum3A_94 [1] : vector<400x128xf32> to vector<400xf32>
    %broadcast_in_dim3A_96 = vector.shape_cast %reduce_sum3A_95 : vector<400xf32> to vector<400x1xf32>
    %div3A_97 = arith.constant 1.280000e+02 : f32
    %div3A_98 = vector.broadcast %div3A_97 : f32 to vector<400x1xf32>
    %div3A_99 = arith.divf %broadcast_in_dim3A_96, %div3A_98 : vector<400x1xf32>
    %jit3A_100 = arith.constant 0 : i32
    %reduce_sum3A_101 = arith.constant dense<0.000000e+00> : vector<400xf32>
    %reduce_sum3A_102 = vector.multi_reduction <add>, %add3A_93, %reduce_sum3A_101 [1] : vector<400x128xf32> to vector<400xf32>
    %broadcast_in_dim3A_103 = vector.shape_cast %reduce_sum3A_102 : vector<400xf32> to vector<400x1xf32>
    %div3A_104 = arith.constant 1.280000e+02 : f32
    %div3A_105 = vector.broadcast %div3A_104 : f32 to vector<400x1xf32>
    %div3A_106 = arith.divf %broadcast_in_dim3A_103, %div3A_105 : vector<400x1xf32>
    %sub3A_107 = vector.broadcast %div3A_106 : vector<400x1xf32> to vector<400x128xf32>
    %sub3A_108 = arith.subf %add3A_93, %sub3A_107 : vector<400x128xf32>
    %square3A_109 = arith.mulf %sub3A_108, %sub3A_108 : vector<400x128xf32>
    %convert_element_type3A_110 = arith.sitofp %jit3A_100 : i32 to f32
    %sub3A_111 = arith.constant 1.280000e+02 : f32
    %sub3A_112 = arith.subf %sub3A_111, %convert_element_type3A_110 : f32
    %reduce_sum3A_113 = arith.constant dense<0.000000e+00> : vector<400xf32>
    %reduce_sum3A_114 = vector.multi_reduction <add>, %square3A_109, %reduce_sum3A_113 [1] : vector<400x128xf32> to vector<400xf32>
    %broadcast_in_dim3A_115 = vector.shape_cast %reduce_sum3A_114 : vector<400xf32> to vector<400x1xf32>
    %div3A_116 = vector.broadcast %sub3A_112 : f32 to vector<400x1xf32>
    %div3A_117 = arith.divf %broadcast_in_dim3A_115, %div3A_116 : vector<400x1xf32>
    %gt3A_118 = arith.constant 0.000000e+00 : f32
    %gt3A_119 = arith.cmpf ogt, %sub3A_112, %gt3A_118 : f32
    %jit3A_120 = arith.constant 0x7FC00000 : f32
    %broadcast_in_dim3A_121 = vector.broadcast %jit3A_120 : f32 to vector<400x1xf32>
    %select_n3A_122 = arith.select %gt3A_119, %div3A_117, %broadcast_in_dim3A_121 : vector<400x1xf32>
    %sub3A_123 = vector.broadcast %div3A_99 : vector<400x1xf32> to vector<400x128xf32>
    %sub3A_124 = arith.subf %add3A_93, %sub3A_123 : vector<400x128xf32>
    %add3A_125 = arith.constant 9.99999974E-6 : f32
    %add3A_126 = vector.broadcast %add3A_125 : f32 to vector<400x1xf32>
    %add3A_127 = arith.addf %select_n3A_122, %add3A_126 : vector<400x1xf32>
    %sqrt3A_128 = math.sqrt %add3A_127 : vector<400x1xf32>
    %div3A_129 = vector.broadcast %sqrt3A_128 : vector<400x1xf32> to vector<400x128xf32>
    %div3A_130 = arith.divf %sub3A_124, %div3A_129 : vector<400x128xf32>
    %broadcast_in_dim3A_131 = vector.shape_cast %get3A_19 : vector<128xf32> to vector<1x128xf32>
    %mul3A_132 = vector.broadcast %broadcast_in_dim3A_131 : vector<1x128xf32> to vector<400x128xf32>
    %mul3A_133 = arith.mulf %div3A_130, %mul3A_132 : vector<400x128xf32>
    %broadcast_in_dim3A_134 = vector.shape_cast %get3A_21 : vector<128xf32> to vector<1x128xf32>
    %add3A_135 = vector.broadcast %broadcast_in_dim3A_134 : vector<1x128xf32> to vector<400x128xf32>
    %add3A_136 = arith.addf %mul3A_133, %add3A_135 : vector<400x128xf32>
    %swap3A = arith.constant 0 : index
    %swap3A_137 = arith.constant 0 : index
    %swap3A_138 = vector.load %arg14[%swap3A, %swap3A_137] : memref<400x128xf32, #tpu.memory_space<vmem>>, vector<400x128xf32>
    tpu.vector_store %arg14[%swap3A, %swap3A_137], %add3A_136 {strides = array<i32>} : memref<400x128xf32, #tpu.memory_space<vmem>>, vector<400x128xf32>,
    return
  }
  func.func @transform_0(%arg0: i32) -> (i32, i32) {
    %c0_i32 = arith.constant 0 : i32
    %c0_i32_0 = arith.constant 0 : i32
    return %arg0, %c0_i32 : i32, i32
  }
  func.func @transform_1(%arg0: i32) -> (i32, i32) {
    %c0_i32 = arith.constant 0 : i32
    %c0_i32_0 = arith.constant 0 : i32
    return %arg0, %c0_i32 : i32, i32
  }
  func.func @transform_2(%arg0: i32) -> (i32, i32) {
    %c0_i32 = arith.constant 0 : i32
    %c0_i32_0 = arith.constant 0 : i32
    return %arg0, %c0_i32 : i32, i32
  }
  func.func @transform_3(%arg0: i32) -> (i32, i32) {
    %c0_i32 = arith.constant 0 : i32
    %c0_i32_0 = arith.constant 0 : i32
    %c0_i32_1 = arith.constant 0 : i32
    return %c0_i32, %c0_i32_0 : i32, i32
  }
  func.func @transform_4(%arg0: i32) -> i32 {
    %c0_i32 = arith.constant 0 : i32
    %c0_i32_0 = arith.constant 0 : i32
    return %c0_i32 : i32
  }
  func.func @transform_5(%arg0: i32) -> i32 {
    %c0_i32 = arith.constant 0 : i32
    %c0_i32_0 = arith.constant 0 : i32
    return %c0_i32 : i32
  }
  func.func @transform_6(%arg0: i32) -> i32 {
    %c0_i32 = arith.constant 0 : i32
    %c0_i32_0 = arith.constant 0 : i32
    return %c0_i32 : i32
  }
  func.func @transform_7(%arg0: i32) -> (i32, i32) {
    %c0_i32 = arith.constant 0 : i32
    %c0_i32_0 = arith.constant 0 : i32
    %c0_i32_1 = arith.constant 0 : i32
    return %c0_i32, %c0_i32_0 : i32, i32
  }
  func.func @transform_8(%arg0: i32) -> i32 {
    %c0_i32 = arith.constant 0 : i32
    %c0_i32_0 = arith.constant 0 : i32
    return %c0_i32 : i32
  }
  func.func @transform_9(%arg0: i32) -> (i32, i32) {
    %c0_i32 = arith.constant 0 : i32
    %c0_i32_0 = arith.constant 0 : i32
    %c0_i32_1 = arith.constant 0 : i32
    return %c0_i32, %c0_i32_0 : i32, i32
  }
  func.func @transform_10(%arg0: i32) -> i32 {
    %c0_i32 = arith.constant 0 : i32
    %c0_i32_0 = arith.constant 0 : i32
    return %c0_i32 : i32
  }
  func.func @transform_11(%arg0: i32) -> i32 {
    %c0_i32 = arith.constant 0 : i32
    %c0_i32_0 = arith.constant 0 : i32
    return %c0_i32 : i32
  }
  func.func @transform_12(%arg0: i32) -> i32 {
    %c0_i32 = arith.constant 0 : i32
    %c0_i32_0 = arith.constant 0 : i32
    return %c0_i32 : i32
  }
  func.func @transform_13(%arg0: i32) -> (i32, i32) {
    %c0_i32 = arith.constant 0 : i32
    %c0_i32_0 = arith.constant 0 : i32
    return %arg0, %c0_i32 : i32, i32
  }
}

module attributes {stable_mosaic.version = 14 : i64} {
  func.func @kern(%arg0: i32, %arg1: memref<400x128xf32, #tpu.memory_space<vmem>>, %arg2: memref<128x128xf32, #tpu.memory_space<vmem>>, %arg3: memref<128xf32, #tpu.memory_space<vmem>>, %arg4: memref<128xf32, #tpu.memory_space<vmem>>, %arg5: memref<128xf32, #tpu.memory_space<vmem>>, %arg6: memref<128x128xf32, #tpu.memory_space<vmem>>, %arg7: memref<128xf32, #tpu.memory_space<vmem>>, %arg8: memref<400x128xf32, #tpu.memory_space<vmem>>) attributes {dimension_semantics = [#tpu.dimension_semantics<arbitrary>], iteration_bounds = array<i64: 125>, scalar_prefetch = 0 : i64, scratch_operands = 0 : i64, tpu.core_type = #tpu.core_type<tc>, window_params = [{transform_indices = @transform_0, window_bounds = array<i64: 400, 128>}, {pipeline_mode = #tpu.pipeline_mode<synchronous>, transform_indices = @transform_1, window_bounds = array<i64: 128, 128>}, {pipeline_mode = #tpu.pipeline_mode<synchronous>, transform_indices = @transform_2, window_bounds = array<i64: 128>}, {pipeline_mode = #tpu.pipeline_mode<synchronous>, transform_indices = @transform_3, window_bounds = array<i64: 128>}, {pipeline_mode = #tpu.pipeline_mode<synchronous>, transform_indices = @transform_4, window_bounds = array<i64: 128>}, {pipeline_mode = #tpu.pipeline_mode<synchronous>, transform_indices = @transform_5, window_bounds = array<i64: 128, 128>}, {pipeline_mode = #tpu.pipeline_mode<synchronous>, transform_indices = @transform_6, window_bounds = array<i64: 128>}, {transform_indices = @transform_7, window_bounds = array<i64: 400, 128>}]} {
    %get3A = arith.constant 0 : index
    %get3A_0 = arith.constant 0 : index
    %get3A_1 = vector.load %arg2[%get3A, %get3A_0] : memref<128x128xf32, #tpu.memory_space<vmem>>, vector<128x128xf32>
    %get3A_2 = arith.constant 0 : index
    %get3A_3 = vector.load %arg3[%get3A_2] : memref<128xf32, #tpu.memory_space<vmem>>, vector<128xf32>
    %get3A_4 = arith.constant 0 : index
    %get3A_5 = vector.load %arg4[%get3A_4] : memref<128xf32, #tpu.memory_space<vmem>>, vector<128xf32>
    %get3A_6 = arith.constant 0 : index
    %get3A_7 = vector.load %arg5[%get3A_6] : memref<128xf32, #tpu.memory_space<vmem>>, vector<128xf32>
    %get3A_8 = arith.constant 0 : index
    %get3A_9 = arith.constant 0 : index
    %get3A_10 = vector.load %arg6[%get3A_8, %get3A_9] : memref<128x128xf32, #tpu.memory_space<vmem>>, vector<128x128xf32>
    %get3A_11 = arith.constant 0 : index
    %get3A_12 = vector.load %arg7[%get3A_11] : memref<128xf32, #tpu.memory_space<vmem>>, vector<128xf32>
    %get3A_13 = arith.constant 0 : index
    %get3A_14 = arith.constant 0 : index
    %get3A_15 = vector.load %arg1[%get3A_13, %get3A_14] : memref<400x128xf32, #tpu.memory_space<vmem>>, vector<400x128xf32>
    %dot_general3A = arith.constant dense<0.000000e+00> : vector<400x128xf32>
    %dot_general3A_16 = tpu.matmul %get3A_15, %get3A_1, %dot_general3A {dimension_numbers = #tpu.dot_dimension_numbers<[1], [0], [0], [1], [0, 0, 1, 1], [], []>, transpose_lhs_hint = false} : vector<400x128xf32>, vector<128x128xf32>, vector<400x128xf32> -> vector<400x128xf32>
    %broadcast_in_dim3A = vector.shape_cast %get3A_3 : vector<128xf32> to vector<1x128xf32>
    %add3A = vector.broadcast %broadcast_in_dim3A : vector<1x128xf32> to vector<400x128xf32>
    %add3A_17 = arith.addf %dot_general3A_16, %add3A : vector<400x128xf32>
    %max3A = arith.constant 0.000000e+00 : f32
    %max3A_18 = vector.broadcast %max3A : f32 to vector<400x128xf32>
    %max3A_19 = arith.maximumf %add3A_17, %max3A_18 : vector<400x128xf32>
    %reduce_sum3A = arith.constant dense<0.000000e+00> : vector<400xf32>
    %reduce_sum3A_20 = vector.multi_reduction <add>, %max3A_19, %reduce_sum3A [1] : vector<400x128xf32> to vector<400xf32>
    %broadcast_in_dim3A_21 = vector.shape_cast %reduce_sum3A_20 : vector<400xf32> to vector<400x1xf32>
    %div3A = arith.constant 1.280000e+02 : f32
    %div3A_22 = vector.broadcast %div3A : f32 to vector<400x1xf32>
    %div3A_23 = arith.divf %broadcast_in_dim3A_21, %div3A_22 : vector<400x1xf32>
    %jit3A = arith.constant 0 : i32
    %reduce_sum3A_24 = arith.constant dense<0.000000e+00> : vector<400xf32>
    %reduce_sum3A_25 = vector.multi_reduction <add>, %max3A_19, %reduce_sum3A_24 [1] : vector<400x128xf32> to vector<400xf32>
    %broadcast_in_dim3A_26 = vector.shape_cast %reduce_sum3A_25 : vector<400xf32> to vector<400x1xf32>
    %div3A_27 = arith.constant 1.280000e+02 : f32
    %div3A_28 = vector.broadcast %div3A_27 : f32 to vector<400x1xf32>
    %div3A_29 = arith.divf %broadcast_in_dim3A_26, %div3A_28 : vector<400x1xf32>
    %sub3A = vector.broadcast %div3A_29 : vector<400x1xf32> to vector<400x128xf32>
    %sub3A_30 = arith.subf %max3A_19, %sub3A : vector<400x128xf32>
    %square3A = arith.mulf %sub3A_30, %sub3A_30 : vector<400x128xf32>
    %convert_element_type3A = arith.sitofp %jit3A : i32 to f32
    %sub3A_31 = arith.constant 1.280000e+02 : f32
    %sub3A_32 = arith.subf %sub3A_31, %convert_element_type3A : f32
    %reduce_sum3A_33 = arith.constant dense<0.000000e+00> : vector<400xf32>
    %reduce_sum3A_34 = vector.multi_reduction <add>, %square3A, %reduce_sum3A_33 [1] : vector<400x128xf32> to vector<400xf32>
    %broadcast_in_dim3A_35 = vector.shape_cast %reduce_sum3A_34 : vector<400xf32> to vector<400x1xf32>
    %div3A_36 = vector.broadcast %sub3A_32 : f32 to vector<400x1xf32>
    %div3A_37 = arith.divf %broadcast_in_dim3A_35, %div3A_36 : vector<400x1xf32>
    %gt3A = arith.constant 0.000000e+00 : f32
    %gt3A_38 = arith.cmpf ogt, %sub3A_32, %gt3A : f32
    %jit3A_39 = arith.constant 0x7FC00000 : f32
    %broadcast_in_dim3A_40 = vector.broadcast %jit3A_39 : f32 to vector<400x1xf32>
    %select_n3A = arith.select %gt3A_38, %div3A_37, %broadcast_in_dim3A_40 : vector<400x1xf32>
    %sub3A_41 = vector.broadcast %div3A_23 : vector<400x1xf32> to vector<400x128xf32>
    %sub3A_42 = arith.subf %max3A_19, %sub3A_41 : vector<400x128xf32>
    %add3A_43 = arith.constant 9.99999974E-6 : f32
    %add3A_44 = vector.broadcast %add3A_43 : f32 to vector<400x1xf32>
    %add3A_45 = arith.addf %select_n3A, %add3A_44 : vector<400x1xf32>
    %sqrt3A = math.sqrt %add3A_45 : vector<400x1xf32>
    %div3A_46 = vector.broadcast %sqrt3A : vector<400x1xf32> to vector<400x128xf32>
    %div3A_47 = arith.divf %sub3A_42, %div3A_46 : vector<400x128xf32>
    %broadcast_in_dim3A_48 = vector.shape_cast %get3A_5 : vector<128xf32> to vector<1x128xf32>
    %mul3A = vector.broadcast %broadcast_in_dim3A_48 : vector<1x128xf32> to vector<400x128xf32>
    %mul3A_49 = arith.mulf %div3A_47, %mul3A : vector<400x128xf32>
    %broadcast_in_dim3A_50 = vector.shape_cast %get3A_7 : vector<128xf32> to vector<1x128xf32>
    %add3A_51 = vector.broadcast %broadcast_in_dim3A_50 : vector<1x128xf32> to vector<400x128xf32>
    %add3A_52 = arith.addf %mul3A_49, %add3A_51 : vector<400x128xf32>
    %dot_general3A_53 = arith.constant dense<0.000000e+00> : vector<400x128xf32>
    %dot_general3A_54 = tpu.matmul %add3A_52, %get3A_10, %dot_general3A_53 {dimension_numbers = #tpu.dot_dimension_numbers<[1], [0], [0], [1], [0, 0, 1, 1], [], []>, transpose_lhs_hint = false} : vector<400x128xf32>, vector<128x128xf32>, vector<400x128xf32> -> vector<400x128xf32>
    %broadcast_in_dim3A_55 = vector.shape_cast %get3A_12 : vector<128xf32> to vector<1x128xf32>
    %add3A_56 = vector.broadcast %broadcast_in_dim3A_55 : vector<1x128xf32> to vector<400x128xf32>
    %add3A_57 = arith.addf %dot_general3A_54, %add3A_56 : vector<400x128xf32>
    %add3A_58 = arith.addf %add3A_57, %get3A_15 : vector<400x128xf32>
    %swap3A = arith.constant 0 : index
    %swap3A_59 = arith.constant 0 : index
    %swap3A_60 = vector.load %arg8[%swap3A, %swap3A_59] : memref<400x128xf32, #tpu.memory_space<vmem>>, vector<400x128xf32>
    tpu.vector_store %arg8[%swap3A, %swap3A_59], %add3A_58 {strides = array<i32>} : memref<400x128xf32, #tpu.memory_space<vmem>>, vector<400x128xf32>,
    return
  }
  func.func @transform_0(%arg0: i32) -> (i32, i32) {
    %c0_i32 = arith.constant 0 : i32
    %c0_i32_0 = arith.constant 0 : i32
    return %arg0, %c0_i32 : i32, i32
  }
  func.func @transform_1(%arg0: i32) -> (i32, i32) {
    %c0_i32 = arith.constant 0 : i32
    %c0_i32_0 = arith.constant 0 : i32
    %c0_i32_1 = arith.constant 0 : i32
    return %c0_i32, %c0_i32_0 : i32, i32
  }
  func.func @transform_2(%arg0: i32) -> i32 {
    %c0_i32 = arith.constant 0 : i32
    %c0_i32_0 = arith.constant 0 : i32
    return %c0_i32 : i32
  }
  func.func @transform_3(%arg0: i32) -> i32 {
    %c0_i32 = arith.constant 0 : i32
    %c0_i32_0 = arith.constant 0 : i32
    return %c0_i32 : i32
  }
  func.func @transform_4(%arg0: i32) -> i32 {
    %c0_i32 = arith.constant 0 : i32
    %c0_i32_0 = arith.constant 0 : i32
    return %c0_i32 : i32
  }
  func.func @transform_5(%arg0: i32) -> (i32, i32) {
    %c0_i32 = arith.constant 0 : i32
    %c0_i32_0 = arith.constant 0 : i32
    %c0_i32_1 = arith.constant 0 : i32
    return %c0_i32, %c0_i32_0 : i32, i32
  }
  func.func @transform_6(%arg0: i32) -> i32 {
    %c0_i32 = arith.constant 0 : i32
    %c0_i32_0 = arith.constant 0 : i32
    return %c0_i32 : i32
  }
  func.func @transform_7(%arg0: i32) -> (i32, i32) {
    %c0_i32 = arith.constant 0 : i32
    %c0_i32_0 = arith.constant 0 : i32
    return %arg0, %c0_i32 : i32, i32
  }
}

module attributes {stable_mosaic.version = 14 : i64} {
  func.func @kern(%arg0: i32, %arg1: memref<1024x128xf32, #tpu.memory_space<vmem>>, %arg2: memref<128x128xf32, #tpu.memory_space<vmem>>, %arg3: memref<128xf32, #tpu.memory_space<vmem>>, %arg4: memref<128xf32, #tpu.memory_space<vmem>>, %arg5: memref<128xf32, #tpu.memory_space<vmem>>, %arg6: memref<128x1xf32, #tpu.memory_space<vmem>>, %arg7: memref<1xf32, #tpu.memory_space<vmem>>, %arg8: memref<1024x1xf32, #tpu.memory_space<vmem>>) attributes {dimension_semantics = [#tpu.dimension_semantics<arbitrary>], iteration_bounds = array<i64: 1>, scalar_prefetch = 0 : i64, scratch_operands = 0 : i64, tpu.core_type = #tpu.core_type<tc>, window_params = [{transform_indices = @transform_0, window_bounds = array<i64: 1024, 128>}, {pipeline_mode = #tpu.pipeline_mode<synchronous>, transform_indices = @transform_1, window_bounds = array<i64: 128, 128>}, {pipeline_mode = #tpu.pipeline_mode<synchronous>, transform_indices = @transform_2, window_bounds = array<i64: 128>}, {pipeline_mode = #tpu.pipeline_mode<synchronous>, transform_indices = @transform_3, window_bounds = array<i64: 128>}, {pipeline_mode = #tpu.pipeline_mode<synchronous>, transform_indices = @transform_4, window_bounds = array<i64: 128>}, {pipeline_mode = #tpu.pipeline_mode<synchronous>, transform_indices = @transform_5, window_bounds = array<i64: 128, 1>}, {pipeline_mode = #tpu.pipeline_mode<synchronous>, transform_indices = @transform_6, window_bounds = array<i64: 1>}, {transform_indices = @transform_7, window_bounds = array<i64: 1024, 1>}]} {
    %get3A = arith.constant 0 : index
    %get3A_0 = arith.constant 0 : index
    %get3A_1 = vector.load %arg2[%get3A, %get3A_0] : memref<128x128xf32, #tpu.memory_space<vmem>>, vector<128x128xf32>
    %get3A_2 = arith.constant 0 : index
    %get3A_3 = vector.load %arg3[%get3A_2] : memref<128xf32, #tpu.memory_space<vmem>>, vector<128xf32>
    %get3A_4 = arith.constant 0 : index
    %get3A_5 = vector.load %arg4[%get3A_4] : memref<128xf32, #tpu.memory_space<vmem>>, vector<128xf32>
    %get3A_6 = arith.constant 0 : index
    %get3A_7 = vector.load %arg5[%get3A_6] : memref<128xf32, #tpu.memory_space<vmem>>, vector<128xf32>
    %get3A_8 = arith.constant 0 : index
    %get3A_9 = arith.constant 0 : index
    %get3A_10 = vector.load %arg6[%get3A_8, %get3A_9] : memref<128x1xf32, #tpu.memory_space<vmem>>, vector<128x1xf32>
    %get3A_11 = arith.constant 0 : index
    %get3A_12 = vector.load %arg7[%get3A_11] : memref<1xf32, #tpu.memory_space<vmem>>, vector<1xf32>
    %get3A_13 = arith.constant 0 : index
    %get3A_14 = arith.constant 0 : index
    %get3A_15 = vector.load %arg1[%get3A_13, %get3A_14] : memref<1024x128xf32, #tpu.memory_space<vmem>>, vector<1024x128xf32>
    %dot_general3A = arith.constant dense<0.000000e+00> : vector<1024x128xf32>
    %dot_general3A_16 = tpu.matmul %get3A_15, %get3A_1, %dot_general3A {dimension_numbers = #tpu.dot_dimension_numbers<[1], [0], [0], [1], [0, 0, 1, 1], [], []>, transpose_lhs_hint = false} : vector<1024x128xf32>, vector<128x128xf32>, vector<1024x128xf32> -> vector<1024x128xf32>
    %broadcast_in_dim3A = vector.shape_cast %get3A_3 : vector<128xf32> to vector<1x128xf32>
    %add3A = vector.broadcast %broadcast_in_dim3A : vector<1x128xf32> to vector<1024x128xf32>
    %add3A_17 = arith.addf %dot_general3A_16, %add3A : vector<1024x128xf32>
    %max3A = arith.constant 0.000000e+00 : f32
    %max3A_18 = vector.broadcast %max3A : f32 to vector<1024x128xf32>
    %max3A_19 = arith.maximumf %add3A_17, %max3A_18 : vector<1024x128xf32>
    %reduce_sum3A = arith.constant dense<0.000000e+00> : vector<1024xf32>
    %reduce_sum3A_20 = vector.multi_reduction <add>, %max3A_19, %reduce_sum3A [1] : vector<1024x128xf32> to vector<1024xf32>
    %broadcast_in_dim3A_21 = vector.shape_cast %reduce_sum3A_20 : vector<1024xf32> to vector<1024x1xf32>
    %div3A = arith.constant 1.280000e+02 : f32
    %div3A_22 = vector.broadcast %div3A : f32 to vector<1024x1xf32>
    %div3A_23 = arith.divf %broadcast_in_dim3A_21, %div3A_22 : vector<1024x1xf32>
    %jit3A = arith.constant 0 : i32
    %reduce_sum3A_24 = arith.constant dense<0.000000e+00> : vector<1024xf32>
    %reduce_sum3A_25 = vector.multi_reduction <add>, %max3A_19, %reduce_sum3A_24 [1] : vector<1024x128xf32> to vector<1024xf32>
    %broadcast_in_dim3A_26 = vector.shape_cast %reduce_sum3A_25 : vector<1024xf32> to vector<1024x1xf32>
    %div3A_27 = arith.constant 1.280000e+02 : f32
    %div3A_28 = vector.broadcast %div3A_27 : f32 to vector<1024x1xf32>
    %div3A_29 = arith.divf %broadcast_in_dim3A_26, %div3A_28 : vector<1024x1xf32>
    %sub3A = vector.broadcast %div3A_29 : vector<1024x1xf32> to vector<1024x128xf32>
    %sub3A_30 = arith.subf %max3A_19, %sub3A : vector<1024x128xf32>
    %square3A = arith.mulf %sub3A_30, %sub3A_30 : vector<1024x128xf32>
    %convert_element_type3A = arith.sitofp %jit3A : i32 to f32
    %sub3A_31 = arith.constant 1.280000e+02 : f32
    %sub3A_32 = arith.subf %sub3A_31, %convert_element_type3A : f32
    %reduce_sum3A_33 = arith.constant dense<0.000000e+00> : vector<1024xf32>
    %reduce_sum3A_34 = vector.multi_reduction <add>, %square3A, %reduce_sum3A_33 [1] : vector<1024x128xf32> to vector<1024xf32>
    %broadcast_in_dim3A_35 = vector.shape_cast %reduce_sum3A_34 : vector<1024xf32> to vector<1024x1xf32>
    %div3A_36 = vector.broadcast %sub3A_32 : f32 to vector<1024x1xf32>
    %div3A_37 = arith.divf %broadcast_in_dim3A_35, %div3A_36 : vector<1024x1xf32>
    %gt3A = arith.constant 0.000000e+00 : f32
    %gt3A_38 = arith.cmpf ogt, %sub3A_32, %gt3A : f32
    %jit3A_39 = arith.constant 0x7FC00000 : f32
    %broadcast_in_dim3A_40 = vector.broadcast %jit3A_39 : f32 to vector<1024x1xf32>
    %select_n3A = arith.select %gt3A_38, %div3A_37, %broadcast_in_dim3A_40 : vector<1024x1xf32>
    %sub3A_41 = vector.broadcast %div3A_23 : vector<1024x1xf32> to vector<1024x128xf32>
    %sub3A_42 = arith.subf %max3A_19, %sub3A_41 : vector<1024x128xf32>
    %add3A_43 = arith.constant 9.99999974E-6 : f32
    %add3A_44 = vector.broadcast %add3A_43 : f32 to vector<1024x1xf32>
    %add3A_45 = arith.addf %select_n3A, %add3A_44 : vector<1024x1xf32>
    %sqrt3A = math.sqrt %add3A_45 : vector<1024x1xf32>
    %div3A_46 = vector.broadcast %sqrt3A : vector<1024x1xf32> to vector<1024x128xf32>
    %div3A_47 = arith.divf %sub3A_42, %div3A_46 : vector<1024x128xf32>
    %broadcast_in_dim3A_48 = vector.shape_cast %get3A_5 : vector<128xf32> to vector<1x128xf32>
    %mul3A = vector.broadcast %broadcast_in_dim3A_48 : vector<1x128xf32> to vector<1024x128xf32>
    %mul3A_49 = arith.mulf %div3A_47, %mul3A : vector<1024x128xf32>
    %broadcast_in_dim3A_50 = vector.shape_cast %get3A_7 : vector<128xf32> to vector<1x128xf32>
    %add3A_51 = vector.broadcast %broadcast_in_dim3A_50 : vector<1x128xf32> to vector<1024x128xf32>
    %add3A_52 = arith.addf %mul3A_49, %add3A_51 : vector<1024x128xf32>
    %dot_general3A_53 = arith.constant dense<0.000000e+00> : vector<1024x1xf32>
    %dot_general3A_54 = tpu.matmul %add3A_52, %get3A_10, %dot_general3A_53 {dimension_numbers = #tpu.dot_dimension_numbers<[1], [0], [0], [1], [0, 0, 1, 1], [], []>, transpose_lhs_hint = false} : vector<1024x128xf32>, vector<128x1xf32>, vector<1024x1xf32> -> vector<1024x1xf32>
    %broadcast_in_dim3A_55 = vector.shape_cast %get3A_12 : vector<1xf32> to vector<1x1xf32>
    %add3A_56 = vector.broadcast %broadcast_in_dim3A_55 : vector<1x1xf32> to vector<1024x1xf32>
    %add3A_57 = arith.addf %dot_general3A_54, %add3A_56 : vector<1024x1xf32>
    %swap3A = arith.constant 0 : index
    %swap3A_58 = arith.constant 0 : index
    %swap3A_59 = vector.load %arg8[%swap3A, %swap3A_58] : memref<1024x1xf32, #tpu.memory_space<vmem>>, vector<1024x1xf32>
    tpu.vector_store %arg8[%swap3A, %swap3A_58], %add3A_57 {strides = array<i32>} : memref<1024x1xf32, #tpu.memory_space<vmem>>, vector<1024x1xf32>,
    return
  }
  func.func @transform_0(%arg0: i32) -> (i32, i32) {
    %c0_i32 = arith.constant 0 : i32
    %c0_i32_0 = arith.constant 0 : i32
    return %arg0, %c0_i32 : i32, i32
  }
  func.func @transform_1(%arg0: i32) -> (i32, i32) {
    %c0_i32 = arith.constant 0 : i32
    %c0_i32_0 = arith.constant 0 : i32
    %c0_i32_1 = arith.constant 0 : i32
    return %c0_i32, %c0_i32_0 : i32, i32
  }
  func.func @transform_2(%arg0: i32) -> i32 {
    %c0_i32 = arith.constant 0 : i32
    %c0_i32_0 = arith.constant 0 : i32
    return %c0_i32 : i32
  }
  func.func @transform_3(%arg0: i32) -> i32 {
    %c0_i32 = arith.constant 0 : i32
    %c0_i32_0 = arith.constant 0 : i32
    return %c0_i32 : i32
  }
  func.func @transform_4(%arg0: i32) -> i32 {
    %c0_i32 = arith.constant 0 : i32
    %c0_i32_0 = arith.constant 0 : i32
    return %c0_i32 : i32
  }
  func.func @transform_5(%arg0: i32) -> (i32, i32) {
    %c0_i32 = arith.constant 0 : i32
    %c0_i32_0 = arith.constant 0 : i32
    %c0_i32_1 = arith.constant 0 : i32
    return %c0_i32, %c0_i32_0 : i32, i32
  }
  func.func @transform_6(%arg0: i32) -> i32 {
    %c0_i32 = arith.constant 0 : i32
    %c0_i32_0 = arith.constant 0 : i32
    return %c0_i32 : i32
  }
  func.func @transform_7(%arg0: i32) -> (i32, i32) {
    %c0_i32 = arith.constant 0 : i32
    %c0_i32_0 = arith.constant 0 : i32
    return %arg0, %c0_i32 : i32, i32
  }
}

</mosaic_0001>

<sc_bundles>
// kernel: kernel.13.cloned.1.call-start
scs
__scs_entry_jumppad:
0x0: {  	(pc) =	sbr.rel $0x88, $3  }
0x1: {  	(tag) =	ssettag $0x0;
	lr =	simm.s32 $0x1  }
0x2: {  	[smem:$0x3F51] =	sst lr;
	_ =	strace $0xD0000000  }
0x3: {  	_ = 	snop  }
0x4: {  	_ = 	snop  }
0x5: {  	_ = 	snop  }
0x6: {  	_ = 	snop  }
0x7: {  	_ = 	snop  }
__scs_overlays_trampoline_lowered:
0x8: {  	[smem:$0x3F60] =	sst s0  }
0x9: {  	[smem:$0x3F61] =	sst s1  }
0xa: {  	[smem:$0x3F62] =	sst s2  }
0xb: {  	[smem:$0x3F63] =	sst s3  }
0xc: {  	[smem:$0x3F64] =	sst s4  }
0xd: {  	[smem:$0x3F65] =	sst s5  }
0xe: {  	[smem:$0x3F66] =	sst s6  }
0xf: {  	[smem:$0x3F67] =	sst s7  }
0x10: {  	[smem:$0x3F68] =	sst s8  }
0x11: {  	[smem:$0x3F69] =	sst s9;
	s0 =	simm.s32 @!p0 $0x0  }
0x12: {  	s1 =	sld [smem:$0x3F4F];
	s0 =	simm.s32 @p0 $0x1  }
0x13: {  	[smem:$0x3F6A] =	sst s0;
	s0 =	simm.s32 @!p1 $0x0  }
0x14: {  	s2 =	sld [smem:$0x3F4E];
	s0 =	simm.s32 @p1 $0x1  }
0x15: {  	[smem:$0x3F6B] =	sst s0;
	s0 =	simm.s32 @!p2 $0x0  }
0x16: {  	s3 =	sld [smem:$0x3FDB];
	s0 =	simm.s32 @p2 $0x1  }
0x17: {  	s4 =	simm.s32 $0x1BF5;
	[smem:$0x3F6D] =	sst s0  }
0x18: {  	s0 =	sld [smem:$0x3F50];
	_ =	swait.ge [sflag:s4], $0x0  }
0x19: {  	s7 =	sld [smem:$0x3F51]  }
0x1a: {  	s8 =	sadd.s32 $0xFFFFE003, lr  }
0x1b: {  	s9 =	sadd.s32 $0xFFFFFEF7, lr;
	s5 =	simm.s32 $0xFFFFFFFF;
	p2 =	slt.u32 s8, $0xFFFFF086  }
0x1c: {  	p1 =	slt.u32 s9, $0xF7A;
	s5 =	simm.s32 @!p2 $0x0  }
0x1d: {  	s5 =	simm.s32 @p1 $0x1;
	p0 =	seq.s32 s7, s2  }
0x1e: {  	s7 =	smul.u32 @!p0 $0xF7A, s2;
	p2 =	seq.s32 @!p0 s5, $0x0  }
0x1f: {  	s9 =	smul.u32 $0xF7A, s1;
	s8 =	simm.s32 @!p0 $0x1BF5;
	p2 =	por !p2, p0  }
0x20: {  	[sflag:s8] =	ssyncset.s32 @!p0 $0xFFFFF086;
	s6 =	sadd.s32 @!p0 s3, s7;
	s7 =	simm.s32 @!p0 $0x108  }
0x21: {  	s3 =	sadd.s32 s3, s9;
	s6 =	sadd.s32 @!p0 $0x88, s6;
	s7 =	simm.s32 @p2 $0x1082  }
0x22: {  	[simem:s7], [sflag:s8] =	dma.local @!p0 [hbm:s6], $0xF7A  }
0x23: {  	s9 =	sor.u32 $0xD0000000, s2;
	s6 =	simm.s32 $0x108;
	_ =	swait.ge @!p0 [sflag:s8], $0x0  }
0x24: {  	s3 =	sadd.s32 $0x88, s3;
	s6 =	simm.s32 @!p1 $0x1082;
	[sflag:s4] =	ssyncset.s32 $0xFFFFF086  }
0x25: {  	[simem:s6], [sflag:s4] =	dma.local [hbm:s3], $0xF7A  }
0x26: {  	[smem:$0x3F51] =	sst s1;
	(tag) =	ssettag s2;
	_ =	strace s9  }
0x27: {  	s1 =	sld [smem:$0x3F61]  }
0x28: {  	s2 =	sld [smem:$0x3F62]  }
0x29: {  	s4 =	sld [smem:$0x3F64]  }
0x2a: {  	p0 =	seq.s32 s5, $0x0;
	s5 =	sld [smem:$0x3F65]  }
0x2b: {  	s6 =	sld [smem:$0x3F66]  }
0x2c: {  	s7 =	sld [smem:$0x3F67]  }
0x2d: {  	s3 =	simm.s32 $0x108;
	s8 =	sld [smem:$0x3F68]  }
0x2e: {  	s3 =	simm.s32 @!p0 $0x1082;
	s9 =	sld [smem:$0x3F69]  }
0x2f: {  	lr =	sadd.s32 s0, s3;
	s0 =	sld [smem:$0x3F60]  }
0x30: {  	s3 =	sld [smem:$0x3F63]  }
0x31: {  	[smem:$0x3F6C] =	sst s10  }
0x32: {  	s10 =	sld [smem:$0x3F6A];
	_ =	sdelay $0x3  }
0x33: {  	p0 =	seq.s32 s10, $0x1;
	s10 =	sld [smem:$0x3F6C];
	_ =	sdelay $0x3  }
0x34: {  	[smem:$0x3F6C] =	sst s10  }
0x35: {  	s10 =	sld [smem:$0x3F6B];
	_ =	sdelay $0x3  }
0x36: {  	p1 =	seq.s32 s10, $0x1;
	s10 =	sld [smem:$0x3F6C];
	_ =	sdelay $0x3  }
0x37: {  	[smem:$0x3F6C] =	sst s10  }
0x38: {  	s10 =	sld [smem:$0x3F6D]  }
0x39: {  	_ = 	snop;
	(pc) =	sbr.ind lr, $3  }
0x3a: {  	_ = 	snop  }
0x3b: {  	_ = 	snop  }
0x3c: {  	p2 =	seq.s32 s10, $0x1;
	s10 =	sld [smem:$0x3F6C]  }
0x3d: {  	_ =	shalt  }
0x3e: {  	_ =	shalt  }
0x3f: {  	_ =	shalt  }
0x40: {  	_ =	shalt  }
0x41: {  	_ =	shalt  }
0x42: {  	_ =	shalt  }
0x43: {  	_ =	shalt  }
0x44: {  	_ =	shalt  }
0x45: {  	_ =	shalt  }
0x46: {  	_ =	shalt  }
0x47: {  	_ =	shalt  }
0x48: {  	_ =	shalt  }
0x49: {  	_ =	shalt  }
0x4a: {  	_ =	shalt  }
0x4b: {  	_ =	shalt  }
0x4c: {  	_ =	shalt  }
0x4d: {  	_ =	shalt  }
0x4e: {  	_ =	shalt  }
0x4f: {  	_ =	shalt  }
0x50: {  	_ =	shalt  }
0x51: {  	_ =	shalt  }
0x52: {  	_ =	shalt  }
0x53: {  	_ =	shalt  }
0x54: {  	_ =	shalt  }
0x55: {  	_ =	shalt  }
0x56: {  	_ =	shalt  }
0x57: {  	_ =	shalt  }
0x58: {  	_ =	shalt  }
0x59: {  	_ =	shalt  }
0x5a: {  	_ =	shalt  }
0x5b: {  	_ =	shalt  }
0x5c: {  	_ =	shalt  }
0x5d: {  	_ =	shalt  }
0x5e: {  	_ =	shalt  }
0x5f: {  	_ =	shalt  }
0x60: {  	_ =	shalt  }
0x61: {  	_ =	shalt  }
0x62: {  	_ =	shalt  }
0x63: {  	_ =	shalt  }
0x64: {  	_ =	shalt  }
0x65: {  	_ =	shalt  }
0x66: {  	_ =	shalt  }
0x67: {  	_ =	shalt  }
0x68: {  	_ =	shalt  }
0x69: {  	_ =	shalt  }
0x6a: {  	_ =	shalt  }
0x6b: {  	_ =	shalt  }
0x6c: {  	_ =	shalt  }
0x6d: {  	_ =	shalt  }
0x6e: {  	_ =	shalt  }
0x6f: {  	_ =	shalt  }
0x70: {  	_ =	shalt  }
0x71: {  	_ =	shalt  }
0x72: {  	_ =	shalt  }
0x73: {  	_ =	shalt  }
0x74: {  	_ =	shalt  }
0x75: {  	_ =	shalt  }
0x76: {  	_ =	shalt  }
0x77: {  	_ =	shalt  }
0x78: {  	_ =	shalt  }
0x79: {  	_ =	shalt  }
0x7a: {  	_ =	shalt  }
0x7b: {  	_ =	shalt  }
0x7c: {  	_ =	shalt  }
0x7d: {  	_ =	shalt  }
0x7e: {  	_ =	shalt  }
0x7f: {  	_ =	shalt  }
0x80: {  	_ =	shalt  }
0x81: {  	_ =	shalt  }
0x82: {  	_ =	shalt  }
0x83: {  	_ =	shalt  }
0x84: {  	_ =	shalt  }
0x85: {  	_ =	shalt  }
0x86: {  	_ =	shalt  }
0x87: {  	_ =	shalt  }
.Lfunc_end0:
.L_simem_size_0:
called_computation.5_lowered:
.L_overlay_start_0:
0x88: {  	s2 =	sld [smem:$0x3FD9]  }
0x89: {  	s3 =	sld [smem:$0x3FFE];
	_ =	sdelay $0x1  }
0x8a: {  	s1 =	srdreg.scid  }
0x8b: {  	s0 =	sand.u32 $0x1, s1  }
0x8c: {  	s16 =	sshll.u32 s0, $0xA;
	s2 =	sadd.s32 s3, s2  }
0x8d: {  	s2 =	sadd.s32 s2, s16  }
0x8e: {  	[smem:$0x3F78] =	sst s2  }
0x8f: {  	_ = 	snop  }
0x90: {  	(tm) =	ssettm $0x1  }
0x91: {  	s17 =	sld [smem:$0x3FFB];
	_ =	sdelay $0x3  }
0x92: {  	_ =	strace s17  }
0x93: {  	s2 =	sld [smem:$0x3FFC];
	_ =	sdelay $0x3  }
0x94: {  	_ =	strace s2  }
0x95: {  	s2 =	sld [smem:$0x3FFD];
	_ =	sdelay $0x3  }
0x96: {  	_ =	strace s2  }
0x97: {  	_ =	strace $0x8FFFFFFF  }
0x98: {  	s18 =	sld [smem:$0x3FDB];
	_ =	sdelay $0x1  }
0x99: {  	s19 =	simm.s32 $_scs_section_size  }
0x9a: {  	s4 =	simm.s32 $_size__tile_overlayer_lowered;
	s5 =	simm.s32 $_tile_overlayer_lowered  }
0x9b: {  	s22 =	simm.s32 $0x1BFF;
	s21 =	sshll.u32 s5, $0x1;
	s2 =	sadd.s32 s19, s18  }
0x9c: {  	s6 =	simm.s32 $0x0;
	s20 =	sshll.u32 s4, $0x1;
	s4 =	sadd.s32 s21, s2  }
0x9d: {  	[timem:s6], [sflag:s22] =	dma.local [hbm:s4], s20  }
0x9e: {  	_ =	swait.ge [sflag:s22], s20  }
0x9f: {  	s3 =	ssub.s32 $0x0, s20;
	[sflag:s22] =	ssyncset.done $0x0  }
0xa0: {  	[sflag:s22] =	ssyncadd.s32 s3;
	_ =	sdelay $0x1  }
0xa1: {  	s23 =	simm.s32 $0x1B8B  }
0xa2: {  	_ =	swait.ge [sflag:s23], $0x1  }
0xa3: {  	[sflag:s23] =	ssyncset.done $0x0  }
0xa4: {  	s25 =	simm.s32 $0x1B8E;
	s24 =	sld [smem:$0x3FFE];
	[sflag:s23] =	ssyncadd.s32 $0xFFFFFFFF  }
0xa5: {  	s26 =	simm.s32 $execute0_lowered;
	[smem:$0x3FD2] =	sst s25  }
0xa6: {  	s4 =	sshll.u32 s26, $0x1;
	_ =	strace $0x80000046;
	[dreg:$0x1] =	wrdreg $0xFFFFFFFF  }
0xa7: {  	s28 =	simm.s32 $_size_execute0_lowered;
	s2 =	sadd.s32 s2, s4;
	[dreg:$0x0] =	wrdreg $0x0  }
0xa8: {  	s4 =	sshll.u32 s28, $0x1;
	[dreg:$0x2] =	wrdreg s2  }
0xa9: {  	[dreg:$0x3] =	wrdreg s4  }
0xaa: {  	[dreg:$0x4] =	wrdreg $0xC0  }
0xab: {  	_ =	task [dreg:s6], $0x5FFFF  }
0xac: {  	[dreg:$0x1] =	wrdreg $0xFFFFFFFF  }
0xad: {  	[dreg:$0x0] =	wrdreg $0x60  }
0xae: {  	[dreg:$0x2] =	wrdreg s24  }
0xaf: {  	[dreg:$0x3] =	wrdreg $0x9  }
0xb0: {  	_ =	task.clear_ibuf [dreg:s6], $0x4FFFF;
	_ =	strace $0x90000046  }
0xb1: {  	s29 =	simm.s32 $0x9;
	_ =	strace $0x80000048  }
0xb2: {  	_ =	swait.ge [sflag:s29], $0x1  }
0xb3: {  	[sflag:s29] =	ssyncadd.s32 $0xFFFFFFFF  }
0xb4: {  	_ =	strace $0x90000048  }
0xb5: {  	_ =	sfence  }
0xb6: {  	s30 =	sld [smem:$0x0];
	_ =	sdelay $0x2  }
0xb7: {  	s31 =	sshll.u32 s1, $0xD;
	s1 =	sshrl.u32 s1, $0x2  }
0xb8: {  	s3 =	sand.u32 $0x4000, s31;
	s1 =	sadd.s32 s1, s30  }
0xb9: {  	s0 =	sor.u32 s3, s0;
	s1 =	sshll.u32 s1, $0x11  }
0xba: {  	s0 =	sor.u32 s1, s0  }
0xbb: {  	s0 =	sadd.s32 $0x8F2B, s0  }
0xbc: {  	[sflag:s0] =	ssyncadd.remote.s32 $0x1  }
0xbd: {  	_ =	sfence.sel $0xFFFF  }
0xbe: {  	[dreg:$0x0] =	wrdreg $0xFFFFFFFF;
	(pc) =	sbr.abs _section_cstart, $3  }
0xbf: {  	[dreg:$0x1] =	wrdreg $0xFFFFFFFF  }
0xc0: {  	_ =	task.clear_ibuf [dreg:s6], $0x2FFFF;
	_ =	strace $0x9FFFFFFF  }
0xc1: {  	(tm) =	ssettm $0x7FFFFFFF  }
tec
execute0_lowered:
.L_overlay_start_1:
0x0: {  	(tag) =	ssettag $0x1  }
0x1: {  	s6 =	rddreg [dreg:$0x0]  }
0x2: {  	s0 =	rddreg [dreg:$0x1];
	s2 =	simm.s32 $0x0  }
0x3: {  	s3 =	srdreg.scid;
	s1 =	stileid.u32;
	s13 =	simm.s32 $0x80  }
0x4: {  	s14 =	simm.s32 $0x100;
	s15 =	simm.s32 $0x1;
	s16 =	simm.s32 $0x2100  }
0x5: {  	s17 =	simm.s32 $0x0;
	[smem:$0x7FF] =	sst s2;
	s8 =	smul.u32 $0xC800, s1  }
0x6: {  	s7 =	sand.u32 $0x1, s3;
	s3 =	sadd.s32 $0x18EA00, s6;
	s29 =	smul.u32 $0x64000, s1  }
0x7: {  	s4 =	sadd.s32 $0x7E00, s6;
	s5 =	sadd.s32 $0x69A00, s6;
	s9 =	smul.u32 $0x6400, s7  }
0x8: {  	_ =	strace $0x80000047;
	s11 =	ssub.s32 $0x2, s7;
	s7 =	smul.u32 $0x32000, s7  }
0x9: {  	s30 =	sshrl.u32 s11, $0x1;
	s8 =	sadd.s32 s9, s8;
	s9 =	sadd.s32 s29, s6  }
0xa: {  	s31 =	ssub.s32 s11, s30;
	s10 =	sshrl.u32 s8, $0x3;
	s8 =	sadd.s32 s8, s6  }
0xb: {  	s9 =	sadd.s32 s7, s9;
	s12 =	sadd.s32 s10, s6;
	s7 =	sadd.s32 $0x1F0600, s8  }
0xc: {  	s6 =	smax.u32 s31, $0x1;
	s8 =	sadd.s32 $0x3D8C00, s9;
	s9 =	sadd.s32 $0xA18C00, s9  }
0xd: {  	s10 =	sadd.s32 $0x8EE00, s12;
	s11 =	sadd.s32 $0xA7E00, s12;
	s12 =	simm.s32 $0x2  }
.LBB2_1:
0xe: {  	s18 =	sadd.s32 $0x0, s11  }
0xf: {  	[tilespmem:s2], [sflag:$0x2] =	stream.linear.gather [hbm4b:s18+s2], $0x80, $0x38;
	[tilespmem:$0x2500] =	vst v63  }
0x10: {  	_ =	swait.ge [sflag:s12], $0x80  }
0x11: {  	[sflag:s12] =	ssyncset.done $0x0  }
0x12: {  	s31 =	sadd.s32 $0x0, s10;
	[sflag:s12] =	ssyncadd.s32 $0xFFFFFF80  }
0x13: {  	[tilespmem:s13], [sflag:$0x2] =	stream.linear.gather [hbm4b:s31+s2], $0x80, $0x38;
	[tilespmem:$0x2500] =	vst v63  }
0x14: {  	_ =	swait.ge [sflag:s12], $0x80  }
0x15: {  	[sflag:s12] =	ssyncset.done $0x0  }
0x16: {  	[sflag:s12] =	ssyncadd.s32 $0xFFFFFF80  }
0x17: {  	[tilespmem:s14], [sflag:$0x1] =	stream.indirect.gather [hbm4b:s3+s13], $0x40, s2, s13, $0xb8;
	[tilespmem:$0x2500] =	vst v63  }
0x18: {  	_ =	swait.ge [sflag:s15], $0x2000  }
0x19: {  	[sflag:s15] =	ssyncset.done $0x0  }
0x1a: {  	[sflag:s15] =	ssyncadd.s32 $0xFFFFE000  }
0x1b: {  	[hbm4b:s9+s2] =	stream.linear.scatter [tilespmem:s14], [sflag:$0x2], $0x2000, $0x38;
	[tilespmem:$0x2500] =	vst v63  }
0x1c: {  	_ =	swait.ge [sflag:s12], $0x2000  }
0x1d: {  	[sflag:s12] =	ssyncset.done $0x0  }
0x1e: {  	[sflag:s12] =	ssyncadd.s32 $0xFFFFE000  }
0x1f: {  	[tilespmem:s14], [sflag:$0x1] =	stream.indirect.gather [hbm4b:s4+s13], $0x40, s13, s13, $0xb8;
	[tilespmem:$0x2500] =	vst v63  }
0x20: {  	_ =	swait.ge [sflag:s15], $0x2000  }
0x21: {  	[sflag:s15] =	ssyncset.done $0x0  }
0x22: {  	[sflag:s15] =	ssyncadd.s32 $0xFFFFE000  }
0x23: {  	[hbm4b:s8+s2] =	stream.linear.scatter [tilespmem:s14], [sflag:$0x2], $0x2000, $0x38;
	[tilespmem:$0x2500] =	vst v63  }
0x24: {  	_ =	swait.ge [sflag:s12], $0x2000  }
0x25: {  	[sflag:s12] =	ssyncset.done $0x0  }
0x26: {  	[sflag:s12] =	ssyncadd.s32 $0xFFFFE000  }
0x27: {  	[tilespmem:s16], [sflag:$0x1] =	stream.indirect.gather [hbm4b:s5+s13], $0x8, s2, s13, $0xb8;
	[tilespmem:$0x2500] =	vst v63  }
0x28: {  	_ =	swait.ge [sflag:s15], $0x400  }
0x29: {  	[sflag:s15] =	ssyncset.done $0x0  }
0x2a: {  	s21 =	simm.s32 $0x10;
	[sflag:s15] =	ssyncadd.s32 $0xFFFFFC00  }
0x2b: {  	[hbm4b:s7+s2] =	stream.linear.scatter [tilespmem:s16], [sflag:$0x2], $0x400, $0x38;
	[tilespmem:$0x2500] =	vst v63  }
0x2c: {  	s23 =	simm.s32 $0x20;
	s20 =	sadd.s32 $0x400, s9;
	_ =	swait.ge [sflag:s12], $0x400  }
0x2d: {  	s19 =	sadd.s32 $0x400, s8;
	s18 =	sadd.s32 $0x80, s7;
	[sflag:s12] =	ssyncset.done $0x0  }
.LBB2_2:
0x2e: {  	s24 =	sadd.s32 s21, s11  }
0x2f: {  	[sflag:s12] =	ssyncadd.s32 $0xFFFFFC00;
	s25 =	smov.u32 s23;
	s22 =	sadd.s32 $0x10, s23  }
0x30: {  	[tilespmem:s2], [sflag:$0x2] =	stream.linear.gather [hbm4b:s24+s2], $0x80, $0x38;
	[tilespmem:$0x2500] =	vst v63  }
0x31: {  	p0 =	sne.s32 s23, $0xC70;
	_ =	swait.ge [sflag:s12], $0x80  }
0x32: {  	[sflag:s12] =	ssyncset.done $0x0  }
0x33: {  	s23 =	sadd.s32 s21, s10;
	s21 =	smov.u32 s25;
	[sflag:s12] =	ssyncadd.s32 $0xFFFFFF80  }
0x34: {  	[tilespmem:s13], [sflag:$0x2] =	stream.linear.gather [hbm4b:s23+s2], $0x80, $0x38;
	[tilespmem:$0x2500] =	vst v63  }
0x35: {  	_ =	swait.ge [sflag:s12], $0x80  }
0x36: {  	[sflag:s12] =	ssyncset.done $0x0  }
0x37: {  	[sflag:s12] =	ssyncadd.s32 $0xFFFFFF80  }
0x38: {  	[tilespmem:s14], [sflag:$0x1] =	stream.indirect.gather [hbm4b:s3+s13], $0x40, s2, s13, $0xb8;
	[tilespmem:$0x2500] =	vst v63  }
0x39: {  	_ =	swait.ge [sflag:s15], $0x2000  }
0x3a: {  	[sflag:s15] =	ssyncset.done $0x0  }
0x3b: {  	[sflag:s15] =	ssyncadd.s32 $0xFFFFE000  }
0x3c: {  	[hbm4b:s20+s2] =	stream.linear.scatter [tilespmem:s14], [sflag:$0x2], $0x2000, $0x38;
	[tilespmem:$0x2500] =	vst v63  }
0x3d: {  	_ =	swait.ge [sflag:s12], $0x2000  }
0x3e: {  	[sflag:s12] =	ssyncset.done $0x0  }
0x3f: {  	[sflag:s12] =	ssyncadd.s32 $0xFFFFE000  }
0x40: {  	[tilespmem:s14], [sflag:$0x1] =	stream.indirect.gather [hbm4b:s4+s13], $0x40, s13, s13, $0xb8;
	[tilespmem:$0x2500] =	vst v63  }
0x41: {  	_ =	swait.ge [sflag:s15], $0x2000  }
0x42: {  	[sflag:s15] =	ssyncset.done $0x0  }
0x43: {  	[sflag:s15] =	ssyncadd.s32 $0xFFFFE000  }
0x44: {  	[hbm4b:s19+s2] =	stream.linear.scatter [tilespmem:s14], [sflag:$0x2], $0x2000, $0x38;
	[tilespmem:$0x2500] =	vst v63  }
0x45: {  	_ =	swait.ge [sflag:s12], $0x2000  }
0x46: {  	[sflag:s12] =	ssyncset.done $0x0  }
0x47: {  	[sflag:s12] =	ssyncadd.s32 $0xFFFFE000  }
0x48: {  	[tilespmem:s16], [sflag:$0x1] =	stream.indirect.gather [hbm4b:s5+s13], $0x8, s2, s13, $0xb8;
	[tilespmem:$0x2500] =	vst v63  }
0x49: {  	_ =	swait.ge [sflag:s15], $0x400  }
.Ltmp0:
0x4a: {  	[sflag:s15] =	ssyncset.done $0x0;
	(pc) =	sbr.rel @p0 .LBB2_2-.Ltmp0, $4  }
0x4b: {  	[sflag:s15] =	ssyncadd.s32 $0xFFFFFC00  }
0x4c: {  	[hbm4b:s18+s2] =	stream.linear.scatter [tilespmem:s16], [sflag:$0x2], $0x400, $0x38;
	[tilespmem:$0x2500] =	vst v63  }
0x4d: {  	s23 =	smov.u32 s22;
	s20 =	sadd.s32 $0x400, s20;
	_ =	swait.ge [sflag:s12], $0x400  }
0x4e: {  	s19 =	sadd.s32 $0x400, s19;
	s18 =	sadd.s32 $0x80, s18;
	[sflag:s12] =	ssyncset.done $0x0  }
0x4f: {  	s22 =	sadd.s32 s21, s11;
	[sflag:s12] =	ssyncadd.s32 $0xFFFFFC00  }
0x50: {  	[tilespmem:s2], [sflag:$0x2] =	stream.linear.gather [hbm4b:s22+s2], $0x80, $0x38;
	[tilespmem:$0x2500] =	vst v63  }
0x51: {  	_ =	swait.ge [sflag:s12], $0x80  }
0x52: {  	[sflag:s12] =	ssyncset.done $0x0  }
0x53: {  	s31 =	sadd.s32 s21, s10;
	[sflag:s12] =	ssyncadd.s32 $0xFFFFFF80  }
0x54: {  	[tilespmem:s13], [sflag:$0x2] =	stream.linear.gather [hbm4b:s31+s2], $0x80, $0x38;
	[tilespmem:$0x2500] =	vst v63  }
0x55: {  	_ =	swait.ge [sflag:s12], $0x80  }
0x56: {  	[sflag:s12] =	ssyncset.done $0x0  }
0x57: {  	[sflag:s12] =	ssyncadd.s32 $0xFFFFFF80  }
0x58: {  	[tilespmem:s14], [sflag:$0x1] =	stream.indirect.gather [hbm4b:s3+s13], $0x40, s2, s13, $0xb8;
	[tilespmem:$0x2500] =	vst v63  }
0x59: {  	_ =	swait.ge [sflag:s15], $0x2000  }
0x5a: {  	[sflag:s15] =	ssyncset.done $0x0  }
0x5b: {  	[sflag:s15] =	ssyncadd.s32 $0xFFFFE000  }
0x5c: {  	[hbm4b:s20+s2] =	stream.linear.scatter [tilespmem:s14], [sflag:$0x2], $0x2000, $0x38;
	[tilespmem:$0x2500] =	vst v63  }
0x5d: {  	_ =	swait.ge [sflag:s12], $0x2000  }
0x5e: {  	[sflag:s12] =	ssyncset.done $0x0  }
0x5f: {  	[sflag:s12] =	ssyncadd.s32 $0xFFFFE000  }
0x60: {  	[tilespmem:s14], [sflag:$0x1] =	stream.indirect.gather [hbm4b:s4+s13], $0x40, s13, s13, $0xb8;
	[tilespmem:$0x2500] =	vst v63  }
0x61: {  	_ =	swait.ge [sflag:s15], $0x2000  }
0x62: {  	[sflag:s15] =	ssyncset.done $0x0  }
0x63: {  	[sflag:s15] =	ssyncadd.s32 $0xFFFFE000  }
0x64: {  	[hbm4b:s19+s2] =	stream.linear.scatter [tilespmem:s14], [sflag:$0x2], $0x2000, $0x38;
	[tilespmem:$0x2500] =	vst v63  }
0x65: {  	_ =	swait.ge [sflag:s12], $0x2000  }
0x66: {  	[sflag:s12] =	ssyncset.done $0x0  }
0x67: {  	[sflag:s12] =	ssyncadd.s32 $0xFFFFE000  }
0x68: {  	[tilespmem:s16], [sflag:$0x1] =	stream.indirect.gather [hbm4b:s5+s13], $0x8, s2, s13, $0xb8;
	[tilespmem:$0x2500] =	vst v63  }
0x69: {  	s17 =	sadd.s32 $0x1, s17;
	_ =	swait.ge [sflag:s15], $0x400  }
0x6a: {  	p0 =	sne.s32 s17, s6;
	[sflag:s15] =	ssyncset.done $0x0  }
.Ltmp1:
0x6b: {  	[sflag:s15] =	ssyncadd.s32 $0xFFFFFC00;
	(pc) =	sbr.rel @p0 .LBB2_1-.Ltmp1, $4  }
0x6c: {  	[hbm4b:s18+s2] =	stream.linear.scatter [tilespmem:s16], [sflag:$0x2], $0x400, $0x38;
	[tilespmem:$0x2500] =	vst v63  }
0x6d: {  	_ =	swait.ge [sflag:s12], $0x400  }
0x6e: {  	[sflag:s12] =	ssyncset.done $0x0  }
0x6f: {  	[sflag:s12] =	ssyncadd.s32 $0xFFFFFC00  }
0x70: {  	_ =	sfence.sel $0x180000  }
0x71: {  	[bflag:$0x0] =	sbarrier.arrive $0xFFFF  }
0x72: {  	p0 =	sne.s32 s1, $0x0;
	_ =	strace $0x90000047  }
0x73: {  	s0 =	sadd.s32 @!p0 $0x100000, s0;
	[bflag:$0x2] =	sbarrier.arrive $0xFFFF  }
0x74: {  	[sflag:s0] =	ssyncadd.tile.s32 @!p0 $0x1;
	_ =	shalt  }
.Lfunc_end2:
_tile_overlayer_lowered:
.L_overlay_start_2:
0x75: {  	(tag) =	ssettag $0x2  }
0x76: {  	s0 =	rddreg [dreg:$0x0];
	s2 =	stileid.u32  }
0x77: {  	s1 =	rddreg [dreg:$0x1];
	p0 =	sne.s32 s2, $0x0  }
0x78: {  	s3 =	rddreg [dreg:$0x2];
	[bflag:$0x3] =	sbarrier.arrive $0xFFFF;
	s2 =	simm.s32 @!p0 $0x1C02  }
0x79: {  	[timem:s3], [sflag:s2] =	dma.local @!p0 [hbm:s0], s1  }
0x7a: {  	s0 =	simm.s32 @!p0 $0x2  }
0x7b: {  	_ =	swait.ge @!p0 [sflag:s0], s1  }
0x7c: {  	s1 =	ssub.s32 @!p0 $0x0, s1;
	[sflag:s0] =	ssyncset.done @!p0 $0x0  }
0x7d: {  	[sflag:s0] =	ssyncadd.s32 @!p0 s1  }
0x7e: {  	[bflag:$0x3] =	sbarrier.arrive $0xFFFF  }
0x7f: {  	_ =	shalt  }

// kernel: kernel.16.cloned.1.call-start
scs
__scs_entry_jumppad:
0x0: {  	(pc) =	sbr.rel $0x88, $3  }
0x1: {  	(tag) =	ssettag $0x0;
	lr =	simm.s32 $0x1  }
0x2: {  	[smem:$0x3F51] =	sst lr;
	_ =	strace $0xD0000000  }
0x3: {  	_ = 	snop  }
0x4: {  	_ = 	snop  }
0x5: {  	_ = 	snop  }
0x6: {  	_ = 	snop  }
0x7: {  	_ = 	snop  }
__scs_overlays_trampoline_lowered:
0x8: {  	[smem:$0x3F60] =	sst s0  }
0x9: {  	[smem:$0x3F61] =	sst s1  }
0xa: {  	[smem:$0x3F62] =	sst s2  }
0xb: {  	[smem:$0x3F63] =	sst s3  }
0xc: {  	[smem:$0x3F64] =	sst s4  }
0xd: {  	[smem:$0x3F65] =	sst s5  }
0xe: {  	[smem:$0x3F66] =	sst s6  }
0xf: {  	[smem:$0x3F67] =	sst s7  }
0x10: {  	[smem:$0x3F68] =	sst s8  }
0x11: {  	[smem:$0x3F69] =	sst s9;
	s0 =	simm.s32 @!p0 $0x0  }
0x12: {  	s1 =	sld [smem:$0x3F4F];
	s0 =	simm.s32 @p0 $0x1  }
0x13: {  	[smem:$0x3F6A] =	sst s0;
	s0 =	simm.s32 @!p1 $0x0  }
0x14: {  	s2 =	sld [smem:$0x3F4E];
	s0 =	simm.s32 @p1 $0x1  }
0x15: {  	[smem:$0x3F6B] =	sst s0;
	s0 =	simm.s32 @!p2 $0x0  }
0x16: {  	s3 =	sld [smem:$0x3FDB];
	s0 =	simm.s32 @p2 $0x1  }
0x17: {  	s4 =	simm.s32 $0x1BF5;
	[smem:$0x3F6D] =	sst s0  }
0x18: {  	s0 =	sld [smem:$0x3F50];
	_ =	swait.ge [sflag:s4], $0x0  }
0x19: {  	s7 =	sld [smem:$0x3F51]  }
0x1a: {  	s8 =	sadd.s32 $0xFFFFE003, lr  }
0x1b: {  	s9 =	sadd.s32 $0xFFFFFEF7, lr;
	s5 =	simm.s32 $0xFFFFFFFF;
	p2 =	slt.u32 s8, $0xFFFFF086  }
0x1c: {  	p1 =	slt.u32 s9, $0xF7A;
	s5 =	simm.s32 @!p2 $0x0  }
0x1d: {  	s5 =	simm.s32 @p1 $0x1;
	p0 =	seq.s32 s7, s2  }
0x1e: {  	s7 =	smul.u32 @!p0 $0xF7A, s2;
	p2 =	seq.s32 @!p0 s5, $0x0  }
0x1f: {  	s9 =	smul.u32 $0xF7A, s1;
	s8 =	simm.s32 @!p0 $0x1BF5;
	p2 =	por !p2, p0  }
0x20: {  	[sflag:s8] =	ssyncset.s32 @!p0 $0xFFFFF086;
	s6 =	sadd.s32 @!p0 s3, s7;
	s7 =	simm.s32 @!p0 $0x108  }
0x21: {  	s3 =	sadd.s32 s3, s9;
	s6 =	sadd.s32 @!p0 $0x88, s6;
	s7 =	simm.s32 @p2 $0x1082  }
0x22: {  	[simem:s7], [sflag:s8] =	dma.local @!p0 [hbm:s6], $0xF7A  }
0x23: {  	s9 =	sor.u32 $0xD0000000, s2;
	s6 =	simm.s32 $0x108;
	_ =	swait.ge @!p0 [sflag:s8], $0x0  }
0x24: {  	s3 =	sadd.s32 $0x88, s3;
	s6 =	simm.s32 @!p1 $0x1082;
	[sflag:s4] =	ssyncset.s32 $0xFFFFF086  }
0x25: {  	[simem:s6], [sflag:s4] =	dma.local [hbm:s3], $0xF7A  }
0x26: {  	[smem:$0x3F51] =	sst s1;
	(tag) =	ssettag s2;
	_ =	strace s9  }
0x27: {  	s1 =	sld [smem:$0x3F61]  }
0x28: {  	s2 =	sld [smem:$0x3F62]  }
0x29: {  	s4 =	sld [smem:$0x3F64]  }
0x2a: {  	p0 =	seq.s32 s5, $0x0;
	s5 =	sld [smem:$0x3F65]  }
0x2b: {  	s6 =	sld [smem:$0x3F66]  }
0x2c: {  	s7 =	sld [smem:$0x3F67]  }
0x2d: {  	s3 =	simm.s32 $0x108;
	s8 =	sld [smem:$0x3F68]  }
0x2e: {  	s3 =	simm.s32 @!p0 $0x1082;
	s9 =	sld [smem:$0x3F69]  }
0x2f: {  	lr =	sadd.s32 s0, s3;
	s0 =	sld [smem:$0x3F60]  }
0x30: {  	s3 =	sld [smem:$0x3F63]  }
0x31: {  	[smem:$0x3F6C] =	sst s10  }
0x32: {  	s10 =	sld [smem:$0x3F6A];
	_ =	sdelay $0x3  }
0x33: {  	p0 =	seq.s32 s10, $0x1;
	s10 =	sld [smem:$0x3F6C];
	_ =	sdelay $0x3  }
0x34: {  	[smem:$0x3F6C] =	sst s10  }
0x35: {  	s10 =	sld [smem:$0x3F6B];
	_ =	sdelay $0x3  }
0x36: {  	p1 =	seq.s32 s10, $0x1;
	s10 =	sld [smem:$0x3F6C];
	_ =	sdelay $0x3  }
0x37: {  	[smem:$0x3F6C] =	sst s10  }
0x38: {  	s10 =	sld [smem:$0x3F6D]  }
0x39: {  	_ = 	snop;
	(pc) =	sbr.ind lr, $3  }
0x3a: {  	_ = 	snop  }
0x3b: {  	_ = 	snop  }
0x3c: {  	p2 =	seq.s32 s10, $0x1;
	s10 =	sld [smem:$0x3F6C]  }
0x3d: {  	_ =	shalt  }
0x3e: {  	_ =	shalt  }
0x3f: {  	_ =	shalt  }
0x40: {  	_ =	shalt  }
0x41: {  	_ =	shalt  }
0x42: {  	_ =	shalt  }
0x43: {  	_ =	shalt  }
0x44: {  	_ =	shalt  }
0x45: {  	_ =	shalt  }
0x46: {  	_ =	shalt  }
0x47: {  	_ =	shalt  }
0x48: {  	_ =	shalt  }
0x49: {  	_ =	shalt  }
0x4a: {  	_ =	shalt  }
0x4b: {  	_ =	shalt  }
0x4c: {  	_ =	shalt  }
0x4d: {  	_ =	shalt  }
0x4e: {  	_ =	shalt  }
0x4f: {  	_ =	shalt  }
0x50: {  	_ =	shalt  }
0x51: {  	_ =	shalt  }
0x52: {  	_ =	shalt  }
0x53: {  	_ =	shalt  }
0x54: {  	_ =	shalt  }
0x55: {  	_ =	shalt  }
0x56: {  	_ =	shalt  }
0x57: {  	_ =	shalt  }
0x58: {  	_ =	shalt  }
0x59: {  	_ =	shalt  }
0x5a: {  	_ =	shalt  }
0x5b: {  	_ =	shalt  }
0x5c: {  	_ =	shalt  }
0x5d: {  	_ =	shalt  }
0x5e: {  	_ =	shalt  }
0x5f: {  	_ =	shalt  }
0x60: {  	_ =	shalt  }
0x61: {  	_ =	shalt  }
0x62: {  	_ =	shalt  }
0x63: {  	_ =	shalt  }
0x64: {  	_ =	shalt  }
0x65: {  	_ =	shalt  }
0x66: {  	_ =	shalt  }
0x67: {  	_ =	shalt  }
0x68: {  	_ =	shalt  }
0x69: {  	_ =	shalt  }
0x6a: {  	_ =	shalt  }
0x6b: {  	_ =	shalt  }
0x6c: {  	_ =	shalt  }
0x6d: {  	_ =	shalt  }
0x6e: {  	_ =	shalt  }
0x6f: {  	_ =	shalt  }
0x70: {  	_ =	shalt  }
0x71: {  	_ =	shalt  }
0x72: {  	_ =	shalt  }
0x73: {  	_ =	shalt  }
0x74: {  	_ =	shalt  }
0x75: {  	_ =	shalt  }
0x76: {  	_ =	shalt  }
0x77: {  	_ =	shalt  }
0x78: {  	_ =	shalt  }
0x79: {  	_ =	shalt  }
0x7a: {  	_ =	shalt  }
0x7b: {  	_ =	shalt  }
0x7c: {  	_ =	shalt  }
0x7d: {  	_ =	shalt  }
0x7e: {  	_ =	shalt  }
0x7f: {  	_ =	shalt  }
0x80: {  	_ =	shalt  }
0x81: {  	_ =	shalt  }
0x82: {  	_ =	shalt  }
0x83: {  	_ =	shalt  }
0x84: {  	_ =	shalt  }
0x85: {  	_ =	shalt  }
0x86: {  	_ =	shalt  }
0x87: {  	_ =	shalt  }
.Lfunc_end0:
.L_simem_size_0:
called_computation.6_lowered:
.L_overlay_start_0:
0x88: {  	s2 =	sld [smem:$0x3FD9]  }
0x89: {  	s3 =	sld [smem:$0x3FFE];
	_ =	sdelay $0x1  }
0x8a: {  	s1 =	srdreg.scid  }
0x8b: {  	s0 =	sand.u32 $0x1, s1  }
0x8c: {  	s16 =	sshll.u32 s0, $0xA;
	s2 =	sadd.s32 s3, s2  }
0x8d: {  	s2 =	sadd.s32 s2, s16  }
0x8e: {  	[smem:$0x3F78] =	sst s2  }
0x8f: {  	_ = 	snop  }
0x90: {  	(tm) =	ssettm $0x1  }
0x91: {  	s17 =	sld [smem:$0x3FFB];
	_ =	sdelay $0x3  }
0x92: {  	_ =	strace s17  }
0x93: {  	s2 =	sld [smem:$0x3FFC];
	_ =	sdelay $0x3  }
0x94: {  	_ =	strace s2  }
0x95: {  	s2 =	sld [smem:$0x3FFD];
	_ =	sdelay $0x3  }
0x96: {  	_ =	strace s2  }
0x97: {  	_ =	strace $0x8FFFFFFF  }
0x98: {  	s18 =	sld [smem:$0x3FDB];
	_ =	sdelay $0x1  }
0x99: {  	s19 =	simm.s32 $_scs_section_size  }
0x9a: {  	s4 =	simm.s32 $_size__tile_overlayer_lowered;
	s5 =	simm.s32 $_tile_overlayer_lowered  }
0x9b: {  	s22 =	simm.s32 $0x1BFF;
	s21 =	sshll.u32 s5, $0x1;
	s2 =	sadd.s32 s19, s18  }
0x9c: {  	s6 =	simm.s32 $0x0;
	s20 =	sshll.u32 s4, $0x1;
	s4 =	sadd.s32 s21, s2  }
0x9d: {  	[timem:s6], [sflag:s22] =	dma.local [hbm:s4], s20  }
0x9e: {  	_ =	swait.ge [sflag:s22], s20  }
0x9f: {  	s3 =	ssub.s32 $0x0, s20;
	[sflag:s22] =	ssyncset.done $0x0  }
0xa0: {  	[sflag:s22] =	ssyncadd.s32 s3;
	_ =	sdelay $0x1  }
0xa1: {  	s23 =	simm.s32 $0x1B8B  }
0xa2: {  	_ =	swait.ge [sflag:s23], $0x1  }
0xa3: {  	[sflag:s23] =	ssyncset.done $0x0  }
0xa4: {  	s25 =	simm.s32 $0x1B8E;
	s24 =	sld [smem:$0x3FFE];
	[sflag:s23] =	ssyncadd.s32 $0xFFFFFFFF  }
0xa5: {  	s26 =	simm.s32 $execute0_lowered;
	[smem:$0x3FD2] =	sst s25  }
0xa6: {  	s4 =	sshll.u32 s26, $0x1;
	_ =	strace $0x80000055;
	[dreg:$0x1] =	wrdreg $0xFFFFFFFF  }
0xa7: {  	s28 =	simm.s32 $_size_execute0_lowered;
	s2 =	sadd.s32 s2, s4;
	[dreg:$0x0] =	wrdreg $0x0  }
0xa8: {  	s4 =	sshll.u32 s28, $0x1;
	[dreg:$0x2] =	wrdreg s2  }
0xa9: {  	[dreg:$0x3] =	wrdreg s4  }
0xaa: {  	[dreg:$0x4] =	wrdreg $0xC0  }
0xab: {  	_ =	task [dreg:s6], $0x5FFFF  }
0xac: {  	[dreg:$0x1] =	wrdreg $0xFFFFFFFF  }
0xad: {  	[dreg:$0x0] =	wrdreg $0x60  }
0xae: {  	[dreg:$0x2] =	wrdreg s24  }
0xaf: {  	[dreg:$0x3] =	wrdreg $0x9  }
0xb0: {  	_ =	task.clear_ibuf [dreg:s6], $0x4FFFF;
	_ =	strace $0x90000055  }
0xb1: {  	s29 =	simm.s32 $0x9;
	_ =	strace $0x80000057  }
0xb2: {  	_ =	swait.ge [sflag:s29], $0x1  }
0xb3: {  	[sflag:s29] =	ssyncadd.s32 $0xFFFFFFFF  }
0xb4: {  	_ =	strace $0x90000057  }
0xb5: {  	_ =	sfence  }
0xb6: {  	s30 =	sld [smem:$0x0];
	_ =	sdelay $0x2  }
0xb7: {  	s31 =	sshll.u32 s1, $0xD;
	s1 =	sshrl.u32 s1, $0x2  }
0xb8: {  	s3 =	sand.u32 $0x4000, s31;
	s1 =	sadd.s32 s1, s30  }
0xb9: {  	s0 =	sor.u32 s3, s0;
	s1 =	sshll.u32 s1, $0x11  }
0xba: {  	s0 =	sor.u32 s1, s0  }
0xbb: {  	s0 =	sadd.s32 $0x8F2B, s0  }
0xbc: {  	[sflag:s0] =	ssyncadd.remote.s32 $0x1  }
0xbd: {  	_ =	sfence.sel $0xFFFF  }
0xbe: {  	[dreg:$0x0] =	wrdreg $0xFFFFFFFF;
	(pc) =	sbr.abs _section_cstart, $3  }
0xbf: {  	[dreg:$0x1] =	wrdreg $0xFFFFFFFF  }
0xc0: {  	_ =	task.clear_ibuf [dreg:s6], $0x2FFFF;
	_ =	strace $0x9FFFFFFF  }
0xc1: {  	(tm) =	ssettm $0x7FFFFFFF  }
tec
execute0_lowered:
.L_overlay_start_1:
0x0: {  	(tag) =	ssettag $0x1  }
0x1: {  	s6 =	rddreg [dreg:$0x0]  }
0x2: {  	s0 =	rddreg [dreg:$0x1];
	s3 =	srdreg.scid  }
0x3: {  	s1 =	stileid.u32;
	s2 =	simm.s32 $0x0;
	s13 =	simm.s32 $0x80  }
0x4: {  	s14 =	simm.s32 $0x100;
	s15 =	simm.s32 $0x1;
	s16 =	simm.s32 $0x2100  }
0x5: {  	s17 =	simm.s32 $0x0;
	s7 =	sand.u32 $0x1, s3;
	s8 =	smul.u32 $0xC800, s1  }
0x6: {  	[smem:$0x7FF] =	sst s2;
	s3 =	sadd.s32 $0x7C00, s6;
	s29 =	smul.u32 $0x64000, s1  }
0x7: {  	s4 =	sadd.s32 $0x252000, s6;
	s5 =	sadd.s32 $0x69800, s6;
	s9 =	smul.u32 $0x6400, s7  }
0x8: {  	_ =	strace $0x80000056;
	s11 =	ssub.s32 $0x2, s7;
	s7 =	smul.u32 $0x32000, s7  }
0x9: {  	s30 =	sshrl.u32 s11, $0x1;
	s8 =	sadd.s32 s9, s8;
	s9 =	sadd.s32 s29, s6  }
0xa: {  	s31 =	ssub.s32 s11, s30;
	s10 =	sshrl.u32 s8, $0x3;
	s8 =	sadd.s32 s8, s6  }
0xb: {  	s9 =	sadd.s32 s7, s9;
	s12 =	sadd.s32 s10, s6;
	s7 =	sadd.s32 $0xC2800, s8  }
0xc: {  	s6 =	smax.u32 s31, $0x1;
	s8 =	sadd.s32 $0x5F7E00, s9;
	s9 =	sadd.s32 $0xC37E00, s9  }
0xd: {  	s10 =	sadd.s32 $0x8EE00, s12;
	s11 =	sadd.s32 $0xA7E00, s12;
	s12 =	simm.s32 $0x2  }
.LBB2_1:
0xe: {  	s18 =	sadd.s32 $0x0, s11  }
0xf: {  	[tilespmem:s2], [sflag:$0x2] =	stream.linear.gather [hbm4b:s18+s2], $0x80, $0x38;
	[tilespmem:$0x2500] =	vst v63  }
0x10: {  	_ =	swait.ge [sflag:s12], $0x80  }
0x11: {  	[sflag:s12] =	ssyncset.done $0x0  }
0x12: {  	s31 =	sadd.s32 $0x0, s10;
	[sflag:s12] =	ssyncadd.s32 $0xFFFFFF80  }
0x13: {  	[tilespmem:s13], [sflag:$0x2] =	stream.linear.gather [hbm4b:s31+s2], $0x80, $0x38;
	[tilespmem:$0x2500] =	vst v63  }
0x14: {  	_ =	swait.ge [sflag:s12], $0x80  }
0x15: {  	[sflag:s12] =	ssyncset.done $0x0  }
0x16: {  	[sflag:s12] =	ssyncadd.s32 $0xFFFFFF80  }
0x17: {  	[tilespmem:s14], [sflag:$0x1] =	stream.indirect.gather [hbm4b:s3+s13], $0x40, s2, s13, $0xb8;
	[tilespmem:$0x2500] =	vst v63  }
0x18: {  	_ =	swait.ge [sflag:s15], $0x2000  }
0x19: {  	[sflag:s15] =	ssyncset.done $0x0  }
0x1a: {  	[sflag:s15] =	ssyncadd.s32 $0xFFFFE000  }
0x1b: {  	[hbm4b:s9+s2] =	stream.linear.scatter [tilespmem:s14], [sflag:$0x2], $0x2000, $0x38;
	[tilespmem:$0x2500] =	vst v63  }
0x1c: {  	_ =	swait.ge [sflag:s12], $0x2000  }
0x1d: {  	[sflag:s12] =	ssyncset.done $0x0  }
0x1e: {  	[sflag:s12] =	ssyncadd.s32 $0xFFFFE000  }
0x1f: {  	[tilespmem:s14], [sflag:$0x1] =	stream.indirect.gather [hbm4b:s4+s13], $0x40, s13, s13, $0xb8;
	[tilespmem:$0x2500] =	vst v63  }
0x20: {  	_ =	swait.ge [sflag:s15], $0x2000  }
0x21: {  	[sflag:s15] =	ssyncset.done $0x0  }
0x22: {  	[sflag:s15] =	ssyncadd.s32 $0xFFFFE000  }
0x23: {  	[hbm4b:s8+s2] =	stream.linear.scatter [tilespmem:s14], [sflag:$0x2], $0x2000, $0x38;
	[tilespmem:$0x2500] =	vst v63  }
0x24: {  	_ =	swait.ge [sflag:s12], $0x2000  }
0x25: {  	[sflag:s12] =	ssyncset.done $0x0  }
0x26: {  	[sflag:s12] =	ssyncadd.s32 $0xFFFFE000  }
0x27: {  	[tilespmem:s16], [sflag:$0x1] =	stream.indirect.gather [hbm4b:s5+s13], $0x8, s2, s13, $0xb8;
	[tilespmem:$0x2500] =	vst v63  }
0x28: {  	_ =	swait.ge [sflag:s15], $0x400  }
0x29: {  	[sflag:s15] =	ssyncset.done $0x0  }
0x2a: {  	s21 =	simm.s32 $0x10;
	[sflag:s15] =	ssyncadd.s32 $0xFFFFFC00  }
0x2b: {  	[hbm4b:s7+s2] =	stream.linear.scatter [tilespmem:s16], [sflag:$0x2], $0x400, $0x38;
	[tilespmem:$0x2500] =	vst v63  }
0x2c: {  	s23 =	simm.s32 $0x20;
	s20 =	sadd.s32 $0x400, s9;
	_ =	swait.ge [sflag:s12], $0x400  }
0x2d: {  	s19 =	sadd.s32 $0x400, s8;
	s18 =	sadd.s32 $0x80, s7;
	[sflag:s12] =	ssyncset.done $0x0  }
.LBB2_2:
0x2e: {  	s24 =	sadd.s32 s21, s11  }
0x2f: {  	[sflag:s12] =	ssyncadd.s32 $0xFFFFFC00;
	s25 =	smov.u32 s23;
	s22 =	sadd.s32 $0x10, s23  }
0x30: {  	[tilespmem:s2], [sflag:$0x2] =	stream.linear.gather [hbm4b:s24+s2], $0x80, $0x38;
	[tilespmem:$0x2500] =	vst v63  }
0x31: {  	p0 =	sne.s32 s23, $0xC70;
	_ =	swait.ge [sflag:s12], $0x80  }
0x32: {  	[sflag:s12] =	ssyncset.done $0x0  }
0x33: {  	s23 =	sadd.s32 s21, s10;
	s21 =	smov.u32 s25;
	[sflag:s12] =	ssyncadd.s32 $0xFFFFFF80  }
0x34: {  	[tilespmem:s13], [sflag:$0x2] =	stream.linear.gather [hbm4b:s23+s2], $0x80, $0x38;
	[tilespmem:$0x2500] =	vst v63  }
0x35: {  	_ =	swait.ge [sflag:s12], $0x80  }
0x36: {  	[sflag:s12] =	ssyncset.done $0x0  }
0x37: {  	[sflag:s12] =	ssyncadd.s32 $0xFFFFFF80  }
0x38: {  	[tilespmem:s14], [sflag:$0x1] =	stream.indirect.gather [hbm4b:s3+s13], $0x40, s2, s13, $0xb8;
	[tilespmem:$0x2500] =	vst v63  }
0x39: {  	_ =	swait.ge [sflag:s15], $0x2000  }
0x3a: {  	[sflag:s15] =	ssyncset.done $0x0  }
0x3b: {  	[sflag:s15] =	ssyncadd.s32 $0xFFFFE000  }
0x3c: {  	[hbm4b:s20+s2] =	stream.linear.scatter [tilespmem:s14], [sflag:$0x2], $0x2000, $0x38;
	[tilespmem:$0x2500] =	vst v63  }
0x3d: {  	_ =	swait.ge [sflag:s12], $0x2000  }
0x3e: {  	[sflag:s12] =	ssyncset.done $0x0  }
0x3f: {  	[sflag:s12] =	ssyncadd.s32 $0xFFFFE000  }
0x40: {  	[tilespmem:s14], [sflag:$0x1] =	stream.indirect.gather [hbm4b:s4+s13], $0x40, s13, s13, $0xb8;
	[tilespmem:$0x2500] =	vst v63  }
0x41: {  	_ =	swait.ge [sflag:s15], $0x2000  }
0x42: {  	[sflag:s15] =	ssyncset.done $0x0  }
0x43: {  	[sflag:s15] =	ssyncadd.s32 $0xFFFFE000  }
0x44: {  	[hbm4b:s19+s2] =	stream.linear.scatter [tilespmem:s14], [sflag:$0x2], $0x2000, $0x38;
	[tilespmem:$0x2500] =	vst v63  }
0x45: {  	_ =	swait.ge [sflag:s12], $0x2000  }
0x46: {  	[sflag:s12] =	ssyncset.done $0x0  }
0x47: {  	[sflag:s12] =	ssyncadd.s32 $0xFFFFE000  }
0x48: {  	[tilespmem:s16], [sflag:$0x1] =	stream.indirect.gather [hbm4b:s5+s13], $0x8, s2, s13, $0xb8;
	[tilespmem:$0x2500] =	vst v63  }
0x49: {  	_ =	swait.ge [sflag:s15], $0x400  }
.Ltmp0:
0x4a: {  	[sflag:s15] =	ssyncset.done $0x0;
	(pc) =	sbr.rel @p0 .LBB2_2-.Ltmp0, $4  }
0x4b: {  	[sflag:s15] =	ssyncadd.s32 $0xFFFFFC00  }
0x4c: {  	[hbm4b:s18+s2] =	stream.linear.scatter [tilespmem:s16], [sflag:$0x2], $0x400, $0x38;
	[tilespmem:$0x2500] =	vst v63  }
0x4d: {  	s23 =	smov.u32 s22;
	s20 =	sadd.s32 $0x400, s20;
	_ =	swait.ge [sflag:s12], $0x400  }
0x4e: {  	s19 =	sadd.s32 $0x400, s19;
	s18 =	sadd.s32 $0x80, s18;
	[sflag:s12] =	ssyncset.done $0x0  }
0x4f: {  	s22 =	sadd.s32 s21, s11;
	[sflag:s12] =	ssyncadd.s32 $0xFFFFFC00  }
0x50: {  	[tilespmem:s2], [sflag:$0x2] =	stream.linear.gather [hbm4b:s22+s2], $0x80, $0x38;
	[tilespmem:$0x2500] =	vst v63  }
0x51: {  	_ =	swait.ge [sflag:s12], $0x80  }
0x52: {  	[sflag:s12] =	ssyncset.done $0x0  }
0x53: {  	s31 =	sadd.s32 s21, s10;
	[sflag:s12] =	ssyncadd.s32 $0xFFFFFF80  }
0x54: {  	[tilespmem:s13], [sflag:$0x2] =	stream.linear.gather [hbm4b:s31+s2], $0x80, $0x38;
	[tilespmem:$0x2500] =	vst v63  }
0x55: {  	_ =	swait.ge [sflag:s12], $0x80  }
0x56: {  	[sflag:s12] =	ssyncset.done $0x0  }
0x57: {  	[sflag:s12] =	ssyncadd.s32 $0xFFFFFF80  }
0x58: {  	[tilespmem:s14], [sflag:$0x1] =	stream.indirect.gather [hbm4b:s3+s13], $0x40, s2, s13, $0xb8;
	[tilespmem:$0x2500] =	vst v63  }
0x59: {  	_ =	swait.ge [sflag:s15], $0x2000  }
0x5a: {  	[sflag:s15] =	ssyncset.done $0x0  }
0x5b: {  	[sflag:s15] =	ssyncadd.s32 $0xFFFFE000  }
0x5c: {  	[hbm4b:s20+s2] =	stream.linear.scatter [tilespmem:s14], [sflag:$0x2], $0x2000, $0x38;
	[tilespmem:$0x2500] =	vst v63  }
0x5d: {  	_ =	swait.ge [sflag:s12], $0x2000  }
0x5e: {  	[sflag:s12] =	ssyncset.done $0x0  }
0x5f: {  	[sflag:s12] =	ssyncadd.s32 $0xFFFFE000  }
0x60: {  	[tilespmem:s14], [sflag:$0x1] =	stream.indirect.gather [hbm4b:s4+s13], $0x40, s13, s13, $0xb8;
	[tilespmem:$0x2500] =	vst v63  }
0x61: {  	_ =	swait.ge [sflag:s15], $0x2000  }
0x62: {  	[sflag:s15] =	ssyncset.done $0x0  }
0x63: {  	[sflag:s15] =	ssyncadd.s32 $0xFFFFE000  }
0x64: {  	[hbm4b:s19+s2] =	stream.linear.scatter [tilespmem:s14], [sflag:$0x2], $0x2000, $0x38;
	[tilespmem:$0x2500] =	vst v63  }
0x65: {  	_ =	swait.ge [sflag:s12], $0x2000  }
0x66: {  	[sflag:s12] =	ssyncset.done $0x0  }
0x67: {  	[sflag:s12] =	ssyncadd.s32 $0xFFFFE000  }
0x68: {  	[tilespmem:s16], [sflag:$0x1] =	stream.indirect.gather [hbm4b:s5+s13], $0x8, s2, s13, $0xb8;
	[tilespmem:$0x2500] =	vst v63  }
0x69: {  	s17 =	sadd.s32 $0x1, s17;
	_ =	swait.ge [sflag:s15], $0x400  }
0x6a: {  	p0 =	sne.s32 s17, s6;
	[sflag:s15] =	ssyncset.done $0x0  }
.Ltmp1:
0x6b: {  	[sflag:s15] =	ssyncadd.s32 $0xFFFFFC00;
	(pc) =	sbr.rel @p0 .LBB2_1-.Ltmp1, $4  }
0x6c: {  	[hbm4b:s18+s2] =	stream.linear.scatter [tilespmem:s16], [sflag:$0x2], $0x400, $0x38;
	[tilespmem:$0x2500] =	vst v63  }
0x6d: {  	_ =	swait.ge [sflag:s12], $0x400  }
0x6e: {  	[sflag:s12] =	ssyncset.done $0x0  }
0x6f: {  	[sflag:s12] =	ssyncadd.s32 $0xFFFFFC00  }
0x70: {  	_ =	sfence.sel $0x180000  }
0x71: {  	[bflag:$0x0] =	sbarrier.arrive $0xFFFF  }
0x72: {  	p0 =	sne.s32 s1, $0x0;
	_ =	strace $0x90000056  }
0x73: {  	s0 =	sadd.s32 @!p0 $0x100000, s0;
	[bflag:$0x2] =	sbarrier.arrive $0xFFFF  }
0x74: {  	[sflag:s0] =	ssyncadd.tile.s32 @!p0 $0x1;
	_ =	shalt  }
.Lfunc_end2:
_tile_overlayer_lowered:
.L_overlay_start_2:
0x75: {  	(tag) =	ssettag $0x2  }
0x76: {  	s0 =	rddreg [dreg:$0x0];
	s2 =	stileid.u32  }
0x77: {  	s1 =	rddreg [dreg:$0x1];
	p0 =	sne.s32 s2, $0x0  }
0x78: {  	s3 =	rddreg [dreg:$0x2];
	[bflag:$0x3] =	sbarrier.arrive $0xFFFF;
	s2 =	simm.s32 @!p0 $0x1C02  }
0x79: {  	[timem:s3], [sflag:s2] =	dma.local @!p0 [hbm:s0], s1  }
0x7a: {  	s0 =	simm.s32 @!p0 $0x2  }
0x7b: {  	_ =	swait.ge @!p0 [sflag:s0], s1  }
0x7c: {  	s1 =	ssub.s32 @!p0 $0x0, s1;
	[sflag:s0] =	ssyncset.done @!p0 $0x0  }
0x7d: {  	[sflag:s0] =	ssyncadd.s32 @!p0 s1  }
0x7e: {  	[bflag:$0x3] =	sbarrier.arrive $0xFFFF  }
0x7f: {  	_ =	shalt  }

// kernel: scatter_offload_async_start.1
scs
__scs_entry_jumppad:
0x0: {  	(pc) =	sbr.rel $0x88, $3  }
0x1: {  	(tag) =	ssettag $0x0;
	lr =	simm.s32 $0x1  }
0x2: {  	[smem:$0x3F51] =	sst lr;
	_ =	strace $0xD0000000  }
0x3: {  	_ = 	snop  }
0x4: {  	_ = 	snop  }
0x5: {  	_ = 	snop  }
0x6: {  	_ = 	snop  }
0x7: {  	_ = 	snop  }
__scs_overlays_trampoline_lowered:
0x8: {  	[smem:$0x3F60] =	sst s0  }
0x9: {  	[smem:$0x3F61] =	sst s1  }
0xa: {  	[smem:$0x3F62] =	sst s2  }
0xb: {  	[smem:$0x3F63] =	sst s3  }
0xc: {  	[smem:$0x3F64] =	sst s4  }
0xd: {  	[smem:$0x3F65] =	sst s5  }
0xe: {  	[smem:$0x3F66] =	sst s6  }
0xf: {  	[smem:$0x3F67] =	sst s7  }
0x10: {  	[smem:$0x3F68] =	sst s8  }
0x11: {  	[smem:$0x3F69] =	sst s9;
	s0 =	simm.s32 @!p0 $0x0  }
0x12: {  	s1 =	sld [smem:$0x3F4F];
	s0 =	simm.s32 @p0 $0x1  }
0x13: {  	[smem:$0x3F6A] =	sst s0;
	s0 =	simm.s32 @!p1 $0x0  }
0x14: {  	s2 =	sld [smem:$0x3F4E];
	s0 =	simm.s32 @p1 $0x1  }
0x15: {  	[smem:$0x3F6B] =	sst s0;
	s0 =	simm.s32 @!p2 $0x0  }
0x16: {  	s3 =	sld [smem:$0x3FDB];
	s0 =	simm.s32 @p2 $0x1  }
0x17: {  	s4 =	simm.s32 $0x1BF5;
	[smem:$0x3F6D] =	sst s0  }
0x18: {  	s0 =	sld [smem:$0x3F50];
	_ =	swait.ge [sflag:s4], $0x0  }
0x19: {  	s7 =	sld [smem:$0x3F51]  }
0x1a: {  	s8 =	sadd.s32 $0xFFFFE003, lr  }
0x1b: {  	s9 =	sadd.s32 $0xFFFFFEF7, lr;
	s5 =	simm.s32 $0xFFFFFFFF;
	p2 =	slt.u32 s8, $0xFFFFF086  }
0x1c: {  	p1 =	slt.u32 s9, $0xF7A;
	s5 =	simm.s32 @!p2 $0x0  }
0x1d: {  	s5 =	simm.s32 @p1 $0x1;
	p0 =	seq.s32 s7, s2  }
0x1e: {  	s7 =	smul.u32 @!p0 $0xF7A, s2;
	p2 =	seq.s32 @!p0 s5, $0x0  }
0x1f: {  	s9 =	smul.u32 $0xF7A, s1;
	s8 =	simm.s32 @!p0 $0x1BF5;
	p2 =	por !p2, p0  }
0x20: {  	[sflag:s8] =	ssyncset.s32 @!p0 $0xFFFFF086;
	s6 =	sadd.s32 @!p0 s3, s7;
	s7 =	simm.s32 @!p0 $0x108  }
0x21: {  	s3 =	sadd.s32 s3, s9;
	s6 =	sadd.s32 @!p0 $0x88, s6;
	s7 =	simm.s32 @p2 $0x1082  }
0x22: {  	[simem:s7], [sflag:s8] =	dma.local @!p0 [hbm:s6], $0xF7A  }
0x23: {  	s9 =	sor.u32 $0xD0000000, s2;
	s6 =	simm.s32 $0x108;
	_ =	swait.ge @!p0 [sflag:s8], $0x0  }
0x24: {  	s3 =	sadd.s32 $0x88, s3;
	s6 =	simm.s32 @!p1 $0x1082;
	[sflag:s4] =	ssyncset.s32 $0xFFFFF086  }
0x25: {  	[simem:s6], [sflag:s4] =	dma.local [hbm:s3], $0xF7A  }
0x26: {  	[smem:$0x3F51] =	sst s1;
	(tag) =	ssettag s2;
	_ =	strace s9  }
0x27: {  	s1 =	sld [smem:$0x3F61]  }
0x28: {  	s2 =	sld [smem:$0x3F62]  }
0x29: {  	s4 =	sld [smem:$0x3F64]  }
0x2a: {  	p0 =	seq.s32 s5, $0x0;
	s5 =	sld [smem:$0x3F65]  }
0x2b: {  	s6 =	sld [smem:$0x3F66]  }
0x2c: {  	s7 =	sld [smem:$0x3F67]  }
0x2d: {  	s3 =	simm.s32 $0x108;
	s8 =	sld [smem:$0x3F68]  }
0x2e: {  	s3 =	simm.s32 @!p0 $0x1082;
	s9 =	sld [smem:$0x3F69]  }
0x2f: {  	lr =	sadd.s32 s0, s3;
	s0 =	sld [smem:$0x3F60]  }
0x30: {  	s3 =	sld [smem:$0x3F63]  }
0x31: {  	[smem:$0x3F6C] =	sst s10  }
0x32: {  	s10 =	sld [smem:$0x3F6A];
	_ =	sdelay $0x3  }
0x33: {  	p0 =	seq.s32 s10, $0x1;
	s10 =	sld [smem:$0x3F6C];
	_ =	sdelay $0x3  }
0x34: {  	[smem:$0x3F6C] =	sst s10  }
0x35: {  	s10 =	sld [smem:$0x3F6B];
	_ =	sdelay $0x3  }
0x36: {  	p1 =	seq.s32 s10, $0x1;
	s10 =	sld [smem:$0x3F6C];
	_ =	sdelay $0x3  }
0x37: {  	[smem:$0x3F6C] =	sst s10  }
0x38: {  	s10 =	sld [smem:$0x3F6D]  }
0x39: {  	_ = 	snop;
	(pc) =	sbr.ind lr, $3  }
0x3a: {  	_ = 	snop  }
0x3b: {  	_ = 	snop  }
0x3c: {  	p2 =	seq.s32 s10, $0x1;
	s10 =	sld [smem:$0x3F6C]  }
0x3d: {  	_ =	shalt  }
0x3e: {  	_ =	shalt  }
0x3f: {  	_ =	shalt  }
0x40: {  	_ =	shalt  }
0x41: {  	_ =	shalt  }
0x42: {  	_ =	shalt  }
0x43: {  	_ =	shalt  }
0x44: {  	_ =	shalt  }
0x45: {  	_ =	shalt  }
0x46: {  	_ =	shalt  }
0x47: {  	_ =	shalt  }
0x48: {  	_ =	shalt  }
0x49: {  	_ =	shalt  }
0x4a: {  	_ =	shalt  }
0x4b: {  	_ =	shalt  }
0x4c: {  	_ =	shalt  }
0x4d: {  	_ =	shalt  }
0x4e: {  	_ =	shalt  }
0x4f: {  	_ =	shalt  }
0x50: {  	_ =	shalt  }
0x51: {  	_ =	shalt  }
0x52: {  	_ =	shalt  }
0x53: {  	_ =	shalt  }
0x54: {  	_ =	shalt  }
0x55: {  	_ =	shalt  }
0x56: {  	_ =	shalt  }
0x57: {  	_ =	shalt  }
0x58: {  	_ =	shalt  }
0x59: {  	_ =	shalt  }
0x5a: {  	_ =	shalt  }
0x5b: {  	_ =	shalt  }
0x5c: {  	_ =	shalt  }
0x5d: {  	_ =	shalt  }
0x5e: {  	_ =	shalt  }
0x5f: {  	_ =	shalt  }
0x60: {  	_ =	shalt  }
0x61: {  	_ =	shalt  }
0x62: {  	_ =	shalt  }
0x63: {  	_ =	shalt  }
0x64: {  	_ =	shalt  }
0x65: {  	_ =	shalt  }
0x66: {  	_ =	shalt  }
0x67: {  	_ =	shalt  }
0x68: {  	_ =	shalt  }
0x69: {  	_ =	shalt  }
0x6a: {  	_ =	shalt  }
0x6b: {  	_ =	shalt  }
0x6c: {  	_ =	shalt  }
0x6d: {  	_ =	shalt  }
0x6e: {  	_ =	shalt  }
0x6f: {  	_ =	shalt  }
0x70: {  	_ =	shalt  }
0x71: {  	_ =	shalt  }
0x72: {  	_ =	shalt  }
0x73: {  	_ =	shalt  }
0x74: {  	_ =	shalt  }
0x75: {  	_ =	shalt  }
0x76: {  	_ =	shalt  }
0x77: {  	_ =	shalt  }
0x78: {  	_ =	shalt  }
0x79: {  	_ =	shalt  }
0x7a: {  	_ =	shalt  }
0x7b: {  	_ =	shalt  }
0x7c: {  	_ =	shalt  }
0x7d: {  	_ =	shalt  }
0x7e: {  	_ =	shalt  }
0x7f: {  	_ =	shalt  }
0x80: {  	_ =	shalt  }
0x81: {  	_ =	shalt  }
0x82: {  	_ =	shalt  }
0x83: {  	_ =	shalt  }
0x84: {  	_ =	shalt  }
0x85: {  	_ =	shalt  }
0x86: {  	_ =	shalt  }
0x87: {  	_ =	shalt  }
.Lfunc_end0:
.L_simem_size_0:
called_computation.1_lowered:
.L_overlay_start_0:
0x88: {  	s2 =	sld [smem:$0x3FD9]  }
0x89: {  	s3 =	sld [smem:$0x3FFE];
	_ =	sdelay $0x1  }
0x8a: {  	s1 =	srdreg.scid  }
0x8b: {  	s0 =	sand.u32 $0x1, s1  }
0x8c: {  	s12 =	sshll.u32 s0, $0xA;
	s2 =	sadd.s32 s3, s2  }
0x8d: {  	s2 =	sadd.s32 s2, s12  }
0x8e: {  	[smem:$0x3F78] =	sst s2  }
0x8f: {  	_ = 	snop  }
0x90: {  	(tm) =	ssettm $0x1  }
0x91: {  	s13 =	sld [smem:$0x3FFB];
	_ =	sdelay $0x3  }
0x92: {  	_ =	strace s13  }
0x93: {  	s2 =	sld [smem:$0x3FFC];
	_ =	sdelay $0x3  }
0x94: {  	_ =	strace s2  }
0x95: {  	s2 =	sld [smem:$0x3FFD];
	_ =	sdelay $0x3  }
0x96: {  	_ =	strace s2  }
0x97: {  	_ =	strace $0x8FFFFFFF  }
0x98: {  	s14 =	sld [smem:$0x3FDB];
	_ =	sdelay $0x1  }
0x99: {  	s15 =	simm.s32 $_scs_section_size  }
0x9a: {  	s4 =	simm.s32 $_size__tile_overlayer_lowered;
	s5 =	simm.s32 $_tile_overlayer_lowered  }
0x9b: {  	s19 =	simm.s32 $0x1BFF;
	s17 =	sshll.u32 s5, $0x1;
	s6 =	sadd.s32 s15, s14  }
0x9c: {  	s20 =	simm.s32 $0x0;
	s16 =	sshll.u32 s4, $0x1;
	s18 =	sadd.s32 s17, s6  }
0x9d: {  	[timem:s20], [sflag:s19] =	dma.local [hbm:s18], s16  }
0x9e: {  	_ =	swait.ge [sflag:s19], s16  }
0x9f: {  	s3 =	ssub.s32 $0x0, s16;
	[sflag:s19] =	ssyncset.done $0x0  }
0xa0: {  	[sflag:s19] =	ssyncadd.s32 s3;
	_ =	sdelay $0x1  }
0xa1: {  	s21 =	simm.s32 $0x1B8B  }
0xa2: {  	_ =	swait.ge [sflag:s21], $0x1  }
0xa3: {  	[sflag:s21] =	ssyncset.done $0x0  }
0xa4: {  	[sflag:s21] =	ssyncadd.s32 $0xFFFFFFFF  }
0xa5: {  	s3 =	sld [smem:$0x0]  }
0xa6: {  	s4 =	sand.u32 $0xFFFFFFFE, s1  }
0xa7: {  	p0 =	sne.s32 s1, s4  }
0xa8: {  	s4 =	sshll.u32 @p0 s4, $0xE  }
0xa9: {  	s5 =	sadd.s32 @p0 $0x11B8D, s4;
	s7 =	sshll.u32 @p0 s3, $0x11  }
0xaa: {  	s5 =	sor.u32 @p0 s7, s5  }
0xab: {  	[sflag:s5] =	ssyncadd.remote.s32 @p0 $0x1;
	_ =	sdelay $0x1  }
0xac: {  	s5 =	simm.s32 @p0 $0x1B8D  }
0xad: {  	_ =	swait.eq @p0 [sflag:s5], $0x1  }
0xae: {  	[sflag:s5] =	ssyncadd.s32 @p0 $0xFFFFFFFF  }
0xaf: {  	s7 =	sshll.u32 @!p0 s1, $0xE  }
0xb0: {  	s7 =	sor.u32 @!p0 $0x4000, s7;
	s5 =	simm.s32 @!p0 $0x1B8D  }
0xb1: {  	s9 =	sshll.u32 @!p0 s3, $0x11;
	s8 =	sadd.s32 @!p0 $0x11B8D, s7;
	_ =	swait.eq @!p0 [sflag:s5], $0x1  }
0xb2: {  	[sflag:s5] =	ssyncadd.s32 @!p0 $0xFFFFFFFF;
	s5 =	sor.u32 @!p0 s9, s8  }
0xb3: {  	s23 =	simm.s32 $0x1B8E;
	s22 =	sld [smem:$0x3FFE];
	[sflag:s5] =	ssyncadd.remote.s32 @!p0 $0x1  }
0xb4: {  	s24 =	simm.s32 $execute0_lowered;
	[smem:$0x3FD2] =	sst s23  }
0xb5: {  	s8 =	sshll.u32 s24, $0x1;
	_ =	strace $0x8000004F;
	[dreg:$0x1] =	wrdreg $0xFFFFFFFF  }
0xb6: {  	s25 =	simm.s32 $_size_execute0_lowered;
	s8 =	sadd.s32 s6, s8;
	[dreg:$0x0] =	wrdreg $0x0  }
0xb7: {  	s9 =	sshll.u32 s25, $0x1;
	[dreg:$0x2] =	wrdreg s8  }
0xb8: {  	[dreg:$0x3] =	wrdreg s9  }
0xb9: {  	[dreg:$0x4] =	wrdreg $0xC0  }
0xba: {  	s26 =	simm.s32 $execute1_lowered;
	_ =	task [dreg:s20], $0x5FFFF  }
0xbb: {  	s8 =	sshll.u32 s26, $0x1;
	[dreg:$0x1] =	wrdreg $0xFFFFFFFF  }
0xbc: {  	s6 =	sadd.s32 s6, s8;
	[dreg:$0x0] =	wrdreg $0x60  }
0xbd: {  	[dreg:$0x2] =	wrdreg s6  }
0xbe: {  	[dreg:$0x3] =	wrdreg s22  }
0xbf: {  	[dreg:$0x4] =	wrdreg $0xB  }
0xc0: {  	_ =	task.clear_ibuf [dreg:s20], $0x5FFFF;
	_ =	strace $0x9000004F  }
0xc1: {  	s28 =	simm.s32 $0xB;
	_ =	strace $0x80000051  }
0xc2: {  	_ =	swait.ge [sflag:s28], $0x1  }
0xc3: {  	[sflag:s28] =	ssyncadd.s32 $0xFFFFFFFF  }
0xc4: {  	_ =	strace $0x90000051  }
0xc5: {  	s6 =	sld [smem:$0x0];
	_ =	sdelay $0x3  }
0xc6: {  	s4 =	sadd.s32 @p0 $0x11BF3, s4;
	s8 =	sshll.u32 @p0 s6, $0x11  }
0xc7: {  	s4 =	sor.u32 @p0 s8, s4  }
0xc8: {  	[sflag:s4] =	ssyncadd.remote.s32 @p0 $0x1;
	_ =	sdelay $0x1  }
0xc9: {  	s4 =	simm.s32 @p0 $0x1BF3  }
0xca: {  	_ =	swait.eq @p0 [sflag:s4], $0x1  }
0xcb: {  	[sflag:s4] =	ssyncadd.s32 @p0 $0xFFFFFFFF;
	_ =	sdelay $0x1  }
0xcc: {  	s4 =	simm.s32 @!p0 $0x1BF3  }
0xcd: {  	s7 =	sadd.s32 @!p0 $0x11BF3, s7;
	s6 =	sshll.u32 @!p0 s6, $0x11;
	_ =	swait.eq @!p0 [sflag:s4], $0x1  }
0xce: {  	[sflag:s4] =	ssyncadd.s32 @!p0 $0xFFFFFFFF;
	s4 =	sor.u32 @!p0 s6, s7  }
0xcf: {  	[sflag:s4] =	ssyncadd.remote.s32 @!p0 $0x1  }
0xd0: {  	_ =	strace $0x80000052;
	[dreg:$0x1] =	wrdreg $0xFFFFFFFF  }
0xd1: {  	[dreg:$0x0] =	wrdreg $0x2030  }
0xd2: {  	[dreg:$0x2] =	wrdreg s22  }
0xd3: {  	[dreg:$0x3] =	wrdreg s1  }
0xd4: {  	[dreg:$0x4] =	wrdreg s3  }
0xd5: {  	[dreg:$0x5] =	wrdreg $0xC  }
0xd6: {  	_ =	task.clear_ibuf [dreg:s20], $0x6FFFF;
	_ =	strace $0x90000052  }
0xd7: {  	s29 =	simm.s32 $0xC;
	_ =	strace $0x80000054  }
0xd8: {  	_ =	swait.ge [sflag:s29], $0x1  }
0xd9: {  	[sflag:s29] =	ssyncadd.s32 $0xFFFFFFFF  }
0xda: {  	_ =	strace $0x90000054  }
0xdb: {  	_ =	sfence  }
0xdc: {  	s30 =	sld [smem:$0x0];
	_ =	sdelay $0x2  }
0xdd: {  	s31 =	sshll.u32 s1, $0xD;
	s1 =	sshrl.u32 s1, $0x2  }
0xde: {  	s4 =	sand.u32 $0x4000, s31;
	s1 =	sadd.s32 s1, s30  }
0xdf: {  	s0 =	sor.u32 s4, s0;
	s1 =	sshll.u32 s1, $0x11  }
0xe0: {  	s0 =	sor.u32 s1, s0  }
0xe1: {  	s0 =	sadd.s32 $0x8F2B, s0  }
0xe2: {  	[sflag:s0] =	ssyncadd.remote.s32 $0x1  }
0xe3: {  	_ =	sfence.sel $0xFFFF  }
0xe4: {  	[dreg:$0x0] =	wrdreg $0xFFFFFFFF;
	(pc) =	sbr.abs _section_cstart, $3  }
0xe5: {  	[dreg:$0x1] =	wrdreg $0xFFFFFFFF  }
0xe6: {  	_ =	task.clear_ibuf [dreg:s20], $0x2FFFF;
	_ =	strace $0x9FFFFFFF  }
0xe7: {  	(tm) =	ssettm $0x7FFFFFFF  }
tec
execute0_lowered:
.L_overlay_start_1:
0x0: {  	(tag) =	ssettag $0x1  }
0x1: {  	s2 =	rddreg [dreg:$0x0]  }
0x2: {  	s5 =	rddreg [dreg:$0x1]  }
0x3: {  	s0 =	rddreg [dreg:$0x2];
	s3 =	stileid.u32;
	[bflag:$0x3] =	sbarrier.arrive $0xFFFF  }
0x4: {  	s1 =	simm.s32 $_size_execute1_lowered;
	s29 =	srdreg.scid;
	s31 =	simm.s32 $0x2  }
0x5: {  	s13 =	simm.s32 $0x0;
	s8 =	simm.s32 $0x40;
	p0 =	sne.s32 s3, $0x0  }
0x6: {  	s1 =	sshll.u32 s1, $0x1;
	s4 =	simm.s32 @!p0 $0x1C3F;
	s6 =	simm.s32 @!p0 $0x4060  }
0x7: {  	[timem:s6], [sflag:s4] =	dma.local @!p0 [hbm:s2], s1  }
0x8: {  	s9 =	simm.s32 $0x80;
	s11 =	simm.s32 $0x0;
	s2 =	sshll.u32 s29, $0x8  }
.Ltmp0:
0x9: {  	s3 =	sshll.u32 s3, $0x9;
	s30 =	sand.u32 $0x100, s2;
	(pc) =	sbr.rel .LBB2_1-.Ltmp0, $4  }
0xa: {  	s12 =	simm.s32 $0x0;
	_ =	strace $0x80000050;
	s3 =	sor.u32 s3, s30  }
0xb: {  	s4 =	simm.s32 $0x1;
	s2 =	sadd.s32 $0x18EA00, s5;
	s7 =	ssub.s32 $0xC300, s3  }
0xc: {  	s5 =	sadd.s32 $0x2EA600, s5;
	[sflag:s4] =	ssyncpa.u1 $0x0;
	s6 =	sshrl.u32 s7, $0xD  }
0xd: {  	[sflag:s31] =	ssyncpa.u1 $0x0;
	s10 =	smov.u32 s3;
	s7 =	sadd.s32 $0x2, s6  }
.LBB2_5:
0xe: {  	_ =	sdelay $0x3  }
0xf: {  	[tilespmem:v3+s18+$0x0 ss:$0x1] =	vst.idx.msk $0xffff, v1  }
0x10: {  	[tilespmem:v3+s17+$0x0 ss:$0x1] =	vst.idx.msk $0xffff, v2  }
0x11: {  	[tilespmem:v3+s16+$0x0 ss:$0x1] =	vst.idx.msk $0xffff, v4  }
0x12: {  	[tilespmem:v3+s19+$0x0 ss:$0x1] =	vst.idx.msk $0xffff, v5  }
.LBB2_6:
0x13: {  	s16 =	sand.u32 $0x1FFFFFF, s11  }
0x14: {  	s17 =	smulhi.u32 $0x14F8B59, s16;
	_ =	sdelay $0x1  }
0x15: {  	s17 =	sshrl.u32 s17, $0x8  }
0x16: {  	s17 =	smul.u32 $0xC350, s17;
	_ =	sdelay $0x1  }
0x17: {  	s16 =	ssub.s32 s16, s17  }
0x18: {  	s16 =	sshll.u32 s16, $0x4  }
0x19: {  	s16 =	sadd.s32 s5, s16  }
0x1a: {  	[hbm4b:s16+s8] =	stream.strided.scatter [tilespmem:s15], [sflag:$0x2], s14, s9, s8, $0x38;
	[tilespmem:$0x10000] =	vst v63  }
.LBB2_7:
0x1b: {  	p1 =	slt.u32 s12, $0x2  }
0x1c: {  	p2 =	sgt.s32 @!p1 s13, $0xC250  }
0x1d: {  	s14 =	smov.u32 s13;
	s15 =	sshra.s32 @!p1 s13, $0x1F;
	p2 =	por !p2, p1  }
0x1e: {  	s13 =	sand.u32 @!p1 s15, s13;
	s14 =	simm.s32 @p2 $0xC250  }
0x1f: {  	s13 =	ssub.s32 @!p1 s14, s13  }
0x20: {  	s13 =	sadd.s32 @!p1 $0xFFFF3DB0, s13  }
0x21: {  	s14 =	sshll.u32 @!p1 s13, $0x8  }
0x22: {  	p2 =	sgt.s32 @!p1 s13, $0xFF;
	s13 =	ssub.s32 @!p1 $0x10000, s14  }
0x23: {  	s15 =	sadd.s32 $0x2000, s10;
	p2 =	por !p2, p1;
	s13 =	sshrl.u32 @!p1 s13, $0x2  }
0x24: {  	s13 =	simm.s32 @!p2 $0x0;
	p2 =	sgt.s32 s15, $0xC34F  }
0x25: {  	s15 =	smov.u32 @p2 s3;
	p2 =	sne.s32 s12, s7  }
.Ltmp1:
0x26: {  	_ = 	snop;
	(pc) =	sbr.rel @!p2 .LBB2_8-.Ltmp1, $4  }
0x27: {  	s14 =	simm.s32 @!p1 $0x2  }
0x28: {  	_ =	swait.ge @!p1 [sflag:s14], s13;
	s16 =	ssub.s32 @!p1 $0x0, s13  }
0x29: {  	s13 =	smov.u32 s11;
	s12 =	sadd.s32 $0x1, s12;
	[sflag:s14] =	ssyncset.done @!p1 $0x0  }
0x2a: {  	s11 =	smov.u32 s10;
	s10 =	smov.u32 s15;
	[sflag:s14] =	ssyncadd.s32 @!p1 s16  }
.LBB2_1:
0x2b: {  	p1 =	sgt.u32 s12, s6  }
0x2c: {  	s15 =	smov.u32 s10;
	p2 =	sgt.s32 @!p1 s10, $0xC250  }
0x2d: {  	s14 =	sand.u32 @!p1 $0x1FFFFFF, s10;
	s16 =	sshra.s32 @!p1 s10, $0x1F;
	p2 =	por !p2, p1  }
0x2e: {  	s17 =	smulhi.u32 @!p1 $0x14F8B59, s14;
	s16 =	sand.u32 @!p1 s16, s10;
	s15 =	simm.s32 @p2 $0xC250  }
0x2f: {  	s15 =	ssub.s32 @!p1 s15, s16  }
0x30: {  	s16 =	sshrl.u32 @!p1 s17, $0x8;
	s15 =	sadd.s32 @!p1 $0xFFFF3DB0, s15  }
0x31: {  	s17 =	sxor.u32 @!p1 $0xFFFFFFFF, s12;
	s16 =	smul.u32 @!p1 $0xC350, s16;
	s18 =	sshll.u32 @!p1 s15, $0x8  }
0x32: {  	s17 =	sshll.u32 @!p1 s17, $0xE;
	p2 =	sgt.s32 @!p1 s15, $0xFF;
	s15 =	ssub.s32 @!p1 $0x10000, s18  }
0x33: {  	s14 =	ssub.s32 @!p1 s14, s16;
	p2 =	por !p2, p1;
	s16 =	sand.u32 @!p1 $0x4000, s17  }
0x34: {  	s17 =	simm.s32 @!p1 $0x40;
	s15 =	sshrl.u32 @!p1 s15, $0x2;
	s14 =	sshll.u32 @!p1 s14, $0x4  }
0x35: {  	s18 =	simm.s32 @!p1 $0x80;
	s15 =	simm.s32 @!p2 $0x0;
	s14 =	sadd.s32 @!p1 s2, s14  }
0x36: {  	[tilespmem:s16], [sflag:$0x1] =	stream.strided.gather @!p1 [hbm4b:s14+s17], s15, s18, s17, $0x38;
	[tilespmem:$0x10000] =	vst v63  }
0x37: {  	p1 =	seq.s32 s12, $0x0  }
0x38: {  	p2 =	sge.u32 @!p1 s12, s7  }
0x39: {  	p1 =	por p1, p2  }
.Ltmp2:
0x3a: {  	_ = 	snop;
	(pc) =	sbr.rel @p1 .LBB2_7-.Ltmp2, $1  }
0x3b: {  	_ =	sdelay $0x3  }
0x3c: {  	p1 =	sgt.s32 s11, $0xC250;
	s14 =	smov.u32 s11;
	s15 =	sshra.s32 s11, $0x1F  }
0x3d: {  	s14 =	simm.s32 @!p1 $0xC250;
	s15 =	sand.u32 s15, s11  }
0x3e: {  	s14 =	ssub.s32 s14, s15  }
0x3f: {  	s14 =	sadd.s32 $0xFFFF3DB0, s14  }
0x40: {  	s31 =	sshll.u32 s14, $0x8  }
0x41: {  	s15 =	ssub.s32 $0x10000, s31  }
0x42: {  	p1 =	sgt.s32 s14, $0xFF;
	s14 =	sshrl.u32 s15, $0x2;
	s15 =	sadd.s32 $0x100, s11  }
0x43: {  	s14 =	simm.s32 @p1 $0x0;
	p1 =	slt.s32 s15, $0xC350  }
0x44: {  	s15 =	simm.s32 @!p1 $0xC350  }
0x45: {  	s20 =	ssub.s32 s15, s11  }
0x46: {  	p1 =	slt.s32 s20, $0x1  }
.Ltmp3:
0x47: {  	_ = 	snop;
	(pc) =	sbr.rel @p1 .LBB2_6-.Ltmp3, $4  }
0x48: {  	_ = 	snop  }
0x49: {  	s16 =	sshll.u32 s12, $0xE;
	_ =	swait.ge [sflag:s4], s14  }
0x4a: {  	s16 =	sand.u32 $0x4000, s16;
	s17 =	ssub.s32 $0x0, s14;
	[sflag:s4] =	ssyncset.done $0x0  }
0x4b: {  	s15 =	sor.u32 $0x8000, s16;
	[sflag:s4] =	ssyncadd.s32 s17  }
0x4c: {  	v0 =	vmov s16;
	_ =	sdelay $0x2  }
0x4d: {  	s31 =	simm.s32 $0x0;
	p1 =	sne.s32 s20, $0x1  }
.Ltmp4:
0x4e: {  	s18 =	sand.u32 $0x3FC0, s31;
	(pc) =	sbr.rel @!p1 .LBB2_5-.Ltmp4, $4  }
0x4f: {  	s17 =	sor.u32 $0x30, s18;
	v1 =	vld.idx.msk [tilespmem:v0+s18+$0x0 ss:$0x1], $0xffff  }
0x50: {  	v3 =	vmov s15;
	s16 =	sor.u32 $0x10, s18;
	v2 =	vld.idx.msk [tilespmem:v0+s17+$0x0 ss:$0x1], $0xffff  }
0x51: {  	s19 =	sor.u32 $0x20, s18;
	v4 =	vld.idx.msk [tilespmem:v0+s16+$0x0 ss:$0x1], $0xffff  }
0x52: {  	s20 =	sadd.s32 $0xFFFFFFFF, s20;
	s21 =	simm.s32 $0x40;
	v5 =	vld.idx.msk [tilespmem:v0+s19+$0x0 ss:$0x1], $0xffff  }
.LBB2_4:
0x53: {  	s22 =	sand.u32 $0x3FC0, s21  }
0x54: {  	p1 =	sne.s32 s20, $0x1;
	s20 =	sadd.s32 $0xFFFFFFFF, s20;
	s23 =	sor.u32 $0x10, s22  }
.Ltmp5:
0x55: {  	s24 =	sor.u32 $0x20, s22;
	s25 =	sor.u32 $0x30, s22;
	[tilespmem:v3+s18+$0x0 ss:$0x1] =	vst.idx.msk $0xffff, v1;
	v1 =	vld.idx.msk [tilespmem:v0+s22+$0x0 ss:$0x1], $0xffff;
	(pc) =	sbr.rel @p1 .LBB2_4-.Ltmp5, $4  }
0x56: {  	s18 =	smov.u32 s22;
	[tilespmem:v3+s17+$0x0 ss:$0x1] =	vst.idx.msk $0xffff, v2;
	v2 =	vld.idx.msk [tilespmem:v0+s25+$0x0 ss:$0x1], $0xffff;
	s17 =	smov.u32 s25  }
0x57: {  	[tilespmem:v3+s16+$0x0 ss:$0x1] =	vst.idx.msk $0xffff, v4;
	v4 =	vld.idx.msk [tilespmem:v0+s23+$0x0 ss:$0x1], $0xffff;
	s16 =	smov.u32 s23  }
0x58: {  	[tilespmem:v3+s19+$0x0 ss:$0x1] =	vst.idx.msk $0xffff, v5;
	v5 =	vld.idx.msk [tilespmem:v0+s24+$0x0 ss:$0x1], $0xffff;
	s19 =	smov.u32 s24  }
0x59: {  	s21 =	sadd.s32 $0x40, s21  }
.Ltmp6:
0x5a: {  	_ = 	snop;
	(pc) =	sbr.rel .LBB2_5-.Ltmp6, $1  }
0x5b: {  	_ =	sdelay $0x3  }
.LBB2_8:
0x5c: {  	_ =	sfence.sel $0x180000  }
0x5d: {  	s2 =	simm.s32 $0x1;
	[bflag:$0x0] =	sbarrier.arrive $0xFFFF  }
0x5e: {  	s31 =	simm.s32 $0x2;
	[sflag:s2] =	ssyncpa.u1 $0x1  }
0x5f: {  	[sflag:s31] =	ssyncpa.u1 $0x1  }
0x60: {  	_ =	strace $0x90000050  }
0x61: {  	s0 =	sadd.s32 @!p0 $0x100000, s0;
	[bflag:$0x2] =	sbarrier.arrive $0xFFFF  }
0x62: {  	[sflag:s0] =	ssyncadd.tile.s32 @!p0 $0x1;
	s0 =	simm.s32 @!p0 $0x3F  }
0x63: {  	_ =	swait.ge @!p0 [sflag:s0], s1  }
0x64: {  	s1 =	ssub.s32 @!p0 $0x0, s1;
	[sflag:s0] =	ssyncset.done @!p0 $0x0  }
0x65: {  	[sflag:s0] =	ssyncadd.s32 @!p0 s1  }
0x66: {  	[bflag:$0x3] =	sbarrier.arrive $0xFFFF  }
0x67: {  	_ =	shalt  }
.Lfunc_end2:
execute1_lowered:
.L_overlay_start_2:
0x68: {  	(tag) =	ssettag $0x2  }
0x69: {  	s2 =	rddreg [dreg:$0x0]  }
0x6a: {  	s4 =	rddreg [dreg:$0x1];
	_ =	strace $0x80000053;
	s0 =	simm.s32 $0x1  }
0x6b: {  	s3 =	simm.s32 $0x88;
	v0 =	vimm.s32 $0x0;
	[sflag:s0] =	ssyncpa.u1 $0x0  }
0x6c: {  	s1 =	sadd.s32 $0x2EA600, s2;
	[tilespmem:s3+$0x30] =	vst v0  }
0x6d: {  	s0 =	sadd.s32 $0x2D1600, s2;
	s6 =	sadd.s32 $0x290DC00, s2;
	[tilespmem:s3+$0x20] =	vst v0  }
0x6e: {  	s2 =	sadd.s32 $0x2B8600, s2;
	s5 =	sand.u32 $0x1, s4;
	s4 =	simm.s32 $0x40;
	[tilespmem:s3+$0x10] =	vst v0  }
.LBB3_1:
0x6f: {  	s4 =	sadd.s32 $0x40, s4  }
0x70: {  	[tilespmem:s3+$0x0] =	vst v0;
	s3 =	sadd.s32 $0x40, s3;
	p0 =	slt.u32 s4, $0x5040  }
.Ltmp7:
0x71: {  	(pc) =	sbr.rel @p0 .LBB3_1-.Ltmp7, $4  }
0x72: {  	_ = 	snop  }
0x73: {  	[tilespmem:s3+$0x30] =	vst v0  }
0x74: {  	[tilespmem:s3+$0x20] =	vst v0  }
0x75: {  	[tilespmem:s3+$0x10] =	vst v0  }
0x76: {  	s28 =	simm.s32 $0x2  }
0x77: {  	s4 =	stileid.u32;
	s29 =	simm.s32 $0x9;
	s30 =	simm.s32 $0xA  }
0x78: {  	s7 =	simm.s32 $0xB;
	[dreg:$0x4] =	wrdreg s5;
	s31 =	smul.u32 $0xC800, s5  }
0x79: {  	s16 =	simm.s32 $0x0;
	p0 =	por $0x1, $0x1;
	s17 =	simm.s32 $0xFF  }
0x7a: {  	p1 =	por $0x0, $0x0;
	s18 =	simm.s32 $0x1;
	s12 =	simm.s32 $0xC  }
0x7b: {  	s23 =	simm.s32 $0x0;
	s21 =	simm.s32 $0x0;
	s9 =	smul.u32 $0x6400, s4  }
.Ltmp8:
0x7c: {  	s20 =	simm.s32 $0x0;
	s0 =	sadd.s32 s31, s0;
	(pc) =	sbr.rel .LBB3_3-.Ltmp8, $4  }
0x7d: {  	[tilespmem:s3+$0x0] =	vst v0;
	v0 =	vimm.s32 $0xFFFFFFFF;
	[sflag:s28] =	ssyncpa.u1 $0x0;
	s15 =	sshll.u32 s4, $0x7;
	[dreg:$0x8] =	wrdreg s0  }
0x7e: {  	[tilespmem:$0xA108] =	vst v0;
	[sflag:s29] =	ssyncpa.u1 $0x0;
	s11 =	sadd.s32 s31, s2;
	[dreg:$0x5] =	wrdreg s9  }
0x7f: {  	[sflag:s30] =	ssyncpa.u1 $0x0;
	s10 =	sadd.s32 $0x6400, s9;
	[dreg:$0x7] =	wrdreg s11  }
0x80: {  	v0 =	vlaneseq.u32;
	s22 =	smov.u32 s9;
	[sflag:s7] =	ssyncpa.u1 $0x0;
	[dreg:$0x6] =	wrdreg s10  }
.LBB3_22:
0x81: {  	s2 =	sshrl.u32 s4, $0x2  }
.LBB3_24:
0x82: {  	_ =	swait.ge [sflag:s12], s2  }
0x83: {  	s31 =	ssub.s32 $0x0, s2;
	v1 =	vmov s26;
	vm0 =	veq.s32 v0, $0x0;
	[sflag:s12] =	ssyncset.done $0x0  }
0x84: {  	vm15 =	veq.s32 v0, $0x2;
	v1 =	vsel vm0, s0, v1;
	[sflag:s12] =	ssyncadd.s32 s31  }
0x85: {  	v1 =	vsel vm15, s23, v1;
	[sflag:s12] =	ssyncpa.u1 $0x1  }
0x86: {  	[tilespmem:$0xA108] =	vst v1  }
.LBB3_25:
0x87: {  	s0 =	sadd.s32 $0x140, s22  }
0x88: {  	s2 =	smov.u32 s9;
	s20 =	sadd.s32 $0x1, s20;
	p2 =	slt.s32 s0, s10  }
0x89: {  	s2 =	smov.u32 @p2 s0;
	p2 =	sne.s32 s20, $0x52  }
.Ltmp9:
0x8a: {  	_ = 	snop;
	(pc) =	sbr.rel @!p2 .LBB3_26-.Ltmp9, $3  }
0x8b: {  	_ =	sdelay $0x1  }
0x8c: {  	s23 =	smov.u32 s21;
	s21 =	smov.u32 s22;
	p0 =	por !p0, !p0  }
0x8d: {  	s17 =	sadd.s32 $0x1, s17;
	p1 =	por !p1, !p1;
	s22 =	smov.u32 s2  }
.LBB3_3:
0x8e: {  	p2 =	sgt.u32 s20, $0x4F  }
0x8f: {  	s0 =	smul.u32 @!p2 $0xAB, s20;
	_ =	sdelay $0x1  }
0x90: {  	s0 =	sshrl.u32 @!p2 s0, $0x9  }
0x91: {  	s2 =	smov.u32 s22;
	p3 =	sgt.s32 @!p2 s22, $0x63EC0;
	s0 =	sand.u32 @!p2 $0x7F, s0  }
0x92: {  	s3 =	sshra.s32 @!p2 s22, $0x1F;
	p3 =	por !p3, p2;
	s0 =	smul.u32 @!p2 $0x3, s0  }
0x93: {  	s3 =	sand.u32 @!p2 s3, s22;
	s2 =	simm.s32 @p3 $0x63EC0  }
0x94: {  	s2 =	ssub.s32 @!p2 s2, s3;
	s0 =	ssub.s32 @!p2 s20, s0  }
0x95: {  	s2 =	sadd.s32 @!p2 $0xFFF9C140, s2;
	s0 =	sand.u32 @!p2 $0xFF, s0  }
0x96: {  	s3 =	sshll.u32 @!p2 s2, $0x2;
	p3 =	sgt.s32 @!p2 s2, $0x13F;
	s0 =	smul.u32 @!p2 $0x500, s0  }
0x97: {  	s4 =	sand.u32 @!p2 $0x7, s22;
	s2 =	ssub.s32 @!p2 $0x500, s3;
	p3 =	por !p3, p2  }
0x98: {  	s3 =	sshrl.u32 @!p2 s22, $0x3;
	s2 =	sshrl.u32 @!p2 s2, $0x2;
	s0 =	sshrl.u32 @!p2 s0, $0x2  }
0x99: {  	s3 =	sadd.s32 @!p2 s3, s11;
	s2 =	simm.s32 @!p3 $0x0;
	s0 =	sadd.s32 @!p2 $0xA948, s0  }
0x9a: {  	[tilespmem:s0], [sflag:$0xA] =	stream.linear.gather @!p2 [hbm4b:s3+s4], s2, $0x38;
	[tilespmem:$0x1EF88] =	vst v63  }
0x9b: {  	s0 =	sadd.s32 $0xFFFFFFFF, s20  }
0x9c: {  	p2 =	sgt.u32 s0, $0x4F  }
.Ltmp10:
0x9d: {  	_ = 	snop;
	(pc) =	sbr.rel @p2 .LBB3_7-.Ltmp10, $1  }
0x9e: {  	_ =	sdelay $0x3  }
0x9f: {  	p2 =	sgt.s32 s21, $0x63EC0;
	s2 =	smov.u32 s21;
	s3 =	sshra.s32 s21, $0x1F  }
0xa0: {  	s4 =	sand.u32 $0xFF, s17;
	s2 =	simm.s32 @!p2 $0x63EC0;
	s3 =	sand.u32 s3, s21  }
0xa1: {  	s31 =	smulhi.u32 $0x55555556, s4;
	s2 =	ssub.s32 s2, s3  }
0xa2: {  	s0 =	sand.u32 $0x1, s0;
	s4 =	smul.u32 $0x500, s4;
	s2 =	sadd.s32 $0xFFF9C140, s2  }
0xa3: {  	s7 =	simm.s32 $0xA;
	s0 =	smul.u32 $0x500, s0;
	s5 =	sshll.u32 s2, $0x2  }
0xa4: {  	s9 =	sshrl.u32 s21, $0x3;
	s3 =	smul.u32 $0xF00, s31;
	s5 =	ssub.s32 $0x500, s5  }
0xa5: {  	s11 =	sand.u32 $0x7, s21;
	p2 =	sgt.s32 s2, $0x13F;
	s2 =	sshrl.u32 s5, $0x2  }
0xa6: {  	s0 =	sshrl.u32 s0, $0x2;
	s3 =	ssub.s32 s4, s3;
	s2 =	simm.s32 @p2 $0x0  }
0xa7: {  	s0 =	sadd.s32 $0xAD08, s0;
	s3 =	sshra.s32 s3, $0x2;
	_ =	swait.ge [sflag:s7], s2  }
0xa8: {  	s8 =	ssub.s32 $0x0, s2;
	[sflag:s7] =	ssyncset.done $0x0;
	s10 =	rddreg [dreg:$0x8]  }
0xa9: {  	s28 =	sadd.s32 $0xA948, s3;
	[sflag:s7] =	ssyncadd.s32 s8;
	s3 =	sadd.s32 s9, s10  }
0xaa: {  	[tilespmem:s0], [sflag:$0xB] =	stream.linear.gather [hbm4b:s3+s11], s2, $0x38;
	[tilespmem:$0x1EF88] =	vst v63  }
0xab: {  	v1 =	vld.msk [tilespmem:s28+$0x0], $0xffff;
	_ =	sdelay $0x4  }
0xac: {  	v1 =	vshll.u32 v1, $0x4  }
0xad: {  	(v2sf) =	vpush v1, $0x0  }
0xae: {  	(v2sf) =	vpush v1, $0x1  }
0xaf: {  	(v2sf) =	vpush v1, $0x2;
	_ =	sdelay $0x1  }
0xb0: {  	(v2sf) =	vpush v1, $0x3;
	_ =	sdelay $0x1  }
0xb1: {  	s0 =	simm.s32 $0x1;
	(v2sf) =	vpush v1, $0x4  }
0xb2: {  	s0 =	simm.s32 @!p0 $0x0  }
0xb3: {  	s0 =	smul.u32 $0x28000, s0;
	(v2sf) =	vpush v1, $0x5;
	_ =	sdelay $0x1  }
0xb4: {  	s0 =	sshrl.u32 s0, $0x2;
	(v2sf) =	vpush v1, $0x6  }
0xb5: {  	s24 =	sadd.s32 $0xB708, s0  }
0xb6: {  	s28 =	sadd.s32 $0x10, s28;
	s0 =	sadd.s32 $0xFFFFFE80, s24;
	s2 =	sadd.s32 $0xFFFFFD00, s24;
	(v2sf) =	vpush v1, $0x7  }
0xb7: {  	s4 =	sadd.s32 $0xFFFFFD80, s24;
	s3 =	sadd.s32 $0xFFFFFE00, s24;
	s5 =	sadd.s32 $0xFFFFFB80, s24  }
0xb8: {  	s26 =	sadd.s32 $0xFFFFFA00, s24;
	s29 =	sadd.s32 $0xFFFFFA80, s24;
	s30 =	sadd.s32 $0xFFFFFB00, s24;
	(v2sf) =	vpush v1, $0x8  }
0xb9: {  	s31 =	sadd.s32 $0xFFFFF900, s24;
	s7 =	sadd.s32 $0xFFFFF980, s24;
	s8 =	spop (v2sf)  }
0xba: {  	s10 =	sadd.s32 $0xFFFFF880, s24;
	(v2sf) =	vpush v1, $0x9;
	s8 =	sand.u32 $0x1FFFFFF0, s8;
	s11 =	spop (v2sf)  }
0xbb: {  	s8 =	sadd.s32 s6, s8;
	s11 =	sand.u32 $0x1FFFFFF0, s11;
	s13 =	spop (v2sf)  }
0xbc: {  	[tilespmem:s10], [sflag:$0x9] =	stream.linear.gather [hbm4b:s8+s16], $0x40, $0x38;
	[tilespmem:$0x1EF88] =	vst v63  }
0xbd: {  	(v2sf) =	vpush v1, $0xA;
	s12 =	sadd.s32 s6, s11;
	s19 =	sand.u32 $0x1FFFFFF0, s13;
	s9 =	spop (v2sf)  }
0xbe: {  	(v2sf) =	vpush v1, $0xB;
	[tilespmem:s31], [sflag:$0x9] =	stream.linear.gather [hbm4b:s12+s16], $0x40, $0x38;
	[tilespmem:$0x1EF88] =	vst v63  }
0xbf: {  	s10 =	sadd.s32 s6, s19;
	s13 =	spop (v2sf);
	s12 =	sand.u32 $0x1FFFFFF0, s9  }
0xc0: {  	(v2sf) =	vpush v1, $0xC;
	[tilespmem:s7], [sflag:$0x9] =	stream.linear.gather [hbm4b:s10+s16], $0x40, $0x38;
	[tilespmem:$0x1EF88] =	vst v63  }
0xc1: {  	s31 =	sand.u32 $0x1FFFFFF0, s13;
	s9 =	spop (v2sf);
	s19 =	sadd.s32 s6, s12  }
0xc2: {  	(v2sf) =	vpush v1, $0xD;
	[tilespmem:s26], [sflag:$0x9] =	stream.linear.gather [hbm4b:s19+s16], $0x40, $0x38;
	[tilespmem:$0x1EF88] =	vst v63  }
0xc3: {  	s11 =	sadd.s32 s6, s31;
	s12 =	sand.u32 $0x1FFFFFF0, s9;
	s13 =	spop (v2sf)  }
0xc4: {  	(v2sf) =	vpush v1, $0xE;
	[tilespmem:s29], [sflag:$0x9] =	stream.linear.gather [hbm4b:s11+s16], $0x40, $0x38;
	[tilespmem:$0x1EF88] =	vst v63  }
0xc5: {  	s19 =	sadd.s32 s6, s12;
	s26 =	sand.u32 $0x1FFFFFF0, s13;
	s29 =	spop (v2sf)  }
0xc6: {  	(v2sf) =	vpush v1, $0xF;
	[tilespmem:s30], [sflag:$0x9] =	stream.linear.gather [hbm4b:s19+s16], $0x40, $0x38;
	[tilespmem:$0x1EF88] =	vst v63  }
0xc7: {  	s14 =	sadd.s32 $0xFFFFFC00, s24;
	s9 =	spop (v2sf);
	s30 =	sadd.s32 s6, s26  }
0xc8: {  	[tilespmem:s5], [sflag:$0x9] =	stream.linear.gather [hbm4b:s30+s16], $0x40, $0x38;
	[tilespmem:$0x1EF88] =	vst v63  }
0xc9: {  	s25 =	sadd.s32 $0xFFFFFC80, s24;
	s31 =	sand.u32 $0x1FFFFFF0, s29;
	s13 =	spop (v2sf)  }
0xca: {  	s11 =	sadd.s32 s6, s31;
	s12 =	sand.u32 $0x1FFFFFF0, s9;
	s19 =	sand.u32 $0x1FFFFFF0, s13  }
0xcb: {  	[tilespmem:s14], [sflag:$0x9] =	stream.linear.gather [hbm4b:s11+s16], $0x40, $0x38;
	[tilespmem:$0x1EF88] =	vst v63  }
0xcc: {  	s26 =	spop (v2sf);
	s14 =	sadd.s32 s6, s12;
	s29 =	sadd.s32 s6, s19  }
0xcd: {  	s30 =	sand.u32 $0x1FFFFFF0, s26;
	s31 =	spop (v2sf);
	s19 =	sadd.s32 $0xFFFFFF00, s24  }
0xce: {  	[tilespmem:s25], [sflag:$0x9] =	stream.linear.gather [hbm4b:s14+s16], $0x40, $0x38;
	[tilespmem:$0x1EF88] =	vst v63  }
0xcf: {  	s5 =	sadd.s32 s6, s30;
	s7 =	sand.u32 $0x1FFFFFF0, s31;
	s8 =	spop (v2sf)  }
0xd0: {  	[tilespmem:s2], [sflag:$0x9] =	stream.linear.gather [hbm4b:s29+s16], $0x40, $0x38;
	[tilespmem:$0x1EF88] =	vst v63  }
0xd1: {  	s31 =	sadd.s32 $0xFFFFFF80, s24;
	s10 =	sand.u32 $0x1FFFFFF0, s8;
	s11 =	spop (v2sf)  }
0xd2: {  	[tilespmem:s4], [sflag:$0x9] =	stream.linear.gather [hbm4b:s5+s16], $0x40, $0x38;
	[tilespmem:$0x1EF88] =	vst v63  }
0xd3: {  	s9 =	sadd.s32 s6, s7;
	s12 =	sadd.s32 s6, s10;
	s14 =	spop (v2sf)  }
0xd4: {  	[tilespmem:s3], [sflag:$0x9] =	stream.linear.gather [hbm4b:s9+s16], $0x40, $0x38;
	[tilespmem:$0x1EF88] =	vst v63  }
0xd5: {  	s13 =	sand.u32 $0x1FFFFFF0, s11;
	s26 =	sand.u32 $0x1FFFFFF0, s14;
	s29 =	spop (v2sf)  }
0xd6: {  	[tilespmem:s0], [sflag:$0x9] =	stream.linear.gather [hbm4b:s12+s16], $0x40, $0x38;
	[tilespmem:$0x1EF88] =	vst v63  }
0xd7: {  	s25 =	sadd.s32 s6, s13;
	s30 =	sadd.s32 s6, s26;
	s0 =	sand.u32 $0x1FFFFFF0, s29  }
0xd8: {  	[tilespmem:s19], [sflag:$0x9] =	stream.linear.gather [hbm4b:s25+s16], $0x40, $0x38;
	[tilespmem:$0x1EF88] =	vst v63  }
0xd9: {  	s26 =	sadd.s32 $0x800, s24;
	s0 =	sadd.s32 s6, s0;
	s25 =	simm.s32 $0x0  }
0xda: {  	[tilespmem:s31], [sflag:$0x9] =	stream.linear.gather [hbm4b:s30+s16], $0x40, $0x38;
	[tilespmem:$0x1EF88] =	vst v63  }
.LBB3_5:
0xdb: {  	[tilespmem:s24], [sflag:$0x9] =	stream.linear.gather [hbm4b:s0+s16], $0x40, $0x38;
	[tilespmem:$0x1EF88] =	vst v63  }
0xdc: {  	s25 =	sadd.s32 $0x10, s25;
	s24 =	smov.u32 s26  }
0xdd: {  	p2 =	slt.u32 s25, $0x130;
	v1 =	vld.msk [tilespmem:s28+$0x0], $0xffff;
	_ =	sdelay $0x4  }
0xde: {  	v1 =	vshll.u32 v1, $0x4  }
0xdf: {  	(v2sf) =	vpush v1, $0x0  }
0xe0: {  	(v2sf) =	vpush v1, $0x1  }
0xe1: {  	(v2sf) =	vpush v1, $0x2;
	_ =	sdelay $0x1  }
0xe2: {  	(v2sf) =	vpush v1, $0x3;
	_ =	sdelay $0x1  }
0xe3: {  	(v2sf) =	vpush v1, $0x4;
	_ =	sdelay $0x1  }
0xe4: {  	(v2sf) =	vpush v1, $0x5;
	_ =	sdelay $0x1  }
0xe5: {  	(v2sf) =	vpush v1, $0x6  }
0xe6: {  	s30 =	sadd.s32 $0xFFFFFE80, s26;
	s29 =	sadd.s32 $0xFFFFFF00, s26  }
0xe7: {  	s4 =	sadd.s32 $0xFFFFFD00, s26;
	s0 =	sadd.s32 $0xFFFFFD80, s26;
	s31 =	sadd.s32 $0xFFFFFE00, s26;
	(v2sf) =	vpush v1, $0x7  }
0xe8: {  	s2 =	sadd.s32 $0xFFFFFB80, s26;
	s3 =	sadd.s32 $0xFFFFFC00, s26;
	s5 =	sadd.s32 $0xFFFFFC80, s26  }
0xe9: {  	s7 =	sadd.s32 $0xFFFFFA00, s26;
	s8 =	sadd.s32 $0xFFFFFA80, s26;
	s10 =	sadd.s32 $0xFFFFFB00, s26;
	(v2sf) =	vpush v1, $0x8  }
0xea: {  	s11 =	sadd.s32 $0xFFFFF900, s26;
	s13 =	sadd.s32 $0xFFFFF980, s26;
	s14 =	spop (v2sf)  }
0xeb: {  	s9 =	sadd.s32 $0xFFFFF880, s26;
	s14 =	sand.u32 $0x1FFFFFF0, s14;
	s19 =	spop (v2sf);
	(v2sf) =	vpush v1, $0x9  }
0xec: {  	s14 =	sadd.s32 s6, s14;
	s19 =	sand.u32 $0x1FFFFFF0, s19;
	s12 =	spop (v2sf)  }
0xed: {  	[tilespmem:s9], [sflag:$0x9] =	stream.linear.gather [hbm4b:s14+s16], $0x40, $0x38;
	(v2sf) =	vpush v1, $0xA;
	[tilespmem:$0x1EF88] =	vst v63  }
0xee: {  	s9 =	sadd.s32 s6, s19;
	s12 =	sand.u32 $0x1FFFFFF0, s12;
	s14 =	spop (v2sf)  }
0xef: {  	[tilespmem:s11], [sflag:$0x9] =	stream.linear.gather [hbm4b:s9+s16], $0x40, $0x38;
	(v2sf) =	vpush v1, $0xB;
	[tilespmem:$0x1EF88] =	vst v63  }
0xf0: {  	s9 =	sadd.s32 s6, s12;
	s11 =	sand.u32 $0x1FFFFFF0, s14;
	s12 =	spop (v2sf)  }
0xf1: {  	[tilespmem:s13], [sflag:$0x9] =	stream.linear.gather [hbm4b:s9+s16], $0x40, $0x38;
	(v2sf) =	vpush v1, $0xC;
	[tilespmem:$0x1EF88] =	vst v63  }
0xf2: {  	s9 =	sadd.s32 s6, s11;
	s11 =	sand.u32 $0x1FFFFFF0, s12;
	s12 =	spop (v2sf)  }
0xf3: {  	[tilespmem:s7], [sflag:$0x9] =	stream.linear.gather [hbm4b:s9+s16], $0x40, $0x38;
	(v2sf) =	vpush v1, $0xD;
	[tilespmem:$0x1EF88] =	vst v63  }
0xf4: {  	s7 =	sadd.s32 s6, s11;
	s9 =	sand.u32 $0x1FFFFFF0, s12;
	s11 =	spop (v2sf)  }
0xf5: {  	[tilespmem:s8], [sflag:$0x9] =	stream.linear.gather [hbm4b:s7+s16], $0x40, $0x38;
	(v2sf) =	vpush v1, $0xE;
	[tilespmem:$0x1EF88] =	vst v63  }
0xf6: {  	s7 =	sadd.s32 s6, s9;
	s8 =	sand.u32 $0x1FFFFFF0, s11;
	s9 =	spop (v2sf)  }
0xf7: {  	[tilespmem:s10], [sflag:$0x9] =	stream.linear.gather [hbm4b:s7+s16], $0x40, $0x38;
	(v2sf) =	vpush v1, $0xF;
	[tilespmem:$0x1EF88] =	vst v63  }
0xf8: {  	s7 =	sadd.s32 s6, s8;
	s8 =	sand.u32 $0x1FFFFFF0, s9;
	s9 =	spop (v2sf)  }
0xf9: {  	[tilespmem:s2], [sflag:$0x9] =	stream.linear.gather [hbm4b:s7+s16], $0x40, $0x38;
	[tilespmem:$0x1EF88] =	vst v63  }
0xfa: {  	s2 =	sadd.s32 s6, s8;
	s7 =	sand.u32 $0x1FFFFFF0, s9;
	s8 =	spop (v2sf)  }
0xfb: {  	[tilespmem:s3], [sflag:$0x9] =	stream.linear.gather [hbm4b:s2+s16], $0x40, $0x38;
	[tilespmem:$0x1EF88] =	vst v63  }
0xfc: {  	s2 =	sadd.s32 s6, s7;
	s3 =	sand.u32 $0x1FFFFFF0, s8;
	s7 =	spop (v2sf)  }
0xfd: {  	[tilespmem:s5], [sflag:$0x9] =	stream.linear.gather [hbm4b:s2+s16], $0x40, $0x38;
	[tilespmem:$0x1EF88] =	vst v63  }
0xfe: {  	s2 =	sadd.s32 s6, s3;
	s3 =	sand.u32 $0x1FFFFFF0, s7;
	s5 =	spop (v2sf)  }
0xff: {  	[tilespmem:s4], [sflag:$0x9] =	stream.linear.gather [hbm4b:s2+s16], $0x40, $0x38;
	[tilespmem:$0x1EF88] =	vst v63  }
0x100: {  	s2 =	sadd.s32 s6, s3;
	s3 =	sand.u32 $0x1FFFFFF0, s5;
	s4 =	spop (v2sf)  }
0x101: {  	[tilespmem:s0], [sflag:$0x9] =	stream.linear.gather [hbm4b:s2+s16], $0x40, $0x38;
	[tilespmem:$0x1EF88] =	vst v63  }
0x102: {  	s0 =	sadd.s32 s6, s3;
	s2 =	sand.u32 $0x1FFFFFF0, s4;
	s3 =	spop (v2sf)  }
0x103: {  	[tilespmem:s31], [sflag:$0x9] =	stream.linear.gather [hbm4b:s0+s16], $0x40, $0x38;
	[tilespmem:$0x1EF88] =	vst v63  }
0x104: {  	s0 =	sadd.s32 s6, s2;
	s2 =	sand.u32 $0x1FFFFFF0, s3;
	s3 =	spop (v2sf)  }
0x105: {  	[tilespmem:s30], [sflag:$0x9] =	stream.linear.gather [hbm4b:s0+s16], $0x40, $0x38;
	[tilespmem:$0x1EF88] =	vst v63  }
0x106: {  	s0 =	sadd.s32 s6, s2  }
.Ltmp11:
0x107: {  	s2 =	sand.u32 $0x1FFFFFF0, s3;
	s3 =	spop (v2sf);
	(pc) =	sbr.rel @p2 .LBB3_5-.Ltmp11, $4  }
0x108: {  	[tilespmem:s29], [sflag:$0x9] =	stream.linear.gather [hbm4b:s0+s16], $0x40, $0x38;
	[tilespmem:$0x1EF88] =	vst v63  }
0x109: {  	s0 =	sadd.s32 s6, s2;
	s2 =	sadd.s32 $0xFFFFFF80, s26;
	s3 =	sand.u32 $0x1FFFFFF0, s3  }
0x10a: {  	[tilespmem:s2], [sflag:$0x9] =	stream.linear.gather [hbm4b:s0+s16], $0x40, $0x38;
	[tilespmem:$0x1EF88] =	vst v63  }
0x10b: {  	s28 =	sadd.s32 $0x10, s28;
	s26 =	sadd.s32 $0x800, s26;
	s0 =	sadd.s32 s6, s3  }
0x10c: {  	[tilespmem:s24], [sflag:$0x9] =	stream.linear.gather [hbm4b:s0+s16], $0x40, $0x38;
	[tilespmem:$0x1EF88] =	vst v63  }
0x10d: {  	s9 =	rddreg [dreg:$0x5]  }
0x10e: {  	s10 =	rddreg [dreg:$0x6]  }
0x10f: {  	s11 =	rddreg [dreg:$0x7];
	s12 =	simm.s32 $0xC  }
.LBB3_7:
0x110: {  	p2 =	slt.u32 s20, $0x2  }
.Ltmp12:
0x111: {  	_ = 	snop;
	(pc) =	sbr.rel @p2 .LBB3_25-.Ltmp12, $1  }
0x112: {  	_ =	sdelay $0x3  }
0x113: {  	p2 =	sgt.s32 s23, $0x63EC0;
	s0 =	smov.u32 s23;
	s2 =	sshra.s32 s23, $0x1F  }
0x114: {  	s0 =	simm.s32 @!p2 $0x63EC0;
	s2 =	sand.u32 s2, s23  }
0x115: {  	s0 =	ssub.s32 s0, s2  }
0x116: {  	s0 =	sadd.s32 $0xFFF9C140, s0  }
0x117: {  	s3 =	simm.s32 $0x9;
	s30 =	sshll.u32 s0, $0x2  }
0x118: {  	_ =	swait.ge [sflag:s3], $0x5000;
	s2 =	ssub.s32 $0x500, s30  }
0x119: {  	[sflag:s3] =	ssyncset.done $0x0;
	p2 =	sgt.s32 s0, $0x13F;
	s0 =	sshrl.u32 s2, $0x2  }
0x11a: {  	s31 =	simm.s32 $0xB;
	[sflag:s3] =	ssyncadd.s32 $0xFFFFB000;
	s0 =	simm.s32 @p2 $0x0  }
0x11b: {  	_ =	swait.ge [sflag:s31], s0  }
0x11c: {  	s0 =	ssub.s32 $0x0, s0;
	[sflag:s31] =	ssyncset.done $0x0  }
0x11d: {  	[sflag:s31] =	ssyncadd.s32 s0  }
0x11e: {  	v1 =	vld [tilespmem:$0xA108];
	_ =	sdelay $0x4  }
0x11f: {  	(v2sf) =	vpush v1, $0x0  }
0x120: {  	(v2sf) =	vpush v1, $0x1  }
0x121: {  	(v2sf) =	vpush v1, $0x2;
	_ =	sdelay $0x3  }
0x122: {  	s2 =	sadd.s32 $0x140, s23  }
0x123: {  	s3 =	ssub.s32 $0xC8000, s23;
	p2 =	slt.s32 s10, s2  }
0x124: {  	s2 =	smov.u32 @p2 s10;
	p2 =	sgt.s32 s3, $0x0  }
0x125: {  	s24 =	ssub.s32 s2, s23;
	s3 =	simm.s32 @!p2 $0x0  }
0x126: {  	p2 =	slt.s32 s3, s24  }
0x127: {  	s24 =	smov.u32 @p2 s3  }
0x128: {  	s0 =	simm.s32 $0x1;
	p2 =	slt.s32 s24, $0x1  }
.Ltmp13:
0x129: {  	s0 =	simm.s32 @!p1 $0x0;
	(pc) =	sbr.rel @p2 .LBB3_12-.Ltmp13, $4  }
0x12a: {  	s4 =	smul.u32 $0x500, s0  }
0x12b: {  	s2 =	spop (v2sf)  }
0x12c: {  	s4 =	sshrl.u32 s4, $0x2;
	s3 =	spop (v2sf)  }
0x12d: {  	s25 =	sadd.s32 $0xAD08, s4;
	s23 =	spop (v2sf)  }
0x12e: {  	s4 =	smin.u32 s24, $0x10  }
0x12f: {  	v1 =	vmov s4  }
0x130: {  	p3 =	sgt.s32 s24, $0x10;
	vm1 =	vgt.u32 v1, v0  }
.Ltmp14:
0x131: {  	_ = 	snop;
	(pc) =	sbr.rel @!p3 .LBB3_11-.Ltmp14, $2  }
0x132: {  	_ =	sdelay $0x2  }
0x133: {  	s5 =	simm.s32 $0x10;
	s26 =	sadd.s32 $0xFFFFFFF0, s24;
	s4 =	smov.u32 s25;
	vm0 =	vmmov vm1  }
.LBB3_10:
0x134: {  	s7 =	smin.u32 s26, $0x10;
	s5 =	sadd.s32 $0x10, s5;
	v1 =	vld.msk [tilespmem:s4+$0x0 ss:$0x1], vm1  }
0x135: {  	v2 =	vmov s7;
	p3 =	slt.s32 s5, s24  }
0x136: {  	vm1 =	vgt.u32 v2, v0  }
.Ltmp15:
0x137: {  	(pc) =	sbr.rel @p3 .LBB3_10-.Ltmp15, $3  }
0x138: {  	_ =	sdelay $0x1  }
0x139: {  	v1 =	vshll.u32 v1, $0x4  }
0x13a: {  	s26 =	sadd.s32 $0xFFFFFFF0, s26;
	[tilespmem:s4+$0x0] =	vst.msk vm0, v1;
	s4 =	sadd.s32 $0x10, s4;
	vm0 =	vmmov vm1  }
.LBB3_11:
0x13b: {  	_ =	sdelay $0x4  }
0x13c: {  	v1 =	vld.msk [tilespmem:s4+$0x0 ss:$0x1], vm1;
	_ =	sdelay $0x4  }
0x13d: {  	v1 =	vshll.u32 v1, $0x4  }
0x13e: {  	[tilespmem:s4+$0x0] =	vst.msk vm0, v1  }
.LBB3_12:
0x13f: {  	s4 =	sand.u32 $0x1, s20  }
0x140: {  	s4 =	smul.u32 $0x140, s4  }
0x141: {  	p3 =	sne.s32 s3, $0xFFFFFFFF  }
0x142: {  	v1 =	vld.msk @!p3 [tilespmem:s4+$0xAD08], $0x1;
	_ =	sdelay $0x4  }
0x143: {  	(v2sf) =	vpush @!p3 v1, $0x0;
	_ =	sdelay $0xc  }
.Ltmp16:
0x144: {  	_ = 	snop;
	(pc) =	sbr.rel @p2 .LBB3_23-.Ltmp16, $4  }
0x145: {  	_ = 	snop  }
0x146: {  	s30 =	spop @!p3 (v2sf)  }
0x147: {  	s23 =	simm.s32 @!p3 $0x0;
	s26 =	smov.u32 s30  }
0x148: {  	[sflag:s12] =	ssyncpa.u1 $0x0;
	s30 =	smov.u32 @p3 s2;
	s26 =	smov.u32 @p3 s3  }
0x149: {  	v1 =	vld.msk [tilespmem:s25+$0x0], $0x1;
	_ =	sdelay $0x4  }
0x14a: {  	(v2sf) =	vpush v1, $0x0;
	_ =	sdelay $0xe  }
0x14b: {  	s0 =	smul.u32 $0x28000, s0;
	s3 =	spop (v2sf)  }
0x14c: {  	p2 =	seq.s32 s30, s3  }
0x14d: {  	s2 =	smov.u32 s30;
	s0 =	sshrl.u32 s0, $0x2;
	p3 =	sgt.s32 @!p2 s30, $0x0  }
0x14e: {  	s28 =	sadd.s32 $0xAFA8, s0;
	s0 =	sadd.s32 $0xFFFFFFFF, s24;
	p3 =	por !p3, p2  }
0x14f: {  	s2 =	simm.s32 @p3 $0x0;
	p3 =	sne.s32 s0, $0x0  }
.Ltmp17:
0x150: {  	_ = 	snop;
	(pc) =	sbr.rel @!p3 .LBB3_15-.Ltmp17, $4  }
0x151: {  	_ = 	snop  }
0x152: {  	s29 =	simm.s32 $0x0;
	s4 =	simm.s32 @!p2 $0x1;
	s2 =	smin.u32 @!p2 s2, $0xC34F8  }
0x153: {  	s5 =	simm.s32 @!p2 $0x50C8;
	s4 =	smov.u32 @p2 s29;
	s7 =	sand.u32 @!p2 $0xFFFF8, s2  }
0x154: {  	s31 =	sand.u32 @!p2 $0x7, s2;
	s2 =	sadd.s32 $0x1, s25;
	s14 =	sadd.s32 @!p2 s1, s7  }
.LBB3_14:
0x155: {  	s7 =	smov.u32 s4  }
0x156: {  	[tilespmem:s5], [sflag:$0x2] =	stream.linear.gather @!p2 [hbm4b:s14+s31], $0x40, $0x38;
	[tilespmem:$0x1EF88] =	vst v63  }
0x157: {  	s0 =	sadd.s32 $0xFFFFFFFF, s0;
	s8 =	smov.u32 s3;
	v1 =	vld.msk [tilespmem:s2+$0x0], $0x1  }
0x158: {  	p3 =	sne.s32 s0, $0x0;
	_ =	sdelay $0x3  }
0x159: {  	(v2sf) =	vpush v1, $0x0;
	_ =	sdelay $0xe  }
0x15a: {  	s3 =	spop (v2sf)  }
0x15b: {  	p2 =	seq.s32 s8, s3  }
0x15c: {  	p4 =	sgt.s32 @!p2 s8, $0x0;
	s5 =	sshll.u32 @!p2 s4, $0x8;
	s4 =	sadd.s32 @!p2 $0x1, s4  }
.Ltmp18:
0x15d: {  	p4 =	por !p4, p2;
	s5 =	sshra.s32 @!p2 s5, $0x2;
	(pc) =	sbr.rel @p3 .LBB3_14-.Ltmp18, $4  }
0x15e: {  	s4 =	smov.u32 @p2 s7;
	s8 =	simm.s32 @p4 $0x0;
	s5 =	sadd.s32 @!p2 $0x50C8, s5  }
0x15f: {  	s7 =	smin.u32 @!p2 s8, $0xC34F8  }
0x160: {  	s8 =	sand.u32 @!p2 $0xFFFF8, s7;
	s31 =	sand.u32 @!p2 $0x7, s7  }
0x161: {  	s2 =	sadd.s32 $0x1, s2;
	s14 =	sadd.s32 @!p2 s1, s8  }
.LBB3_15:
0x162: {  	[tilespmem:s5], [sflag:$0x2] =	stream.linear.gather @!p2 [hbm4b:s14+s31], $0x40, $0x38;
	[tilespmem:$0x1EF88] =	vst v63  }
.Ltmp19:
0x163: {  	s0 =	sshll.u32 s4, $0x6;
	(pc) =	sbr.rel .LBB3_16-.Ltmp19, $4  }
0x164: {  	s2 =	simm.s32 $0x2;
	s0 =	sand.u32 $0x3FFFFFC0, s0  }
0x165: {  	_ =	swait.ge [sflag:s2], s0  }
0x166: {  	s0 =	ssub.s32 $0x0, s0;
	[sflag:s2] =	ssyncset.done $0x0  }
0x167: {  	s4 =	simm.s32 $0x0;
	[sflag:s2] =	ssyncadd.s32 s0  }
.LBB3_17:
0x168: {  	v1 =	vld [tilespmem:s28+$0xFFFFFFE0];
	_ =	sdelay $0x4  }
0x169: {  	[tilespmem:s2+$0x88] =	vst.add.f32.msk $0xffff, v1  }
0x16a: {  	v1 =	vld [tilespmem:s28+$0xFFFFFFF0];
	_ =	sdelay $0x4  }
0x16b: {  	[tilespmem:s2+$0x98] =	vst.add.f32.msk $0xffff, v1  }
0x16c: {  	v1 =	vld [tilespmem:s28+$0x0];
	_ =	sdelay $0x4  }
0x16d: {  	[tilespmem:s2+$0xA8] =	vst.add.f32.msk $0xffff, v1  }
0x16e: {  	v1 =	vld [tilespmem:s28+$0x10];
	_ =	sdelay $0x4  }
0x16f: {  	[tilespmem:s2+$0xB8] =	vst.add.f32.msk $0xffff, v1  }
.LBB3_21:
0x170: {  	s24 =	sadd.s32 $0xFFFFFFFF, s24  }
0x171: {  	p2 =	sne.s32 s24, $0x0  }
.Ltmp20:
0x172: {  	_ = 	snop;
	(pc) =	sbr.rel @!p2 .LBB3_22-.Ltmp20, $2  }
0x173: {  	_ =	sdelay $0x2  }
0x174: {  	s28 =	sadd.s32 $0x80, s28;
	s25 =	sadd.s32 $0x1, s25;
	s30 =	smov.u32 s0  }
.LBB3_16:
0x175: {  	v1 =	vld.msk [tilespmem:s25+$0x0], $0x1;
	_ =	sdelay $0x4  }
0x176: {  	(v2sf) =	vpush v1, $0x0;
	_ =	sdelay $0xe  }
0x177: {  	s0 =	spop (v2sf)  }
0x178: {  	p2 =	sne.s32 s30, s0  }
.Ltmp21:
0x179: {  	_ = 	snop;
	(pc) =	sbr.rel @!p2 .LBB3_17-.Ltmp21, $3  }
0x17a: {  	_ =	sdelay $0x1  }
0x17b: {  	s2 =	sshll.u32 s23, $0x8  }
0x17c: {  	s2 =	sshra.s32 s2, $0x2  }
0x17d: {  	p2 =	seq.s32 s30, s26  }
.Ltmp22:
0x17e: {  	_ = 	snop;
	(pc) =	sbr.rel @!p2 .LBB3_19-.Ltmp22, $1  }
0x17f: {  	_ =	sdelay $0x3  }
.Ltmp23:
0x180: {  	s2 =	sadd.s32 $0x88, s2;
	(pc) =	sbr.rel .LBB3_20-.Ltmp23, $4  }
0x181: {  	[spmem:s15] =	stream.linear.scatter [tilespmem:s2], [sflag:$0x1], $0x40, $0x38;
	[tilespmem:$0x1EF88] =	vst v63  }
0x182: {  	_ =	swait.ge [sflag:s18], $0x40  }
0x183: {  	[sflag:s18] =	ssyncset.done $0x0  }
0x184: {  	[sflag:s18] =	ssyncadd.s32 $0xFFFFFFC0  }
.LBB3_19:
0x185: {  	s3 =	sshll.u32 s29, $0x8  }
0x186: {  	s3 =	sshra.s32 s3, $0x2  }
0x187: {  	v1 =	vld [tilespmem:s3+$0x50C8];
	_ =	sdelay $0x4  }
0x188: {  	[tilespmem:s2+$0x88] =	vst.add.f32.msk $0xffff, v1  }
0x189: {  	v1 =	vld [tilespmem:s3+$0x50D8];
	_ =	sdelay $0x4  }
0x18a: {  	[tilespmem:s2+$0x98] =	vst.add.f32.msk $0xffff, v1  }
0x18b: {  	v1 =	vld [tilespmem:s3+$0x50E8];
	_ =	sdelay $0x4  }
0x18c: {  	[tilespmem:s2+$0xA8] =	vst.add.f32.msk $0xffff, v1  }
0x18d: {  	v1 =	vld [tilespmem:s3+$0x50F8];
	_ =	sdelay $0x2  }
0x18e: {  	p2 =	sgt.u32 s30, $0xC34F8  }
0x18f: {  	s3 =	sand.u32 @!p2 $0xFFFF8, s30  }
0x190: {  	s5 =	sadd.s32 $0x88, s2;
	[tilespmem:s2+$0xB8] =	vst.add.f32.msk $0xffff, v1;
	s2 =	sadd.s32 @!p2 s1, s3;
	s3 =	sand.u32 @!p2 $0x7, s30  }
0x191: {  	[hbm4b:s2+s3] =	stream.linear.scatter @!p2 [tilespmem:s5], [sflag:$0xC], $0x40, $0x38;
	[tilespmem:$0x1EF88] =	vst v63  }
0x192: {  	s2 =	simm.s32 $0x0  }
0x193: {  	s2 =	simm.s32 @!p2 $0x100  }
0x194: {  	s4 =	sadd.s32 s2, s4  }
.LBB3_20:
0x195: {  	s2 =	sadd.s32 $0x1, s23  }
0x196: {  	s3 =	smulhi.u32 $0xCCCCCCCD, s2;
	_ =	sdelay $0x1  }
0x197: {  	v1 =	vld [tilespmem:s28+$0xFFFFFFE0];
	s3 =	sshrl.u32 s3, $0x8  }
0x198: {  	s3 =	smul.u32 $0x140, s3;
	_ =	sdelay $0x1  }
0x199: {  	s23 =	ssub.s32 s2, s3  }
0x19a: {  	s2 =	sshll.u32 s23, $0x6  }
0x19b: {  	[tilespmem:s2+$0x88] =	vst v1  }
0x19c: {  	v1 =	vld [tilespmem:s28+$0xFFFFFFF0];
	_ =	sdelay $0x4  }
0x19d: {  	[tilespmem:s2+$0x98] =	vst v1  }
0x19e: {  	v1 =	vld [tilespmem:s28+$0x0];
	_ =	sdelay $0x4  }
0x19f: {  	[tilespmem:s2+$0xA8] =	vst v1  }
0x1a0: {  	v1 =	vld [tilespmem:s28+$0x10]  }
.Ltmp24:
0x1a1: {  	_ = 	snop;
	(pc) =	sbr.rel .LBB3_21-.Ltmp24, $2  }
0x1a2: {  	_ =	sdelay $0x2  }
0x1a3: {  	s29 =	sadd.s32 $0x1, s29;
	[tilespmem:s2+$0xB8] =	vst v1  }
.LBB3_23:
.Ltmp25:
0x1a4: {  	(pc) =	sbr.rel .LBB3_24-.Ltmp25, $4  }
0x1a5: {  	_ = 	snop  }
0x1a6: {  	s0 =	simm.s32 $0x2  }
0x1a7: {  	_ =	swait.ge [sflag:s0], $0x0  }
0x1a8: {  	s2 =	simm.s32 $0x0;
	[sflag:s0] =	ssyncset.done $0x0;
	s0 =	smov.u32 s30  }
.LBB3_26:
0x1a9: {  	_ =	sfence.sel $0x180000  }
0x1aa: {  	s0 =	simm.s32 $0x9;
	[bflag:$0x0] =	sbarrier.arrive $0xFFFF  }
0x1ab: {  	s24 =	simm.s32 $0xA;
	[sflag:s0] =	ssyncpa.u1 $0x1  }
0x1ac: {  	s25 =	simm.s32 $0xB;
	[sflag:s24] =	ssyncpa.u1 $0x1  }
0x1ad: {  	s26 =	simm.s32 $0x2;
	[sflag:s25] =	ssyncpa.u1 $0x1  }
0x1ae: {  	[sflag:s26] =	ssyncpa.u1 $0x1  }
0x1af: {  	v0 =	vld [tilespmem:$0xA108];
	_ =	sdelay $0x4  }
0x1b0: {  	(v2sf) =	vpush v0, $0x0  }
0x1b1: {  	(v2sf) =	vpush v0, $0x1;
	_ =	sdelay $0x1  }
0x1b2: {  	(v2sf) =	vpush v0, $0x2;
	_ =	sdelay $0xb  }
0x1b3: {  	s0 =	spop (v2sf)  }
0x1b4: {  	s2 =	spop (v2sf)  }
0x1b5: {  	s3 =	smov.u32 s0;
	p0 =	sne.s32 s0, s2  }
0x1b6: {  	s4 =	spop (v2sf);
	s3 =	simm.s32 @!p0 $0xFFFFFFFF  }
0x1b7: {  	v2 =	vimm.s32 $0x1;
	v3 =	vlaneseq.u32;
	p0 =	seq.s32 s4, $0xFFFFFFFF;
	v1 =	vmov s3  }
0x1b8: {  	s14 =	stileid.u32;
	v0 =	vperm.xlane v0, v2;
	p1 =	sne.s32 @!p0 s0, s2;
	v1 =	vperm.xlane v1, v3  }
0x1b9: {  	vm0 =	vcmask $0x3F04;
	s6 =	simm.s32 $0xA108;
	s0 =	simm.s32 @!p0 $0x1;
	p1 =	por !p1, p0  }
0x1ba: {  	s3 =	sshll.u32 s14, $0x1;
	s2 =	sshll.u32 @!p0 s4, $0x8;
	s0 =	simm.s32 @p1 $0x0;
	v0 =	vsel vm0, v1, v0  }
0x1bb: {  	s5 =	sor.u32 $0x800, s3;
	s2 =	sshra.s32 @!p0 s2, $0x2;
	s0 =	sor.u32 @!p0 s0, s3;
	[tilespmem:$0xA108] =	vst v0  }
0x1bc: {  	[spmem:s5] =	stream.linear.scatter [tilespmem:s6], [sflag:$0x1], $0x2, $0x38;
	[tilespmem:$0x1EF88] =	vst v63  }
0x1bd: {  	s2 =	sadd.s32 @!p0 $0x88, s2;
	s0 =	sshll.u32 @!p0 s0, $0x6  }
0x1be: {  	[spmem:s0] =	stream.linear.scatter @!p0 [tilespmem:s2], [sflag:$0x1], $0x40, $0x38;
	[tilespmem:$0x1EF88] =	vst v63  }
0x1bf: {  	s0 =	simm.s32 @!p0 $0x42  }
0x1c0: {  	s28 =	simm.s32 $0x1;
	s0 =	simm.s32 @p0 $0x2  }
0x1c1: {  	_ =	swait.ge [sflag:s28], s0  }
0x1c2: {  	s0 =	ssub.s32 $0x0, s0;
	[sflag:s28] =	ssyncset.done $0x0  }
0x1c3: {  	p0 =	sne.s32 s14, $0x0;
	[sflag:s28] =	ssyncadd.s32 s0  }
.Ltmp26:
0x1c4: {  	_ =	sfence.stream.spmem;
	(pc) =	sbr.rel @p0 .LBB3_43-.Ltmp26, $4  }
0x1c5: {  	s29 =	simm.s32 $0x3;
	[bflag:$0x0] =	sbarrier.arrive $0xFFFF  }
0x1c6: {  	s30 =	simm.s32 $0x4;
	[sflag:s29] =	ssyncpa.u1 $0x1  }
0x1c7: {  	s31 =	simm.s32 $0x3C;
	[sflag:s30] =	ssyncpa.u1 $0x1  }
0x1c8: {  	s13 =	rddreg [dreg:$0x4];
	[sflag:s31] =	ssyncpa.u1 $0x1  }
0x1c9: {  	_ =	sfence.stream.spmem;
	s0 =	simm.s32 $0x5  }
0x1ca: {  	s2 =	simm.s32 $0x800;
	s3 =	simm.s32 $0xA118;
	[sflag:s0] =	ssyncpa.u1 $0x0  }
0x1cb: {  	[tilespmem:s3], [sflag:$0x5] =	stream.linear.gather [spmem:s2], $0x20, $0x38;
	[tilespmem:$0x1EF88] =	vst v63  }
0x1cc: {  	s26 =	simm.s32 $0x0;
	s28 =	simm.s32 $0xA138  }
0x1cd: {  	[tilespmem:s28], [sflag:$0x5] =	stream.linear.gather [spmem:s26], $0x800, $0x38;
	[tilespmem:$0x1EF88] =	vst v63  }
0x1ce: {  	_ =	swait.ge [sflag:s0], $0x820  }
0x1cf: {  	[sflag:s0] =	ssyncset.done $0x0  }
0x1d0: {  	s29 =	simm.s32 $0x0;
	[sflag:s0] =	ssyncadd.s32 $0xFFFFF7E0  }
0x1d1: {  	v0 =	vld.msk [tilespmem:s29+$0xA118], $0x1;
	_ =	sdelay $0x1  }
0x1d2: {  	s30 =	simm.s32 $0x1  }
0x1d3: {  	v1 =	vld.msk [tilespmem:s30+$0xA118], $0x1;
	_ =	sdelay $0x1  }
0x1d4: {  	(v2sf) =	vpush v0, $0x0;
	_ =	sdelay $0x2  }
0x1d5: {  	(v2sf) =	vpush v1, $0x0;
	_ =	sdelay $0x2  }
0x1d6: {  	s31 =	simm.s32 $0x2  }
0x1d7: {  	v0 =	vld.msk [tilespmem:s31+$0xA118], $0x1;
	_ =	sdelay $0x2  }
0x1d8: {  	s2 =	simm.s32 $0xFFFFFFFF;
	s3 =	simm.s32 $0xFFFFFFFF;
	s0 =	simm.s32 $0xC  }
.LBB3_28:
0x1d9: {  	s4 =	smov.u32 s3;
	s5 =	smov.u32 s2  }
0x1da: {  	s2 =	sshra.s32 s0, $0x2;
	p1 =	sne.s32 s0, $0x7C;
	s0 =	sadd.s32 $0x4, s0;
	(v2sf) =	vpush v0, $0x0  }
0x1db: {  	v0 =	vld.msk [tilespmem:s2+$0xA118], $0x1  }
.Ltmp27:
0x1dc: {  	(pc) =	sbr.rel @p1 .LBB3_28-.Ltmp27, $4  }
0x1dd: {  	s3 =	spop (v2sf)  }
0x1de: {  	p2 =	sne.s32 s5, $0xFFFFFFFF;
	s2 =	smov.u32 s3  }
0x1df: {  	p3 =	seq.s32 s3, $0xFFFFFFFF;
	s2 =	smov.u32 @p2 s5  }
0x1e0: {  	s3 =	smov.u32 @p3 s4;
	s2 =	smov.u32 @p3 s5  }
0x1e1: {  	(v2sf) =	vpush v0, $0x0;
	_ =	sdelay $0x8  }
0x1e2: {  	s0 =	spop (v2sf)  }
0x1e3: {  	p1 =	sne.s32 s2, $0xFFFFFFFF;
	s4 =	smov.u32 s0  }
0x1e4: {  	s9 =	simm.s32 $0x6;
	p2 =	seq.s32 s0, $0xFFFFFFFF;
	s4 =	smov.u32 @p1 s2  }
0x1e5: {  	s6 =	simm.s32 $0x0;
	s4 =	smov.u32 @p2 s2;
	s2 =	spop (v2sf)  }
0x1e6: {  	s0 =	smov.u32 @p2 s3;
	p1 =	sne.s32 s4, $0xFFFFFFFF;
	s5 =	smov.u32 s2  }
.Ltmp28:
0x1e7: {  	p2 =	seq.s32 s2, $0xFFFFFFFF;
	s5 =	smov.u32 @p1 s4;
	(pc) =	sbr.rel .LBB3_30-.Ltmp28, $4  }
0x1e8: {  	s10 =	simm.s32 $0xA0C8;
	s5 =	smov.u32 @p2 s4;
	s7 =	spop (v2sf)  }
0x1e9: {  	s11 =	simm.s32 $0x0;
	p1 =	sne.s32 s5, $0xFFFFFFFF;
	s8 =	smov.u32 s7  }
0x1ea: {  	s2 =	smov.u32 @p2 s0;
	p2 =	seq.s32 s7, $0xFFFFFFFF;
	s8 =	smov.u32 @p1 s5  }
0x1eb: {  	[sflag:s9] =	ssyncpa.u1 $0x0;
	s7 =	smov.u32 @p2 s2;
	s8 =	smov.u32 @p2 s5  }
.LBB3_36:
0x1ec: {  	p1 =	sgt.u32 s0, $0xC34F8  }
0x1ed: {  	p2 =	seq.s32 @!p1 s0, s8  }
0x1ee: {  	p1 =	por p1, p2  }
0x1ef: {  	p2 =	sne.s32 @!p1 s0, s7  }
0x1f0: {  	p1 =	por p1, !p2  }
0x1f1: {  	s0 =	sshll.u32 @p1 s11, $0x8  }
0x1f2: {  	s2 =	sand.u32 @!p1 $0xFFFF8, s0  }
0x1f3: {  	s0 =	sand.u32 @!p1 $0x7, s0;
	s2 =	sadd.s32 @!p1 s1, s2  }
0x1f4: {  	[tilespmem:s10], [sflag:$0x6] =	stream.linear.gather @!p1 [hbm4b:s2+s0], $0x40, $0x38;
	[tilespmem:$0x1EF88] =	vst v63  }
0x1f5: {  	_ =	swait.ge @!p1 [sflag:s9], $0x40  }
0x1f6: {  	[sflag:s9] =	ssyncset.done @!p1 $0x0  }
0x1f7: {  	[sflag:s9] =	ssyncadd.s32 @!p1 $0xFFFFFFC0  }
0x1f8: {  	v1 =	vld @!p1 [tilespmem:$0xA0C8];
	_ =	sdelay $0x2  }
0x1f9: {  	s0 =	sshll.u32 @!p1 s11, $0x8  }
0x1fa: {  	s2 =	sshrl.u32 @!p1 s0, $0x2  }
0x1fb: {  	[tilespmem:s2+$0xA138] =	vst.add.f32.msk @!p1 $0xffff, v1  }
0x1fc: {  	v1 =	vld @!p1 [tilespmem:$0xA0D8];
	_ =	sdelay $0x4  }
0x1fd: {  	[tilespmem:s2+$0xA148] =	vst.add.f32.msk @!p1 $0xffff, v1  }
0x1fe: {  	v1 =	vld @!p1 [tilespmem:$0xA0E8];
	_ =	sdelay $0x4  }
0x1ff: {  	[tilespmem:s2+$0xA158] =	vst.add.f32.msk @!p1 $0xffff, v1  }
0x200: {  	v1 =	vld @!p1 [tilespmem:$0xA0F8];
	_ =	sdelay $0x4  }
0x201: {  	[tilespmem:s2+$0xA168] =	vst.add.f32.msk @!p1 $0xffff, v1  }
0x202: {  	s0 =	sshrl.u32 s0, $0x2;
	[tilespmem:s6+$0xA118] =	vst.msk $0x1, v0  }
0x203: {  	v0 =	vld [tilespmem:s0+$0xA138];
	_ =	sdelay $0x2  }
0x204: {  	s31 =	sshll.u32 s6, $0x8  }
0x205: {  	s2 =	sshra.s32 s31, $0x2  }
0x206: {  	[tilespmem:s2+$0xA138] =	vst v0  }
0x207: {  	v0 =	vld [tilespmem:s0+$0xA148];
	_ =	sdelay $0x4  }
0x208: {  	[tilespmem:s2+$0xA148] =	vst v0  }
0x209: {  	v0 =	vld [tilespmem:s0+$0xA158];
	_ =	sdelay $0x4  }
0x20a: {  	[tilespmem:s2+$0xA158] =	vst v0  }
0x20b: {  	v0 =	vld [tilespmem:s0+$0xA168];
	_ =	sdelay $0x4  }
0x20c: {  	s6 =	sadd.s32 $0x1, s6;
	[tilespmem:s2+$0xA168] =	vst v0  }
.LBB3_37:
0x20d: {  	s11 =	sadd.s32 $0x1, s11  }
0x20e: {  	p1 =	sne.s32 s11, $0x20  }
.Ltmp29:
0x20f: {  	_ = 	snop;
	(pc) =	sbr.rel @!p1 .LBB3_38-.Ltmp29, $1  }
0x210: {  	_ =	sdelay $0x3  }
.LBB3_30:
0x211: {  	v0 =	vld.msk [tilespmem:s11+$0xA118], $0x1;
	_ =	sdelay $0x4  }
0x212: {  	(v2sf) =	vpush v0, $0x0;
	_ =	sdelay $0xe  }
0x213: {  	s0 =	spop (v2sf)  }
0x214: {  	p1 =	seq.s32 s0, $0xFFFFFFFF  }
.Ltmp30:
0x215: {  	_ = 	snop;
	(pc) =	sbr.rel @p1 .LBB3_37-.Ltmp30, $1  }
0x216: {  	_ =	sdelay $0x3  }
0x217: {  	p1 =	slt.s32 s6, $0x1  }
.Ltmp31:
0x218: {  	_ = 	snop;
	(pc) =	sbr.rel @p1 .LBB3_36-.Ltmp31, $1  }
0x219: {  	_ =	sdelay $0x3  }
0x21a: {  	s2 =	simm.s32 $0xA118;
	p1 =	por $0x0, $0x0  }
0x21b: {  	v1 =	vld.msk @!p1 [tilespmem:s2+$0x0], $0x1;
	_ =	sdelay $0x4  }
0x21c: {  	(v2sf) =	vpush @!p1 v1, $0x0;
	_ =	sdelay $0xd  }
0x21d: {  	p3 =	sne.s32 s6, $0x1  }
.Ltmp32:
0x21e: {  	s3 =	spop @!p1 (v2sf);
	(pc) =	sbr.rel @!p3 .LBB3_34-.Ltmp32, $4  }
0x21f: {  	p2 =	seq.s32 @!p1 s0, s3  }
0x220: {  	s3 =	simm.s32 $0x0;
	p2 =	por !p2, p1  }
0x221: {  	s5 =	simm.s32 $0xFFFFFFFF;
	s3 =	simm.s32 @p2 $0xFFFFFFFF  }
0x222: {  	s4 =	simm.s32 $0x1;
	s3 =	smov.u32 @p1 s5  }
.LBB3_33:
0x223: {  	s5 =	smov.u32 s3;
	p1 =	sne.s32 s3, $0xFFFFFFFF  }
0x224: {  	s2 =	sadd.s32 $0x1, s2;
	s3 =	smov.u32 s4;
	s4 =	sadd.s32 $0x1, s4  }
0x225: {  	p2 =	sne.s32 s6, s4;
	v1 =	vld.msk @!p1 [tilespmem:s2+$0x0], $0x1;
	_ =	sdelay $0x4  }
0x226: {  	(v2sf) =	vpush @!p1 v1, $0x0;
	_ =	sdelay $0xe  }
.Ltmp33:
0x227: {  	s12 =	spop @!p1 (v2sf);
	(pc) =	sbr.rel @p2 .LBB3_33-.Ltmp33, $4  }
0x228: {  	p3 =	seq.s32 @!p1 s0, s12  }
0x229: {  	p3 =	por !p3, p1  }
0x22a: {  	s3 =	simm.s32 @p3 $0xFFFFFFFF  }
0x22b: {  	s3 =	smov.u32 @p1 s5  }
.LBB3_34:
0x22c: {  	p1 =	seq.s32 s3, $0xFFFFFFFF  }
.Ltmp34:
0x22d: {  	_ = 	snop;
	(pc) =	sbr.rel @p1 .LBB3_36-.Ltmp34, $1  }
0x22e: {  	_ =	sdelay $0x3  }
0x22f: {  	s0 =	sshll.u32 s11, $0x6  }
0x230: {  	s0 =	sand.u32 $0x3FFFFFC0, s0  }
0x231: {  	v0 =	vld [tilespmem:s0+$0xA138];
	_ =	sdelay $0x2  }
0x232: {  	s2 =	sshll.u32 s3, $0x8  }
0x233: {  	s2 =	sshra.s32 s2, $0x2  }
0x234: {  	[tilespmem:s2+$0xA138] =	vst.add.f32.msk $0xffff, v0  }
0x235: {  	v0 =	vld [tilespmem:s0+$0xA148];
	_ =	sdelay $0x4  }
0x236: {  	[tilespmem:s2+$0xA148] =	vst.add.f32.msk $0xffff, v0  }
0x237: {  	v0 =	vld [tilespmem:s0+$0xA158];
	_ =	sdelay $0x4  }
0x238: {  	[tilespmem:s2+$0xA158] =	vst.add.f32.msk $0xffff, v0  }
0x239: {  	v0 =	vld [tilespmem:s0+$0xA168]  }
.Ltmp35:
0x23a: {  	_ = 	snop;
	(pc) =	sbr.rel .LBB3_37-.Ltmp35, $2  }
0x23b: {  	_ =	sdelay $0x2  }
0x23c: {  	[tilespmem:s2+$0xA168] =	vst.add.f32.msk $0xffff, v0  }
.LBB3_38:
0x23d: {  	s0 =	simm.s32 $0x6;
	p1 =	seq.s32 s6, $0x0  }
0x23e: {  	[sflag:s0] =	ssyncpa.u1 $0x1;
	v0 =	vimm.s32 @p1 $0xFFFFFFFF  }
0x23f: {  	s0 =	sadd.s32 $0xFFFFFFFF, s6;
	[tilespmem:$0xA938] =	vst @p1 v0  }
0x240: {  	v0 =	vld.msk @!p1 [tilespmem:s0+$0xA118], $0x1;
	_ =	sdelay $0x1  }
0x241: {  	v1 =	vld.msk @!p1 [tilespmem:$0xA118], $0x1;
	_ =	sdelay $0x2  }
0x242: {  	p2 =	seq.s32 @!p1 s0, $0x0;
	v0 =	vbroadcast @!p1 v0, $0x0  }
0x243: {  	vm0 =	vmmov @!p1 $0x1;
	p2 =	por !p2, p1  }
0x244: {  	v1 =	vnsel @!p1 vm0, $0xFFFFFFFF, v1;
	vm0 =	vcmask @!p1 $0x308;
	v0 =	vpsel !p2, $0xFFFFFFFF, v0  }
0x245: {  	p2 =	sne.s32 @!p1 s8, s7;
	v0 =	vsel @!p1 vm0, v1, v0  }
0x246: {  	s2 =	simm.s32 @!p1 $0xA138;
	s3 =	simm.s32 @!p1 $0x0;
	p3 =	por !p2, p1;
	[tilespmem:$0xA938] =	vst @!p1 v0  }
0x247: {  	[spmem:s3] =	stream.linear.scatter @!p1 [tilespmem:s2], [sflag:$0x1], $0x40, $0x38;
	[tilespmem:$0x1EF88] =	vst v63  }
0x248: {  	s2 =	sshll.u32 @!p3 s0, $0x8  }
0x249: {  	s2 =	sshra.s32 @!p3 s2, $0x2  }
0x24a: {  	s3 =	simm.s32 @!p3 $0x40;
	s2 =	sadd.s32 @!p3 $0xA138, s2  }
0x24b: {  	[spmem:s3] =	stream.linear.scatter @!p3 [tilespmem:s2], [sflag:$0x1], $0x40, $0x38;
	[tilespmem:$0x1EF88] =	vst v63  }
0x24c: {  	s2 =	simm.s32 @!p3 $0x1  }
0x24d: {  	_ =	swait.ge @!p3 [sflag:s2], $0x80  }
0x24e: {  	p1 =	por p2, p1;
	[sflag:s2] =	ssyncset.done @!p3 $0x0  }
0x24f: {  	[sflag:s2] =	ssyncadd.s32 @!p3 $0xFFFFFF80;
	s2 =	simm.s32 @!p1 $0x1  }
0x250: {  	_ =	swait.ge @!p1 [sflag:s2], $0x40  }
0x251: {  	s29 =	simm.s32 $0xA938;
	[sflag:s2] =	ssyncset.done @!p1 $0x0  }
0x252: {  	s30 =	simm.s32 $0x800;
	s31 =	simm.s32 $0x1;
	[sflag:s2] =	ssyncadd.s32 @!p1 $0xFFFFFFC0  }
0x253: {  	[spmem:s30] =	stream.linear.scatter [tilespmem:s29], [sflag:$0x1], $0x10, $0x38;
	[tilespmem:$0x1EF88] =	vst v63  }
0x254: {  	_ =	swait.ge [sflag:s31], $0x10  }
0x255: {  	[sflag:s31] =	ssyncset.done $0x0  }
0x256: {  	p1 =	seq.s32 s13, $0x0;
	s9 =	rddreg [dreg:$0x1];
	[sflag:s31] =	ssyncadd.s32 $0xFFFFFFF0  }
0x257: {  	s3 =	sshll.u32 @p1 s9, $0xE;
	s8 =	rddreg [dreg:$0x2]  }
0x258: {  	s2 =	sadd.s32 @p1 $0x15C3C, s3;
	s3 =	sshll.u32 @p1 s8, $0x11  }
0x259: {  	_ =	sfence.stream.spmem;
	s2 =	sor.u32 @p1 s3, s2  }
0x25a: {  	[sflag:s2] =	ssyncadd.remote.s32 @p1 $0x1;
	s2 =	simm.s32 @p1 $0x4  }
0x25b: {  	s4 =	simm.s32 @!p1 $0x3C;
	s3 =	sand.u32 $0xFFFFFFFE, s9;
	_ =	swait.ge @p1 [sflag:s2], $0x12  }
0x25c: {  	s5 =	simm.s32 @!p1 $0x0;
	s3 =	sadd.s32 @!p1 $0x4, s3;
	[sflag:s2] =	ssyncset.done @p1 $0x0  }
0x25d: {  	s7 =	simm.s32 @!p1 $0x80;
	[sflag:s2] =	ssyncadd.s32 @p1 $0xFFFFFFEE;
	s2 =	sshll.u32 @!p1 s3, $0x1A  }
0x25e: {  	s3 =	sshll.u32 @!p1 s3, $0xD;
	s2 =	sor.u32 @!p1 s2, s8;
	_ =	swait.eq @!p1 [sflag:s4], $0x1  }
0x25f: {  	s3 =	sor.u32 @!p1 $0x1C04, s3;
	s4 =	simm.s32 @!p1 $0x1C03;
	s2 =	sor.u32 @!p1 $0x80004000, s2  }
0x260: {  	[spmem:s7], [sflag:s3] =	dma.general @!p1 [spmem:s5], [sflag:s4], length:$0x10, [dreg:$0x0], stride_count:$0x0, ici_dest:s2, dma_misc:DstOpCode:WRITE  }
0x261: {  	p2 =	slt.s32 s0, $0x2;
	s5 =	simm.s32 @!p1 $0x100;
	s7 =	simm.s32 @!p1 $0x102  }
0x262: {  	[spmem:s7], [sflag:s3] =	dma.general @!p1 [spmem:s5], [sflag:s4], length:$0x2, [dreg:$0x0], stride_count:$0x0, ici_dest:s2, dma_misc:DstOpCode:WRITE  }
.Ltmp36:
0x263: {  	s2 =	simm.s32 @!p1 $0x3;
	(pc) =	sbr.rel @p2 .LBB3_42-.Ltmp36, $4  }
0x264: {  	s3 =	sshll.u32 @!p1 s9, $0xE;
	_ =	swait.ge @!p1 [sflag:s2], $0x12  }
0x265: {  	s4 =	sshll.u32 @!p1 s8, $0x11;
	s3 =	sadd.s32 @!p1 $0x11C3C, s3;
	[sflag:s2] =	ssyncset.done @!p1 $0x0  }
0x266: {  	[sflag:s2] =	ssyncadd.s32 @!p1 $0xFFFFFFEE;
	s2 =	sor.u32 @!p1 s4, s3  }
0x267: {  	s0 =	simm.s32 $0x0;
	[sflag:s2] =	ssyncadd.remote.s32 @!p1 $0xFFFFFFFF  }
0x268: {  	s0 =	simm.s32 $0xA119  }
0x269: {  	v0 =	vld.msk [tilespmem:s0+$0x0], $0x1;
	_ =	sdelay $0x4  }
0x26a: {  	(v2sf) =	vpush v0, $0x0;
	_ =	sdelay $0xc  }
0x26b: {  	s2 =	sadd.s32 $0xFFFFFFFE, s6  }
0x26c: {  	s2 =	sadd.s32 $0xFFFFFFFF, s2  }
0x26d: {  	p2 =	sne.s32 s2, $0x0;
	s3 =	spop (v2sf)  }
.Ltmp37:
0x26e: {  	p1 =	sgt.u32 s3, $0xC34F8;
	(pc) =	sbr.rel @!p2 .LBB3_41-.Ltmp37, $4  }
0x26f: {  	s5 =	simm.s32 $0x0;
	s4 =	sand.u32 @!p1 $0xFFFF8, s3  }
0x270: {  	s0 =	simm.s32 $0xA178;
	s3 =	sand.u32 @!p1 $0x7, s3;
	s4 =	sadd.s32 @!p1 s1, s4  }
0x271: {  	[hbm4b:s4+s3] =	stream.linear.scatter @!p1 [tilespmem:s0], [sflag:$0x5], $0x40, $0x38;
	[tilespmem:$0x1EF88] =	vst v63  }
0x272: {  	s5 =	simm.s32 @!p1 $0x100;
	s3 =	simm.s32 $0x0;
	s4 =	simm.s32 $0xA11A  }
.LBB3_40:
0x273: {  	v0 =	vld.msk [tilespmem:s4+$0x0], $0x1;
	s2 =	sadd.s32 $0xFFFFFFFF, s2;
	s3 =	sadd.s32 s3, s5  }
0x274: {  	p1 =	sne.s32 s2, $0x0;
	_ =	sdelay $0x3  }
0x275: {  	(v2sf) =	vpush v0, $0x0;
	_ =	sdelay $0xe  }
.Ltmp38:
0x276: {  	s6 =	spop (v2sf);
	(pc) =	sbr.rel @p1 .LBB3_40-.Ltmp38, $4  }
0x277: {  	s5 =	simm.s32 $0x0;
	p2 =	sgt.u32 s6, $0xC34F8  }
0x278: {  	s0 =	sadd.s32 $0x40, s0;
	s5 =	simm.s32 @!p2 $0x100;
	s7 =	sand.u32 @!p2 $0xFFFF8, s6  }
0x279: {  	s4 =	sadd.s32 $0x1, s4;
	s6 =	sand.u32 @!p2 $0x7, s6;
	s7 =	sadd.s32 @!p2 s1, s7  }
0x27a: {  	[hbm4b:s7+s6] =	stream.linear.scatter @!p2 [tilespmem:s0], [sflag:$0x5], $0x40, $0x38;
	[tilespmem:$0x1EF88] =	vst v63  }
.LBB3_41:
0x27b: {  	s0 =	sadd.s32 s3, s5  }
0x27c: {  	s0 =	sshrl.u32 s0, $0x2  }
.LBB3_42:
0x27d: {  	s2 =	simm.s32 $0x5  }
0x27e: {  	_ =	swait.ge [sflag:s2], s0  }
0x27f: {  	s31 =	ssub.s32 $0x0, s0;
	[sflag:s2] =	ssyncset.done $0x0  }
0x280: {  	[sflag:s2] =	ssyncadd.s32 s31  }
0x281: {  	[sflag:s2] =	ssyncpa.u1 $0x1  }
.LBB3_43:
0x282: {  	s0 =	sor.u32 s13, s14  }
0x283: {  	p1 =	sne.s32 s0, $0x0  }
.Ltmp39:
0x284: {  	_ = 	snop;
	(pc) =	sbr.rel @p1 .LBB3_58-.Ltmp39, $3  }
0x285: {  	_ =	sdelay $0x1  }
0x286: {  	[bflag:$0x0] =	sbarrier.arrive $0xFFFF  }
0x287: {  	_ =	sfence  }
0x288: {  	s0 =	simm.s32 $0x7  }
0x289: {  	s2 =	simm.s32 $0x800;
	s3 =	simm.s32 $0xA118;
	[sflag:s0] =	ssyncpa.u1 $0x0  }
0x28a: {  	[tilespmem:s3], [sflag:$0x7] =	stream.linear.gather [spmem:s2], $0x20, $0x38;
	[tilespmem:$0x1EF88] =	vst v63  }
0x28b: {  	s30 =	simm.s32 $0xA138;
	s2 =	simm.s32 $0x0  }
0x28c: {  	[tilespmem:s30], [sflag:$0x7] =	stream.linear.gather [spmem:s2], $0x800, $0x38;
	[tilespmem:$0x1EF88] =	vst v63  }
.Ltmp40:
0x28d: {  	_ = 	snop;
	(pc) =	sbr.rel .LBB3_45-.Ltmp40, $4  }
0x28e: {  	_ =	swait.ge [sflag:s0], $0x820  }
0x28f: {  	[sflag:s0] =	ssyncset.done $0x0  }
0x290: {  	s31 =	simm.s32 $0x8;
	[sflag:s0] =	ssyncadd.s32 $0xFFFFF7E0  }
0x291: {  	s3 =	simm.s32 $0x0;
	[sflag:s31] =	ssyncpa.u1 $0x0  }
.LBB3_51:
0x292: {  	p1 =	slt.u32 s0, $0xC34F9  }
0x293: {  	s4 =	sand.u32 @p1 $0xFFFF8, s0  }
0x294: {  	s0 =	sand.u32 @p1 $0x7, s0;
	s5 =	simm.s32 @p1 $0xA0C8;
	s4 =	sadd.s32 @p1 s1, s4  }
0x295: {  	[tilespmem:s5], [sflag:$0x8] =	stream.linear.gather @p1 [hbm4b:s4+s0], $0x40, $0x38;
	[tilespmem:$0x1EF88] =	vst v63  }
0x296: {  	s0 =	simm.s32 @p1 $0x8  }
0x297: {  	_ =	swait.ge @p1 [sflag:s0], $0x40  }
0x298: {  	[sflag:s0] =	ssyncset.done @p1 $0x0  }
0x299: {  	[sflag:s0] =	ssyncadd.s32 @p1 $0xFFFFFFC0  }
0x29a: {  	v1 =	vld @p1 [tilespmem:$0xA0C8];
	_ =	sdelay $0x2  }
0x29b: {  	s0 =	sshll.u32 @p1 s3, $0x8  }
0x29c: {  	s4 =	sshrl.u32 @p1 s0, $0x2  }
0x29d: {  	[tilespmem:s4+$0xA138] =	vst.add.f32.msk @p1 $0xffff, v1  }
0x29e: {  	v1 =	vld @p1 [tilespmem:$0xA0D8];
	_ =	sdelay $0x4  }
0x29f: {  	[tilespmem:s4+$0xA148] =	vst.add.f32.msk @p1 $0xffff, v1  }
0x2a0: {  	v1 =	vld @p1 [tilespmem:$0xA0E8];
	_ =	sdelay $0x4  }
0x2a1: {  	[tilespmem:s4+$0xA158] =	vst.add.f32.msk @p1 $0xffff, v1  }
0x2a2: {  	v1 =	vld @p1 [tilespmem:$0xA0F8];
	_ =	sdelay $0x3  }
0x2a3: {  	s5 =	sshll.u32 @!p1 s3, $0x8  }
0x2a4: {  	s5 =	smov.u32 @p1 s0;
	[tilespmem:s4+$0xA168] =	vst.add.f32.msk @p1 $0xffff, v1  }
0x2a5: {  	s0 =	sshrl.u32 s5, $0x2;
	[tilespmem:s2+$0xA118] =	vst.msk $0x1, v0  }
0x2a6: {  	v0 =	vld [tilespmem:s0+$0xA138];
	_ =	sdelay $0x2  }
0x2a7: {  	s31 =	sshll.u32 s2, $0x8  }
0x2a8: {  	s4 =	sshra.s32 s31, $0x2  }
0x2a9: {  	[tilespmem:s4+$0xA138] =	vst v0  }
0x2aa: {  	v0 =	vld [tilespmem:s0+$0xA148];
	_ =	sdelay $0x4  }
0x2ab: {  	[tilespmem:s4+$0xA148] =	vst v0  }
0x2ac: {  	v0 =	vld [tilespmem:s0+$0xA158];
	_ =	sdelay $0x4  }
0x2ad: {  	[tilespmem:s4+$0xA158] =	vst v0  }
0x2ae: {  	v0 =	vld [tilespmem:s0+$0xA168];
	_ =	sdelay $0x4  }
0x2af: {  	s2 =	sadd.s32 $0x1, s2;
	[tilespmem:s4+$0xA168] =	vst v0  }
.LBB3_52:
0x2b0: {  	s3 =	sadd.s32 $0x1, s3  }
0x2b1: {  	p1 =	sne.s32 s3, $0x20  }
.Ltmp41:
0x2b2: {  	_ = 	snop;
	(pc) =	sbr.rel @!p1 .LBB3_53-.Ltmp41, $1  }
0x2b3: {  	_ =	sdelay $0x3  }
.LBB3_45:
0x2b4: {  	v0 =	vld.msk [tilespmem:s3+$0xA118], $0x1;
	_ =	sdelay $0x4  }
0x2b5: {  	(v2sf) =	vpush v0, $0x0;
	_ =	sdelay $0xe  }
0x2b6: {  	s0 =	spop (v2sf)  }
0x2b7: {  	p1 =	seq.s32 s0, $0xFFFFFFFF  }
.Ltmp42:
0x2b8: {  	_ = 	snop;
	(pc) =	sbr.rel @p1 .LBB3_52-.Ltmp42, $1  }
0x2b9: {  	_ =	sdelay $0x3  }
0x2ba: {  	p1 =	slt.s32 s2, $0x1  }
.Ltmp43:
0x2bb: {  	_ = 	snop;
	(pc) =	sbr.rel @p1 .LBB3_51-.Ltmp43, $1  }
0x2bc: {  	_ =	sdelay $0x3  }
0x2bd: {  	s4 =	simm.s32 $0xA118;
	p1 =	por $0x0, $0x0  }
0x2be: {  	v1 =	vld.msk @!p1 [tilespmem:s4+$0x0], $0x1;
	_ =	sdelay $0x4  }
0x2bf: {  	(v2sf) =	vpush @!p1 v1, $0x0;
	_ =	sdelay $0xd  }
0x2c0: {  	p3 =	sne.s32 s2, $0x1  }
.Ltmp44:
0x2c1: {  	s5 =	spop @!p1 (v2sf);
	(pc) =	sbr.rel @!p3 .LBB3_49-.Ltmp44, $4  }
0x2c2: {  	p2 =	seq.s32 @!p1 s0, s5  }
0x2c3: {  	s5 =	simm.s32 $0x0;
	p2 =	por !p2, p1  }
0x2c4: {  	s7 =	simm.s32 $0xFFFFFFFF;
	s5 =	simm.s32 @p2 $0xFFFFFFFF  }
0x2c5: {  	s6 =	simm.s32 $0x1;
	s5 =	smov.u32 @p1 s7  }
.LBB3_48:
0x2c6: {  	s7 =	smov.u32 s5;
	p1 =	sne.s32 s5, $0xFFFFFFFF  }
0x2c7: {  	s4 =	sadd.s32 $0x1, s4;
	s5 =	smov.u32 s6;
	s6 =	sadd.s32 $0x1, s6  }
0x2c8: {  	p2 =	sne.s32 s2, s6;
	v1 =	vld.msk @!p1 [tilespmem:s4+$0x0], $0x1;
	_ =	sdelay $0x4  }
0x2c9: {  	(v2sf) =	vpush @!p1 v1, $0x0;
	_ =	sdelay $0xe  }
.Ltmp45:
0x2ca: {  	s8 =	spop @!p1 (v2sf);
	(pc) =	sbr.rel @p2 .LBB3_48-.Ltmp45, $4  }
0x2cb: {  	p3 =	seq.s32 @!p1 s0, s8  }
0x2cc: {  	p3 =	por !p3, p1  }
0x2cd: {  	s5 =	simm.s32 @p3 $0xFFFFFFFF  }
0x2ce: {  	s5 =	smov.u32 @p1 s7  }
.LBB3_49:
0x2cf: {  	p1 =	seq.s32 s5, $0xFFFFFFFF  }
.Ltmp46:
0x2d0: {  	_ = 	snop;
	(pc) =	sbr.rel @p1 .LBB3_51-.Ltmp46, $1  }
0x2d1: {  	_ =	sdelay $0x3  }
0x2d2: {  	s0 =	sshll.u32 s3, $0x6  }
0x2d3: {  	s0 =	sand.u32 $0x3FFFFFC0, s0  }
0x2d4: {  	v0 =	vld [tilespmem:s0+$0xA138];
	_ =	sdelay $0x2  }
0x2d5: {  	s4 =	sshll.u32 s5, $0x8  }
0x2d6: {  	s4 =	sshra.s32 s4, $0x2  }
0x2d7: {  	[tilespmem:s4+$0xA138] =	vst.add.f32.msk $0xffff, v0  }
0x2d8: {  	v0 =	vld [tilespmem:s0+$0xA148];
	_ =	sdelay $0x4  }
0x2d9: {  	[tilespmem:s4+$0xA148] =	vst.add.f32.msk $0xffff, v0  }
0x2da: {  	v0 =	vld [tilespmem:s0+$0xA158];
	_ =	sdelay $0x4  }
0x2db: {  	[tilespmem:s4+$0xA158] =	vst.add.f32.msk $0xffff, v0  }
0x2dc: {  	v0 =	vld [tilespmem:s0+$0xA168]  }
.Ltmp47:
0x2dd: {  	_ = 	snop;
	(pc) =	sbr.rel .LBB3_52-.Ltmp47, $2  }
0x2de: {  	_ =	sdelay $0x2  }
0x2df: {  	[tilespmem:s4+$0xA168] =	vst.add.f32.msk $0xffff, v0  }
.LBB3_53:
0x2e0: {  	p1 =	slt.s32 s2, $0x1  }
.Ltmp48:
0x2e1: {  	_ = 	snop;
	(pc) =	sbr.rel @p1 .LBB3_57-.Ltmp48, $3  }
0x2e2: {  	_ =	sdelay $0x1  }
0x2e3: {  	s0 =	simm.s32 $0x8  }
0x2e4: {  	[sflag:s0] =	ssyncpa.u1 $0x1;
	s0 =	simm.s32 $0x0  }
0x2e5: {  	s3 =	simm.s32 $0xA118  }
0x2e6: {  	v0 =	vld.msk [tilespmem:s3+$0x0], $0x1;
	_ =	sdelay $0x4  }
0x2e7: {  	(v2sf) =	vpush v0, $0x0;
	_ =	sdelay $0xe  }
0x2e8: {  	s2 =	sadd.s32 $0xFFFFFFFF, s2;
	s4 =	spop (v2sf)  }
0x2e9: {  	p2 =	sne.s32 s2, $0x0;
	p1 =	sgt.u32 s4, $0xC34F8  }
.Ltmp49:
0x2ea: {  	s5 =	sand.u32 @!p1 $0xFFFF8, s4;
	(pc) =	sbr.rel @!p2 .LBB3_56-.Ltmp49, $4  }
0x2eb: {  	s3 =	simm.s32 $0xA138;
	s4 =	sand.u32 @!p1 $0x7, s4;
	s5 =	sadd.s32 @!p1 s1, s5  }
0x2ec: {  	[hbm4b:s5+s4] =	stream.linear.scatter @!p1 [tilespmem:s3], [sflag:$0x7], $0x40, $0x38;
	[tilespmem:$0x1EF88] =	vst v63  }
0x2ed: {  	s5 =	simm.s32 $0x0  }
0x2ee: {  	s4 =	simm.s32 $0xA119;
	s5 =	simm.s32 @!p1 $0x100  }
.LBB3_55:
0x2ef: {  	v0 =	vld.msk [tilespmem:s4+$0x0], $0x1;
	s2 =	sadd.s32 $0xFFFFFFFF, s2;
	s0 =	sadd.s32 s0, s5  }
0x2f0: {  	p1 =	sne.s32 s2, $0x0;
	_ =	sdelay $0x3  }
0x2f1: {  	(v2sf) =	vpush v0, $0x0;
	_ =	sdelay $0xe  }
.Ltmp50:
0x2f2: {  	s6 =	spop (v2sf);
	(pc) =	sbr.rel @p1 .LBB3_55-.Ltmp50, $4  }
0x2f3: {  	s5 =	simm.s32 $0x0;
	p2 =	sgt.u32 s6, $0xC34F8  }
0x2f4: {  	s3 =	sadd.s32 $0x40, s3;
	s5 =	simm.s32 @!p2 $0x100;
	s7 =	sand.u32 @!p2 $0xFFFF8, s6  }
0x2f5: {  	s4 =	sadd.s32 $0x1, s4;
	s6 =	sand.u32 @!p2 $0x7, s6;
	s7 =	sadd.s32 @!p2 s1, s7  }
0x2f6: {  	[hbm4b:s7+s6] =	stream.linear.scatter @!p2 [tilespmem:s3], [sflag:$0x7], $0x40, $0x38;
	[tilespmem:$0x1EF88] =	vst v63  }
.LBB3_56:
0x2f7: {  	s0 =	sadd.s32 s0, s5  }
0x2f8: {  	s0 =	sshrl.u32 s0, $0x2  }
.LBB3_57:
0x2f9: {  	s1 =	simm.s32 $0x7  }
0x2fa: {  	_ =	swait.ge [sflag:s1], s0  }
0x2fb: {  	s31 =	ssub.s32 $0x0, s0;
	[sflag:s1] =	ssyncset.done $0x0  }
0x2fc: {  	[sflag:s1] =	ssyncadd.s32 s31  }
0x2fd: {  	[sflag:s1] =	ssyncpa.u1 $0x1  }
.LBB3_58:
0x2fe: {  	_ =	sfence;
	s0 =	simm.s32 $0x1  }
0x2ff: {  	[sflag:s0] =	ssyncpa.u1 $0x1  }
0x300: {  	_ =	strace $0x90000053  }
0x301: {  	[bflag:$0x2] =	sbarrier.arrive $0xFFFF  }
0x302: {  	s0 =	rddreg [dreg:$0x3]  }
0x303: {  	s0 =	sadd.s32 @!p0 $0x100000, s0  }
0x304: {  	[sflag:s0] =	ssyncadd.tile.s32 @!p0 $0x1;
	_ =	shalt  }
.Lfunc_end3:
_tile_overlayer_lowered:
.L_overlay_start_3:
0x305: {  	(tag) =	ssettag $0x3  }
0x306: {  	s0 =	rddreg [dreg:$0x0];
	s2 =	stileid.u32  }
0x307: {  	s1 =	rddreg [dreg:$0x1];
	p0 =	sne.s32 s2, $0x0  }
0x308: {  	s3 =	rddreg [dreg:$0x2];
	[bflag:$0x3] =	sbarrier.arrive $0xFFFF;
	s2 =	simm.s32 @!p0 $0x1C01  }
0x309: {  	[timem:s3], [sflag:s2] =	dma.local @!p0 [hbm:s0], s1  }
0x30a: {  	s0 =	simm.s32 @!p0 $0x1  }
0x30b: {  	_ =	swait.ge @!p0 [sflag:s0], s1  }
0x30c: {  	s1 =	ssub.s32 @!p0 $0x0, s1;
	[sflag:s0] =	ssyncset.done @!p0 $0x0  }
0x30d: {  	[sflag:s0] =	ssyncadd.s32 @!p0 s1  }
0x30e: {  	[bflag:$0x3] =	sbarrier.arrive $0xFFFF  }
0x30f: {  	_ =	shalt  }

// kernel: scatter_offload_async_start.2
scs
__scs_entry_jumppad:
0x0: {  	(pc) =	sbr.rel $0x88, $3  }
0x1: {  	(tag) =	ssettag $0x0;
	lr =	simm.s32 $0x1  }
0x2: {  	[smem:$0x3F51] =	sst lr;
	_ =	strace $0xD0000000  }
0x3: {  	_ = 	snop  }
0x4: {  	_ = 	snop  }
0x5: {  	_ = 	snop  }
0x6: {  	_ = 	snop  }
0x7: {  	_ = 	snop  }
__scs_overlays_trampoline_lowered:
0x8: {  	[smem:$0x3F60] =	sst s0  }
0x9: {  	[smem:$0x3F61] =	sst s1  }
0xa: {  	[smem:$0x3F62] =	sst s2  }
0xb: {  	[smem:$0x3F63] =	sst s3  }
0xc: {  	[smem:$0x3F64] =	sst s4  }
0xd: {  	[smem:$0x3F65] =	sst s5  }
0xe: {  	[smem:$0x3F66] =	sst s6  }
0xf: {  	[smem:$0x3F67] =	sst s7  }
0x10: {  	[smem:$0x3F68] =	sst s8  }
0x11: {  	[smem:$0x3F69] =	sst s9;
	s0 =	simm.s32 @!p0 $0x0  }
0x12: {  	s1 =	sld [smem:$0x3F4F];
	s0 =	simm.s32 @p0 $0x1  }
0x13: {  	[smem:$0x3F6A] =	sst s0;
	s0 =	simm.s32 @!p1 $0x0  }
0x14: {  	s2 =	sld [smem:$0x3F4E];
	s0 =	simm.s32 @p1 $0x1  }
0x15: {  	[smem:$0x3F6B] =	sst s0;
	s0 =	simm.s32 @!p2 $0x0  }
0x16: {  	s3 =	sld [smem:$0x3FDB];
	s0 =	simm.s32 @p2 $0x1  }
0x17: {  	s4 =	simm.s32 $0x1BF5;
	[smem:$0x3F6D] =	sst s0  }
0x18: {  	s0 =	sld [smem:$0x3F50];
	_ =	swait.ge [sflag:s4], $0x0  }
0x19: {  	s7 =	sld [smem:$0x3F51]  }
0x1a: {  	s8 =	sadd.s32 $0xFFFFE003, lr  }
0x1b: {  	s9 =	sadd.s32 $0xFFFFFEF7, lr;
	s5 =	simm.s32 $0xFFFFFFFF;
	p2 =	slt.u32 s8, $0xFFFFF086  }
0x1c: {  	p1 =	slt.u32 s9, $0xF7A;
	s5 =	simm.s32 @!p2 $0x0  }
0x1d: {  	s5 =	simm.s32 @p1 $0x1;
	p0 =	seq.s32 s7, s2  }
0x1e: {  	s7 =	smul.u32 @!p0 $0xF7A, s2;
	p2 =	seq.s32 @!p0 s5, $0x0  }
0x1f: {  	s9 =	smul.u32 $0xF7A, s1;
	s8 =	simm.s32 @!p0 $0x1BF5;
	p2 =	por !p2, p0  }
0x20: {  	[sflag:s8] =	ssyncset.s32 @!p0 $0xFFFFF086;
	s6 =	sadd.s32 @!p0 s3, s7;
	s7 =	simm.s32 @!p0 $0x108  }
0x21: {  	s3 =	sadd.s32 s3, s9;
	s6 =	sadd.s32 @!p0 $0x88, s6;
	s7 =	simm.s32 @p2 $0x1082  }
0x22: {  	[simem:s7], [sflag:s8] =	dma.local @!p0 [hbm:s6], $0xF7A  }
0x23: {  	s9 =	sor.u32 $0xD0000000, s2;
	s6 =	simm.s32 $0x108;
	_ =	swait.ge @!p0 [sflag:s8], $0x0  }
0x24: {  	s3 =	sadd.s32 $0x88, s3;
	s6 =	simm.s32 @!p1 $0x1082;
	[sflag:s4] =	ssyncset.s32 $0xFFFFF086  }
0x25: {  	[simem:s6], [sflag:s4] =	dma.local [hbm:s3], $0xF7A  }
0x26: {  	[smem:$0x3F51] =	sst s1;
	(tag) =	ssettag s2;
	_ =	strace s9  }
0x27: {  	s1 =	sld [smem:$0x3F61]  }
0x28: {  	s2 =	sld [smem:$0x3F62]  }
0x29: {  	s4 =	sld [smem:$0x3F64]  }
0x2a: {  	p0 =	seq.s32 s5, $0x0;
	s5 =	sld [smem:$0x3F65]  }
0x2b: {  	s6 =	sld [smem:$0x3F66]  }
0x2c: {  	s7 =	sld [smem:$0x3F67]  }
0x2d: {  	s3 =	simm.s32 $0x108;
	s8 =	sld [smem:$0x3F68]  }
0x2e: {  	s3 =	simm.s32 @!p0 $0x1082;
	s9 =	sld [smem:$0x3F69]  }
0x2f: {  	lr =	sadd.s32 s0, s3;
	s0 =	sld [smem:$0x3F60]  }
0x30: {  	s3 =	sld [smem:$0x3F63]  }
0x31: {  	[smem:$0x3F6C] =	sst s10  }
0x32: {  	s10 =	sld [smem:$0x3F6A];
	_ =	sdelay $0x3  }
0x33: {  	p0 =	seq.s32 s10, $0x1;
	s10 =	sld [smem:$0x3F6C];
	_ =	sdelay $0x3  }
0x34: {  	[smem:$0x3F6C] =	sst s10  }
0x35: {  	s10 =	sld [smem:$0x3F6B];
	_ =	sdelay $0x3  }
0x36: {  	p1 =	seq.s32 s10, $0x1;
	s10 =	sld [smem:$0x3F6C];
	_ =	sdelay $0x3  }
0x37: {  	[smem:$0x3F6C] =	sst s10  }
0x38: {  	s10 =	sld [smem:$0x3F6D]  }
0x39: {  	_ = 	snop;
	(pc) =	sbr.ind lr, $3  }
0x3a: {  	_ = 	snop  }
0x3b: {  	_ = 	snop  }
0x3c: {  	p2 =	seq.s32 s10, $0x1;
	s10 =	sld [smem:$0x3F6C]  }
0x3d: {  	_ =	shalt  }
0x3e: {  	_ =	shalt  }
0x3f: {  	_ =	shalt  }
0x40: {  	_ =	shalt  }
0x41: {  	_ =	shalt  }
0x42: {  	_ =	shalt  }
0x43: {  	_ =	shalt  }
0x44: {  	_ =	shalt  }
0x45: {  	_ =	shalt  }
0x46: {  	_ =	shalt  }
0x47: {  	_ =	shalt  }
0x48: {  	_ =	shalt  }
0x49: {  	_ =	shalt  }
0x4a: {  	_ =	shalt  }
0x4b: {  	_ =	shalt  }
0x4c: {  	_ =	shalt  }
0x4d: {  	_ =	shalt  }
0x4e: {  	_ =	shalt  }
0x4f: {  	_ =	shalt  }
0x50: {  	_ =	shalt  }
0x51: {  	_ =	shalt  }
0x52: {  	_ =	shalt  }
0x53: {  	_ =	shalt  }
0x54: {  	_ =	shalt  }
0x55: {  	_ =	shalt  }
0x56: {  	_ =	shalt  }
0x57: {  	_ =	shalt  }
0x58: {  	_ =	shalt  }
0x59: {  	_ =	shalt  }
0x5a: {  	_ =	shalt  }
0x5b: {  	_ =	shalt  }
0x5c: {  	_ =	shalt  }
0x5d: {  	_ =	shalt  }
0x5e: {  	_ =	shalt  }
0x5f: {  	_ =	shalt  }
0x60: {  	_ =	shalt  }
0x61: {  	_ =	shalt  }
0x62: {  	_ =	shalt  }
0x63: {  	_ =	shalt  }
0x64: {  	_ =	shalt  }
0x65: {  	_ =	shalt  }
0x66: {  	_ =	shalt  }
0x67: {  	_ =	shalt  }
0x68: {  	_ =	shalt  }
0x69: {  	_ =	shalt  }
0x6a: {  	_ =	shalt  }
0x6b: {  	_ =	shalt  }
0x6c: {  	_ =	shalt  }
0x6d: {  	_ =	shalt  }
0x6e: {  	_ =	shalt  }
0x6f: {  	_ =	shalt  }
0x70: {  	_ =	shalt  }
0x71: {  	_ =	shalt  }
0x72: {  	_ =	shalt  }
0x73: {  	_ =	shalt  }
0x74: {  	_ =	shalt  }
0x75: {  	_ =	shalt  }
0x76: {  	_ =	shalt  }
0x77: {  	_ =	shalt  }
0x78: {  	_ =	shalt  }
0x79: {  	_ =	shalt  }
0x7a: {  	_ =	shalt  }
0x7b: {  	_ =	shalt  }
0x7c: {  	_ =	shalt  }
0x7d: {  	_ =	shalt  }
0x7e: {  	_ =	shalt  }
0x7f: {  	_ =	shalt  }
0x80: {  	_ =	shalt  }
0x81: {  	_ =	shalt  }
0x82: {  	_ =	shalt  }
0x83: {  	_ =	shalt  }
0x84: {  	_ =	shalt  }
0x85: {  	_ =	shalt  }
0x86: {  	_ =	shalt  }
0x87: {  	_ =	shalt  }
.Lfunc_end0:
.L_simem_size_0:
called_computation.2_lowered:
.L_overlay_start_0:
0x88: {  	s0 =	sld [smem:$0x3FD9]  }
0x89: {  	s1 =	sld [smem:$0x3FFE];
	_ =	sdelay $0x3  }
0x8a: {  	s0 =	sadd.s32 s1, s0  }
0x8b: {  	[smem:$0x3F78] =	sst s0  }
0x8c: {  	_ = 	snop  }
0x8d: {  	(tm) =	ssettm $0x1  }
0x8e: {  	s15 =	sld [smem:$0x3FFB];
	_ =	sdelay $0x3  }
0x8f: {  	_ =	strace s15  }
0x90: {  	s0 =	sld [smem:$0x3FFC];
	_ =	sdelay $0x3  }
0x91: {  	_ =	strace s0  }
0x92: {  	s0 =	sld [smem:$0x3FFD];
	_ =	sdelay $0x3  }
0x93: {  	_ =	strace s0  }
0x94: {  	_ =	strace $0x8FFFFFFF  }
0x95: {  	s16 =	sld [smem:$0x3FDB];
	_ =	sdelay $0x1  }
0x96: {  	s17 =	simm.s32 $_scs_section_size  }
0x97: {  	s2 =	simm.s32 $_size__tile_overlayer_lowered;
	s3 =	simm.s32 $_tile_overlayer_lowered  }
0x98: {  	s20 =	simm.s32 $0x1BFF;
	s19 =	sshll.u32 s3, $0x1;
	s0 =	sadd.s32 s17, s16  }
0x99: {  	s4 =	simm.s32 $0x0;
	s18 =	sshll.u32 s2, $0x1;
	s2 =	sadd.s32 s19, s0  }
0x9a: {  	[timem:s4], [sflag:s20] =	dma.local [hbm:s2], s18  }
0x9b: {  	_ =	swait.ge [sflag:s20], s18  }
0x9c: {  	s1 =	ssub.s32 $0x0, s18;
	[sflag:s20] =	ssyncset.done $0x0  }
0x9d: {  	[sflag:s20] =	ssyncadd.s32 s1;
	_ =	sdelay $0x1  }
0x9e: {  	s21 =	simm.s32 $0x1B8B  }
0x9f: {  	_ =	swait.ge [sflag:s21], $0x1  }
0xa0: {  	[sflag:s21] =	ssyncset.done $0x0  }
0xa1: {  	s23 =	simm.s32 $0x1B8E;
	s22 =	sld [smem:$0x3FFE];
	[sflag:s21] =	ssyncadd.s32 $0xFFFFFFFF  }
0xa2: {  	s24 =	simm.s32 $execute0_lowered;
	[smem:$0x3FD2] =	sst s23  }
0xa3: {  	s2 =	sshll.u32 s24, $0x1;
	_ =	strace $0x80000058;
	[dreg:$0x1] =	wrdreg $0xFFFFFFFF  }
0xa4: {  	s25 =	simm.s32 $_size_execute0_lowered;
	s0 =	sadd.s32 s0, s2;
	[dreg:$0x0] =	wrdreg $0x0  }
0xa5: {  	s2 =	sshll.u32 s25, $0x1;
	[dreg:$0x2] =	wrdreg s0  }
0xa6: {  	[dreg:$0x3] =	wrdreg s2  }
0xa7: {  	[dreg:$0x4] =	wrdreg $0xC0  }
0xa8: {  	_ =	task [dreg:s4], $0x5FFFF  }
0xa9: {  	[dreg:$0x1] =	wrdreg $0xFFFFFFFF  }
0xaa: {  	[dreg:$0x0] =	wrdreg $0x60  }
0xab: {  	[dreg:$0x2] =	wrdreg s22  }
0xac: {  	[dreg:$0x3] =	wrdreg $0x9  }
0xad: {  	_ =	task.clear_ibuf [dreg:s4], $0x4FFFF;
	_ =	strace $0x90000058  }
0xae: {  	s26 =	simm.s32 $0x9;
	_ =	strace $0x8000005A  }
0xaf: {  	_ =	swait.ge [sflag:s26], $0x1  }
0xb0: {  	[sflag:s26] =	ssyncadd.s32 $0xFFFFFFFF  }
0xb1: {  	_ =	strace $0x9000005A  }
0xb2: {  	_ =	sfence  }
0xb3: {  	s28 =	sld [smem:$0x0];
	_ =	sdelay $0x1  }
0xb4: {  	s29 =	srdreg.scid  }
0xb5: {  	s30 =	sshll.u32 s29, $0xD;
	s31 =	sshrl.u32 s29, $0x2  }
0xb6: {  	s1 =	sand.u32 $0x1, s29;
	s2 =	sand.u32 $0x4000, s30;
	s0 =	sadd.s32 s31, s28  }
0xb7: {  	s1 =	sor.u32 s2, s1;
	s0 =	sshll.u32 s0, $0x11  }
0xb8: {  	s0 =	sor.u32 s0, s1  }
0xb9: {  	s0 =	sadd.s32 $0x8F2B, s0  }
0xba: {  	[sflag:s0] =	ssyncadd.remote.s32 $0x1  }
0xbb: {  	_ =	sfence.sel $0xFFFF  }
0xbc: {  	[dreg:$0x0] =	wrdreg $0xFFFFFFFF;
	(pc) =	sbr.abs _section_cstart, $3  }
0xbd: {  	[dreg:$0x1] =	wrdreg $0xFFFFFFFF  }
0xbe: {  	_ =	task.clear_ibuf [dreg:s4], $0x2FFFF;
	_ =	strace $0x9FFFFFFF  }
0xbf: {  	(tm) =	ssettm $0x7FFFFFFF  }
tec
execute0_lowered:
.L_overlay_start_1:
0x0: {  	(tag) =	ssettag $0x1  }
0x1: {  	s0 =	rddreg [dreg:$0x0];
	_ =	strace $0x80000059;
	s1 =	simm.s32 $0x1  }
0x2: {  	v1 =	vimm.s32 $0xFFFFFFFF;
	[sflag:s1] =	ssyncpa.u1 $0x0  }
0x3: {  	[tilespmem:$0x10] =	vst v1  }
0x4: {  	v0 =	vimm.f32 $0.0e+00;
	s6 =	stileid.u32;
	s29 =	simm.s32 $0x2;
	s7 =	simm.s32 $0x7;
	[tilespmem:$0x20] =	vst v1  }
0x5: {  	s8 =	simm.s32 $0x8;
	s30 =	simm.s32 $0x9;
	s16 =	simm.s32 $0x0;
	[tilespmem:$0x30] =	vst v0  }
0x6: {  	s17 =	simm.s32 $0xFFFFE000;
	s18 =	simm.s32 $0xF0;
	s19 =	simm.s32 $0xFFFFFFFF;
	[tilespmem:$0x40] =	vst v0  }
0x7: {  	s20 =	simm.s32 $0xFFFFC100;
	s21 =	simm.s32 $0xFFFFFFFE;
	s28 =	smul.u32 $0x6, s6;
	[tilespmem:$0x50] =	vst v0  }
0x8: {  	s22 =	simm.s32 $0xF;
	s26 =	simm.s32 $0x0;
	s2 =	smin.u32 s6, $0x4;
	[tilespmem:$0x60] =	vst v1  }
0x9: {  	p0 =	slt.u32 s6, $0x4;
	[tilespmem:$0x70] =	vst v1;
	s1 =	sadd.s32 s2, s28;
	s2 =	simm.s32 $0xE000  }
0xa: {  	s25 =	simm.s32 $0x0;
	[tilespmem:$0x80] =	vst v1;
	s3 =	sshll.u32 s1, $0xD;
	s2 =	simm.s32 @!p0 $0xC000  }
0xb: {  	s4 =	sadd.s32 $0x252000, s0;
	s11 =	sshll.u32 s6, $0x1;
	v1 =	vimm.s32 $0x0;
	[tilespmem:$0xB0] =	vst v0;
	s2 =	sadd.s32 s2, s3  }
0xc: {  	s14 =	sshllo.u32 s6, $0x1;
	s13 =	sor.u32 $0x81, s11;
	[tilespmem:$0x90] =	vst v1;
	s5 =	smin.u32 s2, $0xC8000  }
0xd: {  	s15 =	sor.u32 $0x80, s11;
	[tilespmem:$0xA0] =	vst v1;
	[sflag:s29] =	ssyncpa.u1 $0x0;
	s2 =	ssub.s32 s5, s3  }
.Ltmp0:
0xe: {  	s1 =	sadd.s32 $0xC0E00, s0;
	p0 =	sgt.s32 s2, $0x0;
	(pc) =	sbr.rel .LBB2_1-.Ltmp0, $4  }
0xf: {  	s0 =	sadd.s32 $0x26B000, s0;
	[sflag:s7] =	ssyncpa.u1 $0x0;
	s2 =	simm.s32 @!p0 $0x0  }
0x10: {  	[dreg:$0x2] =	wrdreg s0;
	[sflag:s8] =	ssyncpa.u1 $0x0;
	s9 =	sshrl.u32 s2, $0xD  }
0x11: {  	vm0 =	vmmov $0xffff;
	v2 =	vlaneseq.u32;
	s24 =	smov.u32 s3;
	[sflag:s30] =	ssyncpa.u1 $0x0;
	s31 =	sadd.s32 $0x1, s9  }
0x12: {  	vm1 =	vmxor vm1, vm1;
	vm2 =	vmmov $0x1;
	vm3 =	vcmask $0x3F3C;
	p0 =	por $0x0, $0x0;
	s12 =	sadd.s32 $0x2, s9;
	[dreg:$0x3] =	wrdreg s31  }
.LBB2_9:
0x13: {  	p1 =	slt.u32 s25, $0x3  }
0x14: {  	s0 =	simm.s32 @!p1 $0x2  }
0x15: {  	_ =	swait.ge @!p1 [sflag:s0], $0x2000  }
0x16: {  	[sflag:s0] =	ssyncset.done @!p1 $0x0  }
0x17: {  	[sflag:s0] =	ssyncadd.s32 @!p1 $0xFFFFE000;
	s0 =	simm.s32 @!p1 $0x9  }
0x18: {  	_ =	swait.ge @!p1 [sflag:s0], $0x10  }
0x19: {  	s2 =	sadd.s32 $0x2000, s24;
	[sflag:s0] =	ssyncset.done @!p1 $0x0  }
0x1a: {  	[sflag:s0] =	ssyncadd.s32 @!p1 $0xFFFFFFF0;
	p1 =	slt.s32 s2, s5;
	s0 =	smov.u32 s3  }
0x1b: {  	s0 =	smov.u32 @p1 s2;
	p1 =	sne.s32 s25, s12  }
.Ltmp1:
0x1c: {  	_ = 	snop;
	(pc) =	sbr.rel @!p1 .LBB2_10-.Ltmp1, $4  }
0x1d: {  	s31 =	sadd.s32 $0x1, s25  }
0x1e: {  	s17 =	sadd.s32 $0x2000, s17;
	s18 =	sadd.s32 $0x2000, s18;
	s19 =	sadd.s32 $0x1, s19  }
0x1f: {  	s26 =	smov.u32 s24;
	p0 =	por !p0, !p0;
	s20 =	sadd.s32 $0x2000, s20  }
0x20: {  	s21 =	sadd.s32 $0x1, s21;
	s25 =	smov.u32 s31;
	s24 =	smov.u32 s0  }
.LBB2_1:
0x21: {  	p1 =	sge.u32 s25, s9  }
0x22: {  	s0 =	smulhi.u32 @!p1 $0xAAAAAAAB, s25;
	_ =	sdelay $0x1  }
0x23: {  	s0 =	sshrl.u32 @!p1 s0, $0x1  }
0x24: {  	s0 =	smul.u32 @!p1 $0x3, s0;
	_ =	sdelay $0x1  }
0x25: {  	s0 =	ssub.s32 @!p1 s25, s0  }
0x26: {  	s2 =	sshrl.u32 @!p1 s24, $0x3;
	s0 =	sshll.u32 @!p1 s0, $0xD  }
0x27: {  	s6 =	sand.u32 @!p1 $0x7, s24;
	s2 =	sadd.s32 @!p1 s4, s2;
	s0 =	sor.u32 @!p1 $0x100, s0  }
0x28: {  	[tilespmem:s0], [sflag:$0x7] =	stream.linear.gather @!p1 [hbm4b:s2+s6], $0x2000, $0x38;
	[tilespmem:$0x12120] =	vst v63  }
0x29: {  	s2 =	sadd.s32 $0xFFFFFFFF, s25  }
0x2a: {  	p1 =	sge.u32 s2, s9  }
.Ltmp2:
0x2b: {  	_ = 	snop;
	(pc) =	sbr.rel @p1 .LBB2_5-.Ltmp2, $1  }
0x2c: {  	_ =	sdelay $0x3  }
0x2d: {  	s0 =	smulhi.u32 $0xAAAAAAAB, s2;
	_ =	sdelay $0x1  }
0x2e: {  	s0 =	sshrl.u32 s0, $0x1  }
0x2f: {  	s0 =	smul.u32 $0x3, s0;
	_ =	sdelay $0x1  }
0x30: {  	s0 =	ssub.s32 s2, s0  }
0x31: {  	_ =	swait.ge [sflag:s7], $0x2000;
	s0 =	sshll.u32 s0, $0xD  }
0x32: {  	[sflag:s7] =	ssyncset.done $0x0;
	s0 =	sor.u32 $0x100, s0  }
0x33: {  	[sflag:s7] =	ssyncadd.s32 $0xFFFFE000;
	(ifvalue) =	ssetifvalue $0xFFFFFFFF;
	v3 =	vld.msk [tilespmem:s0+$0x0 ss:$0x1], $0xffff;
	_ =	sdelay $0x2  }
0x34: {  	s29 =	smulhi.u32 $0xAAAAAAAB, s19;
	p1 =	sne.s32 s25, $0x1  }
0x35: {  	v4 =	vimm.s32 @!p1 $0x0  }
0x36: {  	s0 =	sshrl.u32 s29, $0x1;
	v4 =	vperm.xlane @!p1 v3, v4  }
0x37: {  	s6 =	sshll.u32 s25, $0x4;
	s0 =	smul.u32 $0xFFFE8000, s0;
	vm4 =	vlt.u32 v3, $0xC400  }
0x38: {  	s6 =	sand.u32 $0x10, s6;
	v3 =	vnsel vm4, $0xFFFFFFFE, v3;
	vm4 =	vlt.u32 @!p1 v4, $0xC400  }
0x39: {  	s0 =	sshra.s32 s0, $0x2;
	[tilespmem:s6+$0x60] =	vst v3;
	v3 =	vnsel @!p1 vm4, $0xFFFFFFFE, v4  }
0x3a: {  	s28 =	sadd.s32 s0, s18;
	[tilespmem:$0x80] =	vst @!p1 v3  }
0x3b: {  	v3 =	vld.msk [tilespmem:s28+$0x0 ss:$0x1], $0xffff;
	_ =	sdelay $0x4  }
0x3c: {  	(xrf1) =	vunique.msk.u32 $0xffff, v3;
	_ =	sdelay $0xd  }
0x3d: {  	v4 =	vimm.s32 $0xFFFFFFFF;
	v5, _, _ =	vpop (xrf1)  }
0x3e: {  	vm5 =	vne.s32 v3, v4;
	vm4 =	veq.s32 v5, v2  }
0x3f: {  	vm6 =	vlt.u32 v3, $0xC400;
	vm4 =	vmand vm5, vm4  }
0x40: {  	vm4 =	vmand vm6, vm4  }
0x41: {  	v4 =	vnsel vm4, $0xFFFFFFFF, v3;
	_ =	sdelay $0x2  }
0x42: {  	s30 =	sand.u32 $0x2000, s17  }
0x43: {  	s31 =	sshll.u32 s2, $0xD;
	s0 =	sor.u32 $0x80F0, s30;
	(ifvalue) =	ssetifvalue $0xFFFFFFFF  }
0x44: {  	v3 =	vperm.xlane v3, v1;
	[tilespmem:s0], [sflag:$0x8] =	stream.indirect_vreg.gather [hbm4b:s1+s16], $0x1, v4, vm0, $0x4038;
	v4 =	vnsel vm6, $0xFFFFFFFE, v4;
	[tilespmem:$0x12120] =	vst v63  }
0x45: {  	s23 =	simm.s32 $0x0;
	s2 =	sand.u32 $0x2000, s31;
	s6 =	sadd.s32 $0xFFFFFFF0, s28;
	[tilespmem:s28+$0x0] =	vst v4  }
.LBB2_3:
0x46: {  	v4 =	vld.msk [tilespmem:s6+$0x0 ss:$0x1], $0xffff;
	s23 =	sadd.s32 $0x10, s23;
	v5 =	vmov v3;
	s28 =	smov.u32 s6  }
0x47: {  	p1 =	slt.u32 s23, $0x1FF0;
	_ =	sdelay $0x4  }
0x48: {  	v3 =	vperm.xlane v4, v1;
	(xrf1) =	vunique.msk.u32 $0xffff, v4;
	_ =	sdelay $0xd  }
0x49: {  	v6, _, _ =	vpop (xrf1)  }
0x4a: {  	vm5 =	vne.s32 v4, v5;
	vm4 =	veq.s32 v6, v2  }
0x4b: {  	vm6 =	vlt.u32 v4, $0xC400;
	vm4 =	vmand vm5, vm4  }
0x4c: {  	vm4 =	vmand vm6, vm4  }
0x4d: {  	v4 =	vnsel vm4, $0xFFFFFFFF, v4  }
.Ltmp3:
0x4e: {  	v5 =	vnsel vm6, $0xFFFFFFFE, v4;
	(pc) =	sbr.rel @p1 .LBB2_3-.Ltmp3, $3  }
0x4f: {  	_ =	sdelay $0x1  }
0x50: {  	s6 =	sadd.s32 $0xFFFFFFF0, s6;
	s0 =	sadd.s32 $0xFFFFFFF0, s0;
	(ifvalue) =	ssetifvalue $0xFFFFFFFF  }
0x51: {  	[tilespmem:s0], [sflag:$0x8] =	stream.indirect_vreg.gather [hbm4b:s1+s16], $0x1, v4, vm0, $0x4038;
	[tilespmem:s28+$0x0] =	vst v5  }
0x52: {  	s0 =	sshrl.u32 s26, $0x3;
	s6 =	rddreg [dreg:$0x2]  }
0x53: {  	s2 =	sadd.s32 $0xA100, s2;
	s0 =	sadd.s32 s6, s0  }
0x54: {  	[tilespmem:s2], [sflag:$0x8] =	stream.linear.gather [hbm:s0], $0x2000, $0x38;
	[tilespmem:$0x12120] =	vst v63  }
.LBB2_5:
0x55: {  	p1 =	slt.u32 s25, $0x2  }
0x56: {  	p2 =	sge.u32 @!p1 s25, s12  }
0x57: {  	p1 =	por p1, p2  }
.Ltmp4:
0x58: {  	_ = 	snop;
	(pc) =	sbr.rel @p1 .LBB2_9-.Ltmp4, $1  }
0x59: {  	_ =	sdelay $0x3  }
0x5a: {  	s0 =	sadd.s32 $0xFFFFFFFE, s25  }
0x5b: {  	s2 =	smulhi.u32 $0xAAAAAAAB, s0;
	_ =	sdelay $0x1  }
0x5c: {  	s2 =	sshrl.u32 s2, $0x1  }
0x5d: {  	s2 =	smul.u32 $0x3, s2  }
0x5e: {  	_ =	swait.ge [sflag:s8], $0x4000  }
0x5f: {  	s6 =	rddreg [dreg:$0x3];
	s0 =	ssub.s32 s0, s2  }
0x60: {  	[sflag:s8] =	ssyncset.done $0x0;
	p1 =	sne.s32 s25, s6;
	s0 =	sshll.u32 s0, $0xD  }
0x61: {  	[sflag:s8] =	ssyncadd.s32 $0xFFFFC000;
	s2 =	sadd.s32 @!p1 $0x20FF, s0  }
0x62: {  	[spmem:s13] =	stream.linear.scatter @!p1 [tilespmem:s2], [sflag:$0x1], $0x1, $0x38;
	[tilespmem:$0x12120] =	vst v63  }
0x63: {  	s2 =	simm.s32 @!p1 $0x1  }
0x64: {  	_ =	swait.ge @!p1 [sflag:s2], $0x1  }
0x65: {  	s6 =	sshll.u32 s25, $0x4;
	[sflag:s2] =	ssyncset.done @!p1 $0x0  }
0x66: {  	s26 =	sand.u32 $0x10, s6;
	[sflag:s2] =	ssyncadd.s32 @!p1 $0xFFFFFFFF  }
0x67: {  	s2 =	sxor.u32 $0x10, s26;
	v4 =	vld [tilespmem:s26+$0x10]  }
0x68: {  	v5 =	vld [tilespmem:s2+$0x60]  }
0x69: {  	v3 =	vld [tilespmem:$0x80];
	_ =	sdelay $0x2  }
0x6a: {  	(v2sf) =	vpush v4, $0x0  }
0x6b: {  	(v2sf) =	vpush v5, $0x0  }
0x6c: {  	(v2sf) =	vpush v3, $0x0;
	_ =	sdelay $0xc  }
0x6d: {  	s10 =	spop (v2sf)  }
0x6e: {  	s23 =	spop (v2sf)  }
0x6f: {  	s29 =	spop (v2sf)  }
0x70: {  	p2 =	seq.s32 s10, s23;
	p3 =	seq.s32 s29, s10  }
0x71: {  	p3 =	por p2, p3  }
0x72: {  	v4 =	vpsel p3, $0xFFFFFFFF, v4  }
0x73: {  	s23 =	sand.u32 $0x1, s25;
	[tilespmem:s26+$0x10] =	vst.msk $0x1, v4  }
0x74: {  	s30 =	sshll.u32 s23, $0xD;
	v4 =	vld [tilespmem:$0x30]  }
0x75: {  	v5 =	vld [tilespmem:s30+$0xA100]  }
0x76: {  	v6 =	vld [tilespmem:s26+$0x40];
	_ =	sdelay $0x3  }
0x77: {  	vm4 =	vmmov vm1;
	v5 =	vadd.f32 v5, v4  }
0x78: {  	vm5 =	vmmov vm2;
	vm4 =	vmmov @p2 vm2;
	s6 =	sshll.u32 s23, $0x4;
	v4 =	vadd.f32 v6, v4  }
0x79: {  	s28 =	sor.u32 $0x12100, s6;
	vm5 =	vmmov @p3 vm1;
	[tilespmem:s30+$0xA100] =	vst.msk vm4, v5  }
0x7a: {  	[tilespmem:s28+$0x0] =	vst.msk vm5, v4  }
0x7b: {  	v4 =	vld [tilespmem:s30+$0x80F0];
	_ =	sdelay $0x3  }
0x7c: {  	v5 =	vimm.f32 $0.0e+00  }
0x7d: {  	v4 =	vshift.insert v4, v5, s22  }
0x7e: {  	s10 =	sor.u32 $0x40, s2  }
0x7f: {  	[tilespmem:s10+$0x0] =	vst.msk $0x1, v4  }
0x80: {  	[tilespmem:s30+$0x80FF] =	vst.msk $0x1, v5  }
0x81: {  	v4 =	vld [tilespmem:s0+$0x20F0];
	_ =	sdelay $0x1  }
0x82: {  	s23 =	smulhi.u32 $0xAAAAAAAB, s21;
	_ =	sdelay $0x1  }
0x83: {  	s6 =	simm.s32 $0x1;
	s0 =	sshrl.u32 s23, $0x1  }
0x84: {  	s6 =	simm.s32 @!p0 $0x0;
	s0 =	smul.u32 $0xFFFE8000, s0;
	v4 =	vshift.insert v4, v1, s22  }
0x85: {  	s6 =	sshll.u32 s6, $0xD  }
0x86: {  	s31 =	sadd.s32 $0xA100, s6;
	s0 =	sshra.s32 s0, $0x2;
	[tilespmem:s2+$0x10] =	vst.msk $0x1, v4  }
0x87: {  	s10 =	sadd.s32 s0, s20;
	v6 =	vld [tilespmem:s31+$0x0]  }
0x88: {  	v7 =	vld [tilespmem:s10+$0x0];
	_ =	sdelay $0x3  }
0x89: {  	v5 =	vadd.f32 v6, v5  }
0x8a: {  	vm4 =	vne.s32 v7, $0xFFFFFFFF  }
0x8b: {  	(xrf2) =	vadd.seg.scan.f32 vm4, v5;
	_ =	sdelay $0x3  }
0x8c: {  	s0 =	sadd.s32 $0x6100, s6;
	v5 =	vperm.xlane v4, v1  }
0x8d: {  	v6 =	vld [tilespmem:s0+$0x0]  }
0x8e: {  	vm5 =	veq.s32 v7, v3;
	vm6 =	veq.s32 v7, v5  }
0x8f: {  	vm7 =	vgt.u32 v7, $0xFFFFFFFD;
	vm6 =	vmor vm6, vm5  }
0x90: {  	vm6 =	vmor vm6, vm7  }
0x91: {  	v9 =	vld [tilespmem:$0xA0];
	v7 =	vsel vm6, $0xFFFFFFFF, v7  }
0x92: {  	v10 =	vld [tilespmem:$0x90];
	v6 =	vsel vm5, $0x0, v6;
	v8, _, _ =	vpop (xrf2)  }
0x93: {  	v6 =	vadd.f32 v8, v6  }
0x94: {  	s2 =	sadd.s32 $0xE100, s6  }
0x95: {  	vm4 =	vmand vm4, vm3;
	[tilespmem:s2+$0x0] =	vst v6;
	(ifvalue) =	ssetifvalue $0xFFFFFFFF  }
0x96: {  	vm6 =	veq.s32 v9, $0x1;
	[hbm4b:s1+s16] =	stream.indirect_vreg.scatter [tilespmem:s2], [sflag:$0x2], $0x1, v7, vm0, $0x4038;
	v7 =	vsel vm4, $0x0, v8;
	[tilespmem:$0x12120] =	vst v63  }
0x97: {  	s23 =	simm.s32 $0x0;
	s6 =	sadd.s32 $0x10, s10;
	vm4 =	vmor vm6, vm5;
	v6 =	vsel vm5, v8, v10;
	v7 =	vshift.insert v7, v0, s22  }
.LBB2_7:
0x98: {  	v8 =	vld [tilespmem:s6+$0x0];
	s31 =	sadd.s32 $0x10, s31  }
0x99: {  	s0 =	sadd.s32 $0x10, s0;
	v9 =	vld [tilespmem:s31+$0x0]  }
0x9a: {  	s23 =	sadd.s32 $0x10, s23;
	v10 =	vld [tilespmem:s0+$0x0]  }
0x9b: {  	p2 =	slt.u32 s23, $0x1FF0;
	_ =	sdelay $0x2  }
0x9c: {  	v7 =	vadd.f32 v9, v7  }
0x9d: {  	vm5 =	vne.s32 v8, $0xFFFFFFFF  }
0x9e: {  	vm6 =	vmand vm5, vm3;
	(xrf2) =	vadd.seg.scan.f32 vm5, v7;
	_ =	sdelay $0x5  }
0x9f: {  	vm7 =	veq.s32 v8, v5;
	vm5 =	veq.s32 v8, v3  }
0xa0: {  	vm8 =	vgt.u32 v8, $0xFFFFFFFD;
	vm4 =	vmor vm4, vm5;
	vm7 =	vmor vm7, vm5  }
0xa1: {  	vm7 =	vmor vm7, vm8  }
0xa2: {  	v8 =	vsel vm7, $0xFFFFFFFF, v8  }
.Ltmp5:
0xa3: {  	v7 =	vsel vm5, $0x0, v10;
	v9, _, _ =	vpop (xrf2);
	(pc) =	sbr.rel @p2 .LBB2_7-.Ltmp5, $4  }
0xa4: {  	v6 =	vsel vm5, v9, v6;
	v10 =	vadd.f32 v9, v7;
	v7 =	vsel vm6, $0x0, v9  }
0xa5: {  	s2 =	sadd.s32 $0x10, s2;
	v7 =	vshift.insert v7, v0, s22  }
0xa6: {  	s6 =	sadd.s32 $0x10, s6;
	[tilespmem:s2+$0x0] =	vst v10;
	(ifvalue) =	ssetifvalue $0xFFFFFFFF  }
0xa7: {  	[hbm4b:s1+s16] =	stream.indirect_vreg.scatter [tilespmem:s2], [sflag:$0x2], $0x1, v8, vm0, $0x4038;
	[tilespmem:$0x12120] =	vst v63  }
0xa8: {  	v3 =	vld [tilespmem:s30+$0x100F0];
	_ =	sdelay $0x4  }
0xa9: {  	v3 =	vshift.insert v3, v0, s22  }
0xaa: {  	s0 =	simm.s32 $0x30  }
0xab: {  	[tilespmem:s0+$0x0] =	vst.msk $0x1, v3  }
0xac: {  	v3 =	vsel vm4, $0x1, v1;
	[tilespmem:$0x90] =	vst v6  }
0xad: {  	s0 =	sadd.s32 @!p1 $0x100FF, s30;
	[tilespmem:$0xA0] =	vst v3  }
0xae: {  	[spmem:s14] =	stream.linear.scatter @!p1 [tilespmem:s0], [sflag:$0x1], $0x1, $0x38;
	[tilespmem:$0x12120] =	vst v63  }
0xaf: {  	s0 =	simm.s32 @!p1 $0x1  }
0xb0: {  	v3 =	vmctz.xlane @!p1 vm4;
	_ =	swait.ge @!p1 [sflag:s0], $0x1  }
0xb1: {  	(v2sf) =	vpush @!p1 v4, $0x0  }
0xb2: {  	(v2sf) =	vpush @!p1 v3, $0x0;
	_ =	sdelay $0xd  }
0xb3: {  	s2 =	spop @!p1 (v2sf)  }
0xb4: {  	s6 =	spop @!p1 (v2sf)  }
0xb5: {  	p2 =	sne.s32 @!p1 s29, s2;
	p3 =	slt.s32 @!p1 s6, $0xF  }
0xb6: {  	[sflag:s0] =	ssyncset.done @!p1 $0x0;
	p2 =	por p2, p1;
	p3 =	por !p3, p1  }
0xb7: {  	[sflag:s0] =	ssyncadd.s32 @!p1 $0xFFFFFFFF;
	v3 =	vimm.s32 @!p2 $0xFFFFFFFF;
	s6 =	simm.s32 @p3 $0xF  }
0xb8: {  	[tilespmem:$0x80] =	vst @!p2 v3;
	s2 =	sadd.s32 @!p1 $0x90, s6  }
0xb9: {  	[spmem:s11] =	stream.linear.scatter @!p1 [tilespmem:s2], [sflag:$0x1], $0x1, $0x38;
	[tilespmem:$0x12120] =	vst v63  }
0xba: {  	_ =	swait.ge @!p1 [sflag:s0], $0x1  }
0xbb: {  	[sflag:s0] =	ssyncset.done @!p1 $0x0  }
0xbc: {  	s2 =	simm.s32 @!p1 $0x80;
	[sflag:s0] =	ssyncadd.s32 @!p1 $0xFFFFFFFF  }
0xbd: {  	[spmem:s15] =	stream.linear.scatter @!p1 [tilespmem:s2], [sflag:$0x1], $0x1, $0x38;
	[tilespmem:$0x12120] =	vst v63  }
0xbe: {  	_ =	swait.ge @!p1 [sflag:s0], $0x1  }
0xbf: {  	[sflag:s0] =	ssyncset.done @!p1 $0x0  }
0xc0: {  	[sflag:s0] =	ssyncadd.s32 @!p1 $0xFFFFFFFF;
	(ifvalue) =	ssetifvalue $0xFFFFFFFF;
	v3 =	vld [tilespmem:s26+$0x10];
	_ =	sdelay $0x3  }
.Ltmp6:
0xc1: {  	_ = 	snop;
	(pc) =	sbr.rel .LBB2_9-.Ltmp6, $3  }
0xc2: {  	_ =	sdelay $0x1  }
0xc3: {  	(ifvalue) =	ssetifvalue $0xFFFFFFFF  }
0xc4: {  	[hbm4b:s1+s16] =	stream.indirect_vreg.scatter [tilespmem:s28], [sflag:$0x9], $0x1, v3, vm0, $0x4038;
	[tilespmem:$0x12120] =	vst v63  }
.LBB2_10:
0xc5: {  	_ =	sfence.sel $0x180000  }
0xc6: {  	s0 =	simm.s32 $0x7;
	[bflag:$0x0] =	sbarrier.arrive $0xFFFF  }
0xc7: {  	s26 =	simm.s32 $0x8;
	[sflag:s0] =	ssyncpa.u1 $0x1  }
0xc8: {  	s28 =	simm.s32 $0x9;
	[sflag:s26] =	ssyncpa.u1 $0x1  }
0xc9: {  	[sflag:s28] =	ssyncpa.u1 $0x1  }
0xca: {  	_ =	sfence.stream.spmem  }
0xcb: {  	s29 =	simm.s32 $0x3;
	[bflag:$0x0] =	sbarrier.arrive $0xFFFF  }
0xcc: {  	s30 =	simm.s32 $0x4;
	[sflag:s29] =	ssyncpa.u1 $0x1  }
0xcd: {  	s31 =	simm.s32 $0x3C;
	s2 =	stileid.u32;
	[sflag:s30] =	ssyncpa.u1 $0x1  }
0xce: {  	p0 =	sne.s32 s2, $0x0;
	[sflag:s31] =	ssyncpa.u1 $0x1  }
0xcf: {  	s0 =	simm.s32 @p0 $0x1;
	_ =	sfence @p0  }
0xd0: {  	[sflag:s0] =	ssyncpa.u1 @p0 $0x1;
	s0 =	simm.s32 @p0 $0x2  }
0xd1: {  	[sflag:s0] =	ssyncpa.u1 @p0 $0x1  }
0xd2: {  	_ =	strace @p0 $0x90000059  }
0xd3: {  	[bflag:$0x2] =	sbarrier.arrive @p0 $0xFFFF  }
0xd4: {  	_ =	shalt @p0  }
.LBB2_11:
0xd5: {  	_ =	sfence.stream.spmem;
	s0 =	simm.s32 $0x5  }
0xd6: {  	s2 =	simm.s32 $0x80;
	s3 =	simm.s32 $0xC0;
	[sflag:s0] =	ssyncpa.u1 $0x0  }
0xd7: {  	[tilespmem:s3], [sflag:$0x5] =	stream.linear.gather [spmem:s2], $0x20, $0x38;
	[tilespmem:$0x12120] =	vst v63  }
0xd8: {  	s2 =	simm.s32 $0x0;
	s3 =	simm.s32 $0xE0  }
0xd9: {  	[tilespmem:s3], [sflag:$0x5] =	stream.linear.gather [spmem:s2], $0x20, $0x38;
	[tilespmem:$0x12120] =	vst v63  }
.Ltmp7:
0xda: {  	_ = 	snop;
	(pc) =	sbr.rel .LBB2_12-.Ltmp7, $4  }
0xdb: {  	_ =	swait.ge [sflag:s0], $0x40  }
0xdc: {  	[sflag:s0] =	ssyncset.done $0x0  }
0xdd: {  	s31 =	simm.s32 $0x6;
	[sflag:s0] =	ssyncadd.s32 $0xFFFFFFC0  }
0xde: {  	s4 =	simm.s32 $0x0;
	[sflag:s31] =	ssyncpa.u1 $0x0  }
.LBB2_17:
0xdf: {  	p0 =	sgt.u32 s0, $0xC3FF  }
0xe0: {  	s5 =	sshrl.u32 @!p0 s0, $0x3  }
0xe1: {  	s0 =	sand.u32 @!p0 $0x7, s0;
	s6 =	simm.s32 @!p0 $0xB0;
	s5 =	sadd.s32 @!p0 s1, s5  }
0xe2: {  	[tilespmem:s6], [sflag:$0x6] =	stream.linear.gather @!p0 [hbm4b:s5+s0], $0x1, $0x38;
	[tilespmem:$0x12120] =	vst v63  }
0xe3: {  	s0 =	simm.s32 @!p0 $0x6  }
0xe4: {  	_ =	swait.ge @!p0 [sflag:s0], $0x1  }
0xe5: {  	[sflag:s0] =	ssyncset.done @!p0 $0x0  }
0xe6: {  	[sflag:s0] =	ssyncadd.s32 @!p0 $0xFFFFFFFF  }
0xe7: {  	v2 =	vmov @!p0 s4;
	v1 =	vld.msk @!p0 [tilespmem:$0xB0], $0x1;
	_ =	sdelay $0x3  }
0xe8: {  	s0 =	simm.s32 @!p0 $0xE0  }
0xe9: {  	[tilespmem:v2+s0+$0x0], v1 =	vst.idx.ret.add.f32.msk @!p0 $0x1, v1  }
0xea: {  	[tilespmem:s2+$0xC0] =	vst.msk $0x1, v0  }
0xeb: {  	v0 =	vld.msk [tilespmem:s4+$0xE0], $0x1;
	_ =	sdelay $0x4  }
0xec: {  	[tilespmem:s2+$0xE0] =	vst.msk $0x1, v0;
	s2 =	sadd.s32 $0x1, s2  }
.LBB2_19:
0xed: {  	s4 =	sadd.s32 $0x1, s4  }
0xee: {  	p0 =	sne.s32 s4, $0x20  }
.Ltmp8:
0xef: {  	_ = 	snop;
	(pc) =	sbr.rel @!p0 .LBB2_20-.Ltmp8, $1  }
0xf0: {  	_ =	sdelay $0x3  }
.LBB2_12:
0xf1: {  	v0 =	vld.msk [tilespmem:s4+$0xC0], $0x1;
	_ =	sdelay $0x4  }
0xf2: {  	(v2sf) =	vpush v0, $0x0;
	_ =	sdelay $0xe  }
0xf3: {  	s0 =	spop (v2sf)  }
0xf4: {  	p0 =	seq.s32 s0, $0xFFFFFFFF  }
.Ltmp9:
0xf5: {  	_ = 	snop;
	(pc) =	sbr.rel @p0 .LBB2_19-.Ltmp9, $1  }
0xf6: {  	_ =	sdelay $0x3  }
0xf7: {  	p0 =	slt.s32 s2, $0x1  }
.Ltmp10:
0xf8: {  	_ = 	snop;
	(pc) =	sbr.rel @p0 .LBB2_17-.Ltmp10, $1  }
0xf9: {  	_ =	sdelay $0x3  }
0xfa: {  	s5 =	simm.s32 $0xC0;
	p0 =	por $0x0, $0x0  }
0xfb: {  	v1 =	vld.msk @!p0 [tilespmem:s5+$0x0], $0x1;
	_ =	sdelay $0x4  }
0xfc: {  	(v2sf) =	vpush @!p0 v1, $0x0;
	_ =	sdelay $0xd  }
0xfd: {  	p2 =	sne.s32 s2, $0x1  }
.Ltmp11:
0xfe: {  	s6 =	spop @!p0 (v2sf);
	(pc) =	sbr.rel @!p2 .LBB2_16-.Ltmp11, $4  }
0xff: {  	p1 =	seq.s32 @!p0 s0, s6  }
0x100: {  	s6 =	simm.s32 $0x0;
	p1 =	por !p1, p0  }
0x101: {  	s8 =	simm.s32 $0xFFFFFFFF;
	s6 =	simm.s32 @p1 $0xFFFFFFFF  }
0x102: {  	s7 =	simm.s32 $0x1;
	s6 =	smov.u32 @p0 s8  }
.LBB2_15:
0x103: {  	s8 =	smov.u32 s6;
	p0 =	sne.s32 s6, $0xFFFFFFFF  }
0x104: {  	s5 =	sadd.s32 $0x1, s5;
	s6 =	smov.u32 s7;
	s7 =	sadd.s32 $0x1, s7  }
0x105: {  	p1 =	sne.s32 s2, s7;
	v1 =	vld.msk @!p0 [tilespmem:s5+$0x0], $0x1;
	_ =	sdelay $0x4  }
0x106: {  	(v2sf) =	vpush @!p0 v1, $0x0;
	_ =	sdelay $0xe  }
.Ltmp12:
0x107: {  	s9 =	spop @!p0 (v2sf);
	(pc) =	sbr.rel @p1 .LBB2_15-.Ltmp12, $4  }
0x108: {  	p2 =	seq.s32 @!p0 s0, s9  }
0x109: {  	p2 =	por !p2, p0  }
0x10a: {  	s6 =	simm.s32 @p2 $0xFFFFFFFF  }
0x10b: {  	s6 =	smov.u32 @p0 s8  }
.LBB2_16:
0x10c: {  	p0 =	sne.s32 s6, $0xFFFFFFFF  }
.Ltmp13:
0x10d: {  	_ = 	snop;
	(pc) =	sbr.rel @!p0 .LBB2_17-.Ltmp13, $1  }
0x10e: {  	_ =	sdelay $0x3  }
0x10f: {  	v0 =	vld.msk [tilespmem:s4+$0xE0], $0x1;
	v1 =	vmov s6  }
.Ltmp14:
0x110: {  	_ = 	snop;
	(pc) =	sbr.rel .LBB2_19-.Ltmp14, $2  }
0x111: {  	_ =	sdelay $0x2  }
0x112: {  	[tilespmem:v1+s3+$0x0], v0 =	vst.idx.ret.add.f32.msk $0x1, v0  }
.LBB2_20:
0x113: {  	p0 =	slt.s32 s2, $0x1  }
.Ltmp15:
0x114: {  	_ = 	snop;
	(pc) =	sbr.rel @p0 .LBB2_24-.Ltmp15, $3  }
0x115: {  	_ =	sdelay $0x1  }
0x116: {  	s0 =	simm.s32 $0x6  }
0x117: {  	[sflag:s0] =	ssyncpa.u1 $0x1;
	s0 =	simm.s32 $0x0  }
0x118: {  	s3 =	simm.s32 $0xC0  }
0x119: {  	v0 =	vld.msk [tilespmem:s3+$0x0], $0x1;
	_ =	sdelay $0x4  }
0x11a: {  	(v2sf) =	vpush v0, $0x0;
	_ =	sdelay $0xe  }
0x11b: {  	s2 =	sadd.s32 $0xFFFFFFFF, s2;
	s4 =	spop (v2sf)  }
0x11c: {  	p1 =	sne.s32 s2, $0x0;
	p0 =	sgt.u32 s4, $0xC3FF  }
.Ltmp16:
0x11d: {  	s5 =	sshrl.u32 @!p0 s4, $0x3;
	(pc) =	sbr.rel @!p1 .LBB2_23-.Ltmp16, $4  }
0x11e: {  	s3 =	simm.s32 $0xE0;
	s4 =	sand.u32 @!p0 $0x7, s4;
	s5 =	sadd.s32 @!p0 s1, s5  }
0x11f: {  	[hbm4b:s5+s4] =	stream.linear.scatter @!p0 [tilespmem:s3], [sflag:$0x5], $0x1, $0x38;
	[tilespmem:$0x12120] =	vst v63  }
0x120: {  	s5 =	simm.s32 $0x0  }
0x121: {  	s4 =	simm.s32 $0xC1;
	s5 =	simm.s32 @!p0 $0x4  }
.LBB2_22:
0x122: {  	v0 =	vld.msk [tilespmem:s4+$0x0], $0x1;
	s2 =	sadd.s32 $0xFFFFFFFF, s2;
	s0 =	sadd.s32 s0, s5  }
0x123: {  	p0 =	sne.s32 s2, $0x0;
	_ =	sdelay $0x3  }
0x124: {  	(v2sf) =	vpush v0, $0x0;
	_ =	sdelay $0xe  }
.Ltmp17:
0x125: {  	s6 =	spop (v2sf);
	(pc) =	sbr.rel @p0 .LBB2_22-.Ltmp17, $4  }
0x126: {  	s5 =	simm.s32 $0x0;
	p1 =	sgt.u32 s6, $0xC3FF  }
0x127: {  	s3 =	sadd.s32 $0x1, s3;
	s5 =	simm.s32 @!p1 $0x4;
	s7 =	sshrl.u32 @!p1 s6, $0x3  }
0x128: {  	s4 =	sadd.s32 $0x1, s4;
	s6 =	sand.u32 @!p1 $0x7, s6;
	s7 =	sadd.s32 @!p1 s1, s7  }
0x129: {  	[hbm4b:s7+s6] =	stream.linear.scatter @!p1 [tilespmem:s3], [sflag:$0x5], $0x1, $0x38;
	[tilespmem:$0x12120] =	vst v63  }
.LBB2_23:
0x12a: {  	s0 =	sadd.s32 s0, s5  }
0x12b: {  	s0 =	sshrl.u32 s0, $0x2  }
.LBB2_24:
0x12c: {  	s1 =	simm.s32 $0x5  }
0x12d: {  	_ =	swait.ge [sflag:s1], s0  }
0x12e: {  	s28 =	ssub.s32 $0x0, s0;
	[sflag:s1] =	ssyncset.done $0x0  }
0x12f: {  	[sflag:s1] =	ssyncadd.s32 s28  }
0x130: {  	[sflag:s1] =	ssyncpa.u1 $0x1  }
0x131: {  	s29 =	simm.s32 $0x1;
	_ =	sfence  }
0x132: {  	s30 =	simm.s32 $0x2;
	[sflag:s29] =	ssyncpa.u1 $0x1  }
0x133: {  	[sflag:s30] =	ssyncpa.u1 $0x1  }
0x134: {  	_ =	strace $0x90000059  }
0x135: {  	[bflag:$0x2] =	sbarrier.arrive $0xFFFF  }
0x136: {  	s31 =	rddreg [dreg:$0x1]  }
0x137: {  	s0 =	sadd.s32 $0x100000, s31  }
0x138: {  	[sflag:s0] =	ssyncadd.tile.s32 $0x1;
	_ =	shalt  }
.Lfunc_end2:
_tile_overlayer_lowered:
.L_overlay_start_2:
0x139: {  	(tag) =	ssettag $0x2  }
0x13a: {  	s0 =	rddreg [dreg:$0x0];
	s2 =	stileid.u32  }
0x13b: {  	s1 =	rddreg [dreg:$0x1];
	p0 =	sne.s32 s2, $0x0  }
0x13c: {  	s3 =	rddreg [dreg:$0x2];
	[bflag:$0x3] =	sbarrier.arrive $0xFFFF;
	s2 =	simm.s32 @!p0 $0x1C01  }
0x13d: {  	[timem:s3], [sflag:s2] =	dma.local @!p0 [hbm:s0], s1  }
0x13e: {  	s0 =	simm.s32 @!p0 $0x1  }
0x13f: {  	_ =	swait.ge @!p0 [sflag:s0], s1  }
0x140: {  	s1 =	ssub.s32 @!p0 $0x0, s1;
	[sflag:s0] =	ssyncset.done @!p0 $0x0  }
0x141: {  	[sflag:s0] =	ssyncadd.s32 @!p0 s1  }
0x142: {  	[bflag:$0x3] =	sbarrier.arrive $0xFFFF  }
0x143: {  	_ =	shalt  }

// kernel: scatter_offload_async_start.3
scs
__scs_entry_jumppad:
0x0: {  	(pc) =	sbr.rel $0x88, $3  }
0x1: {  	(tag) =	ssettag $0x0;
	lr =	simm.s32 $0x1  }
0x2: {  	[smem:$0x3F51] =	sst lr;
	_ =	strace $0xD0000000  }
0x3: {  	_ = 	snop  }
0x4: {  	_ = 	snop  }
0x5: {  	_ = 	snop  }
0x6: {  	_ = 	snop  }
0x7: {  	_ = 	snop  }
__scs_overlays_trampoline_lowered:
0x8: {  	[smem:$0x3F60] =	sst s0  }
0x9: {  	[smem:$0x3F61] =	sst s1  }
0xa: {  	[smem:$0x3F62] =	sst s2  }
0xb: {  	[smem:$0x3F63] =	sst s3  }
0xc: {  	[smem:$0x3F64] =	sst s4  }
0xd: {  	[smem:$0x3F65] =	sst s5  }
0xe: {  	[smem:$0x3F66] =	sst s6  }
0xf: {  	[smem:$0x3F67] =	sst s7  }
0x10: {  	[smem:$0x3F68] =	sst s8  }
0x11: {  	[smem:$0x3F69] =	sst s9;
	s0 =	simm.s32 @!p0 $0x0  }
0x12: {  	s1 =	sld [smem:$0x3F4F];
	s0 =	simm.s32 @p0 $0x1  }
0x13: {  	[smem:$0x3F6A] =	sst s0;
	s0 =	simm.s32 @!p1 $0x0  }
0x14: {  	s2 =	sld [smem:$0x3F4E];
	s0 =	simm.s32 @p1 $0x1  }
0x15: {  	[smem:$0x3F6B] =	sst s0;
	s0 =	simm.s32 @!p2 $0x0  }
0x16: {  	s3 =	sld [smem:$0x3FDB];
	s0 =	simm.s32 @p2 $0x1  }
0x17: {  	s4 =	simm.s32 $0x1BF5;
	[smem:$0x3F6D] =	sst s0  }
0x18: {  	s0 =	sld [smem:$0x3F50];
	_ =	swait.ge [sflag:s4], $0x0  }
0x19: {  	s7 =	sld [smem:$0x3F51]  }
0x1a: {  	s8 =	sadd.s32 $0xFFFFE003, lr  }
0x1b: {  	s9 =	sadd.s32 $0xFFFFFEF7, lr;
	s5 =	simm.s32 $0xFFFFFFFF;
	p2 =	slt.u32 s8, $0xFFFFF086  }
0x1c: {  	p1 =	slt.u32 s9, $0xF7A;
	s5 =	simm.s32 @!p2 $0x0  }
0x1d: {  	s5 =	simm.s32 @p1 $0x1;
	p0 =	seq.s32 s7, s2  }
0x1e: {  	s7 =	smul.u32 @!p0 $0xF7A, s2;
	p2 =	seq.s32 @!p0 s5, $0x0  }
0x1f: {  	s9 =	smul.u32 $0xF7A, s1;
	s8 =	simm.s32 @!p0 $0x1BF5;
	p2 =	por !p2, p0  }
0x20: {  	[sflag:s8] =	ssyncset.s32 @!p0 $0xFFFFF086;
	s6 =	sadd.s32 @!p0 s3, s7;
	s7 =	simm.s32 @!p0 $0x108  }
0x21: {  	s3 =	sadd.s32 s3, s9;
	s6 =	sadd.s32 @!p0 $0x88, s6;
	s7 =	simm.s32 @p2 $0x1082  }
0x22: {  	[simem:s7], [sflag:s8] =	dma.local @!p0 [hbm:s6], $0xF7A  }
0x23: {  	s9 =	sor.u32 $0xD0000000, s2;
	s6 =	simm.s32 $0x108;
	_ =	swait.ge @!p0 [sflag:s8], $0x0  }
0x24: {  	s3 =	sadd.s32 $0x88, s3;
	s6 =	simm.s32 @!p1 $0x1082;
	[sflag:s4] =	ssyncset.s32 $0xFFFFF086  }
0x25: {  	[simem:s6], [sflag:s4] =	dma.local [hbm:s3], $0xF7A  }
0x26: {  	[smem:$0x3F51] =	sst s1;
	(tag) =	ssettag s2;
	_ =	strace s9  }
0x27: {  	s1 =	sld [smem:$0x3F61]  }
0x28: {  	s2 =	sld [smem:$0x3F62]  }
0x29: {  	s4 =	sld [smem:$0x3F64]  }
0x2a: {  	p0 =	seq.s32 s5, $0x0;
	s5 =	sld [smem:$0x3F65]  }
0x2b: {  	s6 =	sld [smem:$0x3F66]  }
0x2c: {  	s7 =	sld [smem:$0x3F67]  }
0x2d: {  	s3 =	simm.s32 $0x108;
	s8 =	sld [smem:$0x3F68]  }
0x2e: {  	s3 =	simm.s32 @!p0 $0x1082;
	s9 =	sld [smem:$0x3F69]  }
0x2f: {  	lr =	sadd.s32 s0, s3;
	s0 =	sld [smem:$0x3F60]  }
0x30: {  	s3 =	sld [smem:$0x3F63]  }
0x31: {  	[smem:$0x3F6C] =	sst s10  }
0x32: {  	s10 =	sld [smem:$0x3F6A];
	_ =	sdelay $0x3  }
0x33: {  	p0 =	seq.s32 s10, $0x1;
	s10 =	sld [smem:$0x3F6C];
	_ =	sdelay $0x3  }
0x34: {  	[smem:$0x3F6C] =	sst s10  }
0x35: {  	s10 =	sld [smem:$0x3F6B];
	_ =	sdelay $0x3  }
0x36: {  	p1 =	seq.s32 s10, $0x1;
	s10 =	sld [smem:$0x3F6C];
	_ =	sdelay $0x3  }
0x37: {  	[smem:$0x3F6C] =	sst s10  }
0x38: {  	s10 =	sld [smem:$0x3F6D]  }
0x39: {  	_ = 	snop;
	(pc) =	sbr.ind lr, $3  }
0x3a: {  	_ = 	snop  }
0x3b: {  	_ = 	snop  }
0x3c: {  	p2 =	seq.s32 s10, $0x1;
	s10 =	sld [smem:$0x3F6C]  }
0x3d: {  	_ =	shalt  }
0x3e: {  	_ =	shalt  }
0x3f: {  	_ =	shalt  }
0x40: {  	_ =	shalt  }
0x41: {  	_ =	shalt  }
0x42: {  	_ =	shalt  }
0x43: {  	_ =	shalt  }
0x44: {  	_ =	shalt  }
0x45: {  	_ =	shalt  }
0x46: {  	_ =	shalt  }
0x47: {  	_ =	shalt  }
0x48: {  	_ =	shalt  }
0x49: {  	_ =	shalt  }
0x4a: {  	_ =	shalt  }
0x4b: {  	_ =	shalt  }
0x4c: {  	_ =	shalt  }
0x4d: {  	_ =	shalt  }
0x4e: {  	_ =	shalt  }
0x4f: {  	_ =	shalt  }
0x50: {  	_ =	shalt  }
0x51: {  	_ =	shalt  }
0x52: {  	_ =	shalt  }
0x53: {  	_ =	shalt  }
0x54: {  	_ =	shalt  }
0x55: {  	_ =	shalt  }
0x56: {  	_ =	shalt  }
0x57: {  	_ =	shalt  }
0x58: {  	_ =	shalt  }
0x59: {  	_ =	shalt  }
0x5a: {  	_ =	shalt  }
0x5b: {  	_ =	shalt  }
0x5c: {  	_ =	shalt  }
0x5d: {  	_ =	shalt  }
0x5e: {  	_ =	shalt  }
0x5f: {  	_ =	shalt  }
0x60: {  	_ =	shalt  }
0x61: {  	_ =	shalt  }
0x62: {  	_ =	shalt  }
0x63: {  	_ =	shalt  }
0x64: {  	_ =	shalt  }
0x65: {  	_ =	shalt  }
0x66: {  	_ =	shalt  }
0x67: {  	_ =	shalt  }
0x68: {  	_ =	shalt  }
0x69: {  	_ =	shalt  }
0x6a: {  	_ =	shalt  }
0x6b: {  	_ =	shalt  }
0x6c: {  	_ =	shalt  }
0x6d: {  	_ =	shalt  }
0x6e: {  	_ =	shalt  }
0x6f: {  	_ =	shalt  }
0x70: {  	_ =	shalt  }
0x71: {  	_ =	shalt  }
0x72: {  	_ =	shalt  }
0x73: {  	_ =	shalt  }
0x74: {  	_ =	shalt  }
0x75: {  	_ =	shalt  }
0x76: {  	_ =	shalt  }
0x77: {  	_ =	shalt  }
0x78: {  	_ =	shalt  }
0x79: {  	_ =	shalt  }
0x7a: {  	_ =	shalt  }
0x7b: {  	_ =	shalt  }
0x7c: {  	_ =	shalt  }
0x7d: {  	_ =	shalt  }
0x7e: {  	_ =	shalt  }
0x7f: {  	_ =	shalt  }
0x80: {  	_ =	shalt  }
0x81: {  	_ =	shalt  }
0x82: {  	_ =	shalt  }
0x83: {  	_ =	shalt  }
0x84: {  	_ =	shalt  }
0x85: {  	_ =	shalt  }
0x86: {  	_ =	shalt  }
0x87: {  	_ =	shalt  }
.Lfunc_end0:
.L_simem_size_0:
called_computation.3_lowered:
.L_overlay_start_0:
0x88: {  	s2 =	sld [smem:$0x3FD9]  }
0x89: {  	s3 =	sld [smem:$0x3FFE];
	_ =	sdelay $0x1  }
0x8a: {  	s1 =	srdreg.scid  }
0x8b: {  	s0 =	sand.u32 $0x1, s1  }
0x8c: {  	s17 =	sshll.u32 s0, $0xA;
	s2 =	sadd.s32 s3, s2  }
0x8d: {  	s2 =	sadd.s32 s2, s17  }
0x8e: {  	[smem:$0x3F78] =	sst s2  }
0x8f: {  	_ = 	snop  }
0x90: {  	(tm) =	ssettm $0x1  }
0x91: {  	s18 =	sld [smem:$0x3FFB];
	_ =	sdelay $0x3  }
0x92: {  	_ =	strace s18  }
0x93: {  	s2 =	sld [smem:$0x3FFC];
	_ =	sdelay $0x3  }
0x94: {  	_ =	strace s2  }
0x95: {  	s2 =	sld [smem:$0x3FFD];
	_ =	sdelay $0x3  }
0x96: {  	_ =	strace s2  }
0x97: {  	_ =	strace $0x8FFFFFFF  }
0x98: {  	s19 =	sld [smem:$0x3FDB];
	_ =	sdelay $0x1  }
0x99: {  	s20 =	simm.s32 $_scs_section_size  }
0x9a: {  	s4 =	simm.s32 $_size__tile_overlayer_lowered;
	s5 =	simm.s32 $_tile_overlayer_lowered  }
0x9b: {  	s6 =	simm.s32 $0x1BFF;
	s21 =	sshll.u32 s5, $0x1;
	s3 =	sadd.s32 s20, s19  }
0x9c: {  	s22 =	simm.s32 $0x0;
	s4 =	sshll.u32 s4, $0x1;
	s5 =	sadd.s32 s21, s3  }
0x9d: {  	[timem:s22], [sflag:s6] =	dma.local [hbm:s5], s4  }
0x9e: {  	_ =	swait.ge [sflag:s6], s4  }
0x9f: {  	s4 =	ssub.s32 $0x0, s4;
	[sflag:s6] =	ssyncset.done $0x0  }
0xa0: {  	[sflag:s6] =	ssyncadd.s32 s4;
	_ =	sdelay $0x1  }
0xa1: {  	s23 =	simm.s32 $0x1B8B  }
0xa2: {  	_ =	swait.ge [sflag:s23], $0x1  }
0xa3: {  	[sflag:s23] =	ssyncset.done $0x0  }
0xa4: {  	[sflag:s23] =	ssyncadd.s32 $0xFFFFFFFF  }
0xa5: {  	s4 =	sld [smem:$0x0]  }
0xa6: {  	s5 =	sand.u32 $0xFFFFFFFE, s1  }
0xa7: {  	p0 =	sne.s32 s1, s5  }
0xa8: {  	s5 =	sshll.u32 @p0 s5, $0xE  }
0xa9: {  	s5 =	sadd.s32 @p0 $0x11B8D, s5;
	s6 =	sshll.u32 @p0 s4, $0x11  }
0xaa: {  	s5 =	sor.u32 @p0 s6, s5  }
0xab: {  	[sflag:s5] =	ssyncadd.remote.s32 @p0 $0x1;
	_ =	sdelay $0x1  }
0xac: {  	s5 =	simm.s32 @p0 $0x1B8D  }
0xad: {  	_ =	swait.eq @p0 [sflag:s5], $0x1  }
0xae: {  	[sflag:s5] =	ssyncadd.s32 @p0 $0xFFFFFFFF  }
0xaf: {  	s6 =	sshll.u32 @!p0 s1, $0xE  }
0xb0: {  	s6 =	sor.u32 @!p0 $0x4000, s6;
	s5 =	simm.s32 @!p0 $0x1B8D  }
0xb1: {  	s7 =	sshll.u32 @!p0 s4, $0x11;
	s6 =	sadd.s32 @!p0 $0x11B8D, s6;
	_ =	swait.eq @!p0 [sflag:s5], $0x1  }
0xb2: {  	[sflag:s5] =	ssyncadd.s32 @!p0 $0xFFFFFFFF;
	s5 =	sor.u32 @!p0 s7, s6  }
0xb3: {  	s25 =	simm.s32 $0x1B8E;
	s24 =	sld [smem:$0x3FFE];
	[sflag:s5] =	ssyncadd.remote.s32 @!p0 $0x1  }
0xb4: {  	s26 =	simm.s32 $execute0_lowered;
	[smem:$0x3FD2] =	sst s25  }
0xb5: {  	s6 =	sshll.u32 s26, $0x1;
	_ =	strace $0x8000005B;
	[dreg:$0x1] =	wrdreg $0xFFFFFFFF  }
0xb6: {  	s28 =	simm.s32 $_size_execute0_lowered;
	s3 =	sadd.s32 s3, s6;
	[dreg:$0x0] =	wrdreg $0x0  }
0xb7: {  	s6 =	sshll.u32 s28, $0x1;
	[dreg:$0x2] =	wrdreg s3  }
0xb8: {  	[dreg:$0x3] =	wrdreg s6  }
0xb9: {  	[dreg:$0x4] =	wrdreg $0xC0  }
0xba: {  	_ =	task [dreg:s22], $0x5FFFF  }
0xbb: {  	[dreg:$0x1] =	wrdreg $0xFFFFFFFF  }
0xbc: {  	[dreg:$0x0] =	wrdreg $0x60  }
0xbd: {  	[dreg:$0x2] =	wrdreg s24  }
0xbe: {  	[dreg:$0x3] =	wrdreg s1  }
0xbf: {  	[dreg:$0x4] =	wrdreg s4  }
0xc0: {  	[dreg:$0x5] =	wrdreg $0xA  }
0xc1: {  	_ =	task.clear_ibuf [dreg:s22], $0x6FFFF;
	_ =	strace $0x9000005B  }
0xc2: {  	s29 =	simm.s32 $0xA;
	_ =	strace $0x8000005D  }
0xc3: {  	_ =	swait.ge [sflag:s29], $0x1  }
0xc4: {  	[sflag:s29] =	ssyncadd.s32 $0xFFFFFFFF  }
0xc5: {  	_ =	strace $0x9000005D  }
0xc6: {  	_ =	sfence  }
0xc7: {  	s30 =	sld [smem:$0x0];
	_ =	sdelay $0x2  }
0xc8: {  	s31 =	sshll.u32 s1, $0xD;
	s1 =	sshrl.u32 s1, $0x2  }
0xc9: {  	s4 =	sand.u32 $0x4000, s31;
	s1 =	sadd.s32 s1, s30  }
0xca: {  	s0 =	sor.u32 s4, s0;
	s1 =	sshll.u32 s1, $0x11  }
0xcb: {  	s0 =	sor.u32 s1, s0  }
0xcc: {  	s0 =	sadd.s32 $0x8F2B, s0  }
0xcd: {  	[sflag:s0] =	ssyncadd.remote.s32 $0x1  }
0xce: {  	_ =	sfence.sel $0xFFFF  }
0xcf: {  	[dreg:$0x0] =	wrdreg $0xFFFFFFFF;
	(pc) =	sbr.abs _section_cstart, $3  }
0xd0: {  	[dreg:$0x1] =	wrdreg $0xFFFFFFFF  }
0xd1: {  	_ =	task.clear_ibuf [dreg:s22], $0x2FFFF;
	_ =	strace $0x9FFFFFFF  }
0xd2: {  	(tm) =	ssettm $0x7FFFFFFF  }
0xd3: {  	_ =	shalt  }
tec
execute0_lowered:
.L_overlay_start_1:
0x0: {  	(tag) =	ssettag $0x1  }
0x1: {  	s2 =	rddreg [dreg:$0x0]  }
0x2: {  	s4 =	rddreg [dreg:$0x1];
	_ =	strace $0x8000005C;
	s0 =	simm.s32 $0x1  }
0x3: {  	s3 =	simm.s32 $0x88;
	v0 =	vimm.s32 $0x0;
	[sflag:s0] =	ssyncpa.u1 $0x0  }
0x4: {  	s1 =	sadd.s32 $0x18EA00, s2;
	[tilespmem:s3+$0x30] =	vst v0  }
0x5: {  	s0 =	sadd.s32 $0x2D1600, s2;
	s6 =	sadd.s32 $0x290DC00, s2;
	[tilespmem:s3+$0x20] =	vst v0  }
0x6: {  	s2 =	sadd.s32 $0x2B8600, s2;
	s5 =	sand.u32 $0x1, s4;
	s4 =	simm.s32 $0x40;
	[tilespmem:s3+$0x10] =	vst v0  }
.LBB2_1:
0x7: {  	s4 =	sadd.s32 $0x40, s4  }
0x8: {  	[tilespmem:s3+$0x0] =	vst v0;
	s3 =	sadd.s32 $0x40, s3;
	p0 =	slt.u32 s4, $0x5040  }
.Ltmp0:
0x9: {  	(pc) =	sbr.rel @p0 .LBB2_1-.Ltmp0, $4  }
0xa: {  	_ = 	snop  }
0xb: {  	[tilespmem:s3+$0x30] =	vst v0  }
0xc: {  	[tilespmem:s3+$0x20] =	vst v0  }
0xd: {  	[tilespmem:s3+$0x10] =	vst v0  }
0xe: {  	s28 =	simm.s32 $0x2  }
0xf: {  	s4 =	stileid.u32;
	s29 =	simm.s32 $0x9;
	s30 =	simm.s32 $0xA  }
0x10: {  	s7 =	simm.s32 $0xB;
	[dreg:$0x4] =	wrdreg s5;
	s31 =	smul.u32 $0xC800, s5  }
0x11: {  	s16 =	simm.s32 $0x0;
	p0 =	por $0x1, $0x1;
	s17 =	simm.s32 $0xFF  }
0x12: {  	p1 =	por $0x0, $0x0;
	s18 =	simm.s32 $0x1;
	s12 =	simm.s32 $0xC  }
0x13: {  	s23 =	simm.s32 $0x0;
	s21 =	simm.s32 $0x0;
	s9 =	smul.u32 $0x6400, s4  }
.Ltmp1:
0x14: {  	s20 =	simm.s32 $0x0;
	s0 =	sadd.s32 s31, s0;
	(pc) =	sbr.rel .LBB2_3-.Ltmp1, $4  }
0x15: {  	[tilespmem:s3+$0x0] =	vst v0;
	v0 =	vimm.s32 $0xFFFFFFFF;
	[sflag:s28] =	ssyncpa.u1 $0x0;
	s15 =	sshll.u32 s4, $0x7;
	[dreg:$0x8] =	wrdreg s0  }
0x16: {  	[tilespmem:$0xA108] =	vst v0;
	[sflag:s29] =	ssyncpa.u1 $0x0;
	s11 =	sadd.s32 s31, s2;
	[dreg:$0x5] =	wrdreg s9  }
0x17: {  	[sflag:s30] =	ssyncpa.u1 $0x0;
	s10 =	sadd.s32 $0x6400, s9;
	[dreg:$0x7] =	wrdreg s11  }
0x18: {  	v0 =	vlaneseq.u32;
	s22 =	smov.u32 s9;
	[sflag:s7] =	ssyncpa.u1 $0x0;
	[dreg:$0x6] =	wrdreg s10  }
.LBB2_22:
0x19: {  	s2 =	sshrl.u32 s4, $0x2  }
.LBB2_24:
0x1a: {  	_ =	swait.ge [sflag:s12], s2  }
0x1b: {  	s31 =	ssub.s32 $0x0, s2;
	v1 =	vmov s26;
	vm0 =	veq.s32 v0, $0x0;
	[sflag:s12] =	ssyncset.done $0x0  }
0x1c: {  	vm15 =	veq.s32 v0, $0x2;
	v1 =	vsel vm0, s0, v1;
	[sflag:s12] =	ssyncadd.s32 s31  }
0x1d: {  	v1 =	vsel vm15, s23, v1;
	[sflag:s12] =	ssyncpa.u1 $0x1  }
0x1e: {  	[tilespmem:$0xA108] =	vst v1  }
.LBB2_25:
0x1f: {  	s0 =	sadd.s32 $0x140, s22  }
0x20: {  	s2 =	smov.u32 s9;
	s20 =	sadd.s32 $0x1, s20;
	p2 =	slt.s32 s0, s10  }
0x21: {  	s2 =	smov.u32 @p2 s0;
	p2 =	sne.s32 s20, $0x52  }
.Ltmp2:
0x22: {  	_ = 	snop;
	(pc) =	sbr.rel @!p2 .LBB2_26-.Ltmp2, $3  }
0x23: {  	_ =	sdelay $0x1  }
0x24: {  	s23 =	smov.u32 s21;
	s21 =	smov.u32 s22;
	p0 =	por !p0, !p0  }
0x25: {  	s17 =	sadd.s32 $0x1, s17;
	p1 =	por !p1, !p1;
	s22 =	smov.u32 s2  }
.LBB2_3:
0x26: {  	p2 =	sgt.u32 s20, $0x4F  }
0x27: {  	s0 =	smul.u32 @!p2 $0xAB, s20;
	_ =	sdelay $0x1  }
0x28: {  	s0 =	sshrl.u32 @!p2 s0, $0x9  }
0x29: {  	s2 =	smov.u32 s22;
	p3 =	sgt.s32 @!p2 s22, $0x63EC0;
	s0 =	sand.u32 @!p2 $0x7F, s0  }
0x2a: {  	s3 =	sshra.s32 @!p2 s22, $0x1F;
	p3 =	por !p3, p2;
	s0 =	smul.u32 @!p2 $0x3, s0  }
0x2b: {  	s3 =	sand.u32 @!p2 s3, s22;
	s2 =	simm.s32 @p3 $0x63EC0  }
0x2c: {  	s2 =	ssub.s32 @!p2 s2, s3;
	s0 =	ssub.s32 @!p2 s20, s0  }
0x2d: {  	s2 =	sadd.s32 @!p2 $0xFFF9C140, s2;
	s0 =	sand.u32 @!p2 $0xFF, s0  }
0x2e: {  	s3 =	sshll.u32 @!p2 s2, $0x2;
	p3 =	sgt.s32 @!p2 s2, $0x13F;
	s0 =	smul.u32 @!p2 $0x500, s0  }
0x2f: {  	s4 =	sand.u32 @!p2 $0x7, s22;
	s2 =	ssub.s32 @!p2 $0x500, s3;
	p3 =	por !p3, p2  }
0x30: {  	s3 =	sshrl.u32 @!p2 s22, $0x3;
	s2 =	sshrl.u32 @!p2 s2, $0x2;
	s0 =	sshrl.u32 @!p2 s0, $0x2  }
0x31: {  	s3 =	sadd.s32 @!p2 s3, s11;
	s2 =	simm.s32 @!p3 $0x0;
	s0 =	sadd.s32 @!p2 $0xA948, s0  }
0x32: {  	[tilespmem:s0], [sflag:$0xA] =	stream.linear.gather @!p2 [hbm4b:s3+s4], s2, $0x38;
	[tilespmem:$0x1EF88] =	vst v63  }
0x33: {  	s0 =	sadd.s32 $0xFFFFFFFF, s20  }
0x34: {  	p2 =	sgt.u32 s0, $0x4F  }
.Ltmp3:
0x35: {  	_ = 	snop;
	(pc) =	sbr.rel @p2 .LBB2_7-.Ltmp3, $1  }
0x36: {  	_ =	sdelay $0x3  }
0x37: {  	p2 =	sgt.s32 s21, $0x63EC0;
	s2 =	smov.u32 s21;
	s3 =	sshra.s32 s21, $0x1F  }
0x38: {  	s4 =	sand.u32 $0xFF, s17;
	s2 =	simm.s32 @!p2 $0x63EC0;
	s3 =	sand.u32 s3, s21  }
0x39: {  	s31 =	smulhi.u32 $0x55555556, s4;
	s2 =	ssub.s32 s2, s3  }
0x3a: {  	s0 =	sand.u32 $0x1, s0;
	s4 =	smul.u32 $0x500, s4;
	s2 =	sadd.s32 $0xFFF9C140, s2  }
0x3b: {  	s7 =	simm.s32 $0xA;
	s0 =	smul.u32 $0x500, s0;
	s5 =	sshll.u32 s2, $0x2  }
0x3c: {  	s9 =	sshrl.u32 s21, $0x3;
	s3 =	smul.u32 $0xF00, s31;
	s5 =	ssub.s32 $0x500, s5  }
0x3d: {  	s11 =	sand.u32 $0x7, s21;
	p2 =	sgt.s32 s2, $0x13F;
	s2 =	sshrl.u32 s5, $0x2  }
0x3e: {  	s0 =	sshrl.u32 s0, $0x2;
	s3 =	ssub.s32 s4, s3;
	s2 =	simm.s32 @p2 $0x0  }
0x3f: {  	s0 =	sadd.s32 $0xAD08, s0;
	s3 =	sshra.s32 s3, $0x2;
	_ =	swait.ge [sflag:s7], s2  }
0x40: {  	s8 =	ssub.s32 $0x0, s2;
	[sflag:s7] =	ssyncset.done $0x0;
	s10 =	rddreg [dreg:$0x8]  }
0x41: {  	s28 =	sadd.s32 $0xA948, s3;
	[sflag:s7] =	ssyncadd.s32 s8;
	s3 =	sadd.s32 s9, s10  }
0x42: {  	[tilespmem:s0], [sflag:$0xB] =	stream.linear.gather [hbm4b:s3+s11], s2, $0x38;
	[tilespmem:$0x1EF88] =	vst v63  }
0x43: {  	v1 =	vld.msk [tilespmem:s28+$0x0], $0xffff;
	_ =	sdelay $0x4  }
0x44: {  	v1 =	vshll.u32 v1, $0x4  }
0x45: {  	(v2sf) =	vpush v1, $0x0  }
0x46: {  	(v2sf) =	vpush v1, $0x1  }
0x47: {  	(v2sf) =	vpush v1, $0x2;
	_ =	sdelay $0x1  }
0x48: {  	(v2sf) =	vpush v1, $0x3;
	_ =	sdelay $0x1  }
0x49: {  	s0 =	simm.s32 $0x1;
	(v2sf) =	vpush v1, $0x4  }
0x4a: {  	s0 =	simm.s32 @!p0 $0x0  }
0x4b: {  	s0 =	smul.u32 $0x28000, s0;
	(v2sf) =	vpush v1, $0x5;
	_ =	sdelay $0x1  }
0x4c: {  	s0 =	sshrl.u32 s0, $0x2;
	(v2sf) =	vpush v1, $0x6  }
0x4d: {  	s24 =	sadd.s32 $0xB708, s0  }
0x4e: {  	s28 =	sadd.s32 $0x10, s28;
	s0 =	sadd.s32 $0xFFFFFE80, s24;
	s2 =	sadd.s32 $0xFFFFFD00, s24;
	(v2sf) =	vpush v1, $0x7  }
0x4f: {  	s4 =	sadd.s32 $0xFFFFFD80, s24;
	s3 =	sadd.s32 $0xFFFFFE00, s24;
	s5 =	sadd.s32 $0xFFFFFB80, s24  }
0x50: {  	s26 =	sadd.s32 $0xFFFFFA00, s24;
	s29 =	sadd.s32 $0xFFFFFA80, s24;
	s30 =	sadd.s32 $0xFFFFFB00, s24;
	(v2sf) =	vpush v1, $0x8  }
0x51: {  	s31 =	sadd.s32 $0xFFFFF900, s24;
	s7 =	sadd.s32 $0xFFFFF980, s24;
	s8 =	spop (v2sf)  }
0x52: {  	s10 =	sadd.s32 $0xFFFFF880, s24;
	(v2sf) =	vpush v1, $0x9;
	s8 =	sand.u32 $0x1FFFFFF0, s8;
	s11 =	spop (v2sf)  }
0x53: {  	s8 =	sadd.s32 s6, s8;
	s11 =	sand.u32 $0x1FFFFFF0, s11;
	s13 =	spop (v2sf)  }
0x54: {  	[tilespmem:s10], [sflag:$0x9] =	stream.linear.gather [hbm4b:s8+s16], $0x40, $0x38;
	[tilespmem:$0x1EF88] =	vst v63  }
0x55: {  	(v2sf) =	vpush v1, $0xA;
	s12 =	sadd.s32 s6, s11;
	s19 =	sand.u32 $0x1FFFFFF0, s13;
	s9 =	spop (v2sf)  }
0x56: {  	(v2sf) =	vpush v1, $0xB;
	[tilespmem:s31], [sflag:$0x9] =	stream.linear.gather [hbm4b:s12+s16], $0x40, $0x38;
	[tilespmem:$0x1EF88] =	vst v63  }
0x57: {  	s10 =	sadd.s32 s6, s19;
	s13 =	spop (v2sf);
	s12 =	sand.u32 $0x1FFFFFF0, s9  }
0x58: {  	(v2sf) =	vpush v1, $0xC;
	[tilespmem:s7], [sflag:$0x9] =	stream.linear.gather [hbm4b:s10+s16], $0x40, $0x38;
	[tilespmem:$0x1EF88] =	vst v63  }
0x59: {  	s31 =	sand.u32 $0x1FFFFFF0, s13;
	s9 =	spop (v2sf);
	s19 =	sadd.s32 s6, s12  }
0x5a: {  	(v2sf) =	vpush v1, $0xD;
	[tilespmem:s26], [sflag:$0x9] =	stream.linear.gather [hbm4b:s19+s16], $0x40, $0x38;
	[tilespmem:$0x1EF88] =	vst v63  }
0x5b: {  	s11 =	sadd.s32 s6, s31;
	s12 =	sand.u32 $0x1FFFFFF0, s9;
	s13 =	spop (v2sf)  }
0x5c: {  	(v2sf) =	vpush v1, $0xE;
	[tilespmem:s29], [sflag:$0x9] =	stream.linear.gather [hbm4b:s11+s16], $0x40, $0x38;
	[tilespmem:$0x1EF88] =	vst v63  }
0x5d: {  	s19 =	sadd.s32 s6, s12;
	s26 =	sand.u32 $0x1FFFFFF0, s13;
	s29 =	spop (v2sf)  }
0x5e: {  	(v2sf) =	vpush v1, $0xF;
	[tilespmem:s30], [sflag:$0x9] =	stream.linear.gather [hbm4b:s19+s16], $0x40, $0x38;
	[tilespmem:$0x1EF88] =	vst v63  }
0x5f: {  	s14 =	sadd.s32 $0xFFFFFC00, s24;
	s9 =	spop (v2sf);
	s30 =	sadd.s32 s6, s26  }
0x60: {  	[tilespmem:s5], [sflag:$0x9] =	stream.linear.gather [hbm4b:s30+s16], $0x40, $0x38;
	[tilespmem:$0x1EF88] =	vst v63  }
0x61: {  	s25 =	sadd.s32 $0xFFFFFC80, s24;
	s31 =	sand.u32 $0x1FFFFFF0, s29;
	s13 =	spop (v2sf)  }
0x62: {  	s11 =	sadd.s32 s6, s31;
	s12 =	sand.u32 $0x1FFFFFF0, s9;
	s19 =	sand.u32 $0x1FFFFFF0, s13  }
0x63: {  	[tilespmem:s14], [sflag:$0x9] =	stream.linear.gather [hbm4b:s11+s16], $0x40, $0x38;
	[tilespmem:$0x1EF88] =	vst v63  }
0x64: {  	s26 =	spop (v2sf);
	s14 =	sadd.s32 s6, s12;
	s29 =	sadd.s32 s6, s19  }
0x65: {  	s30 =	sand.u32 $0x1FFFFFF0, s26;
	s31 =	spop (v2sf);
	s19 =	sadd.s32 $0xFFFFFF00, s24  }
0x66: {  	[tilespmem:s25], [sflag:$0x9] =	stream.linear.gather [hbm4b:s14+s16], $0x40, $0x38;
	[tilespmem:$0x1EF88] =	vst v63  }
0x67: {  	s5 =	sadd.s32 s6, s30;
	s7 =	sand.u32 $0x1FFFFFF0, s31;
	s8 =	spop (v2sf)  }
0x68: {  	[tilespmem:s2], [sflag:$0x9] =	stream.linear.gather [hbm4b:s29+s16], $0x40, $0x38;
	[tilespmem:$0x1EF88] =	vst v63  }
0x69: {  	s31 =	sadd.s32 $0xFFFFFF80, s24;
	s10 =	sand.u32 $0x1FFFFFF0, s8;
	s11 =	spop (v2sf)  }
0x6a: {  	[tilespmem:s4], [sflag:$0x9] =	stream.linear.gather [hbm4b:s5+s16], $0x40, $0x38;
	[tilespmem:$0x1EF88] =	vst v63  }
0x6b: {  	s9 =	sadd.s32 s6, s7;
	s12 =	sadd.s32 s6, s10;
	s14 =	spop (v2sf)  }
0x6c: {  	[tilespmem:s3], [sflag:$0x9] =	stream.linear.gather [hbm4b:s9+s16], $0x40, $0x38;
	[tilespmem:$0x1EF88] =	vst v63  }
0x6d: {  	s13 =	sand.u32 $0x1FFFFFF0, s11;
	s26 =	sand.u32 $0x1FFFFFF0, s14;
	s29 =	spop (v2sf)  }
0x6e: {  	[tilespmem:s0], [sflag:$0x9] =	stream.linear.gather [hbm4b:s12+s16], $0x40, $0x38;
	[tilespmem:$0x1EF88] =	vst v63  }
0x6f: {  	s25 =	sadd.s32 s6, s13;
	s30 =	sadd.s32 s6, s26;
	s0 =	sand.u32 $0x1FFFFFF0, s29  }
0x70: {  	[tilespmem:s19], [sflag:$0x9] =	stream.linear.gather [hbm4b:s25+s16], $0x40, $0x38;
	[tilespmem:$0x1EF88] =	vst v63  }
0x71: {  	s26 =	sadd.s32 $0x800, s24;
	s0 =	sadd.s32 s6, s0;
	s25 =	simm.s32 $0x0  }
0x72: {  	[tilespmem:s31], [sflag:$0x9] =	stream.linear.gather [hbm4b:s30+s16], $0x40, $0x38;
	[tilespmem:$0x1EF88] =	vst v63  }
.LBB2_5:
0x73: {  	[tilespmem:s24], [sflag:$0x9] =	stream.linear.gather [hbm4b:s0+s16], $0x40, $0x38;
	[tilespmem:$0x1EF88] =	vst v63  }
0x74: {  	s25 =	sadd.s32 $0x10, s25;
	s24 =	smov.u32 s26  }
0x75: {  	p2 =	slt.u32 s25, $0x130;
	v1 =	vld.msk [tilespmem:s28+$0x0], $0xffff;
	_ =	sdelay $0x4  }
0x76: {  	v1 =	vshll.u32 v1, $0x4  }
0x77: {  	(v2sf) =	vpush v1, $0x0  }
0x78: {  	(v2sf) =	vpush v1, $0x1  }
0x79: {  	(v2sf) =	vpush v1, $0x2;
	_ =	sdelay $0x1  }
0x7a: {  	(v2sf) =	vpush v1, $0x3;
	_ =	sdelay $0x1  }
0x7b: {  	(v2sf) =	vpush v1, $0x4;
	_ =	sdelay $0x1  }
0x7c: {  	(v2sf) =	vpush v1, $0x5;
	_ =	sdelay $0x1  }
0x7d: {  	(v2sf) =	vpush v1, $0x6  }
0x7e: {  	s30 =	sadd.s32 $0xFFFFFE80, s26;
	s29 =	sadd.s32 $0xFFFFFF00, s26  }
0x7f: {  	s4 =	sadd.s32 $0xFFFFFD00, s26;
	s0 =	sadd.s32 $0xFFFFFD80, s26;
	s31 =	sadd.s32 $0xFFFFFE00, s26;
	(v2sf) =	vpush v1, $0x7  }
0x80: {  	s2 =	sadd.s32 $0xFFFFFB80, s26;
	s3 =	sadd.s32 $0xFFFFFC00, s26;
	s5 =	sadd.s32 $0xFFFFFC80, s26  }
0x81: {  	s7 =	sadd.s32 $0xFFFFFA00, s26;
	s8 =	sadd.s32 $0xFFFFFA80, s26;
	s10 =	sadd.s32 $0xFFFFFB00, s26;
	(v2sf) =	vpush v1, $0x8  }
0x82: {  	s11 =	sadd.s32 $0xFFFFF900, s26;
	s13 =	sadd.s32 $0xFFFFF980, s26;
	s14 =	spop (v2sf)  }
0x83: {  	s9 =	sadd.s32 $0xFFFFF880, s26;
	s14 =	sand.u32 $0x1FFFFFF0, s14;
	s19 =	spop (v2sf);
	(v2sf) =	vpush v1, $0x9  }
0x84: {  	s14 =	sadd.s32 s6, s14;
	s19 =	sand.u32 $0x1FFFFFF0, s19;
	s12 =	spop (v2sf)  }
0x85: {  	[tilespmem:s9], [sflag:$0x9] =	stream.linear.gather [hbm4b:s14+s16], $0x40, $0x38;
	(v2sf) =	vpush v1, $0xA;
	[tilespmem:$0x1EF88] =	vst v63  }
0x86: {  	s9 =	sadd.s32 s6, s19;
	s12 =	sand.u32 $0x1FFFFFF0, s12;
	s14 =	spop (v2sf)  }
0x87: {  	[tilespmem:s11], [sflag:$0x9] =	stream.linear.gather [hbm4b:s9+s16], $0x40, $0x38;
	(v2sf) =	vpush v1, $0xB;
	[tilespmem:$0x1EF88] =	vst v63  }
0x88: {  	s9 =	sadd.s32 s6, s12;
	s11 =	sand.u32 $0x1FFFFFF0, s14;
	s12 =	spop (v2sf)  }
0x89: {  	[tilespmem:s13], [sflag:$0x9] =	stream.linear.gather [hbm4b:s9+s16], $0x40, $0x38;
	(v2sf) =	vpush v1, $0xC;
	[tilespmem:$0x1EF88] =	vst v63  }
0x8a: {  	s9 =	sadd.s32 s6, s11;
	s11 =	sand.u32 $0x1FFFFFF0, s12;
	s12 =	spop (v2sf)  }
0x8b: {  	[tilespmem:s7], [sflag:$0x9] =	stream.linear.gather [hbm4b:s9+s16], $0x40, $0x38;
	(v2sf) =	vpush v1, $0xD;
	[tilespmem:$0x1EF88] =	vst v63  }
0x8c: {  	s7 =	sadd.s32 s6, s11;
	s9 =	sand.u32 $0x1FFFFFF0, s12;
	s11 =	spop (v2sf)  }
0x8d: {  	[tilespmem:s8], [sflag:$0x9] =	stream.linear.gather [hbm4b:s7+s16], $0x40, $0x38;
	(v2sf) =	vpush v1, $0xE;
	[tilespmem:$0x1EF88] =	vst v63  }
0x8e: {  	s7 =	sadd.s32 s6, s9;
	s8 =	sand.u32 $0x1FFFFFF0, s11;
	s9 =	spop (v2sf)  }
0x8f: {  	[tilespmem:s10], [sflag:$0x9] =	stream.linear.gather [hbm4b:s7+s16], $0x40, $0x38;
	(v2sf) =	vpush v1, $0xF;
	[tilespmem:$0x1EF88] =	vst v63  }
0x90: {  	s7 =	sadd.s32 s6, s8;
	s8 =	sand.u32 $0x1FFFFFF0, s9;
	s9 =	spop (v2sf)  }
0x91: {  	[tilespmem:s2], [sflag:$0x9] =	stream.linear.gather [hbm4b:s7+s16], $0x40, $0x38;
	[tilespmem:$0x1EF88] =	vst v63  }
0x92: {  	s2 =	sadd.s32 s6, s8;
	s7 =	sand.u32 $0x1FFFFFF0, s9;
	s8 =	spop (v2sf)  }
0x93: {  	[tilespmem:s3], [sflag:$0x9] =	stream.linear.gather [hbm4b:s2+s16], $0x40, $0x38;
	[tilespmem:$0x1EF88] =	vst v63  }
0x94: {  	s2 =	sadd.s32 s6, s7;
	s3 =	sand.u32 $0x1FFFFFF0, s8;
	s7 =	spop (v2sf)  }
0x95: {  	[tilespmem:s5], [sflag:$0x9] =	stream.linear.gather [hbm4b:s2+s16], $0x40, $0x38;
	[tilespmem:$0x1EF88] =	vst v63  }
0x96: {  	s2 =	sadd.s32 s6, s3;
	s3 =	sand.u32 $0x1FFFFFF0, s7;
	s5 =	spop (v2sf)  }
0x97: {  	[tilespmem:s4], [sflag:$0x9] =	stream.linear.gather [hbm4b:s2+s16], $0x40, $0x38;
	[tilespmem:$0x1EF88] =	vst v63  }
0x98: {  	s2 =	sadd.s32 s6, s3;
	s3 =	sand.u32 $0x1FFFFFF0, s5;
	s4 =	spop (v2sf)  }
0x99: {  	[tilespmem:s0], [sflag:$0x9] =	stream.linear.gather [hbm4b:s2+s16], $0x40, $0x38;
	[tilespmem:$0x1EF88] =	vst v63  }
0x9a: {  	s0 =	sadd.s32 s6, s3;
	s2 =	sand.u32 $0x1FFFFFF0, s4;
	s3 =	spop (v2sf)  }
0x9b: {  	[tilespmem:s31], [sflag:$0x9] =	stream.linear.gather [hbm4b:s0+s16], $0x40, $0x38;
	[tilespmem:$0x1EF88] =	vst v63  }
0x9c: {  	s0 =	sadd.s32 s6, s2;
	s2 =	sand.u32 $0x1FFFFFF0, s3;
	s3 =	spop (v2sf)  }
0x9d: {  	[tilespmem:s30], [sflag:$0x9] =	stream.linear.gather [hbm4b:s0+s16], $0x40, $0x38;
	[tilespmem:$0x1EF88] =	vst v63  }
0x9e: {  	s0 =	sadd.s32 s6, s2  }
.Ltmp4:
0x9f: {  	s2 =	sand.u32 $0x1FFFFFF0, s3;
	s3 =	spop (v2sf);
	(pc) =	sbr.rel @p2 .LBB2_5-.Ltmp4, $4  }
0xa0: {  	[tilespmem:s29], [sflag:$0x9] =	stream.linear.gather [hbm4b:s0+s16], $0x40, $0x38;
	[tilespmem:$0x1EF88] =	vst v63  }
0xa1: {  	s0 =	sadd.s32 s6, s2;
	s2 =	sadd.s32 $0xFFFFFF80, s26;
	s3 =	sand.u32 $0x1FFFFFF0, s3  }
0xa2: {  	[tilespmem:s2], [sflag:$0x9] =	stream.linear.gather [hbm4b:s0+s16], $0x40, $0x38;
	[tilespmem:$0x1EF88] =	vst v63  }
0xa3: {  	s28 =	sadd.s32 $0x10, s28;
	s26 =	sadd.s32 $0x800, s26;
	s0 =	sadd.s32 s6, s3  }
0xa4: {  	[tilespmem:s24], [sflag:$0x9] =	stream.linear.gather [hbm4b:s0+s16], $0x40, $0x38;
	[tilespmem:$0x1EF88] =	vst v63  }
0xa5: {  	s9 =	rddreg [dreg:$0x5]  }
0xa6: {  	s10 =	rddreg [dreg:$0x6]  }
0xa7: {  	s11 =	rddreg [dreg:$0x7];
	s12 =	simm.s32 $0xC  }
.LBB2_7:
0xa8: {  	p2 =	slt.u32 s20, $0x2  }
.Ltmp5:
0xa9: {  	_ = 	snop;
	(pc) =	sbr.rel @p2 .LBB2_25-.Ltmp5, $1  }
0xaa: {  	_ =	sdelay $0x3  }
0xab: {  	p2 =	sgt.s32 s23, $0x63EC0;
	s0 =	smov.u32 s23;
	s2 =	sshra.s32 s23, $0x1F  }
0xac: {  	s0 =	simm.s32 @!p2 $0x63EC0;
	s2 =	sand.u32 s2, s23  }
0xad: {  	s0 =	ssub.s32 s0, s2  }
0xae: {  	s0 =	sadd.s32 $0xFFF9C140, s0  }
0xaf: {  	s3 =	simm.s32 $0x9;
	s30 =	sshll.u32 s0, $0x2  }
0xb0: {  	_ =	swait.ge [sflag:s3], $0x5000;
	s2 =	ssub.s32 $0x500, s30  }
0xb1: {  	[sflag:s3] =	ssyncset.done $0x0;
	p2 =	sgt.s32 s0, $0x13F;
	s0 =	sshrl.u32 s2, $0x2  }
0xb2: {  	s31 =	simm.s32 $0xB;
	[sflag:s3] =	ssyncadd.s32 $0xFFFFB000;
	s0 =	simm.s32 @p2 $0x0  }
0xb3: {  	_ =	swait.ge [sflag:s31], s0  }
0xb4: {  	s0 =	ssub.s32 $0x0, s0;
	[sflag:s31] =	ssyncset.done $0x0  }
0xb5: {  	[sflag:s31] =	ssyncadd.s32 s0  }
0xb6: {  	v1 =	vld [tilespmem:$0xA108];
	_ =	sdelay $0x4  }
0xb7: {  	(v2sf) =	vpush v1, $0x0  }
0xb8: {  	(v2sf) =	vpush v1, $0x1  }
0xb9: {  	(v2sf) =	vpush v1, $0x2;
	_ =	sdelay $0x3  }
0xba: {  	s2 =	sadd.s32 $0x140, s23  }
0xbb: {  	s3 =	ssub.s32 $0xC8000, s23;
	p2 =	slt.s32 s10, s2  }
0xbc: {  	s2 =	smov.u32 @p2 s10;
	p2 =	sgt.s32 s3, $0x0  }
0xbd: {  	s24 =	ssub.s32 s2, s23;
	s3 =	simm.s32 @!p2 $0x0  }
0xbe: {  	p2 =	slt.s32 s3, s24  }
0xbf: {  	s24 =	smov.u32 @p2 s3  }
0xc0: {  	s0 =	simm.s32 $0x1;
	p2 =	slt.s32 s24, $0x1  }
.Ltmp6:
0xc1: {  	s0 =	simm.s32 @!p1 $0x0;
	(pc) =	sbr.rel @p2 .LBB2_12-.Ltmp6, $4  }
0xc2: {  	s4 =	smul.u32 $0x500, s0  }
0xc3: {  	s2 =	spop (v2sf)  }
0xc4: {  	s4 =	sshrl.u32 s4, $0x2;
	s3 =	spop (v2sf)  }
0xc5: {  	s25 =	sadd.s32 $0xAD08, s4;
	s23 =	spop (v2sf)  }
0xc6: {  	s4 =	smin.u32 s24, $0x10  }
0xc7: {  	v1 =	vmov s4  }
0xc8: {  	p3 =	sgt.s32 s24, $0x10;
	vm1 =	vgt.u32 v1, v0  }
.Ltmp7:
0xc9: {  	_ = 	snop;
	(pc) =	sbr.rel @!p3 .LBB2_11-.Ltmp7, $2  }
0xca: {  	_ =	sdelay $0x2  }
0xcb: {  	s5 =	simm.s32 $0x10;
	s26 =	sadd.s32 $0xFFFFFFF0, s24;
	s4 =	smov.u32 s25;
	vm0 =	vmmov vm1  }
.LBB2_10:
0xcc: {  	s7 =	smin.u32 s26, $0x10;
	s5 =	sadd.s32 $0x10, s5;
	v1 =	vld.msk [tilespmem:s4+$0x0 ss:$0x1], vm1  }
0xcd: {  	v2 =	vmov s7;
	p3 =	slt.s32 s5, s24  }
0xce: {  	vm1 =	vgt.u32 v2, v0  }
.Ltmp8:
0xcf: {  	(pc) =	sbr.rel @p3 .LBB2_10-.Ltmp8, $3  }
0xd0: {  	_ =	sdelay $0x1  }
0xd1: {  	v1 =	vshll.u32 v1, $0x4  }
0xd2: {  	s26 =	sadd.s32 $0xFFFFFFF0, s26;
	[tilespmem:s4+$0x0] =	vst.msk vm0, v1;
	s4 =	sadd.s32 $0x10, s4;
	vm0 =	vmmov vm1  }
.LBB2_11:
0xd3: {  	_ =	sdelay $0x4  }
0xd4: {  	v1 =	vld.msk [tilespmem:s4+$0x0 ss:$0x1], vm1;
	_ =	sdelay $0x4  }
0xd5: {  	v1 =	vshll.u32 v1, $0x4  }
0xd6: {  	[tilespmem:s4+$0x0] =	vst.msk vm0, v1  }
.LBB2_12:
0xd7: {  	s4 =	sand.u32 $0x1, s20  }
0xd8: {  	s4 =	smul.u32 $0x140, s4  }
0xd9: {  	p3 =	sne.s32 s3, $0xFFFFFFFF  }
0xda: {  	v1 =	vld.msk @!p3 [tilespmem:s4+$0xAD08], $0x1;
	_ =	sdelay $0x4  }
0xdb: {  	(v2sf) =	vpush @!p3 v1, $0x0;
	_ =	sdelay $0xc  }
.Ltmp9:
0xdc: {  	_ = 	snop;
	(pc) =	sbr.rel @p2 .LBB2_23-.Ltmp9, $4  }
0xdd: {  	_ = 	snop  }
0xde: {  	s30 =	spop @!p3 (v2sf)  }
0xdf: {  	s23 =	simm.s32 @!p3 $0x0;
	s26 =	smov.u32 s30  }
0xe0: {  	[sflag:s12] =	ssyncpa.u1 $0x0;
	s30 =	smov.u32 @p3 s2;
	s26 =	smov.u32 @p3 s3  }
0xe1: {  	v1 =	vld.msk [tilespmem:s25+$0x0], $0x1;
	_ =	sdelay $0x4  }
0xe2: {  	(v2sf) =	vpush v1, $0x0;
	_ =	sdelay $0xe  }
0xe3: {  	s0 =	smul.u32 $0x28000, s0;
	s3 =	spop (v2sf)  }
0xe4: {  	p2 =	seq.s32 s30, s3  }
0xe5: {  	s2 =	smov.u32 s30;
	s0 =	sshrl.u32 s0, $0x2;
	p3 =	sgt.s32 @!p2 s30, $0x0  }
0xe6: {  	s28 =	sadd.s32 $0xAFA8, s0;
	s0 =	sadd.s32 $0xFFFFFFFF, s24;
	p3 =	por !p3, p2  }
0xe7: {  	s2 =	simm.s32 @p3 $0x0;
	p3 =	sne.s32 s0, $0x0  }
.Ltmp10:
0xe8: {  	_ = 	snop;
	(pc) =	sbr.rel @!p3 .LBB2_15-.Ltmp10, $4  }
0xe9: {  	_ = 	snop  }
0xea: {  	s29 =	simm.s32 $0x0;
	s4 =	simm.s32 @!p2 $0x1;
	s2 =	smin.u32 @!p2 s2, $0xC34F8  }
0xeb: {  	s5 =	simm.s32 @!p2 $0x50C8;
	s4 =	smov.u32 @p2 s29;
	s7 =	sand.u32 @!p2 $0xFFFF8, s2  }
0xec: {  	s31 =	sand.u32 @!p2 $0x7, s2;
	s2 =	sadd.s32 $0x1, s25;
	s14 =	sadd.s32 @!p2 s1, s7  }
.LBB2_14:
0xed: {  	s7 =	smov.u32 s4  }
0xee: {  	[tilespmem:s5], [sflag:$0x2] =	stream.linear.gather @!p2 [hbm4b:s14+s31], $0x40, $0x38;
	[tilespmem:$0x1EF88] =	vst v63  }
0xef: {  	s0 =	sadd.s32 $0xFFFFFFFF, s0;
	s8 =	smov.u32 s3;
	v1 =	vld.msk [tilespmem:s2+$0x0], $0x1  }
0xf0: {  	p3 =	sne.s32 s0, $0x0;
	_ =	sdelay $0x3  }
0xf1: {  	(v2sf) =	vpush v1, $0x0;
	_ =	sdelay $0xe  }
0xf2: {  	s3 =	spop (v2sf)  }
0xf3: {  	p2 =	seq.s32 s8, s3  }
0xf4: {  	p4 =	sgt.s32 @!p2 s8, $0x0;
	s5 =	sshll.u32 @!p2 s4, $0x8;
	s4 =	sadd.s32 @!p2 $0x1, s4  }
.Ltmp11:
0xf5: {  	p4 =	por !p4, p2;
	s5 =	sshra.s32 @!p2 s5, $0x2;
	(pc) =	sbr.rel @p3 .LBB2_14-.Ltmp11, $4  }
0xf6: {  	s4 =	smov.u32 @p2 s7;
	s8 =	simm.s32 @p4 $0x0;
	s5 =	sadd.s32 @!p2 $0x50C8, s5  }
0xf7: {  	s7 =	smin.u32 @!p2 s8, $0xC34F8  }
0xf8: {  	s8 =	sand.u32 @!p2 $0xFFFF8, s7;
	s31 =	sand.u32 @!p2 $0x7, s7  }
0xf9: {  	s2 =	sadd.s32 $0x1, s2;
	s14 =	sadd.s32 @!p2 s1, s8  }
.LBB2_15:
0xfa: {  	[tilespmem:s5], [sflag:$0x2] =	stream.linear.gather @!p2 [hbm4b:s14+s31], $0x40, $0x38;
	[tilespmem:$0x1EF88] =	vst v63  }
.Ltmp12:
0xfb: {  	s0 =	sshll.u32 s4, $0x6;
	(pc) =	sbr.rel .LBB2_16-.Ltmp12, $4  }
0xfc: {  	s2 =	simm.s32 $0x2;
	s0 =	sand.u32 $0x3FFFFFC0, s0  }
0xfd: {  	_ =	swait.ge [sflag:s2], s0  }
0xfe: {  	s0 =	ssub.s32 $0x0, s0;
	[sflag:s2] =	ssyncset.done $0x0  }
0xff: {  	s4 =	simm.s32 $0x0;
	[sflag:s2] =	ssyncadd.s32 s0  }
.LBB2_17:
0x100: {  	v1 =	vld [tilespmem:s28+$0xFFFFFFE0];
	_ =	sdelay $0x4  }
0x101: {  	[tilespmem:s2+$0x88] =	vst.add.f32.msk $0xffff, v1  }
0x102: {  	v1 =	vld [tilespmem:s28+$0xFFFFFFF0];
	_ =	sdelay $0x4  }
0x103: {  	[tilespmem:s2+$0x98] =	vst.add.f32.msk $0xffff, v1  }
0x104: {  	v1 =	vld [tilespmem:s28+$0x0];
	_ =	sdelay $0x4  }
0x105: {  	[tilespmem:s2+$0xA8] =	vst.add.f32.msk $0xffff, v1  }
0x106: {  	v1 =	vld [tilespmem:s28+$0x10];
	_ =	sdelay $0x4  }
0x107: {  	[tilespmem:s2+$0xB8] =	vst.add.f32.msk $0xffff, v1  }
.LBB2_21:
0x108: {  	s24 =	sadd.s32 $0xFFFFFFFF, s24  }
0x109: {  	p2 =	sne.s32 s24, $0x0  }
.Ltmp13:
0x10a: {  	_ = 	snop;
	(pc) =	sbr.rel @!p2 .LBB2_22-.Ltmp13, $2  }
0x10b: {  	_ =	sdelay $0x2  }
0x10c: {  	s28 =	sadd.s32 $0x80, s28;
	s25 =	sadd.s32 $0x1, s25;
	s30 =	smov.u32 s0  }
.LBB2_16:
0x10d: {  	v1 =	vld.msk [tilespmem:s25+$0x0], $0x1;
	_ =	sdelay $0x4  }
0x10e: {  	(v2sf) =	vpush v1, $0x0;
	_ =	sdelay $0xe  }
0x10f: {  	s0 =	spop (v2sf)  }
0x110: {  	p2 =	sne.s32 s30, s0  }
.Ltmp14:
0x111: {  	_ = 	snop;
	(pc) =	sbr.rel @!p2 .LBB2_17-.Ltmp14, $3  }
0x112: {  	_ =	sdelay $0x1  }
0x113: {  	s2 =	sshll.u32 s23, $0x8  }
0x114: {  	s2 =	sshra.s32 s2, $0x2  }
0x115: {  	p2 =	seq.s32 s30, s26  }
.Ltmp15:
0x116: {  	_ = 	snop;
	(pc) =	sbr.rel @!p2 .LBB2_19-.Ltmp15, $1  }
0x117: {  	_ =	sdelay $0x3  }
.Ltmp16:
0x118: {  	s2 =	sadd.s32 $0x88, s2;
	(pc) =	sbr.rel .LBB2_20-.Ltmp16, $4  }
0x119: {  	[spmem:s15] =	stream.linear.scatter [tilespmem:s2], [sflag:$0x1], $0x40, $0x38;
	[tilespmem:$0x1EF88] =	vst v63  }
0x11a: {  	_ =	swait.ge [sflag:s18], $0x40  }
0x11b: {  	[sflag:s18] =	ssyncset.done $0x0  }
0x11c: {  	[sflag:s18] =	ssyncadd.s32 $0xFFFFFFC0  }
.LBB2_19:
0x11d: {  	s3 =	sshll.u32 s29, $0x8  }
0x11e: {  	s3 =	sshra.s32 s3, $0x2  }
0x11f: {  	v1 =	vld [tilespmem:s3+$0x50C8];
	_ =	sdelay $0x4  }
0x120: {  	[tilespmem:s2+$0x88] =	vst.add.f32.msk $0xffff, v1  }
0x121: {  	v1 =	vld [tilespmem:s3+$0x50D8];
	_ =	sdelay $0x4  }
0x122: {  	[tilespmem:s2+$0x98] =	vst.add.f32.msk $0xffff, v1  }
0x123: {  	v1 =	vld [tilespmem:s3+$0x50E8];
	_ =	sdelay $0x4  }
0x124: {  	[tilespmem:s2+$0xA8] =	vst.add.f32.msk $0xffff, v1  }
0x125: {  	v1 =	vld [tilespmem:s3+$0x50F8];
	_ =	sdelay $0x2  }
0x126: {  	p2 =	sgt.u32 s30, $0xC34F8  }
0x127: {  	s3 =	sand.u32 @!p2 $0xFFFF8, s30  }
0x128: {  	s5 =	sadd.s32 $0x88, s2;
	[tilespmem:s2+$0xB8] =	vst.add.f32.msk $0xffff, v1;
	s2 =	sadd.s32 @!p2 s1, s3;
	s3 =	sand.u32 @!p2 $0x7, s30  }
0x129: {  	[hbm4b:s2+s3] =	stream.linear.scatter @!p2 [tilespmem:s5], [sflag:$0xC], $0x40, $0x38;
	[tilespmem:$0x1EF88] =	vst v63  }
0x12a: {  	s2 =	simm.s32 $0x0  }
0x12b: {  	s2 =	simm.s32 @!p2 $0x100  }
0x12c: {  	s4 =	sadd.s32 s2, s4  }
.LBB2_20:
0x12d: {  	s2 =	sadd.s32 $0x1, s23  }
0x12e: {  	s3 =	smulhi.u32 $0xCCCCCCCD, s2;
	_ =	sdelay $0x1  }
0x12f: {  	v1 =	vld [tilespmem:s28+$0xFFFFFFE0];
	s3 =	sshrl.u32 s3, $0x8  }
0x130: {  	s3 =	smul.u32 $0x140, s3;
	_ =	sdelay $0x1  }
0x131: {  	s23 =	ssub.s32 s2, s3  }
0x132: {  	s2 =	sshll.u32 s23, $0x6  }
0x133: {  	[tilespmem:s2+$0x88] =	vst v1  }
0x134: {  	v1 =	vld [tilespmem:s28+$0xFFFFFFF0];
	_ =	sdelay $0x4  }
0x135: {  	[tilespmem:s2+$0x98] =	vst v1  }
0x136: {  	v1 =	vld [tilespmem:s28+$0x0];
	_ =	sdelay $0x4  }
0x137: {  	[tilespmem:s2+$0xA8] =	vst v1  }
0x138: {  	v1 =	vld [tilespmem:s28+$0x10]  }
.Ltmp17:
0x139: {  	_ = 	snop;
	(pc) =	sbr.rel .LBB2_21-.Ltmp17, $2  }
0x13a: {  	_ =	sdelay $0x2  }
0x13b: {  	s29 =	sadd.s32 $0x1, s29;
	[tilespmem:s2+$0xB8] =	vst v1  }
.LBB2_23:
.Ltmp18:
0x13c: {  	(pc) =	sbr.rel .LBB2_24-.Ltmp18, $4  }
0x13d: {  	_ = 	snop  }
0x13e: {  	s0 =	simm.s32 $0x2  }
0x13f: {  	_ =	swait.ge [sflag:s0], $0x0  }
0x140: {  	s2 =	simm.s32 $0x0;
	[sflag:s0] =	ssyncset.done $0x0;
	s0 =	smov.u32 s30  }
.LBB2_26:
0x141: {  	_ =	sfence.sel $0x180000  }
0x142: {  	s0 =	simm.s32 $0x9;
	[bflag:$0x0] =	sbarrier.arrive $0xFFFF  }
0x143: {  	s24 =	simm.s32 $0xA;
	[sflag:s0] =	ssyncpa.u1 $0x1  }
0x144: {  	s25 =	simm.s32 $0xB;
	[sflag:s24] =	ssyncpa.u1 $0x1  }
0x145: {  	s26 =	simm.s32 $0x2;
	[sflag:s25] =	ssyncpa.u1 $0x1  }
0x146: {  	[sflag:s26] =	ssyncpa.u1 $0x1  }
0x147: {  	v0 =	vld [tilespmem:$0xA108];
	_ =	sdelay $0x4  }
0x148: {  	(v2sf) =	vpush v0, $0x0  }
0x149: {  	(v2sf) =	vpush v0, $0x1;
	_ =	sdelay $0x1  }
0x14a: {  	(v2sf) =	vpush v0, $0x2;
	_ =	sdelay $0xb  }
0x14b: {  	s0 =	spop (v2sf)  }
0x14c: {  	s2 =	spop (v2sf)  }
0x14d: {  	s3 =	smov.u32 s0;
	p0 =	sne.s32 s0, s2  }
0x14e: {  	s4 =	spop (v2sf);
	s3 =	simm.s32 @!p0 $0xFFFFFFFF  }
0x14f: {  	v2 =	vimm.s32 $0x1;
	v3 =	vlaneseq.u32;
	p0 =	seq.s32 s4, $0xFFFFFFFF;
	v1 =	vmov s3  }
0x150: {  	s14 =	stileid.u32;
	v0 =	vperm.xlane v0, v2;
	p1 =	sne.s32 @!p0 s0, s2;
	v1 =	vperm.xlane v1, v3  }
0x151: {  	vm0 =	vcmask $0x3F04;
	s6 =	simm.s32 $0xA108;
	s0 =	simm.s32 @!p0 $0x1;
	p1 =	por !p1, p0  }
0x152: {  	s3 =	sshll.u32 s14, $0x1;
	s2 =	sshll.u32 @!p0 s4, $0x8;
	s0 =	simm.s32 @p1 $0x0;
	v0 =	vsel vm0, v1, v0  }
0x153: {  	s5 =	sor.u32 $0x800, s3;
	s2 =	sshra.s32 @!p0 s2, $0x2;
	s0 =	sor.u32 @!p0 s0, s3;
	[tilespmem:$0xA108] =	vst v0  }
0x154: {  	[spmem:s5] =	stream.linear.scatter [tilespmem:s6], [sflag:$0x1], $0x2, $0x38;
	[tilespmem:$0x1EF88] =	vst v63  }
0x155: {  	s2 =	sadd.s32 @!p0 $0x88, s2;
	s0 =	sshll.u32 @!p0 s0, $0x6  }
0x156: {  	[spmem:s0] =	stream.linear.scatter @!p0 [tilespmem:s2], [sflag:$0x1], $0x40, $0x38;
	[tilespmem:$0x1EF88] =	vst v63  }
0x157: {  	s0 =	simm.s32 @!p0 $0x42  }
0x158: {  	s28 =	simm.s32 $0x1;
	s0 =	simm.s32 @p0 $0x2  }
0x159: {  	_ =	swait.ge [sflag:s28], s0  }
0x15a: {  	s0 =	ssub.s32 $0x0, s0;
	[sflag:s28] =	ssyncset.done $0x0  }
0x15b: {  	p0 =	sne.s32 s14, $0x0;
	[sflag:s28] =	ssyncadd.s32 s0  }
.Ltmp19:
0x15c: {  	_ =	sfence.stream.spmem;
	(pc) =	sbr.rel @p0 .LBB2_43-.Ltmp19, $4  }
0x15d: {  	s29 =	simm.s32 $0x3;
	[bflag:$0x0] =	sbarrier.arrive $0xFFFF  }
0x15e: {  	s30 =	simm.s32 $0x4;
	[sflag:s29] =	ssyncpa.u1 $0x1  }
0x15f: {  	s31 =	simm.s32 $0x3C;
	[sflag:s30] =	ssyncpa.u1 $0x1  }
0x160: {  	s13 =	rddreg [dreg:$0x4];
	[sflag:s31] =	ssyncpa.u1 $0x1  }
0x161: {  	_ =	sfence.stream.spmem;
	s0 =	simm.s32 $0x5  }
0x162: {  	s2 =	simm.s32 $0x800;
	s3 =	simm.s32 $0xA118;
	[sflag:s0] =	ssyncpa.u1 $0x0  }
0x163: {  	[tilespmem:s3], [sflag:$0x5] =	stream.linear.gather [spmem:s2], $0x20, $0x38;
	[tilespmem:$0x1EF88] =	vst v63  }
0x164: {  	s26 =	simm.s32 $0x0;
	s28 =	simm.s32 $0xA138  }
0x165: {  	[tilespmem:s28], [sflag:$0x5] =	stream.linear.gather [spmem:s26], $0x800, $0x38;
	[tilespmem:$0x1EF88] =	vst v63  }
0x166: {  	_ =	swait.ge [sflag:s0], $0x820  }
0x167: {  	[sflag:s0] =	ssyncset.done $0x0  }
0x168: {  	s29 =	simm.s32 $0x0;
	[sflag:s0] =	ssyncadd.s32 $0xFFFFF7E0  }
0x169: {  	v0 =	vld.msk [tilespmem:s29+$0xA118], $0x1;
	_ =	sdelay $0x1  }
0x16a: {  	s30 =	simm.s32 $0x1  }
0x16b: {  	v1 =	vld.msk [tilespmem:s30+$0xA118], $0x1;
	_ =	sdelay $0x1  }
0x16c: {  	(v2sf) =	vpush v0, $0x0;
	_ =	sdelay $0x2  }
0x16d: {  	(v2sf) =	vpush v1, $0x0;
	_ =	sdelay $0x2  }
0x16e: {  	s31 =	simm.s32 $0x2  }
0x16f: {  	v0 =	vld.msk [tilespmem:s31+$0xA118], $0x1;
	_ =	sdelay $0x2  }
0x170: {  	s2 =	simm.s32 $0xFFFFFFFF;
	s3 =	simm.s32 $0xFFFFFFFF;
	s0 =	simm.s32 $0xC  }
.LBB2_28:
0x171: {  	s4 =	smov.u32 s3;
	s5 =	smov.u32 s2  }
0x172: {  	s2 =	sshra.s32 s0, $0x2;
	p1 =	sne.s32 s0, $0x7C;
	s0 =	sadd.s32 $0x4, s0;
	(v2sf) =	vpush v0, $0x0  }
0x173: {  	v0 =	vld.msk [tilespmem:s2+$0xA118], $0x1  }
.Ltmp20:
0x174: {  	(pc) =	sbr.rel @p1 .LBB2_28-.Ltmp20, $4  }
0x175: {  	s3 =	spop (v2sf)  }
0x176: {  	p2 =	sne.s32 s5, $0xFFFFFFFF;
	s2 =	smov.u32 s3  }
0x177: {  	p3 =	seq.s32 s3, $0xFFFFFFFF;
	s2 =	smov.u32 @p2 s5  }
0x178: {  	s3 =	smov.u32 @p3 s4;
	s2 =	smov.u32 @p3 s5  }
0x179: {  	(v2sf) =	vpush v0, $0x0;
	_ =	sdelay $0x8  }
0x17a: {  	s0 =	spop (v2sf)  }
0x17b: {  	p1 =	sne.s32 s2, $0xFFFFFFFF;
	s4 =	smov.u32 s0  }
0x17c: {  	s9 =	simm.s32 $0x6;
	p2 =	seq.s32 s0, $0xFFFFFFFF;
	s4 =	smov.u32 @p1 s2  }
0x17d: {  	s6 =	simm.s32 $0x0;
	s4 =	smov.u32 @p2 s2;
	s2 =	spop (v2sf)  }
0x17e: {  	s0 =	smov.u32 @p2 s3;
	p1 =	sne.s32 s4, $0xFFFFFFFF;
	s5 =	smov.u32 s2  }
.Ltmp21:
0x17f: {  	p2 =	seq.s32 s2, $0xFFFFFFFF;
	s5 =	smov.u32 @p1 s4;
	(pc) =	sbr.rel .LBB2_30-.Ltmp21, $4  }
0x180: {  	s10 =	simm.s32 $0xA0C8;
	s5 =	smov.u32 @p2 s4;
	s7 =	spop (v2sf)  }
0x181: {  	s11 =	simm.s32 $0x0;
	p1 =	sne.s32 s5, $0xFFFFFFFF;
	s8 =	smov.u32 s7  }
0x182: {  	s2 =	smov.u32 @p2 s0;
	p2 =	seq.s32 s7, $0xFFFFFFFF;
	s8 =	smov.u32 @p1 s5  }
0x183: {  	[sflag:s9] =	ssyncpa.u1 $0x0;
	s7 =	smov.u32 @p2 s2;
	s8 =	smov.u32 @p2 s5  }
.LBB2_36:
0x184: {  	p1 =	sgt.u32 s0, $0xC34F8  }
0x185: {  	p2 =	seq.s32 @!p1 s0, s8  }
0x186: {  	p1 =	por p1, p2  }
0x187: {  	p2 =	sne.s32 @!p1 s0, s7  }
0x188: {  	p1 =	por p1, !p2  }
0x189: {  	s0 =	sshll.u32 @p1 s11, $0x8  }
0x18a: {  	s2 =	sand.u32 @!p1 $0xFFFF8, s0  }
0x18b: {  	s0 =	sand.u32 @!p1 $0x7, s0;
	s2 =	sadd.s32 @!p1 s1, s2  }
0x18c: {  	[tilespmem:s10], [sflag:$0x6] =	stream.linear.gather @!p1 [hbm4b:s2+s0], $0x40, $0x38;
	[tilespmem:$0x1EF88] =	vst v63  }
0x18d: {  	_ =	swait.ge @!p1 [sflag:s9], $0x40  }
0x18e: {  	[sflag:s9] =	ssyncset.done @!p1 $0x0  }
0x18f: {  	[sflag:s9] =	ssyncadd.s32 @!p1 $0xFFFFFFC0  }
0x190: {  	v1 =	vld @!p1 [tilespmem:$0xA0C8];
	_ =	sdelay $0x2  }
0x191: {  	s0 =	sshll.u32 @!p1 s11, $0x8  }
0x192: {  	s2 =	sshrl.u32 @!p1 s0, $0x2  }
0x193: {  	[tilespmem:s2+$0xA138] =	vst.add.f32.msk @!p1 $0xffff, v1  }
0x194: {  	v1 =	vld @!p1 [tilespmem:$0xA0D8];
	_ =	sdelay $0x4  }
0x195: {  	[tilespmem:s2+$0xA148] =	vst.add.f32.msk @!p1 $0xffff, v1  }
0x196: {  	v1 =	vld @!p1 [tilespmem:$0xA0E8];
	_ =	sdelay $0x4  }
0x197: {  	[tilespmem:s2+$0xA158] =	vst.add.f32.msk @!p1 $0xffff, v1  }
0x198: {  	v1 =	vld @!p1 [tilespmem:$0xA0F8];
	_ =	sdelay $0x4  }
0x199: {  	[tilespmem:s2+$0xA168] =	vst.add.f32.msk @!p1 $0xffff, v1  }
0x19a: {  	s0 =	sshrl.u32 s0, $0x2;
	[tilespmem:s6+$0xA118] =	vst.msk $0x1, v0  }
0x19b: {  	v0 =	vld [tilespmem:s0+$0xA138];
	_ =	sdelay $0x2  }
0x19c: {  	s31 =	sshll.u32 s6, $0x8  }
0x19d: {  	s2 =	sshra.s32 s31, $0x2  }
0x19e: {  	[tilespmem:s2+$0xA138] =	vst v0  }
0x19f: {  	v0 =	vld [tilespmem:s0+$0xA148];
	_ =	sdelay $0x4  }
0x1a0: {  	[tilespmem:s2+$0xA148] =	vst v0  }
0x1a1: {  	v0 =	vld [tilespmem:s0+$0xA158];
	_ =	sdelay $0x4  }
0x1a2: {  	[tilespmem:s2+$0xA158] =	vst v0  }
0x1a3: {  	v0 =	vld [tilespmem:s0+$0xA168];
	_ =	sdelay $0x4  }
0x1a4: {  	s6 =	sadd.s32 $0x1, s6;
	[tilespmem:s2+$0xA168] =	vst v0  }
.LBB2_37:
0x1a5: {  	s11 =	sadd.s32 $0x1, s11  }
0x1a6: {  	p1 =	sne.s32 s11, $0x20  }
.Ltmp22:
0x1a7: {  	_ = 	snop;
	(pc) =	sbr.rel @!p1 .LBB2_38-.Ltmp22, $1  }
0x1a8: {  	_ =	sdelay $0x3  }
.LBB2_30:
0x1a9: {  	v0 =	vld.msk [tilespmem:s11+$0xA118], $0x1;
	_ =	sdelay $0x4  }
0x1aa: {  	(v2sf) =	vpush v0, $0x0;
	_ =	sdelay $0xe  }
0x1ab: {  	s0 =	spop (v2sf)  }
0x1ac: {  	p1 =	seq.s32 s0, $0xFFFFFFFF  }
.Ltmp23:
0x1ad: {  	_ = 	snop;
	(pc) =	sbr.rel @p1 .LBB2_37-.Ltmp23, $1  }
0x1ae: {  	_ =	sdelay $0x3  }
0x1af: {  	p1 =	slt.s32 s6, $0x1  }
.Ltmp24:
0x1b0: {  	_ = 	snop;
	(pc) =	sbr.rel @p1 .LBB2_36-.Ltmp24, $1  }
0x1b1: {  	_ =	sdelay $0x3  }
0x1b2: {  	s2 =	simm.s32 $0xA118;
	p1 =	por $0x0, $0x0  }
0x1b3: {  	v1 =	vld.msk @!p1 [tilespmem:s2+$0x0], $0x1;
	_ =	sdelay $0x4  }
0x1b4: {  	(v2sf) =	vpush @!p1 v1, $0x0;
	_ =	sdelay $0xd  }
0x1b5: {  	p3 =	sne.s32 s6, $0x1  }
.Ltmp25:
0x1b6: {  	s3 =	spop @!p1 (v2sf);
	(pc) =	sbr.rel @!p3 .LBB2_34-.Ltmp25, $4  }
0x1b7: {  	p2 =	seq.s32 @!p1 s0, s3  }
0x1b8: {  	s3 =	simm.s32 $0x0;
	p2 =	por !p2, p1  }
0x1b9: {  	s5 =	simm.s32 $0xFFFFFFFF;
	s3 =	simm.s32 @p2 $0xFFFFFFFF  }
0x1ba: {  	s4 =	simm.s32 $0x1;
	s3 =	smov.u32 @p1 s5  }
.LBB2_33:
0x1bb: {  	s5 =	smov.u32 s3;
	p1 =	sne.s32 s3, $0xFFFFFFFF  }
0x1bc: {  	s2 =	sadd.s32 $0x1, s2;
	s3 =	smov.u32 s4;
	s4 =	sadd.s32 $0x1, s4  }
0x1bd: {  	p2 =	sne.s32 s6, s4;
	v1 =	vld.msk @!p1 [tilespmem:s2+$0x0], $0x1;
	_ =	sdelay $0x4  }
0x1be: {  	(v2sf) =	vpush @!p1 v1, $0x0;
	_ =	sdelay $0xe  }
.Ltmp26:
0x1bf: {  	s12 =	spop @!p1 (v2sf);
	(pc) =	sbr.rel @p2 .LBB2_33-.Ltmp26, $4  }
0x1c0: {  	p3 =	seq.s32 @!p1 s0, s12  }
0x1c1: {  	p3 =	por !p3, p1  }
0x1c2: {  	s3 =	simm.s32 @p3 $0xFFFFFFFF  }
0x1c3: {  	s3 =	smov.u32 @p1 s5  }
.LBB2_34:
0x1c4: {  	p1 =	seq.s32 s3, $0xFFFFFFFF  }
.Ltmp27:
0x1c5: {  	_ = 	snop;
	(pc) =	sbr.rel @p1 .LBB2_36-.Ltmp27, $1  }
0x1c6: {  	_ =	sdelay $0x3  }
0x1c7: {  	s0 =	sshll.u32 s11, $0x6  }
0x1c8: {  	s0 =	sand.u32 $0x3FFFFFC0, s0  }
0x1c9: {  	v0 =	vld [tilespmem:s0+$0xA138];
	_ =	sdelay $0x2  }
0x1ca: {  	s2 =	sshll.u32 s3, $0x8  }
0x1cb: {  	s2 =	sshra.s32 s2, $0x2  }
0x1cc: {  	[tilespmem:s2+$0xA138] =	vst.add.f32.msk $0xffff, v0  }
0x1cd: {  	v0 =	vld [tilespmem:s0+$0xA148];
	_ =	sdelay $0x4  }
0x1ce: {  	[tilespmem:s2+$0xA148] =	vst.add.f32.msk $0xffff, v0  }
0x1cf: {  	v0 =	vld [tilespmem:s0+$0xA158];
	_ =	sdelay $0x4  }
0x1d0: {  	[tilespmem:s2+$0xA158] =	vst.add.f32.msk $0xffff, v0  }
0x1d1: {  	v0 =	vld [tilespmem:s0+$0xA168]  }
.Ltmp28:
0x1d2: {  	_ = 	snop;
	(pc) =	sbr.rel .LBB2_37-.Ltmp28, $2  }
0x1d3: {  	_ =	sdelay $0x2  }
0x1d4: {  	[tilespmem:s2+$0xA168] =	vst.add.f32.msk $0xffff, v0  }
.LBB2_38:
0x1d5: {  	s0 =	simm.s32 $0x6;
	p1 =	seq.s32 s6, $0x0  }
0x1d6: {  	[sflag:s0] =	ssyncpa.u1 $0x1;
	v0 =	vimm.s32 @p1 $0xFFFFFFFF  }
0x1d7: {  	s0 =	sadd.s32 $0xFFFFFFFF, s6;
	[tilespmem:$0xA938] =	vst @p1 v0  }
0x1d8: {  	v0 =	vld.msk @!p1 [tilespmem:s0+$0xA118], $0x1;
	_ =	sdelay $0x1  }
0x1d9: {  	v1 =	vld.msk @!p1 [tilespmem:$0xA118], $0x1;
	_ =	sdelay $0x2  }
0x1da: {  	p2 =	seq.s32 @!p1 s0, $0x0;
	v0 =	vbroadcast @!p1 v0, $0x0  }
0x1db: {  	vm0 =	vmmov @!p1 $0x1;
	p2 =	por !p2, p1  }
0x1dc: {  	v1 =	vnsel @!p1 vm0, $0xFFFFFFFF, v1;
	vm0 =	vcmask @!p1 $0x308;
	v0 =	vpsel !p2, $0xFFFFFFFF, v0  }
0x1dd: {  	p2 =	sne.s32 @!p1 s8, s7;
	v0 =	vsel @!p1 vm0, v1, v0  }
0x1de: {  	s2 =	simm.s32 @!p1 $0xA138;
	s3 =	simm.s32 @!p1 $0x0;
	p3 =	por !p2, p1;
	[tilespmem:$0xA938] =	vst @!p1 v0  }
0x1df: {  	[spmem:s3] =	stream.linear.scatter @!p1 [tilespmem:s2], [sflag:$0x1], $0x40, $0x38;
	[tilespmem:$0x1EF88] =	vst v63  }
0x1e0: {  	s2 =	sshll.u32 @!p3 s0, $0x8  }
0x1e1: {  	s2 =	sshra.s32 @!p3 s2, $0x2  }
0x1e2: {  	s3 =	simm.s32 @!p3 $0x40;
	s2 =	sadd.s32 @!p3 $0xA138, s2  }
0x1e3: {  	[spmem:s3] =	stream.linear.scatter @!p3 [tilespmem:s2], [sflag:$0x1], $0x40, $0x38;
	[tilespmem:$0x1EF88] =	vst v63  }
0x1e4: {  	s2 =	simm.s32 @!p3 $0x1  }
0x1e5: {  	_ =	swait.ge @!p3 [sflag:s2], $0x80  }
0x1e6: {  	p1 =	por p2, p1;
	[sflag:s2] =	ssyncset.done @!p3 $0x0  }
0x1e7: {  	[sflag:s2] =	ssyncadd.s32 @!p3 $0xFFFFFF80;
	s2 =	simm.s32 @!p1 $0x1  }
0x1e8: {  	_ =	swait.ge @!p1 [sflag:s2], $0x40  }
0x1e9: {  	s29 =	simm.s32 $0xA938;
	[sflag:s2] =	ssyncset.done @!p1 $0x0  }
0x1ea: {  	s30 =	simm.s32 $0x800;
	s31 =	simm.s32 $0x1;
	[sflag:s2] =	ssyncadd.s32 @!p1 $0xFFFFFFC0  }
0x1eb: {  	[spmem:s30] =	stream.linear.scatter [tilespmem:s29], [sflag:$0x1], $0x10, $0x38;
	[tilespmem:$0x1EF88] =	vst v63  }
0x1ec: {  	_ =	swait.ge [sflag:s31], $0x10  }
0x1ed: {  	[sflag:s31] =	ssyncset.done $0x0  }
0x1ee: {  	p1 =	seq.s32 s13, $0x0;
	s9 =	rddreg [dreg:$0x1];
	[sflag:s31] =	ssyncadd.s32 $0xFFFFFFF0  }
0x1ef: {  	s3 =	sshll.u32 @p1 s9, $0xE;
	s8 =	rddreg [dreg:$0x2]  }
0x1f0: {  	s2 =	sadd.s32 @p1 $0x15C3C, s3;
	s3 =	sshll.u32 @p1 s8, $0x11  }
0x1f1: {  	_ =	sfence.stream.spmem;
	s2 =	sor.u32 @p1 s3, s2  }
0x1f2: {  	[sflag:s2] =	ssyncadd.remote.s32 @p1 $0x1;
	s2 =	simm.s32 @p1 $0x4  }
0x1f3: {  	s4 =	simm.s32 @!p1 $0x3C;
	s3 =	sand.u32 $0xFFFFFFFE, s9;
	_ =	swait.ge @p1 [sflag:s2], $0x12  }
0x1f4: {  	s5 =	simm.s32 @!p1 $0x0;
	s3 =	sadd.s32 @!p1 $0x4, s3;
	[sflag:s2] =	ssyncset.done @p1 $0x0  }
0x1f5: {  	s7 =	simm.s32 @!p1 $0x80;
	[sflag:s2] =	ssyncadd.s32 @p1 $0xFFFFFFEE;
	s2 =	sshll.u32 @!p1 s3, $0x1A  }
0x1f6: {  	s3 =	sshll.u32 @!p1 s3, $0xD;
	s2 =	sor.u32 @!p1 s2, s8;
	_ =	swait.eq @!p1 [sflag:s4], $0x1  }
0x1f7: {  	s3 =	sor.u32 @!p1 $0x1C04, s3;
	s4 =	simm.s32 @!p1 $0x1C03;
	s2 =	sor.u32 @!p1 $0x80004000, s2  }
0x1f8: {  	[spmem:s7], [sflag:s3] =	dma.general @!p1 [spmem:s5], [sflag:s4], length:$0x10, [dreg:$0x0], stride_count:$0x0, ici_dest:s2, dma_misc:DstOpCode:WRITE  }
0x1f9: {  	p2 =	slt.s32 s0, $0x2;
	s5 =	simm.s32 @!p1 $0x100;
	s7 =	simm.s32 @!p1 $0x102  }
0x1fa: {  	[spmem:s7], [sflag:s3] =	dma.general @!p1 [spmem:s5], [sflag:s4], length:$0x2, [dreg:$0x0], stride_count:$0x0, ici_dest:s2, dma_misc:DstOpCode:WRITE  }
.Ltmp29:
0x1fb: {  	s2 =	simm.s32 @!p1 $0x3;
	(pc) =	sbr.rel @p2 .LBB2_42-.Ltmp29, $4  }
0x1fc: {  	s3 =	sshll.u32 @!p1 s9, $0xE;
	_ =	swait.ge @!p1 [sflag:s2], $0x12  }
0x1fd: {  	s4 =	sshll.u32 @!p1 s8, $0x11;
	s3 =	sadd.s32 @!p1 $0x11C3C, s3;
	[sflag:s2] =	ssyncset.done @!p1 $0x0  }
0x1fe: {  	[sflag:s2] =	ssyncadd.s32 @!p1 $0xFFFFFFEE;
	s2 =	sor.u32 @!p1 s4, s3  }
0x1ff: {  	s0 =	simm.s32 $0x0;
	[sflag:s2] =	ssyncadd.remote.s32 @!p1 $0xFFFFFFFF  }
0x200: {  	s0 =	simm.s32 $0xA119  }
0x201: {  	v0 =	vld.msk [tilespmem:s0+$0x0], $0x1;
	_ =	sdelay $0x4  }
0x202: {  	(v2sf) =	vpush v0, $0x0;
	_ =	sdelay $0xc  }
0x203: {  	s2 =	sadd.s32 $0xFFFFFFFE, s6  }
0x204: {  	s2 =	sadd.s32 $0xFFFFFFFF, s2  }
0x205: {  	p2 =	sne.s32 s2, $0x0;
	s3 =	spop (v2sf)  }
.Ltmp30:
0x206: {  	p1 =	sgt.u32 s3, $0xC34F8;
	(pc) =	sbr.rel @!p2 .LBB2_41-.Ltmp30, $4  }
0x207: {  	s5 =	simm.s32 $0x0;
	s4 =	sand.u32 @!p1 $0xFFFF8, s3  }
0x208: {  	s0 =	simm.s32 $0xA178;
	s3 =	sand.u32 @!p1 $0x7, s3;
	s4 =	sadd.s32 @!p1 s1, s4  }
0x209: {  	[hbm4b:s4+s3] =	stream.linear.scatter @!p1 [tilespmem:s0], [sflag:$0x5], $0x40, $0x38;
	[tilespmem:$0x1EF88] =	vst v63  }
0x20a: {  	s5 =	simm.s32 @!p1 $0x100;
	s3 =	simm.s32 $0x0;
	s4 =	simm.s32 $0xA11A  }
.LBB2_40:
0x20b: {  	v0 =	vld.msk [tilespmem:s4+$0x0], $0x1;
	s2 =	sadd.s32 $0xFFFFFFFF, s2;
	s3 =	sadd.s32 s3, s5  }
0x20c: {  	p1 =	sne.s32 s2, $0x0;
	_ =	sdelay $0x3  }
0x20d: {  	(v2sf) =	vpush v0, $0x0;
	_ =	sdelay $0xe  }
.Ltmp31:
0x20e: {  	s6 =	spop (v2sf);
	(pc) =	sbr.rel @p1 .LBB2_40-.Ltmp31, $4  }
0x20f: {  	s5 =	simm.s32 $0x0;
	p2 =	sgt.u32 s6, $0xC34F8  }
0x210: {  	s0 =	sadd.s32 $0x40, s0;
	s5 =	simm.s32 @!p2 $0x100;
	s7 =	sand.u32 @!p2 $0xFFFF8, s6  }
0x211: {  	s4 =	sadd.s32 $0x1, s4;
	s6 =	sand.u32 @!p2 $0x7, s6;
	s7 =	sadd.s32 @!p2 s1, s7  }
0x212: {  	[hbm4b:s7+s6] =	stream.linear.scatter @!p2 [tilespmem:s0], [sflag:$0x5], $0x40, $0x38;
	[tilespmem:$0x1EF88] =	vst v63  }
.LBB2_41:
0x213: {  	s0 =	sadd.s32 s3, s5  }
0x214: {  	s0 =	sshrl.u32 s0, $0x2  }
.LBB2_42:
0x215: {  	s2 =	simm.s32 $0x5  }
0x216: {  	_ =	swait.ge [sflag:s2], s0  }
0x217: {  	s31 =	ssub.s32 $0x0, s0;
	[sflag:s2] =	ssyncset.done $0x0  }
0x218: {  	[sflag:s2] =	ssyncadd.s32 s31  }
0x219: {  	[sflag:s2] =	ssyncpa.u1 $0x1  }
.LBB2_43:
0x21a: {  	s0 =	sor.u32 s13, s14  }
0x21b: {  	p1 =	sne.s32 s0, $0x0  }
.Ltmp32:
0x21c: {  	_ = 	snop;
	(pc) =	sbr.rel @p1 .LBB2_58-.Ltmp32, $3  }
0x21d: {  	_ =	sdelay $0x1  }
0x21e: {  	[bflag:$0x0] =	sbarrier.arrive $0xFFFF  }
0x21f: {  	_ =	sfence  }
0x220: {  	s0 =	simm.s32 $0x7  }
0x221: {  	s2 =	simm.s32 $0x800;
	s3 =	simm.s32 $0xA118;
	[sflag:s0] =	ssyncpa.u1 $0x0  }
0x222: {  	[tilespmem:s3], [sflag:$0x7] =	stream.linear.gather [spmem:s2], $0x20, $0x38;
	[tilespmem:$0x1EF88] =	vst v63  }
0x223: {  	s30 =	simm.s32 $0xA138;
	s2 =	simm.s32 $0x0  }
0x224: {  	[tilespmem:s30], [sflag:$0x7] =	stream.linear.gather [spmem:s2], $0x800, $0x38;
	[tilespmem:$0x1EF88] =	vst v63  }
.Ltmp33:
0x225: {  	_ = 	snop;
	(pc) =	sbr.rel .LBB2_45-.Ltmp33, $4  }
0x226: {  	_ =	swait.ge [sflag:s0], $0x820  }
0x227: {  	[sflag:s0] =	ssyncset.done $0x0  }
0x228: {  	s31 =	simm.s32 $0x8;
	[sflag:s0] =	ssyncadd.s32 $0xFFFFF7E0  }
0x229: {  	s3 =	simm.s32 $0x0;
	[sflag:s31] =	ssyncpa.u1 $0x0  }
.LBB2_51:
0x22a: {  	p1 =	slt.u32 s0, $0xC34F9  }
0x22b: {  	s4 =	sand.u32 @p1 $0xFFFF8, s0  }
0x22c: {  	s0 =	sand.u32 @p1 $0x7, s0;
	s5 =	simm.s32 @p1 $0xA0C8;
	s4 =	sadd.s32 @p1 s1, s4  }
0x22d: {  	[tilespmem:s5], [sflag:$0x8] =	stream.linear.gather @p1 [hbm4b:s4+s0], $0x40, $0x38;
	[tilespmem:$0x1EF88] =	vst v63  }
0x22e: {  	s0 =	simm.s32 @p1 $0x8  }
0x22f: {  	_ =	swait.ge @p1 [sflag:s0], $0x40  }
0x230: {  	[sflag:s0] =	ssyncset.done @p1 $0x0  }
0x231: {  	[sflag:s0] =	ssyncadd.s32 @p1 $0xFFFFFFC0  }
0x232: {  	v1 =	vld @p1 [tilespmem:$0xA0C8];
	_ =	sdelay $0x2  }
0x233: {  	s0 =	sshll.u32 @p1 s3, $0x8  }
0x234: {  	s4 =	sshrl.u32 @p1 s0, $0x2  }
0x235: {  	[tilespmem:s4+$0xA138] =	vst.add.f32.msk @p1 $0xffff, v1  }
0x236: {  	v1 =	vld @p1 [tilespmem:$0xA0D8];
	_ =	sdelay $0x4  }
0x237: {  	[tilespmem:s4+$0xA148] =	vst.add.f32.msk @p1 $0xffff, v1  }
0x238: {  	v1 =	vld @p1 [tilespmem:$0xA0E8];
	_ =	sdelay $0x4  }
0x239: {  	[tilespmem:s4+$0xA158] =	vst.add.f32.msk @p1 $0xffff, v1  }
0x23a: {  	v1 =	vld @p1 [tilespmem:$0xA0F8];
	_ =	sdelay $0x3  }
0x23b: {  	s5 =	sshll.u32 @!p1 s3, $0x8  }
0x23c: {  	s5 =	smov.u32 @p1 s0;
	[tilespmem:s4+$0xA168] =	vst.add.f32.msk @p1 $0xffff, v1  }
0x23d: {  	s0 =	sshrl.u32 s5, $0x2;
	[tilespmem:s2+$0xA118] =	vst.msk $0x1, v0  }
0x23e: {  	v0 =	vld [tilespmem:s0+$0xA138];
	_ =	sdelay $0x2  }
0x23f: {  	s31 =	sshll.u32 s2, $0x8  }
0x240: {  	s4 =	sshra.s32 s31, $0x2  }
0x241: {  	[tilespmem:s4+$0xA138] =	vst v0  }
0x242: {  	v0 =	vld [tilespmem:s0+$0xA148];
	_ =	sdelay $0x4  }
0x243: {  	[tilespmem:s4+$0xA148] =	vst v0  }
0x244: {  	v0 =	vld [tilespmem:s0+$0xA158];
	_ =	sdelay $0x4  }
0x245: {  	[tilespmem:s4+$0xA158] =	vst v0  }
0x246: {  	v0 =	vld [tilespmem:s0+$0xA168];
	_ =	sdelay $0x4  }
0x247: {  	s2 =	sadd.s32 $0x1, s2;
	[tilespmem:s4+$0xA168] =	vst v0  }
.LBB2_52:
0x248: {  	s3 =	sadd.s32 $0x1, s3  }
0x249: {  	p1 =	sne.s32 s3, $0x20  }
.Ltmp34:
0x24a: {  	_ = 	snop;
	(pc) =	sbr.rel @!p1 .LBB2_53-.Ltmp34, $1  }
0x24b: {  	_ =	sdelay $0x3  }
.LBB2_45:
0x24c: {  	v0 =	vld.msk [tilespmem:s3+$0xA118], $0x1;
	_ =	sdelay $0x4  }
0x24d: {  	(v2sf) =	vpush v0, $0x0;
	_ =	sdelay $0xe  }
0x24e: {  	s0 =	spop (v2sf)  }
0x24f: {  	p1 =	seq.s32 s0, $0xFFFFFFFF  }
.Ltmp35:
0x250: {  	_ = 	snop;
	(pc) =	sbr.rel @p1 .LBB2_52-.Ltmp35, $1  }
0x251: {  	_ =	sdelay $0x3  }
0x252: {  	p1 =	slt.s32 s2, $0x1  }
.Ltmp36:
0x253: {  	_ = 	snop;
	(pc) =	sbr.rel @p1 .LBB2_51-.Ltmp36, $1  }
0x254: {  	_ =	sdelay $0x3  }
0x255: {  	s4 =	simm.s32 $0xA118;
	p1 =	por $0x0, $0x0  }
0x256: {  	v1 =	vld.msk @!p1 [tilespmem:s4+$0x0], $0x1;
	_ =	sdelay $0x4  }
0x257: {  	(v2sf) =	vpush @!p1 v1, $0x0;
	_ =	sdelay $0xd  }
0x258: {  	p3 =	sne.s32 s2, $0x1  }
.Ltmp37:
0x259: {  	s5 =	spop @!p1 (v2sf);
	(pc) =	sbr.rel @!p3 .LBB2_49-.Ltmp37, $4  }
0x25a: {  	p2 =	seq.s32 @!p1 s0, s5  }
0x25b: {  	s5 =	simm.s32 $0x0;
	p2 =	por !p2, p1  }
0x25c: {  	s7 =	simm.s32 $0xFFFFFFFF;
	s5 =	simm.s32 @p2 $0xFFFFFFFF  }
0x25d: {  	s6 =	simm.s32 $0x1;
	s5 =	smov.u32 @p1 s7  }
.LBB2_48:
0x25e: {  	s7 =	smov.u32 s5;
	p1 =	sne.s32 s5, $0xFFFFFFFF  }
0x25f: {  	s4 =	sadd.s32 $0x1, s4;
	s5 =	smov.u32 s6;
	s6 =	sadd.s32 $0x1, s6  }
0x260: {  	p2 =	sne.s32 s2, s6;
	v1 =	vld.msk @!p1 [tilespmem:s4+$0x0], $0x1;
	_ =	sdelay $0x4  }
0x261: {  	(v2sf) =	vpush @!p1 v1, $0x0;
	_ =	sdelay $0xe  }
.Ltmp38:
0x262: {  	s8 =	spop @!p1 (v2sf);
	(pc) =	sbr.rel @p2 .LBB2_48-.Ltmp38, $4  }
0x263: {  	p3 =	seq.s32 @!p1 s0, s8  }
0x264: {  	p3 =	por !p3, p1  }
0x265: {  	s5 =	simm.s32 @p3 $0xFFFFFFFF  }
0x266: {  	s5 =	smov.u32 @p1 s7  }
.LBB2_49:
0x267: {  	p1 =	seq.s32 s5, $0xFFFFFFFF  }
.Ltmp39:
0x268: {  	_ = 	snop;
	(pc) =	sbr.rel @p1 .LBB2_51-.Ltmp39, $1  }
0x269: {  	_ =	sdelay $0x3  }
0x26a: {  	s0 =	sshll.u32 s3, $0x6  }
0x26b: {  	s0 =	sand.u32 $0x3FFFFFC0, s0  }
0x26c: {  	v0 =	vld [tilespmem:s0+$0xA138];
	_ =	sdelay $0x2  }
0x26d: {  	s4 =	sshll.u32 s5, $0x8  }
0x26e: {  	s4 =	sshra.s32 s4, $0x2  }
0x26f: {  	[tilespmem:s4+$0xA138] =	vst.add.f32.msk $0xffff, v0  }
0x270: {  	v0 =	vld [tilespmem:s0+$0xA148];
	_ =	sdelay $0x4  }
0x271: {  	[tilespmem:s4+$0xA148] =	vst.add.f32.msk $0xffff, v0  }
0x272: {  	v0 =	vld [tilespmem:s0+$0xA158];
	_ =	sdelay $0x4  }
0x273: {  	[tilespmem:s4+$0xA158] =	vst.add.f32.msk $0xffff, v0  }
0x274: {  	v0 =	vld [tilespmem:s0+$0xA168]  }
.Ltmp40:
0x275: {  	_ = 	snop;
	(pc) =	sbr.rel .LBB2_52-.Ltmp40, $2  }
0x276: {  	_ =	sdelay $0x2  }
0x277: {  	[tilespmem:s4+$0xA168] =	vst.add.f32.msk $0xffff, v0  }
.LBB2_53:
0x278: {  	p1 =	slt.s32 s2, $0x1  }
.Ltmp41:
0x279: {  	_ = 	snop;
	(pc) =	sbr.rel @p1 .LBB2_57-.Ltmp41, $3  }
0x27a: {  	_ =	sdelay $0x1  }
0x27b: {  	s0 =	simm.s32 $0x8  }
0x27c: {  	[sflag:s0] =	ssyncpa.u1 $0x1;
	s0 =	simm.s32 $0x0  }
0x27d: {  	s3 =	simm.s32 $0xA118  }
0x27e: {  	v0 =	vld.msk [tilespmem:s3+$0x0], $0x1;
	_ =	sdelay $0x4  }
0x27f: {  	(v2sf) =	vpush v0, $0x0;
	_ =	sdelay $0xe  }
0x280: {  	s2 =	sadd.s32 $0xFFFFFFFF, s2;
	s4 =	spop (v2sf)  }
0x281: {  	p2 =	sne.s32 s2, $0x0;
	p1 =	sgt.u32 s4, $0xC34F8  }
.Ltmp42:
0x282: {  	s5 =	sand.u32 @!p1 $0xFFFF8, s4;
	(pc) =	sbr.rel @!p2 .LBB2_56-.Ltmp42, $4  }
0x283: {  	s3 =	simm.s32 $0xA138;
	s4 =	sand.u32 @!p1 $0x7, s4;
	s5 =	sadd.s32 @!p1 s1, s5  }
0x284: {  	[hbm4b:s5+s4] =	stream.linear.scatter @!p1 [tilespmem:s3], [sflag:$0x7], $0x40, $0x38;
	[tilespmem:$0x1EF88] =	vst v63  }
0x285: {  	s5 =	simm.s32 $0x0  }
0x286: {  	s4 =	simm.s32 $0xA119;
	s5 =	simm.s32 @!p1 $0x100  }
.LBB2_55:
0x287: {  	v0 =	vld.msk [tilespmem:s4+$0x0], $0x1;
	s2 =	sadd.s32 $0xFFFFFFFF, s2;
	s0 =	sadd.s32 s0, s5  }
0x288: {  	p1 =	sne.s32 s2, $0x0;
	_ =	sdelay $0x3  }
0x289: {  	(v2sf) =	vpush v0, $0x0;
	_ =	sdelay $0xe  }
.Ltmp43:
0x28a: {  	s6 =	spop (v2sf);
	(pc) =	sbr.rel @p1 .LBB2_55-.Ltmp43, $4  }
0x28b: {  	s5 =	simm.s32 $0x0;
	p2 =	sgt.u32 s6, $0xC34F8  }
0x28c: {  	s3 =	sadd.s32 $0x40, s3;
	s5 =	simm.s32 @!p2 $0x100;
	s7 =	sand.u32 @!p2 $0xFFFF8, s6  }
0x28d: {  	s4 =	sadd.s32 $0x1, s4;
	s6 =	sand.u32 @!p2 $0x7, s6;
	s7 =	sadd.s32 @!p2 s1, s7  }
0x28e: {  	[hbm4b:s7+s6] =	stream.linear.scatter @!p2 [tilespmem:s3], [sflag:$0x7], $0x40, $0x38;
	[tilespmem:$0x1EF88] =	vst v63  }
.LBB2_56:
0x28f: {  	s0 =	sadd.s32 s0, s5  }
0x290: {  	s0 =	sshrl.u32 s0, $0x2  }
.LBB2_57:
0x291: {  	s1 =	simm.s32 $0x7  }
0x292: {  	_ =	swait.ge [sflag:s1], s0  }
0x293: {  	s31 =	ssub.s32 $0x0, s0;
	[sflag:s1] =	ssyncset.done $0x0  }
0x294: {  	[sflag:s1] =	ssyncadd.s32 s31  }
0x295: {  	[sflag:s1] =	ssyncpa.u1 $0x1  }
.LBB2_58:
0x296: {  	_ =	sfence;
	s0 =	simm.s32 $0x1  }
0x297: {  	[sflag:s0] =	ssyncpa.u1 $0x1  }
0x298: {  	_ =	strace $0x9000005C  }
0x299: {  	[bflag:$0x2] =	sbarrier.arrive $0xFFFF  }
0x29a: {  	s0 =	rddreg [dreg:$0x3]  }
0x29b: {  	s0 =	sadd.s32 @!p0 $0x100000, s0  }
0x29c: {  	[sflag:s0] =	ssyncadd.tile.s32 @!p0 $0x1;
	_ =	shalt  }
.Lfunc_end2:
_tile_overlayer_lowered:
.L_overlay_start_2:
0x29d: {  	(tag) =	ssettag $0x2  }
0x29e: {  	s0 =	rddreg [dreg:$0x0];
	s2 =	stileid.u32  }
0x29f: {  	s1 =	rddreg [dreg:$0x1];
	p0 =	sne.s32 s2, $0x0  }
0x2a0: {  	s3 =	rddreg [dreg:$0x2];
	[bflag:$0x3] =	sbarrier.arrive $0xFFFF;
	s2 =	simm.s32 @!p0 $0x1C01  }
0x2a1: {  	[timem:s3], [sflag:s2] =	dma.local @!p0 [hbm:s0], s1  }
0x2a2: {  	s0 =	simm.s32 @!p0 $0x1  }
0x2a3: {  	_ =	swait.ge @!p0 [sflag:s0], s1  }
0x2a4: {  	s1 =	ssub.s32 @!p0 $0x0, s1;
	[sflag:s0] =	ssyncset.done @!p0 $0x0  }
0x2a5: {  	[sflag:s0] =	ssyncadd.s32 @!p0 s1  }
0x2a6: {  	[bflag:$0x3] =	sbarrier.arrive $0xFFFF  }
0x2a7: {  	_ =	shalt  }

// kernel: scatter_offload_async_start.4
scs
__scs_entry_jumppad:
0x0: {  	(pc) =	sbr.rel $0x88, $3  }
0x1: {  	(tag) =	ssettag $0x0;
	lr =	simm.s32 $0x1  }
0x2: {  	[smem:$0x3F51] =	sst lr;
	_ =	strace $0xD0000000  }
0x3: {  	_ = 	snop  }
0x4: {  	_ = 	snop  }
0x5: {  	_ = 	snop  }
0x6: {  	_ = 	snop  }
0x7: {  	_ = 	snop  }
__scs_overlays_trampoline_lowered:
0x8: {  	[smem:$0x3F60] =	sst s0  }
0x9: {  	[smem:$0x3F61] =	sst s1  }
0xa: {  	[smem:$0x3F62] =	sst s2  }
0xb: {  	[smem:$0x3F63] =	sst s3  }
0xc: {  	[smem:$0x3F64] =	sst s4  }
0xd: {  	[smem:$0x3F65] =	sst s5  }
0xe: {  	[smem:$0x3F66] =	sst s6  }
0xf: {  	[smem:$0x3F67] =	sst s7  }
0x10: {  	[smem:$0x3F68] =	sst s8  }
0x11: {  	[smem:$0x3F69] =	sst s9;
	s0 =	simm.s32 @!p0 $0x0  }
0x12: {  	s1 =	sld [smem:$0x3F4F];
	s0 =	simm.s32 @p0 $0x1  }
0x13: {  	[smem:$0x3F6A] =	sst s0;
	s0 =	simm.s32 @!p1 $0x0  }
0x14: {  	s2 =	sld [smem:$0x3F4E];
	s0 =	simm.s32 @p1 $0x1  }
0x15: {  	[smem:$0x3F6B] =	sst s0;
	s0 =	simm.s32 @!p2 $0x0  }
0x16: {  	s3 =	sld [smem:$0x3FDB];
	s0 =	simm.s32 @p2 $0x1  }
0x17: {  	s4 =	simm.s32 $0x1BF5;
	[smem:$0x3F6D] =	sst s0  }
0x18: {  	s0 =	sld [smem:$0x3F50];
	_ =	swait.ge [sflag:s4], $0x0  }
0x19: {  	s7 =	sld [smem:$0x3F51]  }
0x1a: {  	s8 =	sadd.s32 $0xFFFFE003, lr  }
0x1b: {  	s9 =	sadd.s32 $0xFFFFFEF7, lr;
	s5 =	simm.s32 $0xFFFFFFFF;
	p2 =	slt.u32 s8, $0xFFFFF086  }
0x1c: {  	p1 =	slt.u32 s9, $0xF7A;
	s5 =	simm.s32 @!p2 $0x0  }
0x1d: {  	s5 =	simm.s32 @p1 $0x1;
	p0 =	seq.s32 s7, s2  }
0x1e: {  	s7 =	smul.u32 @!p0 $0xF7A, s2;
	p2 =	seq.s32 @!p0 s5, $0x0  }
0x1f: {  	s9 =	smul.u32 $0xF7A, s1;
	s8 =	simm.s32 @!p0 $0x1BF5;
	p2 =	por !p2, p0  }
0x20: {  	[sflag:s8] =	ssyncset.s32 @!p0 $0xFFFFF086;
	s6 =	sadd.s32 @!p0 s3, s7;
	s7 =	simm.s32 @!p0 $0x108  }
0x21: {  	s3 =	sadd.s32 s3, s9;
	s6 =	sadd.s32 @!p0 $0x88, s6;
	s7 =	simm.s32 @p2 $0x1082  }
0x22: {  	[simem:s7], [sflag:s8] =	dma.local @!p0 [hbm:s6], $0xF7A  }
0x23: {  	s9 =	sor.u32 $0xD0000000, s2;
	s6 =	simm.s32 $0x108;
	_ =	swait.ge @!p0 [sflag:s8], $0x0  }
0x24: {  	s3 =	sadd.s32 $0x88, s3;
	s6 =	simm.s32 @!p1 $0x1082;
	[sflag:s4] =	ssyncset.s32 $0xFFFFF086  }
0x25: {  	[simem:s6], [sflag:s4] =	dma.local [hbm:s3], $0xF7A  }
0x26: {  	[smem:$0x3F51] =	sst s1;
	(tag) =	ssettag s2;
	_ =	strace s9  }
0x27: {  	s1 =	sld [smem:$0x3F61]  }
0x28: {  	s2 =	sld [smem:$0x3F62]  }
0x29: {  	s4 =	sld [smem:$0x3F64]  }
0x2a: {  	p0 =	seq.s32 s5, $0x0;
	s5 =	sld [smem:$0x3F65]  }
0x2b: {  	s6 =	sld [smem:$0x3F66]  }
0x2c: {  	s7 =	sld [smem:$0x3F67]  }
0x2d: {  	s3 =	simm.s32 $0x108;
	s8 =	sld [smem:$0x3F68]  }
0x2e: {  	s3 =	simm.s32 @!p0 $0x1082;
	s9 =	sld [smem:$0x3F69]  }
0x2f: {  	lr =	sadd.s32 s0, s3;
	s0 =	sld [smem:$0x3F60]  }
0x30: {  	s3 =	sld [smem:$0x3F63]  }
0x31: {  	[smem:$0x3F6C] =	sst s10  }
0x32: {  	s10 =	sld [smem:$0x3F6A];
	_ =	sdelay $0x3  }
0x33: {  	p0 =	seq.s32 s10, $0x1;
	s10 =	sld [smem:$0x3F6C];
	_ =	sdelay $0x3  }
0x34: {  	[smem:$0x3F6C] =	sst s10  }
0x35: {  	s10 =	sld [smem:$0x3F6B];
	_ =	sdelay $0x3  }
0x36: {  	p1 =	seq.s32 s10, $0x1;
	s10 =	sld [smem:$0x3F6C];
	_ =	sdelay $0x3  }
0x37: {  	[smem:$0x3F6C] =	sst s10  }
0x38: {  	s10 =	sld [smem:$0x3F6D]  }
0x39: {  	_ = 	snop;
	(pc) =	sbr.ind lr, $3  }
0x3a: {  	_ = 	snop  }
0x3b: {  	_ = 	snop  }
0x3c: {  	p2 =	seq.s32 s10, $0x1;
	s10 =	sld [smem:$0x3F6C]  }
0x3d: {  	_ =	shalt  }
0x3e: {  	_ =	shalt  }
0x3f: {  	_ =	shalt  }
0x40: {  	_ =	shalt  }
0x41: {  	_ =	shalt  }
0x42: {  	_ =	shalt  }
0x43: {  	_ =	shalt  }
0x44: {  	_ =	shalt  }
0x45: {  	_ =	shalt  }
0x46: {  	_ =	shalt  }
0x47: {  	_ =	shalt  }
0x48: {  	_ =	shalt  }
0x49: {  	_ =	shalt  }
0x4a: {  	_ =	shalt  }
0x4b: {  	_ =	shalt  }
0x4c: {  	_ =	shalt  }
0x4d: {  	_ =	shalt  }
0x4e: {  	_ =	shalt  }
0x4f: {  	_ =	shalt  }
0x50: {  	_ =	shalt  }
0x51: {  	_ =	shalt  }
0x52: {  	_ =	shalt  }
0x53: {  	_ =	shalt  }
0x54: {  	_ =	shalt  }
0x55: {  	_ =	shalt  }
0x56: {  	_ =	shalt  }
0x57: {  	_ =	shalt  }
0x58: {  	_ =	shalt  }
0x59: {  	_ =	shalt  }
0x5a: {  	_ =	shalt  }
0x5b: {  	_ =	shalt  }
0x5c: {  	_ =	shalt  }
0x5d: {  	_ =	shalt  }
0x5e: {  	_ =	shalt  }
0x5f: {  	_ =	shalt  }
0x60: {  	_ =	shalt  }
0x61: {  	_ =	shalt  }
0x62: {  	_ =	shalt  }
0x63: {  	_ =	shalt  }
0x64: {  	_ =	shalt  }
0x65: {  	_ =	shalt  }
0x66: {  	_ =	shalt  }
0x67: {  	_ =	shalt  }
0x68: {  	_ =	shalt  }
0x69: {  	_ =	shalt  }
0x6a: {  	_ =	shalt  }
0x6b: {  	_ =	shalt  }
0x6c: {  	_ =	shalt  }
0x6d: {  	_ =	shalt  }
0x6e: {  	_ =	shalt  }
0x6f: {  	_ =	shalt  }
0x70: {  	_ =	shalt  }
0x71: {  	_ =	shalt  }
0x72: {  	_ =	shalt  }
0x73: {  	_ =	shalt  }
0x74: {  	_ =	shalt  }
0x75: {  	_ =	shalt  }
0x76: {  	_ =	shalt  }
0x77: {  	_ =	shalt  }
0x78: {  	_ =	shalt  }
0x79: {  	_ =	shalt  }
0x7a: {  	_ =	shalt  }
0x7b: {  	_ =	shalt  }
0x7c: {  	_ =	shalt  }
0x7d: {  	_ =	shalt  }
0x7e: {  	_ =	shalt  }
0x7f: {  	_ =	shalt  }
0x80: {  	_ =	shalt  }
0x81: {  	_ =	shalt  }
0x82: {  	_ =	shalt  }
0x83: {  	_ =	shalt  }
0x84: {  	_ =	shalt  }
0x85: {  	_ =	shalt  }
0x86: {  	_ =	shalt  }
0x87: {  	_ =	shalt  }
.Lfunc_end0:
.L_simem_size_0:
called_computation.4_lowered:
.L_overlay_start_0:
0x88: {  	s0 =	sld [smem:$0x3FD9]  }
0x89: {  	s1 =	sld [smem:$0x3FFE];
	_ =	sdelay $0x3  }
0x8a: {  	s0 =	sadd.s32 s1, s0  }
0x8b: {  	[smem:$0x3F78] =	sst s0  }
0x8c: {  	_ = 	snop  }
0x8d: {  	(tm) =	ssettm $0x1  }
0x8e: {  	s15 =	sld [smem:$0x3FFB];
	_ =	sdelay $0x3  }
0x8f: {  	_ =	strace s15  }
0x90: {  	s0 =	sld [smem:$0x3FFC];
	_ =	sdelay $0x3  }
0x91: {  	_ =	strace s0  }
0x92: {  	s0 =	sld [smem:$0x3FFD];
	_ =	sdelay $0x3  }
0x93: {  	_ =	strace s0  }
0x94: {  	_ =	strace $0x8FFFFFFF  }
0x95: {  	s16 =	sld [smem:$0x3FDB];
	_ =	sdelay $0x1  }
0x96: {  	s17 =	simm.s32 $_scs_section_size  }
0x97: {  	s2 =	simm.s32 $_size__tile_overlayer_lowered;
	s3 =	simm.s32 $_tile_overlayer_lowered  }
0x98: {  	s20 =	simm.s32 $0x1BFF;
	s19 =	sshll.u32 s3, $0x1;
	s0 =	sadd.s32 s17, s16  }
0x99: {  	s4 =	simm.s32 $0x0;
	s18 =	sshll.u32 s2, $0x1;
	s2 =	sadd.s32 s19, s0  }
0x9a: {  	[timem:s4], [sflag:s20] =	dma.local [hbm:s2], s18  }
0x9b: {  	_ =	swait.ge [sflag:s20], s18  }
0x9c: {  	s1 =	ssub.s32 $0x0, s18;
	[sflag:s20] =	ssyncset.done $0x0  }
0x9d: {  	[sflag:s20] =	ssyncadd.s32 s1;
	_ =	sdelay $0x1  }
0x9e: {  	s21 =	simm.s32 $0x1B8B  }
0x9f: {  	_ =	swait.ge [sflag:s21], $0x1  }
0xa0: {  	[sflag:s21] =	ssyncset.done $0x0  }
0xa1: {  	s23 =	simm.s32 $0x1B8E;
	s22 =	sld [smem:$0x3FFE];
	[sflag:s21] =	ssyncadd.s32 $0xFFFFFFFF  }
0xa2: {  	s24 =	simm.s32 $execute0_lowered;
	[smem:$0x3FD2] =	sst s23  }
0xa3: {  	s2 =	sshll.u32 s24, $0x1;
	_ =	strace $0x8000005E;
	[dreg:$0x1] =	wrdreg $0xFFFFFFFF  }
0xa4: {  	s25 =	simm.s32 $_size_execute0_lowered;
	s0 =	sadd.s32 s0, s2;
	[dreg:$0x0] =	wrdreg $0x0  }
0xa5: {  	s2 =	sshll.u32 s25, $0x1;
	[dreg:$0x2] =	wrdreg s0  }
0xa6: {  	[dreg:$0x3] =	wrdreg s2  }
0xa7: {  	[dreg:$0x4] =	wrdreg $0xC0  }
0xa8: {  	_ =	task [dreg:s4], $0x5FFFF  }
0xa9: {  	[dreg:$0x1] =	wrdreg $0xFFFFFFFF  }
0xaa: {  	[dreg:$0x0] =	wrdreg $0x60  }
0xab: {  	[dreg:$0x2] =	wrdreg s22  }
0xac: {  	[dreg:$0x3] =	wrdreg $0x9  }
0xad: {  	_ =	task.clear_ibuf [dreg:s4], $0x4FFFF;
	_ =	strace $0x9000005E  }
0xae: {  	s26 =	simm.s32 $0x9;
	_ =	strace $0x80000060  }
0xaf: {  	_ =	swait.ge [sflag:s26], $0x1  }
0xb0: {  	[sflag:s26] =	ssyncadd.s32 $0xFFFFFFFF  }
0xb1: {  	_ =	strace $0x90000060  }
0xb2: {  	_ =	sfence  }
0xb3: {  	s28 =	sld [smem:$0x0];
	_ =	sdelay $0x1  }
0xb4: {  	s29 =	srdreg.scid  }
0xb5: {  	s30 =	sshll.u32 s29, $0xD;
	s31 =	sshrl.u32 s29, $0x2  }
0xb6: {  	s1 =	sand.u32 $0x1, s29;
	s2 =	sand.u32 $0x4000, s30;
	s0 =	sadd.s32 s31, s28  }
0xb7: {  	s1 =	sor.u32 s2, s1;
	s0 =	sshll.u32 s0, $0x11  }
0xb8: {  	s0 =	sor.u32 s0, s1  }
0xb9: {  	s0 =	sadd.s32 $0x8F2B, s0  }
0xba: {  	[sflag:s0] =	ssyncadd.remote.s32 $0x1  }
0xbb: {  	_ =	sfence.sel $0xFFFF  }
0xbc: {  	[dreg:$0x0] =	wrdreg $0xFFFFFFFF;
	(pc) =	sbr.abs _section_cstart, $3  }
0xbd: {  	[dreg:$0x1] =	wrdreg $0xFFFFFFFF  }
0xbe: {  	_ =	task.clear_ibuf [dreg:s4], $0x2FFFF;
	_ =	strace $0x9FFFFFFF  }
0xbf: {  	(tm) =	ssettm $0x7FFFFFFF  }
tec
execute0_lowered:
.L_overlay_start_1:
0x0: {  	(tag) =	ssettag $0x1  }
0x1: {  	s0 =	rddreg [dreg:$0x0];
	_ =	strace $0x8000005F;
	s1 =	simm.s32 $0x1  }
0x2: {  	s8 =	simm.s32 $0x108;
	v0 =	vimm.s32 $0x0;
	[sflag:s1] =	ssyncpa.u1 $0x0  }
0x3: {  	[tilespmem:s8+$0x70] =	vst v0  }
0x4: {  	[tilespmem:s8+$0x60] =	vst v0  }
0x5: {  	[tilespmem:s8+$0x50] =	vst v0  }
0x6: {  	[tilespmem:s8+$0x40] =	vst v0  }
0x7: {  	[tilespmem:s8+$0x30] =	vst v0  }
0x8: {  	s4 =	simm.s32 $0x40;
	s1 =	sadd.s32 $0xCB200, s0;
	[tilespmem:s8+$0x20] =	vst v0  }
0x9: {  	s2 =	sadd.s32 $0x284000, s0;
	s3 =	sadd.s32 $0x7C00, s0;
	s5 =	sadd.s32 $0x285A00, s0;
	[tilespmem:s8+$0x10] =	vst v0  }
.LBB2_1:
0xa: {  	s4 =	sadd.s32 $0x40, s4;
	[tilespmem:s8+$0x0] =	vst v0;
	s8 =	sadd.s32 $0x80, s8  }
0xb: {  	p0 =	slt.u32 s4, $0x3C40;
	[tilespmem:s8+$0x70] =	vst v0  }
0xc: {  	[tilespmem:s8+$0x60] =	vst v0  }
.Ltmp0:
0xd: {  	[tilespmem:s8+$0x50] =	vst v0;
	(pc) =	sbr.rel @p0 .LBB2_1-.Ltmp0, $4  }
0xe: {  	[tilespmem:s8+$0x40] =	vst v0  }
0xf: {  	[tilespmem:s8+$0x30] =	vst v0  }
0x10: {  	[tilespmem:s8+$0x20] =	vst v0  }
0x11: {  	[tilespmem:s8+$0x10] =	vst v0  }
0x12: {  	s13 =	stileid.u32  }
0x13: {  	s0 =	simm.s32 $0x1;
	p0 =	sne.s32 s13, $0x0;
	s4 =	smul.u32 $0xD, s13  }
0x14: {  	s0 =	simm.s32 @!p0 $0x0  }
0x15: {  	s0 =	sadd.s32 s0, s4  }
0x16: {  	p1 =	seq.s32 s13, $0x0;
	s6 =	smul.u32 $0xF0, s0;
	s0 =	simm.s32 $0xD20  }
0x17: {  	s0 =	simm.s32 @!p1 $0xC30  }
0x18: {  	s0 =	sadd.s32 s0, s6  }
0x19: {  	s7 =	smin.u32 s0, $0xC350  }
0x1a: {  	s0 =	ssub.s32 s7, s6  }
0x1b: {  	p1 =	sgt.s32 s0, $0x0  }
0x1c: {  	s0 =	simm.s32 @!p1 $0x0  }
0x1d: {  	s30 =	smul.u32 $0x8889, s0  }
0x1e: {  	s31 =	simm.s32 $0x2;
	s9 =	simm.s32 $0x7;
	s10 =	simm.s32 $0x1  }
0x1f: {  	s12 =	simm.s32 $0x8;
	s19 =	simm.s32 $0x0;
	s4 =	sshrl.u32 s30, $0x17  }
0x20: {  	s15 =	simm.s32 $0xA;
	s17 =	simm.s32 $0x0;
	s11 =	smul.u32 $0xF0, s4  }
.Ltmp1:
0x21: {  	[tilespmem:s8+$0x0] =	vst v0;
	v0 =	vimm.s32 $0xFFFFFFFF;
	s18 =	simm.s32 $0x0;
	[sflag:s31] =	ssyncpa.u1 $0x0;
	(pc) =	sbr.rel .LBB2_3-.Ltmp1, $4  }
0x22: {  	[tilespmem:$0xF208] =	vst v0;
	[sflag:s9] =	ssyncpa.u1 $0x0;
	p1 =	sne.s32 s0, s11;
	s0 =	simm.s32 $0x1  }
0x23: {  	s13 =	sshll.u32 s13, $0x8;
	[sflag:s12] =	ssyncpa.u1 $0x0;
	s0 =	simm.s32 @!p1 $0x0  }
0x24: {  	s16 =	smov.u32 s6;
	s11 =	simm.s32 $0x9;
	s12 =	sadd.s32 s4, s0  }
0x25: {  	v0 =	vlaneseq.u32;
	[sflag:s11] =	ssyncpa.u1 $0x0;
	p1 =	por $0x0, $0x0;
	s14 =	sadd.s32 $0x1, s12  }
.LBB2_18:
0x26: {  	s0 =	sshrl.u32 s28, $0x2  }
.LBB2_20:
0x27: {  	_ =	swait.ge [sflag:s15], s0  }
0x28: {  	s31 =	ssub.s32 $0x0, s0;
	v1 =	vmov s21;
	vm0 =	veq.s32 v0, $0x0;
	[sflag:s15] =	ssyncset.done $0x0  }
0x29: {  	vm15 =	veq.s32 v0, $0x2;
	v1 =	vsel vm0, s26, v1;
	[sflag:s15] =	ssyncadd.s32 s31  }
0x2a: {  	v1 =	vsel vm15, s19, v1;
	[sflag:s15] =	ssyncpa.u1 $0x1  }
0x2b: {  	[tilespmem:$0xF208] =	vst v1  }
.LBB2_21:
0x2c: {  	s0 =	sadd.s32 $0xF0, s16  }
0x2d: {  	s4 =	smov.u32 s6;
	p2 =	slt.s32 s0, s7  }
0x2e: {  	s4 =	smov.u32 @p2 s0;
	p2 =	sne.s32 s18, s14  }
.Ltmp2:
0x2f: {  	_ = 	snop;
	(pc) =	sbr.rel @!p2 .LBB2_22-.Ltmp2, $3  }
0x30: {  	_ =	sdelay $0x1  }
0x31: {  	s19 =	smov.u32 s17;
	s31 =	sadd.s32 $0x1, s18;
	s17 =	smov.u32 s16  }
0x32: {  	p1 =	por !p1, !p1;
	s18 =	smov.u32 s31;
	s16 =	smov.u32 s4  }
.LBB2_3:
0x33: {  	p2 =	sge.u32 s18, s12  }
0x34: {  	s0 =	smulhi.u32 @!p2 $0xAAAAAAAB, s18  }
0x35: {  	s4 =	smov.u32 s16;
	p3 =	sgt.s32 @!p2 s16, $0xC260  }
0x36: {  	s20 =	sshra.s32 @!p2 s16, $0x1F;
	p3 =	por !p3, p2;
	s0 =	sshrl.u32 @!p2 s0, $0x1  }
0x37: {  	s20 =	sand.u32 @!p2 s20, s16;
	s4 =	simm.s32 @p3 $0xC260;
	s0 =	smul.u32 @!p2 $0x3, s0  }
0x38: {  	s4 =	ssub.s32 @!p2 s4, s20  }
0x39: {  	s4 =	sadd.s32 @!p2 $0xFFFF3DA0, s4;
	s0 =	ssub.s32 @!p2 s18, s0  }
0x3a: {  	s20 =	sshll.u32 @!p2 s4, $0x2;
	p3 =	sgt.s32 @!p2 s4, $0xEF;
	s0 =	smul.u32 @!p2 $0x3C0, s0  }
0x3b: {  	s21 =	sand.u32 @!p2 $0x7, s16;
	s4 =	ssub.s32 @!p2 $0x3C0, s20;
	p3 =	por !p3, p2  }
0x3c: {  	s20 =	sshrl.u32 @!p2 s16, $0x3;
	s4 =	sshrl.u32 @!p2 s4, $0x2;
	s0 =	sshrl.u32 @!p2 s0, $0x2  }
0x3d: {  	s20 =	sadd.s32 @!p2 s5, s20;
	s4 =	simm.s32 @!p3 $0x0;
	s0 =	sadd.s32 @!p2 $0x10238, s0  }
0x3e: {  	[tilespmem:s0], [sflag:$0x8] =	stream.linear.gather @!p2 [hbm4b:s20+s21], s4, $0x38;
	[tilespmem:$0x1F6E8] =	vst v63  }
0x3f: {  	s0 =	sadd.s32 $0xFFFFFFFF, s18  }
0x40: {  	p2 =	sge.u32 s0, s12  }
0x41: {  	p3 =	sgt.s32 @!p2 s17, $0xC260  }
0x42: {  	s4 =	smov.u32 s17;
	s20 =	sshra.s32 @!p2 s17, $0x1F;
	p3 =	por !p3, p2  }
0x43: {  	s20 =	sand.u32 @!p2 s20, s17;
	s4 =	simm.s32 @p3 $0xC260  }
0x44: {  	s4 =	ssub.s32 @!p2 s4, s20  }
0x45: {  	s4 =	sadd.s32 @!p2 $0xFFFF3DA0, s4  }
0x46: {  	s21 =	sand.u32 @!p2 $0x1, s0;
	s20 =	sshll.u32 @!p2 s4, $0x2  }
0x47: {  	p3 =	sgt.s32 @!p2 s4, $0xEF;
	s4 =	ssub.s32 @!p2 $0x3C0, s20;
	s20 =	smulhi.u32 @!p2 $0xAAAAAAAB, s0  }
0x48: {  	s23 =	smul.u32 @!p2 $0x3C0, s21;
	p3 =	por !p3, p2;
	s4 =	sshrl.u32 @!p2 s4, $0x2  }
0x49: {  	s22 =	simm.s32 @!p2 $0x8;
	s4 =	simm.s32 @!p3 $0x0;
	s20 =	sshrl.u32 @!p2 s20, $0x1  }
0x4a: {  	s23 =	sshrl.u32 @!p2 s23, $0x2;
	_ =	swait.ge @!p2 [sflag:s22], s4;
	s20 =	smul.u32 @!p2 $0x3, s20  }
0x4b: {  	s23 =	sor.u32 @!p2 $0x10508, s23;
	s24 =	ssub.s32 @!p2 $0x0, s4;
	[sflag:s22] =	ssyncset.done @!p2 $0x0  }
0x4c: {  	[sflag:s22] =	ssyncadd.s32 @!p2 s24;
	s22 =	sshrl.u32 @!p2 s17, $0x3;
	s0 =	ssub.s32 @!p2 s0, s20  }
0x4d: {  	s24 =	sand.u32 @!p2 $0x7, s17;
	s22 =	sadd.s32 @!p2 s2, s22;
	s0 =	smul.u32 @!p2 $0x3C0, s0  }
0x4e: {  	[tilespmem:s23], [sflag:$0x9] =	stream.linear.gather @!p2 [hbm4b:s22+s24], s4, $0x38;
	[tilespmem:$0x1F6E8] =	vst v63  }
0x4f: {  	s20 =	ssub.s32 @!p2 $0xC350, s17;
	s4 =	smul.u32 @!p2 $0x1E000, s21  }
0x50: {  	p3 =	slt.s32 @!p2 s20, $0xF0  }
0x51: {  	p3 =	por !p3, p2;
	s0 =	sshrl.u32 @!p2 s0, $0x2;
	s4 =	sshrl.u32 @!p2 s4, $0x2  }
0x52: {  	s20 =	simm.s32 @p3 $0xF0;
	s0 =	sadd.s32 @!p2 $0x10238, s0;
	s4 =	sor.u32 @!p2 $0x106E8, s4  }
0x53: {  	[tilespmem:s4], [sflag:$0x7] =	stream.indirect.gather @!p2 [hbm4b:s3+s20], $0x80, s0, s20, $0xb8;
	[tilespmem:$0x1F6E8] =	vst v63  }
0x54: {  	p2 =	slt.u32 s18, $0x2  }
.Ltmp3:
0x55: {  	_ = 	snop;
	(pc) =	sbr.rel @p2 .LBB2_21-.Ltmp3, $1  }
0x56: {  	_ =	sdelay $0x3  }
0x57: {  	p2 =	sgt.s32 s19, $0xC260;
	s0 =	smov.u32 s19  }
0x58: {  	s4 =	sshra.s32 s19, $0x1F;
	s20 =	ssub.s32 $0xC350, s19;
	s0 =	simm.s32 @!p2 $0xC260  }
0x59: {  	s4 =	sand.u32 s4, s19;
	p2 =	slt.s32 s20, $0xF0;
	s21 =	smov.u32 s20  }
0x5a: {  	s0 =	ssub.s32 s0, s4;
	s21 =	simm.s32 @!p2 $0xF0  }
0x5b: {  	s0 =	sadd.s32 $0xFFFF3DA0, s0;
	s28 =	sshll.u32 s21, $0x7  }
0x5c: {  	s29 =	sshll.u32 s0, $0x2;
	s4 =	sand.u32 $0x3FFFFF80, s28  }
0x5d: {  	p2 =	sgt.s32 s0, $0xEF;
	s30 =	ssub.s32 $0x3C0, s29;
	_ =	swait.ge [sflag:s9], s4  }
0x5e: {  	s4 =	ssub.s32 $0x0, s4;
	[sflag:s9] =	ssyncset.done $0x0;
	s0 =	sshrl.u32 s30, $0x2  }
0x5f: {  	[sflag:s9] =	ssyncadd.s32 s4;
	s0 =	simm.s32 @p2 $0x0  }
0x60: {  	_ =	swait.ge [sflag:s11], s0  }
0x61: {  	s0 =	ssub.s32 $0x0, s0;
	[sflag:s11] =	ssyncset.done $0x0  }
0x62: {  	[sflag:s11] =	ssyncadd.s32 s0  }
0x63: {  	v1 =	vld [tilespmem:$0xF208];
	_ =	sdelay $0x4  }
0x64: {  	(v2sf) =	vpush v1, $0x0  }
0x65: {  	(v2sf) =	vpush v1, $0x1  }
0x66: {  	(v2sf) =	vpush v1, $0x2;
	_ =	sdelay $0x3  }
0x67: {  	s0 =	sadd.s32 $0xF0, s19  }
0x68: {  	p2 =	slt.s32 s7, s0  }
0x69: {  	s0 =	smov.u32 @p2 s7;
	p2 =	sgt.s32 s20, $0x0  }
0x6a: {  	s23 =	ssub.s32 s0, s19;
	s20 =	simm.s32 @!p2 $0x0  }
0x6b: {  	p2 =	slt.s32 s20, s23  }
0x6c: {  	s23 =	smov.u32 @p2 s20  }
0x6d: {  	s22 =	simm.s32 $0x1;
	p2 =	slt.s32 s23, $0x1  }
.Ltmp4:
0x6e: {  	s22 =	simm.s32 @!p1 $0x0;
	(pc) =	sbr.rel @p2 .LBB2_8-.Ltmp4, $4  }
0x6f: {  	s31 =	smul.u32 $0x3C0, s22  }
0x70: {  	s24 =	spop (v2sf)  }
0x71: {  	s0 =	sshrl.u32 s31, $0x2;
	s26 =	spop (v2sf)  }
0x72: {  	s20 =	sor.u32 $0x10508, s0;
	s19 =	spop (v2sf)  }
0x73: {  	s0 =	smin.u32 s23, $0x10  }
0x74: {  	v1 =	vmov s0  }
0x75: {  	p3 =	sgt.s32 s23, $0x10;
	vm1 =	vgt.u32 v1, v0  }
.Ltmp5:
0x76: {  	_ = 	snop;
	(pc) =	sbr.rel @!p3 .LBB2_7-.Ltmp5, $2  }
0x77: {  	_ =	sdelay $0x2  }
0x78: {  	s25 =	simm.s32 $0x10;
	s28 =	sadd.s32 $0xFFFFFFF0, s23;
	s21 =	smov.u32 s20;
	vm0 =	vmmov vm1  }
.LBB2_6:
0x79: {  	s0 =	smin.u32 s28, $0x10;
	s25 =	sadd.s32 $0x10, s25;
	v1 =	vld.msk [tilespmem:s21+$0x0 ss:$0x1], vm1  }
0x7a: {  	v2 =	vmov s0;
	p3 =	slt.s32 s25, s23  }
0x7b: {  	vm1 =	vgt.u32 v2, v0  }
.Ltmp6:
0x7c: {  	(pc) =	sbr.rel @p3 .LBB2_6-.Ltmp6, $3  }
0x7d: {  	_ =	sdelay $0x1  }
0x7e: {  	v1 =	vshll.u32 v1, $0x4  }
0x7f: {  	s28 =	sadd.s32 $0xFFFFFFF0, s28;
	[tilespmem:s21+$0x0] =	vst.msk vm0, v1;
	s21 =	sadd.s32 $0x10, s21;
	vm0 =	vmmov vm1  }
.LBB2_7:
0x80: {  	_ =	sdelay $0x4  }
0x81: {  	v1 =	vld.msk [tilespmem:s21+$0x0 ss:$0x1], vm1;
	_ =	sdelay $0x4  }
0x82: {  	v1 =	vshll.u32 v1, $0x4  }
0x83: {  	[tilespmem:s21+$0x0] =	vst.msk vm0, v1  }
.LBB2_8:
0x84: {  	s0 =	sand.u32 $0x1, s18  }
0x85: {  	s4 =	smul.u32 $0x7800, s0  }
0x86: {  	p3 =	sne.s32 s26, $0xFFFFFFFF  }
0x87: {  	v1 =	vld @!p3 [tilespmem:s4+$0x106E8];
	_ =	sdelay $0x2  }
0x88: {  	s0 =	smul.u32 $0xF0, s0;
	_ =	sdelay $0x1  }
0x89: {  	v2 =	vld.msk @!p3 [tilespmem:s0+$0x10508], $0x1;
	[tilespmem:$0x108] =	vst @!p3 v1  }
0x8a: {  	v1 =	vld @!p3 [tilespmem:s4+$0x106F8];
	_ =	sdelay $0x4  }
0x8b: {  	[tilespmem:$0x118] =	vst @!p3 v1  }
0x8c: {  	v1 =	vld @!p3 [tilespmem:s4+$0x10708];
	_ =	sdelay $0x4  }
0x8d: {  	[tilespmem:$0x128] =	vst @!p3 v1  }
0x8e: {  	v1 =	vld @!p3 [tilespmem:s4+$0x10718];
	_ =	sdelay $0x4  }
0x8f: {  	[tilespmem:$0x138] =	vst @!p3 v1  }
0x90: {  	v1 =	vld @!p3 [tilespmem:s4+$0x10728];
	_ =	sdelay $0x4  }
0x91: {  	[tilespmem:$0x148] =	vst @!p3 v1  }
0x92: {  	(v2sf) =	vpush @!p3 v2, $0x0;
	v1 =	vld @!p3 [tilespmem:s4+$0x10738];
	_ =	sdelay $0x4  }
0x93: {  	[tilespmem:$0x158] =	vst @!p3 v1  }
0x94: {  	v1 =	vld @!p3 [tilespmem:s4+$0x10748];
	_ =	sdelay $0x4  }
0x95: {  	[tilespmem:$0x168] =	vst @!p3 v1  }
0x96: {  	v1 =	vld @!p3 [tilespmem:s4+$0x10758]  }
.Ltmp7:
0x97: {  	_ = 	snop;
	(pc) =	sbr.rel @p2 .LBB2_19-.Ltmp7, $4  }
0x98: {  	_ = 	snop  }
0x99: {  	s25 =	spop @!p3 (v2sf)  }
0x9a: {  	s19 =	simm.s32 @!p3 $0x0;
	s21 =	smov.u32 s25  }
0x9b: {  	s25 =	smov.u32 @p3 s24;
	s21 =	smov.u32 @p3 s26;
	[tilespmem:$0x178] =	vst @!p3 v1;
	[sflag:s15] =	ssyncpa.u1 $0x0  }
0x9c: {  	v1 =	vld.msk [tilespmem:s20+$0x0], $0x1;
	_ =	sdelay $0x4  }
0x9d: {  	(v2sf) =	vpush v1, $0x0;
	_ =	sdelay $0xe  }
0x9e: {  	s0 =	smul.u32 $0x1E000, s22;
	s29 =	spop (v2sf)  }
0x9f: {  	s23 =	ssub.s32 $0x0, s23;
	p2 =	seq.s32 s25, s29  }
0xa0: {  	s26 =	sadd.s32 $0x1, s23;
	s0 =	sshrl.u32 s0, $0x2;
	p3 =	sgt.s32 @!p2 s25, $0x0  }
0xa1: {  	s22 =	sor.u32 $0x10728, s0;
	s0 =	smov.u32 s25;
	p3 =	por !p3, p2  }
0xa2: {  	s0 =	simm.s32 @p3 $0x0;
	p3 =	seq.s32 s26, $0x0  }
.Ltmp8:
0xa3: {  	_ = 	snop;
	(pc) =	sbr.rel @p3 .LBB2_11-.Ltmp8, $4  }
0xa4: {  	_ = 	snop  }
0xa5: {  	s24 =	simm.s32 $0x0;
	s28 =	sadd.s32 $0x1, s20;
	s0 =	smin.u32 @!p2 s0, $0x3FF0  }
0xa6: {  	s30 =	simm.s32 @!p2 $0x1;
	s31 =	simm.s32 @!p2 $0x7988;
	s4 =	sand.u32 @!p2 $0x3FF8, s0  }
0xa7: {  	s30 =	smov.u32 @p2 s24;
	s0 =	sand.u32 @!p2 $0x7, s0;
	s4 =	sadd.s32 @!p2 s1, s4  }
.LBB2_10:
0xa8: {  	s8 =	smov.u32 s30  }
0xa9: {  	[tilespmem:s31], [sflag:$0x2] =	stream.linear.gather @!p2 [hbm4b:s4+s0], $0x80, $0x38;
	[tilespmem:$0x1F6E8] =	vst v63  }
0xaa: {  	s26 =	sadd.s32 $0x1, s26;
	s0 =	smov.u32 s29;
	v1 =	vld.msk [tilespmem:s28+$0x0], $0x1  }
0xab: {  	p3 =	seq.s32 s26, $0x0;
	_ =	sdelay $0x3  }
0xac: {  	(v2sf) =	vpush v1, $0x0;
	_ =	sdelay $0xe  }
0xad: {  	s29 =	spop (v2sf)  }
0xae: {  	p2 =	seq.s32 s0, s29  }
0xaf: {  	p4 =	sgt.s32 @!p2 s0, $0x0;
	s4 =	sshll.u32 @!p2 s30, $0x9;
	s30 =	sadd.s32 @!p2 $0x1, s30  }
.Ltmp9:
0xb0: {  	p4 =	por !p4, p2;
	s4 =	sshra.s32 @!p2 s4, $0x2;
	(pc) =	sbr.rel @!p3 .LBB2_10-.Ltmp9, $4  }
0xb1: {  	s30 =	smov.u32 @p2 s8;
	s0 =	simm.s32 @p4 $0x0;
	s31 =	sadd.s32 @!p2 $0x7988, s4  }
0xb2: {  	s0 =	smin.u32 @!p2 s0, $0x3FF0  }
0xb3: {  	s4 =	sand.u32 @!p2 $0x3FF8, s0;
	s0 =	sand.u32 @!p2 $0x7, s0  }
0xb4: {  	s28 =	sadd.s32 $0x1, s28;
	s4 =	sadd.s32 @!p2 s1, s4  }
.LBB2_11:
0xb5: {  	[tilespmem:s31], [sflag:$0x2] =	stream.linear.gather @!p2 [hbm4b:s4+s0], $0x80, $0x38;
	[tilespmem:$0x1F6E8] =	vst v63  }
.Ltmp10:
0xb6: {  	s30 =	sshll.u32 s30, $0x7;
	(pc) =	sbr.rel .LBB2_12-.Ltmp10, $4  }
0xb7: {  	s31 =	simm.s32 $0x2;
	s0 =	sand.u32 $0x3FFFFF80, s30  }
0xb8: {  	_ =	swait.ge [sflag:s31], s0  }
0xb9: {  	s0 =	ssub.s32 $0x0, s0;
	[sflag:s31] =	ssyncset.done $0x0  }
0xba: {  	s28 =	simm.s32 $0x0;
	[sflag:s31] =	ssyncadd.s32 s0  }
.LBB2_13:
0xbb: {  	s0 =	sshra.s32 s0, $0x2;
	v1 =	vld [tilespmem:s22+$0xFFFFFFC0]  }
0xbc: {  	v2 =	vld [tilespmem:s0+$0x108];
	_ =	sdelay $0x4  }
0xbd: {  	v1 =	vmax.f32 v1, v2  }
0xbe: {  	v2 =	vld [tilespmem:s0+$0x118];
	[tilespmem:s0+$0x108] =	vst v1  }
0xbf: {  	v1 =	vld [tilespmem:s22+$0xFFFFFFD0];
	_ =	sdelay $0x4  }
0xc0: {  	v1 =	vmax.f32 v1, v2  }
0xc1: {  	v2 =	vld [tilespmem:s0+$0x128];
	[tilespmem:s0+$0x118] =	vst v1  }
0xc2: {  	v1 =	vld [tilespmem:s22+$0xFFFFFFE0];
	_ =	sdelay $0x4  }
0xc3: {  	v1 =	vmax.f32 v1, v2  }
0xc4: {  	v2 =	vld [tilespmem:s0+$0x138];
	[tilespmem:s0+$0x128] =	vst v1  }
0xc5: {  	v1 =	vld [tilespmem:s22+$0xFFFFFFF0];
	_ =	sdelay $0x4  }
0xc6: {  	v1 =	vmax.f32 v1, v2  }
0xc7: {  	v2 =	vld [tilespmem:s0+$0x148];
	[tilespmem:s0+$0x138] =	vst v1  }
0xc8: {  	v1 =	vld [tilespmem:s22+$0x0];
	_ =	sdelay $0x4  }
0xc9: {  	v1 =	vmax.f32 v1, v2  }
0xca: {  	v2 =	vld [tilespmem:s0+$0x158];
	[tilespmem:s0+$0x148] =	vst v1  }
0xcb: {  	v1 =	vld [tilespmem:s22+$0x10];
	_ =	sdelay $0x4  }
0xcc: {  	v1 =	vmax.f32 v1, v2  }
0xcd: {  	v2 =	vld [tilespmem:s0+$0x168];
	[tilespmem:s0+$0x158] =	vst v1  }
0xce: {  	v1 =	vld [tilespmem:s22+$0x20];
	_ =	sdelay $0x4  }
0xcf: {  	v1 =	vmax.f32 v1, v2  }
0xd0: {  	v2 =	vld [tilespmem:s0+$0x178];
	[tilespmem:s0+$0x168] =	vst v1  }
0xd1: {  	v1 =	vld [tilespmem:s22+$0x30];
	_ =	sdelay $0x4  }
0xd2: {  	v1 =	vmax.f32 v1, v2  }
0xd3: {  	[tilespmem:s0+$0x178] =	vst v1  }
.LBB2_17:
0xd4: {  	s23 =	sadd.s32 $0x1, s23  }
0xd5: {  	p2 =	seq.s32 s23, $0x0  }
.Ltmp11:
0xd6: {  	_ = 	snop;
	(pc) =	sbr.rel @p2 .LBB2_18-.Ltmp11, $2  }
0xd7: {  	_ =	sdelay $0x2  }
0xd8: {  	s20 =	sadd.s32 $0x1, s20;
	s22 =	sadd.s32 $0x80, s22;
	s25 =	smov.u32 s26  }
.LBB2_12:
0xd9: {  	v1 =	vld.msk [tilespmem:s20+$0x0], $0x1;
	_ =	sdelay $0x4  }
0xda: {  	(v2sf) =	vpush v1, $0x0;
	_ =	sdelay $0xe  }
0xdb: {  	s26 =	spop (v2sf)  }
0xdc: {  	p2 =	sne.s32 s25, s26  }
.Ltmp12:
0xdd: {  	_ = 	snop;
	(pc) =	sbr.rel @!p2 .LBB2_13-.Ltmp12, $2  }
0xde: {  	_ =	sdelay $0x2  }
0xdf: {  	s0 =	sshll.u32 s19, $0x9  }
0xe0: {  	p2 =	seq.s32 s25, s21  }
.Ltmp13:
0xe1: {  	_ = 	snop;
	(pc) =	sbr.rel @!p2 .LBB2_15-.Ltmp13, $1  }
0xe2: {  	_ =	sdelay $0x3  }
0xe3: {  	s0 =	sshra.s32 s0, $0x2  }
.Ltmp14:
0xe4: {  	s0 =	sadd.s32 $0x108, s0;
	(pc) =	sbr.rel .LBB2_16-.Ltmp14, $4  }
0xe5: {  	[spmem:s13] =	stream.linear.scatter [tilespmem:s0], [sflag:$0x1], $0x80, $0x38;
	[tilespmem:$0x1F6E8] =	vst v63  }
0xe6: {  	_ =	swait.ge [sflag:s10], $0x80  }
0xe7: {  	[sflag:s10] =	ssyncset.done $0x0  }
0xe8: {  	[sflag:s10] =	ssyncadd.s32 $0xFFFFFF80  }
.LBB2_15:
0xe9: {  	s4 =	sshll.u32 s24, $0x9;
	s0 =	sshra.s32 s0, $0x2  }
0xea: {  	s4 =	sshra.s32 s4, $0x2;
	v2 =	vld [tilespmem:s0+$0x108]  }
0xeb: {  	v1 =	vld [tilespmem:s4+$0x7988];
	_ =	sdelay $0x4  }
0xec: {  	v1 =	vmax.f32 v1, v2  }
0xed: {  	v2 =	vld [tilespmem:s0+$0x118];
	[tilespmem:s0+$0x108] =	vst v1  }
0xee: {  	v1 =	vld [tilespmem:s4+$0x7998];
	_ =	sdelay $0x4  }
0xef: {  	v1 =	vmax.f32 v1, v2  }
0xf0: {  	v2 =	vld [tilespmem:s0+$0x128];
	[tilespmem:s0+$0x118] =	vst v1  }
0xf1: {  	v1 =	vld [tilespmem:s4+$0x79A8];
	_ =	sdelay $0x4  }
0xf2: {  	v1 =	vmax.f32 v1, v2  }
0xf3: {  	v2 =	vld [tilespmem:s0+$0x138];
	[tilespmem:s0+$0x128] =	vst v1  }
0xf4: {  	v1 =	vld [tilespmem:s4+$0x79B8];
	_ =	sdelay $0x4  }
0xf5: {  	v1 =	vmax.f32 v1, v2  }
0xf6: {  	v2 =	vld [tilespmem:s0+$0x148];
	[tilespmem:s0+$0x138] =	vst v1  }
0xf7: {  	v1 =	vld [tilespmem:s4+$0x79C8];
	_ =	sdelay $0x4  }
0xf8: {  	v1 =	vmax.f32 v1, v2  }
0xf9: {  	v2 =	vld [tilespmem:s0+$0x158];
	[tilespmem:s0+$0x148] =	vst v1  }
0xfa: {  	v1 =	vld [tilespmem:s4+$0x79D8];
	_ =	sdelay $0x4  }
0xfb: {  	v1 =	vmax.f32 v1, v2  }
0xfc: {  	v2 =	vld [tilespmem:s0+$0x168];
	[tilespmem:s0+$0x158] =	vst v1  }
0xfd: {  	v1 =	vld [tilespmem:s4+$0x79E8];
	_ =	sdelay $0x4  }
0xfe: {  	v1 =	vmax.f32 v1, v2  }
0xff: {  	v2 =	vld [tilespmem:s0+$0x178];
	[tilespmem:s0+$0x168] =	vst v1  }
0x100: {  	v1 =	vld [tilespmem:s4+$0x79F8];
	_ =	sdelay $0x3  }
0x101: {  	p2 =	sgt.u32 s25, $0x3FF0  }
0x102: {  	s4 =	sand.u32 @!p2 $0x3FF8, s25;
	v1 =	vmax.f32 v1, v2  }
0x103: {  	s8 =	sadd.s32 $0x108, s0;
	[tilespmem:s0+$0x178] =	vst v1;
	s0 =	sadd.s32 @!p2 s1, s4;
	s4 =	sand.u32 @!p2 $0x7, s25  }
0x104: {  	[hbm4b:s0+s4] =	stream.linear.scatter @!p2 [tilespmem:s8], [sflag:$0xA], $0x80, $0x38;
	[tilespmem:$0x1F6E8] =	vst v63  }
0x105: {  	s0 =	simm.s32 $0x0  }
0x106: {  	s0 =	simm.s32 @!p2 $0x200  }
0x107: {  	s28 =	sadd.s32 s0, s28  }
.LBB2_16:
0x108: {  	s0 =	sadd.s32 $0x1, s19  }
0x109: {  	s4 =	smulhi.u32 $0x88888889, s0;
	_ =	sdelay $0x1  }
0x10a: {  	v1 =	vld [tilespmem:s22+$0xFFFFFFC0];
	s4 =	sshrl.u32 s4, $0x7  }
0x10b: {  	s4 =	smul.u32 $0xF0, s4;
	_ =	sdelay $0x1  }
0x10c: {  	s19 =	ssub.s32 s0, s4  }
0x10d: {  	s0 =	sshll.u32 s19, $0x7  }
0x10e: {  	[tilespmem:s0+$0x108] =	vst v1  }
0x10f: {  	v1 =	vld [tilespmem:s22+$0xFFFFFFD0];
	_ =	sdelay $0x4  }
0x110: {  	[tilespmem:s0+$0x118] =	vst v1  }
0x111: {  	v1 =	vld [tilespmem:s22+$0xFFFFFFE0];
	_ =	sdelay $0x4  }
0x112: {  	[tilespmem:s0+$0x128] =	vst v1  }
0x113: {  	v1 =	vld [tilespmem:s22+$0xFFFFFFF0];
	_ =	sdelay $0x4  }
0x114: {  	[tilespmem:s0+$0x138] =	vst v1  }
0x115: {  	v1 =	vld [tilespmem:s22+$0x0];
	_ =	sdelay $0x4  }
0x116: {  	[tilespmem:s0+$0x148] =	vst v1  }
0x117: {  	v1 =	vld [tilespmem:s22+$0x10];
	_ =	sdelay $0x4  }
0x118: {  	[tilespmem:s0+$0x158] =	vst v1  }
0x119: {  	v1 =	vld [tilespmem:s22+$0x20];
	_ =	sdelay $0x4  }
0x11a: {  	[tilespmem:s0+$0x168] =	vst v1  }
0x11b: {  	v1 =	vld [tilespmem:s22+$0x30]  }
.Ltmp15:
0x11c: {  	_ = 	snop;
	(pc) =	sbr.rel .LBB2_17-.Ltmp15, $2  }
0x11d: {  	_ =	sdelay $0x2  }
0x11e: {  	s24 =	sadd.s32 $0x1, s24;
	[tilespmem:s0+$0x178] =	vst v1  }
.LBB2_19:
.Ltmp16:
0x11f: {  	(pc) =	sbr.rel .LBB2_20-.Ltmp16, $4  }
0x120: {  	_ = 	snop  }
0x121: {  	s0 =	simm.s32 $0x2  }
0x122: {  	_ =	swait.ge [sflag:s0], $0x0  }
0x123: {  	s26 =	smov.u32 s25;
	[sflag:s0] =	ssyncset.done $0x0;
	s0 =	simm.s32 $0x0  }
.LBB2_22:
0x124: {  	_ =	sfence.sel $0x180000  }
0x125: {  	s0 =	simm.s32 $0x7;
	[bflag:$0x0] =	sbarrier.arrive $0xFFFF  }
0x126: {  	s24 =	simm.s32 $0x8;
	[sflag:s0] =	ssyncpa.u1 $0x1  }
0x127: {  	s25 =	simm.s32 $0x9;
	[sflag:s24] =	ssyncpa.u1 $0x1  }
0x128: {  	s26 =	simm.s32 $0x2;
	[sflag:s25] =	ssyncpa.u1 $0x1  }
0x129: {  	[sflag:s26] =	ssyncpa.u1 $0x1  }
0x12a: {  	v0 =	vld [tilespmem:$0xF208];
	_ =	sdelay $0x4  }
0x12b: {  	(v2sf) =	vpush v0, $0x0  }
0x12c: {  	(v2sf) =	vpush v0, $0x1;
	_ =	sdelay $0x1  }
0x12d: {  	(v2sf) =	vpush v0, $0x2;
	_ =	sdelay $0xb  }
0x12e: {  	s0 =	spop (v2sf)  }
0x12f: {  	s2 =	spop (v2sf)  }
0x130: {  	s3 =	smov.u32 s0;
	p1 =	sne.s32 s0, s2  }
0x131: {  	s4 =	spop (v2sf);
	s3 =	simm.s32 @!p1 $0xFFFFFFFF  }
0x132: {  	v2 =	vimm.s32 $0x1;
	v3 =	vlaneseq.u32;
	p1 =	seq.s32 s4, $0xFFFFFFFF;
	v1 =	vmov s3  }
0x133: {  	s28 =	stileid.u32;
	v0 =	vperm.xlane v0, v2;
	p2 =	sne.s32 @!p1 s0, s2;
	v1 =	vperm.xlane v1, v3  }
0x134: {  	vm0 =	vcmask $0x3F04;
	s6 =	simm.s32 $0xF208;
	s0 =	simm.s32 @!p1 $0x1;
	p2 =	por !p2, p1  }
0x135: {  	s3 =	sshll.u32 s28, $0x1;
	s2 =	sshll.u32 @!p1 s4, $0x9;
	s0 =	simm.s32 @p2 $0x0;
	v0 =	vsel vm0, v1, v0  }
0x136: {  	s5 =	sor.u32 $0x1000, s3;
	s2 =	sshra.s32 @!p1 s2, $0x2;
	s0 =	sor.u32 @!p1 s0, s3;
	[tilespmem:$0xF208] =	vst v0  }
0x137: {  	[spmem:s5] =	stream.linear.scatter [tilespmem:s6], [sflag:$0x1], $0x2, $0x38;
	[tilespmem:$0x1F6E8] =	vst v63  }
0x138: {  	s2 =	sadd.s32 @!p1 $0x108, s2;
	s0 =	sshll.u32 @!p1 s0, $0x7  }
0x139: {  	[spmem:s0] =	stream.linear.scatter @!p1 [tilespmem:s2], [sflag:$0x1], $0x80, $0x38;
	[tilespmem:$0x1F6E8] =	vst v63  }
0x13a: {  	s0 =	simm.s32 @!p1 $0x82  }
0x13b: {  	s2 =	simm.s32 $0x1;
	s0 =	simm.s32 @p1 $0x2  }
0x13c: {  	_ =	swait.ge [sflag:s2], s0  }
0x13d: {  	s0 =	ssub.s32 $0x0, s0;
	[sflag:s2] =	ssyncset.done $0x0  }
0x13e: {  	[sflag:s2] =	ssyncadd.s32 s0  }
0x13f: {  	_ =	sfence.stream.spmem  }
0x140: {  	s29 =	simm.s32 $0x3;
	[bflag:$0x0] =	sbarrier.arrive $0xFFFF  }
0x141: {  	s30 =	simm.s32 $0x4;
	[sflag:s29] =	ssyncpa.u1 $0x1  }
0x142: {  	s31 =	simm.s32 $0x3C;
	[sflag:s30] =	ssyncpa.u1 $0x1  }
0x143: {  	[sflag:s31] =	ssyncpa.u1 $0x1  }
0x144: {  	_ =	sfence @p0  }
0x145: {  	[sflag:s2] =	ssyncpa.u1 @p0 $0x1  }
0x146: {  	_ =	strace @p0 $0x9000005F  }
0x147: {  	[bflag:$0x2] =	sbarrier.arrive @p0 $0xFFFF  }
0x148: {  	_ =	shalt @p0  }
.LBB2_23:
0x149: {  	_ =	sfence.stream.spmem;
	s0 =	simm.s32 $0x5  }
0x14a: {  	s2 =	simm.s32 $0x1000;
	s3 =	simm.s32 $0xF218;
	[sflag:s0] =	ssyncpa.u1 $0x0  }
0x14b: {  	[tilespmem:s3], [sflag:$0x5] =	stream.linear.gather [spmem:s2], $0x20, $0x38;
	[tilespmem:$0x1F6E8] =	vst v63  }
0x14c: {  	s30 =	simm.s32 $0xF238;
	s2 =	simm.s32 $0x0  }
0x14d: {  	[tilespmem:s30], [sflag:$0x5] =	stream.linear.gather [spmem:s2], $0x1000, $0x38;
	[tilespmem:$0x1F6E8] =	vst v63  }
.Ltmp17:
0x14e: {  	_ = 	snop;
	(pc) =	sbr.rel .LBB2_24-.Ltmp17, $4  }
0x14f: {  	_ =	swait.ge [sflag:s0], $0x1020  }
0x150: {  	[sflag:s0] =	ssyncset.done $0x0  }
0x151: {  	s31 =	simm.s32 $0x6;
	[sflag:s0] =	ssyncadd.s32 $0xFFFFEFE0  }
0x152: {  	s3 =	simm.s32 $0x0;
	[sflag:s31] =	ssyncpa.u1 $0x0  }
.LBB2_30:
0x153: {  	p0 =	slt.u32 s4, $0x3FF1  }
0x154: {  	s0 =	sand.u32 @p0 $0x3FF8, s4  }
0x155: {  	s4 =	sand.u32 @p0 $0x7, s4;
	s5 =	simm.s32 @p0 $0xF188;
	s0 =	sadd.s32 @p0 s1, s0  }
0x156: {  	[tilespmem:s5], [sflag:$0x6] =	stream.linear.gather @p0 [hbm4b:s0+s4], $0x80, $0x38;
	[tilespmem:$0x1F6E8] =	vst v63  }
0x157: {  	s0 =	simm.s32 @p0 $0x6  }
0x158: {  	_ =	swait.ge @p0 [sflag:s0], $0x80  }
0x159: {  	[sflag:s0] =	ssyncset.done @p0 $0x0  }
0x15a: {  	[sflag:s0] =	ssyncadd.s32 @p0 $0xFFFFFF80;
	s0 =	sshll.u32 @p0 s3, $0x9  }
0x15b: {  	s4 =	sshrl.u32 @p0 s0, $0x2;
	v1 =	vld @p0 [tilespmem:$0xF188]  }
0x15c: {  	v2 =	vld @p0 [tilespmem:s4+$0xF238];
	_ =	sdelay $0x4  }
0x15d: {  	v1 =	vmax.f32 @p0 v1, v2  }
0x15e: {  	v2 =	vld @p0 [tilespmem:s4+$0xF248];
	[tilespmem:s4+$0xF238] =	vst @p0 v1  }
0x15f: {  	v1 =	vld @p0 [tilespmem:$0xF198];
	_ =	sdelay $0x4  }
0x160: {  	v1 =	vmax.f32 @p0 v1, v2  }
0x161: {  	v2 =	vld @p0 [tilespmem:s4+$0xF258];
	[tilespmem:s4+$0xF248] =	vst @p0 v1  }
0x162: {  	v1 =	vld @p0 [tilespmem:$0xF1A8];
	_ =	sdelay $0x4  }
0x163: {  	v1 =	vmax.f32 @p0 v1, v2  }
0x164: {  	v2 =	vld @p0 [tilespmem:s4+$0xF268];
	[tilespmem:s4+$0xF258] =	vst @p0 v1  }
0x165: {  	v1 =	vld @p0 [tilespmem:$0xF1B8];
	_ =	sdelay $0x4  }
0x166: {  	v1 =	vmax.f32 @p0 v1, v2  }
0x167: {  	v2 =	vld @p0 [tilespmem:s4+$0xF278];
	[tilespmem:s4+$0xF268] =	vst @p0 v1  }
0x168: {  	v1 =	vld @p0 [tilespmem:$0xF1C8];
	_ =	sdelay $0x4  }
0x169: {  	v1 =	vmax.f32 @p0 v1, v2  }
0x16a: {  	v2 =	vld @p0 [tilespmem:s4+$0xF288];
	[tilespmem:s4+$0xF278] =	vst @p0 v1  }
0x16b: {  	v1 =	vld @p0 [tilespmem:$0xF1D8];
	_ =	sdelay $0x4  }
0x16c: {  	v1 =	vmax.f32 @p0 v1, v2  }
0x16d: {  	v2 =	vld @p0 [tilespmem:s4+$0xF298];
	[tilespmem:s4+$0xF288] =	vst @p0 v1  }
0x16e: {  	v1 =	vld @p0 [tilespmem:$0xF1E8];
	_ =	sdelay $0x4  }
0x16f: {  	v1 =	vmax.f32 @p0 v1, v2  }
0x170: {  	v2 =	vld @p0 [tilespmem:s4+$0xF2A8];
	[tilespmem:s4+$0xF298] =	vst @p0 v1  }
0x171: {  	v1 =	vld @p0 [tilespmem:$0xF1F8];
	_ =	sdelay $0x4  }
0x172: {  	s5 =	sshll.u32 @!p0 s3, $0x9;
	v1 =	vmax.f32 @p0 v1, v2  }
0x173: {  	s5 =	smov.u32 @p0 s0;
	[tilespmem:s4+$0xF2A8] =	vst @p0 v1  }
0x174: {  	s0 =	sshrl.u32 s5, $0x2;
	[tilespmem:s2+$0xF218] =	vst.msk $0x1, v0  }
0x175: {  	v0 =	vld [tilespmem:s0+$0xF238];
	_ =	sdelay $0x2  }
0x176: {  	s31 =	sshll.u32 s2, $0x9  }
0x177: {  	s4 =	sshra.s32 s31, $0x2  }
0x178: {  	[tilespmem:s4+$0xF238] =	vst v0  }
0x179: {  	v0 =	vld [tilespmem:s0+$0xF248];
	_ =	sdelay $0x4  }
0x17a: {  	[tilespmem:s4+$0xF248] =	vst v0  }
0x17b: {  	v0 =	vld [tilespmem:s0+$0xF258];
	_ =	sdelay $0x4  }
0x17c: {  	[tilespmem:s4+$0xF258] =	vst v0  }
0x17d: {  	v0 =	vld [tilespmem:s0+$0xF268];
	_ =	sdelay $0x4  }
0x17e: {  	[tilespmem:s4+$0xF268] =	vst v0  }
0x17f: {  	v0 =	vld [tilespmem:s0+$0xF278];
	_ =	sdelay $0x4  }
0x180: {  	[tilespmem:s4+$0xF278] =	vst v0  }
0x181: {  	v0 =	vld [tilespmem:s0+$0xF288];
	_ =	sdelay $0x4  }
0x182: {  	[tilespmem:s4+$0xF288] =	vst v0  }
0x183: {  	v0 =	vld [tilespmem:s0+$0xF298];
	_ =	sdelay $0x4  }
0x184: {  	[tilespmem:s4+$0xF298] =	vst v0  }
0x185: {  	v0 =	vld [tilespmem:s0+$0xF2A8];
	_ =	sdelay $0x4  }
0x186: {  	s2 =	sadd.s32 $0x1, s2;
	[tilespmem:s4+$0xF2A8] =	vst v0  }
.LBB2_31:
0x187: {  	s3 =	sadd.s32 $0x1, s3  }
0x188: {  	p0 =	sne.s32 s3, $0x20  }
.Ltmp18:
0x189: {  	_ = 	snop;
	(pc) =	sbr.rel @!p0 .LBB2_32-.Ltmp18, $1  }
0x18a: {  	_ =	sdelay $0x3  }
.LBB2_24:
0x18b: {  	v0 =	vld.msk [tilespmem:s3+$0xF218], $0x1;
	_ =	sdelay $0x4  }
0x18c: {  	(v2sf) =	vpush v0, $0x0;
	_ =	sdelay $0xe  }
0x18d: {  	s4 =	spop (v2sf)  }
0x18e: {  	p0 =	seq.s32 s4, $0xFFFFFFFF  }
.Ltmp19:
0x18f: {  	_ = 	snop;
	(pc) =	sbr.rel @p0 .LBB2_31-.Ltmp19, $1  }
0x190: {  	_ =	sdelay $0x3  }
0x191: {  	p0 =	slt.s32 s2, $0x1  }
.Ltmp20:
0x192: {  	_ = 	snop;
	(pc) =	sbr.rel @p0 .LBB2_30-.Ltmp20, $1  }
0x193: {  	_ =	sdelay $0x3  }
0x194: {  	s5 =	simm.s32 $0xF218;
	p0 =	por $0x0, $0x0  }
0x195: {  	v1 =	vld.msk @!p0 [tilespmem:s5+$0x0], $0x1;
	_ =	sdelay $0x4  }
0x196: {  	(v2sf) =	vpush @!p0 v1, $0x0;
	_ =	sdelay $0xd  }
0x197: {  	p2 =	sne.s32 s2, $0x1  }
.Ltmp21:
0x198: {  	s0 =	spop @!p0 (v2sf);
	(pc) =	sbr.rel @!p2 .LBB2_28-.Ltmp21, $4  }
0x199: {  	p1 =	seq.s32 @!p0 s4, s0  }
0x19a: {  	s6 =	simm.s32 $0x0;
	p1 =	por !p1, p0  }
0x19b: {  	s0 =	simm.s32 $0xFFFFFFFF;
	s6 =	simm.s32 @p1 $0xFFFFFFFF  }
0x19c: {  	s7 =	simm.s32 $0x1;
	s6 =	smov.u32 @p0 s0  }
.LBB2_27:
0x19d: {  	s0 =	smov.u32 s6;
	p0 =	sne.s32 s6, $0xFFFFFFFF  }
0x19e: {  	s5 =	sadd.s32 $0x1, s5;
	s6 =	smov.u32 s7;
	s7 =	sadd.s32 $0x1, s7  }
0x19f: {  	p1 =	sne.s32 s2, s7;
	v1 =	vld.msk @!p0 [tilespmem:s5+$0x0], $0x1;
	_ =	sdelay $0x4  }
0x1a0: {  	(v2sf) =	vpush @!p0 v1, $0x0;
	_ =	sdelay $0xe  }
.Ltmp22:
0x1a1: {  	s8 =	spop @!p0 (v2sf);
	(pc) =	sbr.rel @p1 .LBB2_27-.Ltmp22, $4  }
0x1a2: {  	p2 =	seq.s32 @!p0 s4, s8  }
0x1a3: {  	p2 =	por !p2, p0  }
0x1a4: {  	s6 =	simm.s32 @p2 $0xFFFFFFFF  }
0x1a5: {  	s6 =	smov.u32 @p0 s0  }
.LBB2_28:
0x1a6: {  	p0 =	seq.s32 s6, $0xFFFFFFFF  }
.Ltmp23:
0x1a7: {  	_ = 	snop;
	(pc) =	sbr.rel @p0 .LBB2_30-.Ltmp23, $1  }
0x1a8: {  	_ =	sdelay $0x3  }
0x1a9: {  	s0 =	sshll.u32 s3, $0x7  }
0x1aa: {  	s4 =	sshll.u32 s6, $0x9;
	s0 =	sand.u32 $0x3FFFFF80, s0  }
0x1ab: {  	s4 =	sshra.s32 s4, $0x2;
	v0 =	vld [tilespmem:s0+$0xF238]  }
0x1ac: {  	v1 =	vld [tilespmem:s4+$0xF238];
	_ =	sdelay $0x4  }
0x1ad: {  	v0 =	vmax.f32 v0, v1  }
0x1ae: {  	v57 =	vld [tilespmem:s4+$0xF248];
	[tilespmem:s4+$0xF238] =	vst v0  }
0x1af: {  	v0 =	vld [tilespmem:s0+$0xF248];
	_ =	sdelay $0x4  }
0x1b0: {  	v0 =	vmax.f32 v0, v57  }
0x1b1: {  	v58 =	vld [tilespmem:s4+$0xF258];
	[tilespmem:s4+$0xF248] =	vst v0  }
0x1b2: {  	v0 =	vld [tilespmem:s0+$0xF258];
	_ =	sdelay $0x4  }
0x1b3: {  	v0 =	vmax.f32 v0, v58  }
0x1b4: {  	v59 =	vld [tilespmem:s4+$0xF268];
	[tilespmem:s4+$0xF258] =	vst v0  }
0x1b5: {  	v0 =	vld [tilespmem:s0+$0xF268];
	_ =	sdelay $0x4  }
0x1b6: {  	v0 =	vmax.f32 v0, v59  }
0x1b7: {  	v60 =	vld [tilespmem:s4+$0xF278];
	[tilespmem:s4+$0xF268] =	vst v0  }
0x1b8: {  	v0 =	vld [tilespmem:s0+$0xF278];
	_ =	sdelay $0x4  }
0x1b9: {  	v0 =	vmax.f32 v0, v60  }
0x1ba: {  	v61 =	vld [tilespmem:s4+$0xF288];
	[tilespmem:s4+$0xF278] =	vst v0  }
0x1bb: {  	v0 =	vld [tilespmem:s0+$0xF288];
	_ =	sdelay $0x4  }
0x1bc: {  	v0 =	vmax.f32 v0, v61  }
0x1bd: {  	v62 =	vld [tilespmem:s4+$0xF298];
	[tilespmem:s4+$0xF288] =	vst v0  }
0x1be: {  	v0 =	vld [tilespmem:s0+$0xF298];
	_ =	sdelay $0x4  }
0x1bf: {  	v0 =	vmax.f32 v0, v62  }
0x1c0: {  	v63 =	vld [tilespmem:s4+$0xF2A8];
	[tilespmem:s4+$0xF298] =	vst v0  }
0x1c1: {  	v0 =	vld [tilespmem:s0+$0xF2A8];
	_ =	sdelay $0x1  }
.Ltmp24:
0x1c2: {  	_ = 	snop;
	(pc) =	sbr.rel .LBB2_31-.Ltmp24, $3  }
0x1c3: {  	_ =	sdelay $0x1  }
0x1c4: {  	v0 =	vmax.f32 v0, v63  }
0x1c5: {  	[tilespmem:s4+$0xF2A8] =	vst v0  }
.LBB2_32:
0x1c6: {  	p0 =	slt.s32 s2, $0x1  }
.Ltmp25:
0x1c7: {  	_ = 	snop;
	(pc) =	sbr.rel @p0 .LBB2_36-.Ltmp25, $3  }
0x1c8: {  	_ =	sdelay $0x1  }
0x1c9: {  	s0 =	simm.s32 $0x6  }
0x1ca: {  	s3 =	simm.s32 $0x0;
	[sflag:s0] =	ssyncpa.u1 $0x1  }
0x1cb: {  	s0 =	simm.s32 $0xF218  }
0x1cc: {  	v0 =	vld.msk [tilespmem:s0+$0x0], $0x1;
	_ =	sdelay $0x4  }
0x1cd: {  	(v2sf) =	vpush v0, $0x0;
	_ =	sdelay $0xd  }
0x1ce: {  	s2 =	sadd.s32 $0xFFFFFFFF, s2  }
0x1cf: {  	p1 =	sne.s32 s2, $0x0;
	s0 =	spop (v2sf)  }
.Ltmp26:
0x1d0: {  	p0 =	sgt.u32 s0, $0x3FF0;
	(pc) =	sbr.rel @!p1 .LBB2_35-.Ltmp26, $4  }
0x1d1: {  	s4 =	simm.s32 $0xF238;
	s5 =	sand.u32 @!p0 $0x3FF8, s0  }
0x1d2: {  	s6 =	simm.s32 $0x0;
	s0 =	sand.u32 @!p0 $0x7, s0;
	s5 =	sadd.s32 @!p0 s1, s5  }
0x1d3: {  	[hbm4b:s5+s0] =	stream.linear.scatter @!p0 [tilespmem:s4], [sflag:$0x5], $0x80, $0x38;
	[tilespmem:$0x1F6E8] =	vst v63  }
0x1d4: {  	s6 =	simm.s32 @!p0 $0x200;
	s5 =	simm.s32 $0xF219  }
.LBB2_34:
0x1d5: {  	v0 =	vld.msk [tilespmem:s5+$0x0], $0x1;
	s2 =	sadd.s32 $0xFFFFFFFF, s2;
	s3 =	sadd.s32 s3, s6  }
0x1d6: {  	p0 =	sne.s32 s2, $0x0;
	_ =	sdelay $0x3  }
0x1d7: {  	(v2sf) =	vpush v0, $0x0;
	_ =	sdelay $0xe  }
.Ltmp27:
0x1d8: {  	s0 =	spop (v2sf);
	(pc) =	sbr.rel @p0 .LBB2_34-.Ltmp27, $4  }
0x1d9: {  	s6 =	simm.s32 $0x0;
	p1 =	sgt.u32 s0, $0x3FF0  }
0x1da: {  	s4 =	sadd.s32 $0x80, s4;
	s6 =	simm.s32 @!p1 $0x200;
	s7 =	sand.u32 @!p1 $0x3FF8, s0  }
0x1db: {  	s5 =	sadd.s32 $0x1, s5;
	s0 =	sand.u32 @!p1 $0x7, s0;
	s7 =	sadd.s32 @!p1 s1, s7  }
0x1dc: {  	[hbm4b:s7+s0] =	stream.linear.scatter @!p1 [tilespmem:s4], [sflag:$0x5], $0x80, $0x38;
	[tilespmem:$0x1F6E8] =	vst v63  }
.LBB2_35:
0x1dd: {  	s0 =	sadd.s32 s3, s6  }
0x1de: {  	s3 =	sshrl.u32 s0, $0x2  }
.LBB2_36:
0x1df: {  	s0 =	simm.s32 $0x5  }
0x1e0: {  	_ =	swait.ge [sflag:s0], s3  }
0x1e1: {  	s1 =	ssub.s32 $0x0, s3;
	[sflag:s0] =	ssyncset.done $0x0  }
0x1e2: {  	[sflag:s0] =	ssyncadd.s32 s1  }
0x1e3: {  	[sflag:s0] =	ssyncpa.u1 $0x1  }
0x1e4: {  	s30 =	simm.s32 $0x1;
	_ =	sfence  }
0x1e5: {  	[sflag:s30] =	ssyncpa.u1 $0x1  }
0x1e6: {  	_ =	strace $0x9000005F  }
0x1e7: {  	[bflag:$0x2] =	sbarrier.arrive $0xFFFF  }
0x1e8: {  	s31 =	rddreg [dreg:$0x1]  }
0x1e9: {  	s0 =	sadd.s32 $0x100000, s31  }
0x1ea: {  	[sflag:s0] =	ssyncadd.tile.s32 $0x1;
	_ =	shalt  }
.Lfunc_end2:
_tile_overlayer_lowered:
.L_overlay_start_2:
0x1eb: {  	(tag) =	ssettag $0x2  }
0x1ec: {  	s0 =	rddreg [dreg:$0x0];
	s2 =	stileid.u32  }
0x1ed: {  	s1 =	rddreg [dreg:$0x1];
	p0 =	sne.s32 s2, $0x0  }
0x1ee: {  	s3 =	rddreg [dreg:$0x2];
	[bflag:$0x3] =	sbarrier.arrive $0xFFFF;
	s2 =	simm.s32 @!p0 $0x1C01  }
0x1ef: {  	[timem:s3], [sflag:s2] =	dma.local @!p0 [hbm:s0], s1  }
0x1f0: {  	s0 =	simm.s32 @!p0 $0x1  }
0x1f1: {  	_ =	swait.ge @!p0 [sflag:s0], s1  }
0x1f2: {  	s1 =	ssub.s32 @!p0 $0x0, s1;
	[sflag:s0] =	ssyncset.done @!p0 $0x0  }
0x1f3: {  	[sflag:s0] =	ssyncadd.s32 @!p0 s1  }
0x1f4: {  	[bflag:$0x3] =	sbarrier.arrive $0xFFFF  }
0x1f5: {  	_ =	shalt  }

// kernel: scatter_offload_async_start
scs
__scs_entry_jumppad:
0x0: {  	(pc) =	sbr.rel $0x88, $3  }
0x1: {  	(tag) =	ssettag $0x0;
	lr =	simm.s32 $0x1  }
0x2: {  	[smem:$0x3F51] =	sst lr;
	_ =	strace $0xD0000000  }
0x3: {  	_ = 	snop  }
0x4: {  	_ = 	snop  }
0x5: {  	_ = 	snop  }
0x6: {  	_ = 	snop  }
0x7: {  	_ = 	snop  }
__scs_overlays_trampoline_lowered:
0x8: {  	[smem:$0x3F60] =	sst s0  }
0x9: {  	[smem:$0x3F61] =	sst s1  }
0xa: {  	[smem:$0x3F62] =	sst s2  }
0xb: {  	[smem:$0x3F63] =	sst s3  }
0xc: {  	[smem:$0x3F64] =	sst s4  }
0xd: {  	[smem:$0x3F65] =	sst s5  }
0xe: {  	[smem:$0x3F66] =	sst s6  }
0xf: {  	[smem:$0x3F67] =	sst s7  }
0x10: {  	[smem:$0x3F68] =	sst s8  }
0x11: {  	[smem:$0x3F69] =	sst s9;
	s0 =	simm.s32 @!p0 $0x0  }
0x12: {  	s1 =	sld [smem:$0x3F4F];
	s0 =	simm.s32 @p0 $0x1  }
0x13: {  	[smem:$0x3F6A] =	sst s0;
	s0 =	simm.s32 @!p1 $0x0  }
0x14: {  	s2 =	sld [smem:$0x3F4E];
	s0 =	simm.s32 @p1 $0x1  }
0x15: {  	[smem:$0x3F6B] =	sst s0;
	s0 =	simm.s32 @!p2 $0x0  }
0x16: {  	s3 =	sld [smem:$0x3FDB];
	s0 =	simm.s32 @p2 $0x1  }
0x17: {  	s4 =	simm.s32 $0x1BF5;
	[smem:$0x3F6D] =	sst s0  }
0x18: {  	s0 =	sld [smem:$0x3F50];
	_ =	swait.ge [sflag:s4], $0x0  }
0x19: {  	s7 =	sld [smem:$0x3F51]  }
0x1a: {  	s8 =	sadd.s32 $0xFFFFE003, lr  }
0x1b: {  	s9 =	sadd.s32 $0xFFFFFEF7, lr;
	s5 =	simm.s32 $0xFFFFFFFF;
	p2 =	slt.u32 s8, $0xFFFFF086  }
0x1c: {  	p1 =	slt.u32 s9, $0xF7A;
	s5 =	simm.s32 @!p2 $0x0  }
0x1d: {  	s5 =	simm.s32 @p1 $0x1;
	p0 =	seq.s32 s7, s2  }
0x1e: {  	s7 =	smul.u32 @!p0 $0xF7A, s2;
	p2 =	seq.s32 @!p0 s5, $0x0  }
0x1f: {  	s9 =	smul.u32 $0xF7A, s1;
	s8 =	simm.s32 @!p0 $0x1BF5;
	p2 =	por !p2, p0  }
0x20: {  	[sflag:s8] =	ssyncset.s32 @!p0 $0xFFFFF086;
	s6 =	sadd.s32 @!p0 s3, s7;
	s7 =	simm.s32 @!p0 $0x108  }
0x21: {  	s3 =	sadd.s32 s3, s9;
	s6 =	sadd.s32 @!p0 $0x88, s6;
	s7 =	simm.s32 @p2 $0x1082  }
0x22: {  	[simem:s7], [sflag:s8] =	dma.local @!p0 [hbm:s6], $0xF7A  }
0x23: {  	s9 =	sor.u32 $0xD0000000, s2;
	s6 =	simm.s32 $0x108;
	_ =	swait.ge @!p0 [sflag:s8], $0x0  }
0x24: {  	s3 =	sadd.s32 $0x88, s3;
	s6 =	simm.s32 @!p1 $0x1082;
	[sflag:s4] =	ssyncset.s32 $0xFFFFF086  }
0x25: {  	[simem:s6], [sflag:s4] =	dma.local [hbm:s3], $0xF7A  }
0x26: {  	[smem:$0x3F51] =	sst s1;
	(tag) =	ssettag s2;
	_ =	strace s9  }
0x27: {  	s1 =	sld [smem:$0x3F61]  }
0x28: {  	s2 =	sld [smem:$0x3F62]  }
0x29: {  	s4 =	sld [smem:$0x3F64]  }
0x2a: {  	p0 =	seq.s32 s5, $0x0;
	s5 =	sld [smem:$0x3F65]  }
0x2b: {  	s6 =	sld [smem:$0x3F66]  }
0x2c: {  	s7 =	sld [smem:$0x3F67]  }
0x2d: {  	s3 =	simm.s32 $0x108;
	s8 =	sld [smem:$0x3F68]  }
0x2e: {  	s3 =	simm.s32 @!p0 $0x1082;
	s9 =	sld [smem:$0x3F69]  }
0x2f: {  	lr =	sadd.s32 s0, s3;
	s0 =	sld [smem:$0x3F60]  }
0x30: {  	s3 =	sld [smem:$0x3F63]  }
0x31: {  	[smem:$0x3F6C] =	sst s10  }
0x32: {  	s10 =	sld [smem:$0x3F6A];
	_ =	sdelay $0x3  }
0x33: {  	p0 =	seq.s32 s10, $0x1;
	s10 =	sld [smem:$0x3F6C];
	_ =	sdelay $0x3  }
0x34: {  	[smem:$0x3F6C] =	sst s10  }
0x35: {  	s10 =	sld [smem:$0x3F6B];
	_ =	sdelay $0x3  }
0x36: {  	p1 =	seq.s32 s10, $0x1;
	s10 =	sld [smem:$0x3F6C];
	_ =	sdelay $0x3  }
0x37: {  	[smem:$0x3F6C] =	sst s10  }
0x38: {  	s10 =	sld [smem:$0x3F6D]  }
0x39: {  	_ = 	snop;
	(pc) =	sbr.ind lr, $3  }
0x3a: {  	_ = 	snop  }
0x3b: {  	_ = 	snop  }
0x3c: {  	p2 =	seq.s32 s10, $0x1;
	s10 =	sld [smem:$0x3F6C]  }
0x3d: {  	_ =	shalt  }
0x3e: {  	_ =	shalt  }
0x3f: {  	_ =	shalt  }
0x40: {  	_ =	shalt  }
0x41: {  	_ =	shalt  }
0x42: {  	_ =	shalt  }
0x43: {  	_ =	shalt  }
0x44: {  	_ =	shalt  }
0x45: {  	_ =	shalt  }
0x46: {  	_ =	shalt  }
0x47: {  	_ =	shalt  }
0x48: {  	_ =	shalt  }
0x49: {  	_ =	shalt  }
0x4a: {  	_ =	shalt  }
0x4b: {  	_ =	shalt  }
0x4c: {  	_ =	shalt  }
0x4d: {  	_ =	shalt  }
0x4e: {  	_ =	shalt  }
0x4f: {  	_ =	shalt  }
0x50: {  	_ =	shalt  }
0x51: {  	_ =	shalt  }
0x52: {  	_ =	shalt  }
0x53: {  	_ =	shalt  }
0x54: {  	_ =	shalt  }
0x55: {  	_ =	shalt  }
0x56: {  	_ =	shalt  }
0x57: {  	_ =	shalt  }
0x58: {  	_ =	shalt  }
0x59: {  	_ =	shalt  }
0x5a: {  	_ =	shalt  }
0x5b: {  	_ =	shalt  }
0x5c: {  	_ =	shalt  }
0x5d: {  	_ =	shalt  }
0x5e: {  	_ =	shalt  }
0x5f: {  	_ =	shalt  }
0x60: {  	_ =	shalt  }
0x61: {  	_ =	shalt  }
0x62: {  	_ =	shalt  }
0x63: {  	_ =	shalt  }
0x64: {  	_ =	shalt  }
0x65: {  	_ =	shalt  }
0x66: {  	_ =	shalt  }
0x67: {  	_ =	shalt  }
0x68: {  	_ =	shalt  }
0x69: {  	_ =	shalt  }
0x6a: {  	_ =	shalt  }
0x6b: {  	_ =	shalt  }
0x6c: {  	_ =	shalt  }
0x6d: {  	_ =	shalt  }
0x6e: {  	_ =	shalt  }
0x6f: {  	_ =	shalt  }
0x70: {  	_ =	shalt  }
0x71: {  	_ =	shalt  }
0x72: {  	_ =	shalt  }
0x73: {  	_ =	shalt  }
0x74: {  	_ =	shalt  }
0x75: {  	_ =	shalt  }
0x76: {  	_ =	shalt  }
0x77: {  	_ =	shalt  }
0x78: {  	_ =	shalt  }
0x79: {  	_ =	shalt  }
0x7a: {  	_ =	shalt  }
0x7b: {  	_ =	shalt  }
0x7c: {  	_ =	shalt  }
0x7d: {  	_ =	shalt  }
0x7e: {  	_ =	shalt  }
0x7f: {  	_ =	shalt  }
0x80: {  	_ =	shalt  }
0x81: {  	_ =	shalt  }
0x82: {  	_ =	shalt  }
0x83: {  	_ =	shalt  }
0x84: {  	_ =	shalt  }
0x85: {  	_ =	shalt  }
0x86: {  	_ =	shalt  }
0x87: {  	_ =	shalt  }
.Lfunc_end0:
.L_simem_size_0:
called_computation_lowered:
.L_overlay_start_0:
0x88: {  	s0 =	sld [smem:$0x3FD9]  }
0x89: {  	s1 =	sld [smem:$0x3FFE];
	_ =	sdelay $0x3  }
0x8a: {  	s0 =	sadd.s32 s1, s0  }
0x8b: {  	[smem:$0x3F78] =	sst s0  }
0x8c: {  	_ = 	snop  }
0x8d: {  	(tm) =	ssettm $0x1  }
0x8e: {  	s14 =	sld [smem:$0x3FFB];
	_ =	sdelay $0x3  }
0x8f: {  	_ =	strace s14  }
0x90: {  	s0 =	sld [smem:$0x3FFC];
	_ =	sdelay $0x3  }
0x91: {  	_ =	strace s0  }
0x92: {  	s0 =	sld [smem:$0x3FFD];
	_ =	sdelay $0x3  }
0x93: {  	_ =	strace s0  }
0x94: {  	_ =	strace $0x8FFFFFFF  }
0x95: {  	s15 =	sld [smem:$0x3FDB];
	_ =	sdelay $0x1  }
0x96: {  	s16 =	simm.s32 $_scs_section_size  }
0x97: {  	s2 =	simm.s32 $_size__tile_overlayer_lowered;
	s3 =	simm.s32 $_tile_overlayer_lowered  }
0x98: {  	s4 =	simm.s32 $0x1BFF;
	s17 =	sshll.u32 s3, $0x1;
	s1 =	sadd.s32 s16, s15  }
0x99: {  	s18 =	simm.s32 $0x0;
	s2 =	sshll.u32 s2, $0x1;
	s3 =	sadd.s32 s17, s1  }
0x9a: {  	[timem:s18], [sflag:s4] =	dma.local [hbm:s3], s2  }
0x9b: {  	_ =	swait.ge [sflag:s4], s2  }
0x9c: {  	s2 =	ssub.s32 $0x0, s2;
	[sflag:s4] =	ssyncset.done $0x0  }
0x9d: {  	[sflag:s4] =	ssyncadd.s32 s2;
	_ =	sdelay $0x1  }
0x9e: {  	s19 =	simm.s32 $0x1B8B  }
0x9f: {  	_ =	swait.ge [sflag:s19], $0x1  }
0xa0: {  	[sflag:s19] =	ssyncset.done $0x0  }
0xa1: {  	s21 =	simm.s32 $0x1B8E;
	s20 =	sld [smem:$0x3FFE];
	[sflag:s19] =	ssyncadd.s32 $0xFFFFFFFF  }
0xa2: {  	s22 =	simm.s32 $execute0_lowered;
	[smem:$0x3FD2] =	sst s21  }
0xa3: {  	s3 =	sshll.u32 s22, $0x1;
	_ =	strace $0x80000049;
	[dreg:$0x1] =	wrdreg $0xFFFFFFFF  }
0xa4: {  	s23 =	simm.s32 $_size_execute0_lowered;
	s3 =	sadd.s32 s1, s3;
	[dreg:$0x0] =	wrdreg $0x0  }
0xa5: {  	s4 =	sshll.u32 s23, $0x1;
	[dreg:$0x2] =	wrdreg s3  }
0xa6: {  	[dreg:$0x3] =	wrdreg s4  }
0xa7: {  	[dreg:$0x4] =	wrdreg $0xC0  }
0xa8: {  	s24 =	simm.s32 $execute1_lowered;
	_ =	task [dreg:s18], $0x5FFFF  }
0xa9: {  	s3 =	sshll.u32 s24, $0x1;
	[dreg:$0x1] =	wrdreg $0xFFFFFFFF  }
0xaa: {  	s1 =	sadd.s32 s1, s3;
	[dreg:$0x0] =	wrdreg $0x60  }
0xab: {  	[dreg:$0x2] =	wrdreg s1  }
0xac: {  	[dreg:$0x3] =	wrdreg s20  }
0xad: {  	[dreg:$0x4] =	wrdreg $0x9  }
0xae: {  	_ =	task.clear_ibuf [dreg:s18], $0x5FFFF;
	_ =	strace $0x90000049  }
0xaf: {  	s25 =	simm.s32 $0x9;
	_ =	strace $0x8000004B  }
0xb0: {  	_ =	swait.ge [sflag:s25], $0x1  }
0xb1: {  	[sflag:s25] =	ssyncadd.s32 $0xFFFFFFFF  }
0xb2: {  	_ =	strace $0x9000004B  }
0xb3: {  	_ =	strace $0x8000004C;
	[dreg:$0x1] =	wrdreg $0xFFFFFFFF  }
0xb4: {  	[dreg:$0x0] =	wrdreg $0x2030  }
0xb5: {  	[dreg:$0x2] =	wrdreg s20  }
0xb6: {  	[dreg:$0x3] =	wrdreg $0xA  }
0xb7: {  	_ =	task.clear_ibuf [dreg:s18], $0x4FFFF;
	_ =	strace $0x9000004C  }
0xb8: {  	s26 =	simm.s32 $0xA;
	_ =	strace $0x8000004E  }
0xb9: {  	_ =	swait.ge [sflag:s26], $0x1  }
0xba: {  	[sflag:s26] =	ssyncadd.s32 $0xFFFFFFFF  }
0xbb: {  	_ =	strace $0x9000004E  }
0xbc: {  	_ =	sfence  }
0xbd: {  	s28 =	sld [smem:$0x0];
	_ =	sdelay $0x1  }
0xbe: {  	s29 =	srdreg.scid  }
0xbf: {  	s30 =	sshll.u32 s29, $0xD;
	s31 =	sshrl.u32 s29, $0x2  }
0xc0: {  	s2 =	sand.u32 $0x1, s29;
	s3 =	sand.u32 $0x4000, s30;
	s1 =	sadd.s32 s31, s28  }
0xc1: {  	s2 =	sor.u32 s3, s2;
	s1 =	sshll.u32 s1, $0x11  }
0xc2: {  	s1 =	sor.u32 s1, s2  }
0xc3: {  	s1 =	sadd.s32 $0x8F2B, s1  }
0xc4: {  	[sflag:s1] =	ssyncadd.remote.s32 $0x1  }
0xc5: {  	_ =	sfence.sel $0xFFFF  }
0xc6: {  	[dreg:$0x0] =	wrdreg $0xFFFFFFFF;
	(pc) =	sbr.abs _section_cstart, $3  }
0xc7: {  	[dreg:$0x1] =	wrdreg $0xFFFFFFFF  }
0xc8: {  	_ =	task.clear_ibuf [dreg:s18], $0x2FFFF;
	_ =	strace $0x9FFFFFFF  }
0xc9: {  	(tm) =	ssettm $0x7FFFFFFF  }
tec
execute0_lowered:
.L_overlay_start_1:
0x0: {  	(tag) =	ssettag $0x1  }
0x1: {  	s2 =	rddreg [dreg:$0x0]  }
0x2: {  	s4 =	rddreg [dreg:$0x1]  }
0x3: {  	s0 =	rddreg [dreg:$0x2];
	s3 =	stileid.u32  }
0x4: {  	[bflag:$0x3] =	sbarrier.arrive $0xFFFF;
	s1 =	simm.s32 $_size_execute1_lowered;
	p0 =	sne.s32 s3, $0x0  }
0x5: {  	s1 =	sshll.u32 s1, $0x1;
	s5 =	simm.s32 @!p0 $0x1C3F;
	s6 =	simm.s32 @!p0 $0x4060  }
0x6: {  	[timem:s6], [sflag:s5] =	dma.local @!p0 [hbm:s2], s1  }
0x7: {  	s2 =	smul.u32 $0xC40, s3  }
.Ltmp0:
0x8: {  	s31 =	simm.s32 $0x2;
	s7 =	simm.s32 $0xC40;
	(pc) =	sbr.rel .LBB2_1-.Ltmp0, $4  }
0x9: {  	s8 =	simm.s32 $0x24C0;
	s10 =	simm.s32 $0x0;
	s9 =	simm.s32 $0x0  }
0xa: {  	s3 =	simm.s32 $0x1;
	_ =	strace $0x8000004A;
	s30 =	sshrl.u32 s2, $0x3  }
0xb: {  	s6 =	simm.s32 $0x0;
	[sflag:s3] =	ssyncpa.u1 $0x0;
	s5 =	sadd.s32 s30, s4  }
0xc: {  	s4 =	sadd.s32 $0xC2800, s4;
	[sflag:s31] =	ssyncpa.u1 $0x0;
	s5 =	sadd.s32 $0xC0E00, s5  }
.LBB2_9:
0xd: {  	p1 =	seq.s32 s9, $0x2  }
.Ltmp1:
0xe: {  	_ = 	snop;
	(pc) =	sbr.rel @p1 .LBB2_11-.Ltmp1, $1  }
0xf: {  	_ =	sdelay $0x3  }
.LBB2_10:
0x10: {  	s9 =	sadd.s32 $0x1, s9;
	s10 =	smov.u32 s2  }
.LBB2_1:
0x11: {  	p1 =	sne.s32 s9, $0x0  }
.Ltmp2:
0x12: {  	_ = 	snop;
	(pc) =	sbr.rel @!p1 .LBB2_2-.Ltmp2, $1  }
0x13: {  	_ =	sdelay $0x3  }
0x14: {  	s11 =	sand.u32 $0x1, s9  }
0x15: {  	p1 =	seq.s32 s11, $0x0  }
.Ltmp3:
0x16: {  	_ = 	snop;
	(pc) =	sbr.rel @p1 .LBB2_9-.Ltmp3, $1  }
0x17: {  	_ =	sdelay $0x3  }
0x18: {  	_ =	swait.ge [sflag:s3], $0xC40  }
0x19: {  	[sflag:s3] =	ssyncset.done $0x0  }
0x1a: {  	s16 =	simm.s32 $0xD30;
	[sflag:s3] =	ssyncadd.s32 $0xFFFFF3C0  }
0x1b: {  	v0 =	vld [tilespmem:s16+$0x0]  }
0x1c: {  	v1 =	vld [tilespmem:s16+$0xFFFFFF20]  }
0x1d: {  	v2 =	vld [tilespmem:s16+$0xFFFFFF30]  }
0x1e: {  	v3 =	vld [tilespmem:s16+$0xFFFFFF40]  }
0x1f: {  	s11 =	simm.s32 $0x25B0;
	v4 =	vld [tilespmem:s16+$0xFFFFFF50]  }
0x20: {  	v5 =	vld [tilespmem:s16+$0xFFFFFF60];
	[tilespmem:s11+$0x0] =	vst v0  }
0x21: {  	[tilespmem:s11+$0xFFFFFF20] =	vst v1;
	v0 =	vld [tilespmem:s16+$0xFFFFFF70]  }
0x22: {  	[tilespmem:s11+$0xFFFFFF30] =	vst v2;
	v1 =	vld [tilespmem:s16+$0xFFFFFF80]  }
0x23: {  	[tilespmem:s11+$0xFFFFFF40] =	vst v3;
	v2 =	vld [tilespmem:s16+$0xFFFFFF90]  }
0x24: {  	[tilespmem:s11+$0xFFFFFF50] =	vst v4;
	v3 =	vld [tilespmem:s16+$0xFFFFFFA0]  }
0x25: {  	[tilespmem:s11+$0xFFFFFF60] =	vst v5;
	v5 =	vld [tilespmem:s16+$0xFFFFFFB0]  }
0x26: {  	[tilespmem:s11+$0xFFFFFF70] =	vst v0;
	v0 =	vld [tilespmem:s16+$0xFFFFFFC0]  }
0x27: {  	[tilespmem:s11+$0xFFFFFF80] =	vst v1;
	v1 =	vld [tilespmem:s16+$0xFFFFFFD0]  }
0x28: {  	[tilespmem:s11+$0xFFFFFF90] =	vst v2;
	v2 =	vld [tilespmem:s16+$0xFFFFFFE0]  }
0x29: {  	s15 =	simm.s32 $0x0;
	s12 =	simm.s32 $0xBF0;
	[tilespmem:s11+$0xFFFFFFA0] =	vst v3;
	v3 =	vld [tilespmem:s16+$0xFFFFFFF0]  }
0x2a: {  	s13 =	simm.s32 $0x30C0;
	s14 =	simm.s32 $0x1840;
	v4 =	vld [tilespmem:s16+$0xFFFFFF10];
	[tilespmem:s11+$0xFFFFFFB0] =	vst v5;
	s16 =	simm.s32 $0xE30  }
.LBB2_5:
0x2b: {  	v5 =	vld [tilespmem:s16+$0x0];
	s15 =	sadd.s32 $0x100, s15;
	[tilespmem:s11+$0xFFFFFFC0] =	vst v0  }
0x2c: {  	v0 =	vld [tilespmem:s16+$0xFFFFFF20];
	p1 =	slt.u32 s15, $0xB00;
	[tilespmem:s11+$0xFFFFFFD0] =	vst v1  }
0x2d: {  	v1 =	vld [tilespmem:s16+$0xFFFFFF30];
	[tilespmem:s11+$0xFFFFFFE0] =	vst v2  }
0x2e: {  	v2 =	vld [tilespmem:s16+$0xFFFFFF40];
	[tilespmem:s11+$0xFFFFFFF0] =	vst v3  }
0x2f: {  	v3 =	vld [tilespmem:s16+$0xFFFFFF50];
	[tilespmem:s11+$0xFFFFFF10] =	vst v4;
	s11 =	sadd.s32 $0x100, s11  }
0x30: {  	v4 =	vld [tilespmem:s16+$0xFFFFFF60];
	[tilespmem:s11+$0x0] =	vst v5  }
0x31: {  	[tilespmem:s11+$0xFFFFFF20] =	vst v0;
	v0 =	vld [tilespmem:s16+$0xFFFFFF70]  }
0x32: {  	[tilespmem:s11+$0xFFFFFF30] =	vst v1;
	v1 =	vld [tilespmem:s16+$0xFFFFFF80]  }
0x33: {  	[tilespmem:s11+$0xFFFFFF40] =	vst v2;
	v2 =	vld [tilespmem:s16+$0xFFFFFF90]  }
0x34: {  	[tilespmem:s11+$0xFFFFFF50] =	vst v3;
	v3 =	vld [tilespmem:s16+$0xFFFFFFA0]  }
0x35: {  	[tilespmem:s11+$0xFFFFFF60] =	vst v4;
	v5 =	vld [tilespmem:s16+$0xFFFFFFB0]  }
.Ltmp4:
0x36: {  	[tilespmem:s11+$0xFFFFFF70] =	vst v0;
	v0 =	vld [tilespmem:s16+$0xFFFFFFC0];
	(pc) =	sbr.rel @p1 .LBB2_5-.Ltmp4, $4  }
0x37: {  	[tilespmem:s11+$0xFFFFFF80] =	vst v1;
	v1 =	vld [tilespmem:s16+$0xFFFFFFD0]  }
0x38: {  	[tilespmem:s11+$0xFFFFFF90] =	vst v2;
	v2 =	vld [tilespmem:s16+$0xFFFFFFE0]  }
0x39: {  	[tilespmem:s11+$0xFFFFFFA0] =	vst v3;
	v3 =	vld [tilespmem:s16+$0xFFFFFFF0]  }
0x3a: {  	v4 =	vld [tilespmem:s16+$0xFFFFFF10];
	[tilespmem:s11+$0xFFFFFFB0] =	vst v5;
	s16 =	sadd.s32 $0x100, s16  }
0x3b: {  	[tilespmem:s11+$0xFFFFFFC0] =	vst v0  }
0x3c: {  	[tilespmem:s11+$0xFFFFFFD0] =	vst v1  }
0x3d: {  	[tilespmem:s11+$0xFFFFFFE0] =	vst v2  }
0x3e: {  	[tilespmem:s11+$0xFFFFFFF0] =	vst v3  }
0x3f: {  	[tilespmem:s11+$0xFFFFFF10] =	vst v4  }
.LBB2_7:
0x40: {  	s12 =	sadd.s32 $0x10, s12  }
0x41: {  	v0 =	vld [tilespmem:s14+$0x0];
	p1 =	slt.u32 s12, $0xC30  }
.Ltmp5:
0x42: {  	_ = 	snop;
	(pc) =	sbr.rel @p1 .LBB2_7-.Ltmp5, $2  }
0x43: {  	_ =	sdelay $0x2  }
0x44: {  	s14 =	sadd.s32 $0x10, s14;
	[tilespmem:s13+$0x0] =	vst v0;
	s13 =	sadd.s32 $0x10, s13  }
.Ltmp6:
0x45: {  	(pc) =	sbr.rel .LBB2_9-.Ltmp6, $4  }
0x46: {  	_ = 	snop  }
0x47: {  	s10 =	sshrl.u32 s10, $0x3  }
0x48: {  	s10 =	sadd.s32 s4, s10  }
0x49: {  	[hbm4b:s10+s6] =	stream.linear.scatter [tilespmem:s8], [sflag:$0x2], $0xC40, $0x38;
	[tilespmem:$0x3100] =	vst v63  }
.LBB2_2:
.Ltmp7:
0x4a: {  	(pc) =	sbr.rel .LBB2_10-.Ltmp7, $2  }
0x4b: {  	_ =	sdelay $0x2  }
0x4c: {  	[tilespmem:s7], [sflag:$0x1] =	stream.linear.gather [hbm4b:s5+s6], $0xC40, $0x38;
	[tilespmem:$0x3100] =	vst v63  }
.LBB2_11:
0x4d: {  	s2 =	simm.s32 $0x2  }
0x4e: {  	_ =	swait.ge [sflag:s2], $0xC40  }
0x4f: {  	[sflag:s2] =	ssyncset.done $0x0  }
0x50: {  	[sflag:s2] =	ssyncadd.s32 $0xFFFFF3C0  }
0x51: {  	_ =	sfence.sel $0x180000  }
0x52: {  	s3 =	simm.s32 $0x1;
	[bflag:$0x0] =	sbarrier.arrive $0xFFFF  }
0x53: {  	[sflag:s3] =	ssyncpa.u1 $0x1  }
0x54: {  	[sflag:s2] =	ssyncpa.u1 $0x1  }
0x55: {  	_ =	strace $0x9000004A  }
0x56: {  	s0 =	sadd.s32 @!p0 $0x100000, s0;
	[bflag:$0x2] =	sbarrier.arrive $0xFFFF  }
0x57: {  	[sflag:s0] =	ssyncadd.tile.s32 @!p0 $0x1;
	s0 =	simm.s32 @!p0 $0x3F  }
0x58: {  	_ =	swait.ge @!p0 [sflag:s0], s1  }
0x59: {  	s1 =	ssub.s32 @!p0 $0x0, s1;
	[sflag:s0] =	ssyncset.done @!p0 $0x0  }
0x5a: {  	[sflag:s0] =	ssyncadd.s32 @!p0 s1  }
0x5b: {  	[bflag:$0x3] =	sbarrier.arrive $0xFFFF  }
0x5c: {  	_ =	shalt  }
.Lfunc_end2:
execute1_lowered:
.L_overlay_start_2:
0x5d: {  	(tag) =	ssettag $0x2  }
0x5e: {  	s0 =	rddreg [dreg:$0x0];
	_ =	strace $0x8000004D;
	s1 =	simm.s32 $0x1  }
0x5f: {  	v1 =	vimm.s32 $0xFFFFFFFF;
	[sflag:s1] =	ssyncpa.u1 $0x0  }
0x60: {  	[tilespmem:$0x10] =	vst v1  }
0x61: {  	v0 =	vimm.f32 $0.0e+00;
	s6 =	stileid.u32;
	s29 =	simm.s32 $0x2;
	s7 =	simm.s32 $0x7;
	[tilespmem:$0x20] =	vst v1  }
0x62: {  	s8 =	simm.s32 $0x8;
	s30 =	simm.s32 $0x9;
	s16 =	simm.s32 $0x0;
	[tilespmem:$0x30] =	vst v0  }
0x63: {  	s17 =	simm.s32 $0xFFFFE000;
	s18 =	simm.s32 $0xF0;
	s19 =	simm.s32 $0xFFFFFFFF;
	[tilespmem:$0x40] =	vst v0  }
0x64: {  	s20 =	simm.s32 $0xFFFFC100;
	s21 =	simm.s32 $0xFFFFFFFE;
	s28 =	smul.u32 $0x6, s6;
	[tilespmem:$0x50] =	vst v0  }
0x65: {  	s22 =	simm.s32 $0xF;
	s26 =	simm.s32 $0x0;
	s2 =	smin.u32 s6, $0x4;
	[tilespmem:$0x60] =	vst v1  }
0x66: {  	p0 =	slt.u32 s6, $0x4;
	[tilespmem:$0x70] =	vst v1;
	s1 =	sadd.s32 s2, s28;
	s2 =	simm.s32 $0xE000  }
0x67: {  	s25 =	simm.s32 $0x0;
	[tilespmem:$0x80] =	vst v1;
	s3 =	sshll.u32 s1, $0xD;
	s2 =	simm.s32 @!p0 $0xC000  }
0x68: {  	s4 =	sadd.s32 $0x20C00, s0;
	s11 =	sshll.u32 s6, $0x1;
	v1 =	vimm.s32 $0x0;
	[tilespmem:$0xB0] =	vst v0;
	s2 =	sadd.s32 s2, s3  }
0x69: {  	s14 =	sshllo.u32 s6, $0x1;
	s13 =	sor.u32 $0x81, s11;
	[tilespmem:$0x90] =	vst v1;
	s5 =	smin.u32 s2, $0xC8000  }
0x6a: {  	s15 =	sor.u32 $0x80, s11;
	[tilespmem:$0xA0] =	vst v1;
	[sflag:s29] =	ssyncpa.u1 $0x0;
	s2 =	ssub.s32 s5, s3  }
.Ltmp8:
0x6b: {  	s1 =	sadd.s32 $0xC2800, s0;
	p0 =	sgt.s32 s2, $0x0;
	(pc) =	sbr.rel .LBB3_1-.Ltmp8, $4  }
0x6c: {  	s0 =	sadd.s32 $0x39C00, s0;
	[sflag:s7] =	ssyncpa.u1 $0x0;
	s2 =	simm.s32 @!p0 $0x0  }
0x6d: {  	[dreg:$0x2] =	wrdreg s0;
	[sflag:s8] =	ssyncpa.u1 $0x0;
	s9 =	sshrl.u32 s2, $0xD  }
0x6e: {  	vm0 =	vmmov $0xffff;
	v2 =	vlaneseq.u32;
	s24 =	smov.u32 s3;
	[sflag:s30] =	ssyncpa.u1 $0x0;
	s31 =	sadd.s32 $0x1, s9  }
0x6f: {  	vm1 =	vmxor vm1, vm1;
	vm2 =	vmmov $0x1;
	vm3 =	vcmask $0x3F3C;
	p0 =	por $0x0, $0x0;
	s12 =	sadd.s32 $0x2, s9;
	[dreg:$0x3] =	wrdreg s31  }
.LBB3_9:
0x70: {  	p1 =	slt.u32 s25, $0x3  }
0x71: {  	s0 =	simm.s32 @!p1 $0x2  }
0x72: {  	_ =	swait.ge @!p1 [sflag:s0], $0x2000  }
0x73: {  	[sflag:s0] =	ssyncset.done @!p1 $0x0  }
0x74: {  	[sflag:s0] =	ssyncadd.s32 @!p1 $0xFFFFE000;
	s0 =	simm.s32 @!p1 $0x9  }
0x75: {  	_ =	swait.ge @!p1 [sflag:s0], $0x10  }
0x76: {  	s2 =	sadd.s32 $0x2000, s24;
	[sflag:s0] =	ssyncset.done @!p1 $0x0  }
0x77: {  	[sflag:s0] =	ssyncadd.s32 @!p1 $0xFFFFFFF0;
	p1 =	slt.s32 s2, s5;
	s0 =	smov.u32 s3  }
0x78: {  	s0 =	smov.u32 @p1 s2;
	p1 =	sne.s32 s25, s12  }
.Ltmp9:
0x79: {  	_ = 	snop;
	(pc) =	sbr.rel @!p1 .LBB3_10-.Ltmp9, $4  }
0x7a: {  	s31 =	sadd.s32 $0x1, s25  }
0x7b: {  	s17 =	sadd.s32 $0x2000, s17;
	s18 =	sadd.s32 $0x2000, s18;
	s19 =	sadd.s32 $0x1, s19  }
0x7c: {  	s26 =	smov.u32 s24;
	p0 =	por !p0, !p0;
	s20 =	sadd.s32 $0x2000, s20  }
0x7d: {  	s21 =	sadd.s32 $0x1, s21;
	s25 =	smov.u32 s31;
	s24 =	smov.u32 s0  }
.LBB3_1:
0x7e: {  	p1 =	sge.u32 s25, s9  }
0x7f: {  	s0 =	smulhi.u32 @!p1 $0xAAAAAAAB, s25;
	_ =	sdelay $0x1  }
0x80: {  	s0 =	sshrl.u32 @!p1 s0, $0x1  }
0x81: {  	s0 =	smul.u32 @!p1 $0x3, s0;
	_ =	sdelay $0x1  }
0x82: {  	s0 =	ssub.s32 @!p1 s25, s0  }
0x83: {  	s2 =	sshrl.u32 @!p1 s24, $0x3;
	s0 =	sshll.u32 @!p1 s0, $0xD  }
0x84: {  	s6 =	sand.u32 @!p1 $0x7, s24;
	s2 =	sadd.s32 @!p1 s4, s2;
	s0 =	sor.u32 @!p1 $0x100, s0  }
0x85: {  	[tilespmem:s0], [sflag:$0x7] =	stream.linear.gather @!p1 [hbm4b:s2+s6], $0x2000, $0x38;
	[tilespmem:$0x12120] =	vst v63  }
0x86: {  	s2 =	sadd.s32 $0xFFFFFFFF, s25  }
0x87: {  	p1 =	sge.u32 s2, s9  }
.Ltmp10:
0x88: {  	_ = 	snop;
	(pc) =	sbr.rel @p1 .LBB3_5-.Ltmp10, $1  }
0x89: {  	_ =	sdelay $0x3  }
0x8a: {  	s0 =	smulhi.u32 $0xAAAAAAAB, s2;
	_ =	sdelay $0x1  }
0x8b: {  	s0 =	sshrl.u32 s0, $0x1  }
0x8c: {  	s0 =	smul.u32 $0x3, s0;
	_ =	sdelay $0x1  }
0x8d: {  	s0 =	ssub.s32 s2, s0  }
0x8e: {  	_ =	swait.ge [sflag:s7], $0x2000;
	s0 =	sshll.u32 s0, $0xD  }
0x8f: {  	[sflag:s7] =	ssyncset.done $0x0;
	s0 =	sor.u32 $0x100, s0  }
0x90: {  	[sflag:s7] =	ssyncadd.s32 $0xFFFFE000;
	(ifvalue) =	ssetifvalue $0xFFFFFFFF;
	v3 =	vld.msk [tilespmem:s0+$0x0 ss:$0x1], $0xffff;
	_ =	sdelay $0x2  }
0x91: {  	s29 =	smulhi.u32 $0xAAAAAAAB, s19;
	p1 =	sne.s32 s25, $0x1  }
0x92: {  	v4 =	vimm.s32 @!p1 $0x0  }
0x93: {  	s0 =	sshrl.u32 s29, $0x1;
	v4 =	vperm.xlane @!p1 v3, v4  }
0x94: {  	s6 =	sshll.u32 s25, $0x4;
	s0 =	smul.u32 $0xFFFE8000, s0;
	vm4 =	vlt.u32 v3, $0xC400  }
0x95: {  	s6 =	sand.u32 $0x10, s6;
	v3 =	vnsel vm4, $0xFFFFFFFE, v3;
	vm4 =	vlt.u32 @!p1 v4, $0xC400  }
0x96: {  	s0 =	sshra.s32 s0, $0x2;
	[tilespmem:s6+$0x60] =	vst v3;
	v3 =	vnsel @!p1 vm4, $0xFFFFFFFE, v4  }
0x97: {  	s28 =	sadd.s32 s0, s18;
	[tilespmem:$0x80] =	vst @!p1 v3  }
0x98: {  	v3 =	vld.msk [tilespmem:s28+$0x0 ss:$0x1], $0xffff;
	_ =	sdelay $0x4  }
0x99: {  	(xrf1) =	vunique.msk.u32 $0xffff, v3;
	_ =	sdelay $0xd  }
0x9a: {  	v4 =	vimm.s32 $0xFFFFFFFF;
	v5, _, _ =	vpop (xrf1)  }
0x9b: {  	vm5 =	vne.s32 v3, v4;
	vm4 =	veq.s32 v5, v2  }
0x9c: {  	vm6 =	vlt.u32 v3, $0xC400;
	vm4 =	vmand vm5, vm4  }
0x9d: {  	vm4 =	vmand vm6, vm4  }
0x9e: {  	v4 =	vnsel vm4, $0xFFFFFFFF, v3;
	_ =	sdelay $0x2  }
0x9f: {  	s30 =	sand.u32 $0x2000, s17  }
0xa0: {  	s31 =	sshll.u32 s2, $0xD;
	s0 =	sor.u32 $0x80F0, s30;
	(ifvalue) =	ssetifvalue $0xFFFFFFFF  }
0xa1: {  	v3 =	vperm.xlane v3, v1;
	[tilespmem:s0], [sflag:$0x8] =	stream.indirect_vreg.gather [hbm4b:s1+s16], $0x1, v4, vm0, $0x4038;
	v4 =	vnsel vm6, $0xFFFFFFFE, v4;
	[tilespmem:$0x12120] =	vst v63  }
0xa2: {  	s23 =	simm.s32 $0x0;
	s2 =	sand.u32 $0x2000, s31;
	s6 =	sadd.s32 $0xFFFFFFF0, s28;
	[tilespmem:s28+$0x0] =	vst v4  }
.LBB3_3:
0xa3: {  	v4 =	vld.msk [tilespmem:s6+$0x0 ss:$0x1], $0xffff;
	s23 =	sadd.s32 $0x10, s23;
	v5 =	vmov v3;
	s28 =	smov.u32 s6  }
0xa4: {  	p1 =	slt.u32 s23, $0x1FF0;
	_ =	sdelay $0x4  }
0xa5: {  	v3 =	vperm.xlane v4, v1;
	(xrf1) =	vunique.msk.u32 $0xffff, v4;
	_ =	sdelay $0xd  }
0xa6: {  	v6, _, _ =	vpop (xrf1)  }
0xa7: {  	vm5 =	vne.s32 v4, v5;
	vm4 =	veq.s32 v6, v2  }
0xa8: {  	vm6 =	vlt.u32 v4, $0xC400;
	vm4 =	vmand vm5, vm4  }
0xa9: {  	vm4 =	vmand vm6, vm4  }
0xaa: {  	v4 =	vnsel vm4, $0xFFFFFFFF, v4  }
.Ltmp11:
0xab: {  	v5 =	vnsel vm6, $0xFFFFFFFE, v4;
	(pc) =	sbr.rel @p1 .LBB3_3-.Ltmp11, $3  }
0xac: {  	_ =	sdelay $0x1  }
0xad: {  	s6 =	sadd.s32 $0xFFFFFFF0, s6;
	s0 =	sadd.s32 $0xFFFFFFF0, s0;
	(ifvalue) =	ssetifvalue $0xFFFFFFFF  }
0xae: {  	[tilespmem:s0], [sflag:$0x8] =	stream.indirect_vreg.gather [hbm4b:s1+s16], $0x1, v4, vm0, $0x4038;
	[tilespmem:s28+$0x0] =	vst v5  }
0xaf: {  	s0 =	sshrl.u32 s26, $0x3;
	s6 =	rddreg [dreg:$0x2]  }
0xb0: {  	s2 =	sadd.s32 $0xA100, s2;
	s0 =	sadd.s32 s6, s0  }
0xb1: {  	[tilespmem:s2], [sflag:$0x8] =	stream.linear.gather [hbm:s0], $0x2000, $0x38;
	[tilespmem:$0x12120] =	vst v63  }
.LBB3_5:
0xb2: {  	p1 =	slt.u32 s25, $0x2  }
0xb3: {  	p2 =	sge.u32 @!p1 s25, s12  }
0xb4: {  	p1 =	por p1, p2  }
.Ltmp12:
0xb5: {  	_ = 	snop;
	(pc) =	sbr.rel @p1 .LBB3_9-.Ltmp12, $1  }
0xb6: {  	_ =	sdelay $0x3  }
0xb7: {  	s0 =	sadd.s32 $0xFFFFFFFE, s25  }
0xb8: {  	s2 =	smulhi.u32 $0xAAAAAAAB, s0;
	_ =	sdelay $0x1  }
0xb9: {  	s2 =	sshrl.u32 s2, $0x1  }
0xba: {  	s2 =	smul.u32 $0x3, s2  }
0xbb: {  	_ =	swait.ge [sflag:s8], $0x4000  }
0xbc: {  	s6 =	rddreg [dreg:$0x3];
	s0 =	ssub.s32 s0, s2  }
0xbd: {  	[sflag:s8] =	ssyncset.done $0x0;
	p1 =	sne.s32 s25, s6;
	s0 =	sshll.u32 s0, $0xD  }
0xbe: {  	[sflag:s8] =	ssyncadd.s32 $0xFFFFC000;
	s2 =	sadd.s32 @!p1 $0x20FF, s0  }
0xbf: {  	[spmem:s13] =	stream.linear.scatter @!p1 [tilespmem:s2], [sflag:$0x1], $0x1, $0x38;
	[tilespmem:$0x12120] =	vst v63  }
0xc0: {  	s2 =	simm.s32 @!p1 $0x1  }
0xc1: {  	_ =	swait.ge @!p1 [sflag:s2], $0x1  }
0xc2: {  	s6 =	sshll.u32 s25, $0x4;
	[sflag:s2] =	ssyncset.done @!p1 $0x0  }
0xc3: {  	s26 =	sand.u32 $0x10, s6;
	[sflag:s2] =	ssyncadd.s32 @!p1 $0xFFFFFFFF  }
0xc4: {  	s2 =	sxor.u32 $0x10, s26;
	v4 =	vld [tilespmem:s26+$0x10]  }
0xc5: {  	v5 =	vld [tilespmem:s2+$0x60]  }
0xc6: {  	v3 =	vld [tilespmem:$0x80];
	_ =	sdelay $0x2  }
0xc7: {  	(v2sf) =	vpush v4, $0x0  }
0xc8: {  	(v2sf) =	vpush v5, $0x0  }
0xc9: {  	(v2sf) =	vpush v3, $0x0;
	_ =	sdelay $0xc  }
0xca: {  	s10 =	spop (v2sf)  }
0xcb: {  	s23 =	spop (v2sf)  }
0xcc: {  	s29 =	spop (v2sf)  }
0xcd: {  	p2 =	seq.s32 s10, s23;
	p3 =	seq.s32 s29, s10  }
0xce: {  	p3 =	por p2, p3  }
0xcf: {  	v4 =	vpsel p3, $0xFFFFFFFF, v4  }
0xd0: {  	s23 =	sand.u32 $0x1, s25;
	[tilespmem:s26+$0x10] =	vst.msk $0x1, v4  }
0xd1: {  	s30 =	sshll.u32 s23, $0xD;
	v4 =	vld [tilespmem:$0x30]  }
0xd2: {  	v5 =	vld [tilespmem:s30+$0xA100]  }
0xd3: {  	v6 =	vld [tilespmem:s26+$0x40];
	_ =	sdelay $0x3  }
0xd4: {  	vm4 =	vmmov vm1;
	v5 =	vadd.f32 v5, v4  }
0xd5: {  	vm5 =	vmmov vm2;
	vm4 =	vmmov @p2 vm2;
	s6 =	sshll.u32 s23, $0x4;
	v4 =	vadd.f32 v6, v4  }
0xd6: {  	s28 =	sor.u32 $0x12100, s6;
	vm5 =	vmmov @p3 vm1;
	[tilespmem:s30+$0xA100] =	vst.msk vm4, v5  }
0xd7: {  	[tilespmem:s28+$0x0] =	vst.msk vm5, v4  }
0xd8: {  	v4 =	vld [tilespmem:s30+$0x80F0];
	_ =	sdelay $0x3  }
0xd9: {  	v5 =	vimm.f32 $0.0e+00  }
0xda: {  	v4 =	vshift.insert v4, v5, s22  }
0xdb: {  	s10 =	sor.u32 $0x40, s2  }
0xdc: {  	[tilespmem:s10+$0x0] =	vst.msk $0x1, v4  }
0xdd: {  	[tilespmem:s30+$0x80FF] =	vst.msk $0x1, v5  }
0xde: {  	v4 =	vld [tilespmem:s0+$0x20F0];
	_ =	sdelay $0x1  }
0xdf: {  	s23 =	smulhi.u32 $0xAAAAAAAB, s21;
	_ =	sdelay $0x1  }
0xe0: {  	s6 =	simm.s32 $0x1;
	s0 =	sshrl.u32 s23, $0x1  }
0xe1: {  	s6 =	simm.s32 @!p0 $0x0;
	s0 =	smul.u32 $0xFFFE8000, s0;
	v4 =	vshift.insert v4, v1, s22  }
0xe2: {  	s6 =	sshll.u32 s6, $0xD  }
0xe3: {  	s31 =	sadd.s32 $0xA100, s6;
	s0 =	sshra.s32 s0, $0x2;
	[tilespmem:s2+$0x10] =	vst.msk $0x1, v4  }
0xe4: {  	s10 =	sadd.s32 s0, s20;
	v6 =	vld [tilespmem:s31+$0x0]  }
0xe5: {  	v7 =	vld [tilespmem:s10+$0x0];
	_ =	sdelay $0x3  }
0xe6: {  	v5 =	vadd.f32 v6, v5  }
0xe7: {  	vm4 =	vne.s32 v7, $0xFFFFFFFF  }
0xe8: {  	(xrf2) =	vadd.seg.scan.f32 vm4, v5;
	_ =	sdelay $0x3  }
0xe9: {  	s0 =	sadd.s32 $0x6100, s6;
	v5 =	vperm.xlane v4, v1  }
0xea: {  	v6 =	vld [tilespmem:s0+$0x0]  }
0xeb: {  	vm5 =	veq.s32 v7, v3;
	vm6 =	veq.s32 v7, v5  }
0xec: {  	vm7 =	vgt.u32 v7, $0xFFFFFFFD;
	vm6 =	vmor vm6, vm5  }
0xed: {  	vm6 =	vmor vm6, vm7  }
0xee: {  	v9 =	vld [tilespmem:$0xA0];
	v7 =	vsel vm6, $0xFFFFFFFF, v7  }
0xef: {  	v10 =	vld [tilespmem:$0x90];
	v6 =	vsel vm5, $0x0, v6;
	v8, _, _ =	vpop (xrf2)  }
0xf0: {  	v6 =	vadd.f32 v8, v6  }
0xf1: {  	s2 =	sadd.s32 $0xE100, s6  }
0xf2: {  	vm4 =	vmand vm4, vm3;
	[tilespmem:s2+$0x0] =	vst v6;
	(ifvalue) =	ssetifvalue $0xFFFFFFFF  }
0xf3: {  	vm6 =	veq.s32 v9, $0x1;
	[hbm4b:s1+s16] =	stream.indirect_vreg.scatter [tilespmem:s2], [sflag:$0x2], $0x1, v7, vm0, $0x4038;
	v7 =	vsel vm4, $0x0, v8;
	[tilespmem:$0x12120] =	vst v63  }
0xf4: {  	s23 =	simm.s32 $0x0;
	s6 =	sadd.s32 $0x10, s10;
	vm4 =	vmor vm6, vm5;
	v6 =	vsel vm5, v8, v10;
	v7 =	vshift.insert v7, v0, s22  }
.LBB3_7:
0xf5: {  	v8 =	vld [tilespmem:s6+$0x0];
	s31 =	sadd.s32 $0x10, s31  }
0xf6: {  	s0 =	sadd.s32 $0x10, s0;
	v9 =	vld [tilespmem:s31+$0x0]  }
0xf7: {  	s23 =	sadd.s32 $0x10, s23;
	v10 =	vld [tilespmem:s0+$0x0]  }
0xf8: {  	p2 =	slt.u32 s23, $0x1FF0;
	_ =	sdelay $0x2  }
0xf9: {  	v7 =	vadd.f32 v9, v7  }
0xfa: {  	vm5 =	vne.s32 v8, $0xFFFFFFFF  }
0xfb: {  	vm6 =	vmand vm5, vm3;
	(xrf2) =	vadd.seg.scan.f32 vm5, v7;
	_ =	sdelay $0x5  }
0xfc: {  	vm7 =	veq.s32 v8, v5;
	vm5 =	veq.s32 v8, v3  }
0xfd: {  	vm8 =	vgt.u32 v8, $0xFFFFFFFD;
	vm4 =	vmor vm4, vm5;
	vm7 =	vmor vm7, vm5  }
0xfe: {  	vm7 =	vmor vm7, vm8  }
0xff: {  	v8 =	vsel vm7, $0xFFFFFFFF, v8  }
.Ltmp13:
0x100: {  	v7 =	vsel vm5, $0x0, v10;
	v9, _, _ =	vpop (xrf2);
	(pc) =	sbr.rel @p2 .LBB3_7-.Ltmp13, $4  }
0x101: {  	v6 =	vsel vm5, v9, v6;
	v10 =	vadd.f32 v9, v7;
	v7 =	vsel vm6, $0x0, v9  }
0x102: {  	s2 =	sadd.s32 $0x10, s2;
	v7 =	vshift.insert v7, v0, s22  }
0x103: {  	s6 =	sadd.s32 $0x10, s6;
	[tilespmem:s2+$0x0] =	vst v10;
	(ifvalue) =	ssetifvalue $0xFFFFFFFF  }
0x104: {  	[hbm4b:s1+s16] =	stream.indirect_vreg.scatter [tilespmem:s2], [sflag:$0x2], $0x1, v8, vm0, $0x4038;
	[tilespmem:$0x12120] =	vst v63  }
0x105: {  	v3 =	vld [tilespmem:s30+$0x100F0];
	_ =	sdelay $0x4  }
0x106: {  	v3 =	vshift.insert v3, v0, s22  }
0x107: {  	s0 =	simm.s32 $0x30  }
0x108: {  	[tilespmem:s0+$0x0] =	vst.msk $0x1, v3  }
0x109: {  	v3 =	vsel vm4, $0x1, v1;
	[tilespmem:$0x90] =	vst v6  }
0x10a: {  	s0 =	sadd.s32 @!p1 $0x100FF, s30;
	[tilespmem:$0xA0] =	vst v3  }
0x10b: {  	[spmem:s14] =	stream.linear.scatter @!p1 [tilespmem:s0], [sflag:$0x1], $0x1, $0x38;
	[tilespmem:$0x12120] =	vst v63  }
0x10c: {  	s0 =	simm.s32 @!p1 $0x1  }
0x10d: {  	v3 =	vmctz.xlane @!p1 vm4;
	_ =	swait.ge @!p1 [sflag:s0], $0x1  }
0x10e: {  	(v2sf) =	vpush @!p1 v4, $0x0  }
0x10f: {  	(v2sf) =	vpush @!p1 v3, $0x0;
	_ =	sdelay $0xd  }
0x110: {  	s2 =	spop @!p1 (v2sf)  }
0x111: {  	s6 =	spop @!p1 (v2sf)  }
0x112: {  	p2 =	sne.s32 @!p1 s29, s2;
	p3 =	slt.s32 @!p1 s6, $0xF  }
0x113: {  	[sflag:s0] =	ssyncset.done @!p1 $0x0;
	p2 =	por p2, p1;
	p3 =	por !p3, p1  }
0x114: {  	[sflag:s0] =	ssyncadd.s32 @!p1 $0xFFFFFFFF;
	v3 =	vimm.s32 @!p2 $0xFFFFFFFF;
	s6 =	simm.s32 @p3 $0xF  }
0x115: {  	[tilespmem:$0x80] =	vst @!p2 v3;
	s2 =	sadd.s32 @!p1 $0x90, s6  }
0x116: {  	[spmem:s11] =	stream.linear.scatter @!p1 [tilespmem:s2], [sflag:$0x1], $0x1, $0x38;
	[tilespmem:$0x12120] =	vst v63  }
0x117: {  	_ =	swait.ge @!p1 [sflag:s0], $0x1  }
0x118: {  	[sflag:s0] =	ssyncset.done @!p1 $0x0  }
0x119: {  	s2 =	simm.s32 @!p1 $0x80;
	[sflag:s0] =	ssyncadd.s32 @!p1 $0xFFFFFFFF  }
0x11a: {  	[spmem:s15] =	stream.linear.scatter @!p1 [tilespmem:s2], [sflag:$0x1], $0x1, $0x38;
	[tilespmem:$0x12120] =	vst v63  }
0x11b: {  	_ =	swait.ge @!p1 [sflag:s0], $0x1  }
0x11c: {  	[sflag:s0] =	ssyncset.done @!p1 $0x0  }
0x11d: {  	[sflag:s0] =	ssyncadd.s32 @!p1 $0xFFFFFFFF;
	(ifvalue) =	ssetifvalue $0xFFFFFFFF;
	v3 =	vld [tilespmem:s26+$0x10];
	_ =	sdelay $0x3  }
.Ltmp14:
0x11e: {  	_ = 	snop;
	(pc) =	sbr.rel .LBB3_9-.Ltmp14, $3  }
0x11f: {  	_ =	sdelay $0x1  }
0x120: {  	(ifvalue) =	ssetifvalue $0xFFFFFFFF  }
0x121: {  	[hbm4b:s1+s16] =	stream.indirect_vreg.scatter [tilespmem:s28], [sflag:$0x9], $0x1, v3, vm0, $0x4038;
	[tilespmem:$0x12120] =	vst v63  }
.LBB3_10:
0x122: {  	_ =	sfence.sel $0x180000  }
0x123: {  	s0 =	simm.s32 $0x7;
	[bflag:$0x0] =	sbarrier.arrive $0xFFFF  }
0x124: {  	s26 =	simm.s32 $0x8;
	[sflag:s0] =	ssyncpa.u1 $0x1  }
0x125: {  	s28 =	simm.s32 $0x9;
	[sflag:s26] =	ssyncpa.u1 $0x1  }
0x126: {  	[sflag:s28] =	ssyncpa.u1 $0x1  }
0x127: {  	_ =	sfence.stream.spmem  }
0x128: {  	s29 =	simm.s32 $0x3;
	[bflag:$0x0] =	sbarrier.arrive $0xFFFF  }
0x129: {  	s30 =	simm.s32 $0x4;
	[sflag:s29] =	ssyncpa.u1 $0x1  }
0x12a: {  	s31 =	simm.s32 $0x3C;
	s2 =	stileid.u32;
	[sflag:s30] =	ssyncpa.u1 $0x1  }
0x12b: {  	p0 =	sne.s32 s2, $0x0;
	[sflag:s31] =	ssyncpa.u1 $0x1  }
0x12c: {  	s0 =	simm.s32 @p0 $0x1;
	_ =	sfence @p0  }
0x12d: {  	[sflag:s0] =	ssyncpa.u1 @p0 $0x1;
	s0 =	simm.s32 @p0 $0x2  }
0x12e: {  	[sflag:s0] =	ssyncpa.u1 @p0 $0x1  }
0x12f: {  	_ =	strace @p0 $0x9000004D  }
0x130: {  	[bflag:$0x2] =	sbarrier.arrive @p0 $0xFFFF  }
0x131: {  	_ =	shalt @p0  }
.LBB3_11:
0x132: {  	_ =	sfence.stream.spmem;
	s0 =	simm.s32 $0x5  }
0x133: {  	s2 =	simm.s32 $0x80;
	s3 =	simm.s32 $0xC0;
	[sflag:s0] =	ssyncpa.u1 $0x0  }
0x134: {  	[tilespmem:s3], [sflag:$0x5] =	stream.linear.gather [spmem:s2], $0x20, $0x38;
	[tilespmem:$0x12120] =	vst v63  }
0x135: {  	s2 =	simm.s32 $0x0;
	s3 =	simm.s32 $0xE0  }
0x136: {  	[tilespmem:s3], [sflag:$0x5] =	stream.linear.gather [spmem:s2], $0x20, $0x38;
	[tilespmem:$0x12120] =	vst v63  }
.Ltmp15:
0x137: {  	_ = 	snop;
	(pc) =	sbr.rel .LBB3_12-.Ltmp15, $4  }
0x138: {  	_ =	swait.ge [sflag:s0], $0x40  }
0x139: {  	[sflag:s0] =	ssyncset.done $0x0  }
0x13a: {  	s31 =	simm.s32 $0x6;
	[sflag:s0] =	ssyncadd.s32 $0xFFFFFFC0  }
0x13b: {  	s4 =	simm.s32 $0x0;
	[sflag:s31] =	ssyncpa.u1 $0x0  }
.LBB3_17:
0x13c: {  	p0 =	sgt.u32 s0, $0xC3FF  }
0x13d: {  	s5 =	sshrl.u32 @!p0 s0, $0x3  }
0x13e: {  	s0 =	sand.u32 @!p0 $0x7, s0;
	s6 =	simm.s32 @!p0 $0xB0;
	s5 =	sadd.s32 @!p0 s1, s5  }
0x13f: {  	[tilespmem:s6], [sflag:$0x6] =	stream.linear.gather @!p0 [hbm4b:s5+s0], $0x1, $0x38;
	[tilespmem:$0x12120] =	vst v63  }
0x140: {  	s0 =	simm.s32 @!p0 $0x6  }
0x141: {  	_ =	swait.ge @!p0 [sflag:s0], $0x1  }
0x142: {  	[sflag:s0] =	ssyncset.done @!p0 $0x0  }
0x143: {  	[sflag:s0] =	ssyncadd.s32 @!p0 $0xFFFFFFFF  }
0x144: {  	v2 =	vmov @!p0 s4;
	v1 =	vld.msk @!p0 [tilespmem:$0xB0], $0x1;
	_ =	sdelay $0x3  }
0x145: {  	s0 =	simm.s32 @!p0 $0xE0  }
0x146: {  	[tilespmem:v2+s0+$0x0], v1 =	vst.idx.ret.add.f32.msk @!p0 $0x1, v1  }
0x147: {  	[tilespmem:s2+$0xC0] =	vst.msk $0x1, v0  }
0x148: {  	v0 =	vld.msk [tilespmem:s4+$0xE0], $0x1;
	_ =	sdelay $0x4  }
0x149: {  	[tilespmem:s2+$0xE0] =	vst.msk $0x1, v0;
	s2 =	sadd.s32 $0x1, s2  }
.LBB3_19:
0x14a: {  	s4 =	sadd.s32 $0x1, s4  }
0x14b: {  	p0 =	sne.s32 s4, $0x20  }
.Ltmp16:
0x14c: {  	_ = 	snop;
	(pc) =	sbr.rel @!p0 .LBB3_20-.Ltmp16, $1  }
0x14d: {  	_ =	sdelay $0x3  }
.LBB3_12:
0x14e: {  	v0 =	vld.msk [tilespmem:s4+$0xC0], $0x1;
	_ =	sdelay $0x4  }
0x14f: {  	(v2sf) =	vpush v0, $0x0;
	_ =	sdelay $0xe  }
0x150: {  	s0 =	spop (v2sf)  }
0x151: {  	p0 =	seq.s32 s0, $0xFFFFFFFF  }
.Ltmp17:
0x152: {  	_ = 	snop;
	(pc) =	sbr.rel @p0 .LBB3_19-.Ltmp17, $1  }
0x153: {  	_ =	sdelay $0x3  }
0x154: {  	p0 =	slt.s32 s2, $0x1  }
.Ltmp18:
0x155: {  	_ = 	snop;
	(pc) =	sbr.rel @p0 .LBB3_17-.Ltmp18, $1  }
0x156: {  	_ =	sdelay $0x3  }
0x157: {  	s5 =	simm.s32 $0xC0;
	p0 =	por $0x0, $0x0  }
0x158: {  	v1 =	vld.msk @!p0 [tilespmem:s5+$0x0], $0x1;
	_ =	sdelay $0x4  }
0x159: {  	(v2sf) =	vpush @!p0 v1, $0x0;
	_ =	sdelay $0xd  }
0x15a: {  	p2 =	sne.s32 s2, $0x1  }
.Ltmp19:
0x15b: {  	s6 =	spop @!p0 (v2sf);
	(pc) =	sbr.rel @!p2 .LBB3_16-.Ltmp19, $4  }
0x15c: {  	p1 =	seq.s32 @!p0 s0, s6  }
0x15d: {  	s6 =	simm.s32 $0x0;
	p1 =	por !p1, p0  }
0x15e: {  	s8 =	simm.s32 $0xFFFFFFFF;
	s6 =	simm.s32 @p1 $0xFFFFFFFF  }
0x15f: {  	s7 =	simm.s32 $0x1;
	s6 =	smov.u32 @p0 s8  }
.LBB3_15:
0x160: {  	s8 =	smov.u32 s6;
	p0 =	sne.s32 s6, $0xFFFFFFFF  }
0x161: {  	s5 =	sadd.s32 $0x1, s5;
	s6 =	smov.u32 s7;
	s7 =	sadd.s32 $0x1, s7  }
0x162: {  	p1 =	sne.s32 s2, s7;
	v1 =	vld.msk @!p0 [tilespmem:s5+$0x0], $0x1;
	_ =	sdelay $0x4  }
0x163: {  	(v2sf) =	vpush @!p0 v1, $0x0;
	_ =	sdelay $0xe  }
.Ltmp20:
0x164: {  	s9 =	spop @!p0 (v2sf);
	(pc) =	sbr.rel @p1 .LBB3_15-.Ltmp20, $4  }
0x165: {  	p2 =	seq.s32 @!p0 s0, s9  }
0x166: {  	p2 =	por !p2, p0  }
0x167: {  	s6 =	simm.s32 @p2 $0xFFFFFFFF  }
0x168: {  	s6 =	smov.u32 @p0 s8  }
.LBB3_16:
0x169: {  	p0 =	sne.s32 s6, $0xFFFFFFFF  }
.Ltmp21:
0x16a: {  	_ = 	snop;
	(pc) =	sbr.rel @!p0 .LBB3_17-.Ltmp21, $1  }
0x16b: {  	_ =	sdelay $0x3  }
0x16c: {  	v0 =	vld.msk [tilespmem:s4+$0xE0], $0x1;
	v1 =	vmov s6  }
.Ltmp22:
0x16d: {  	_ = 	snop;
	(pc) =	sbr.rel .LBB3_19-.Ltmp22, $2  }
0x16e: {  	_ =	sdelay $0x2  }
0x16f: {  	[tilespmem:v1+s3+$0x0], v0 =	vst.idx.ret.add.f32.msk $0x1, v0  }
.LBB3_20:
0x170: {  	p0 =	slt.s32 s2, $0x1  }
.Ltmp23:
0x171: {  	_ = 	snop;
	(pc) =	sbr.rel @p0 .LBB3_24-.Ltmp23, $3  }
0x172: {  	_ =	sdelay $0x1  }
0x173: {  	s0 =	simm.s32 $0x6  }
0x174: {  	[sflag:s0] =	ssyncpa.u1 $0x1;
	s0 =	simm.s32 $0x0  }
0x175: {  	s3 =	simm.s32 $0xC0  }
0x176: {  	v0 =	vld.msk [tilespmem:s3+$0x0], $0x1;
	_ =	sdelay $0x4  }
0x177: {  	(v2sf) =	vpush v0, $0x0;
	_ =	sdelay $0xe  }
0x178: {  	s2 =	sadd.s32 $0xFFFFFFFF, s2;
	s4 =	spop (v2sf)  }
0x179: {  	p1 =	sne.s32 s2, $0x0;
	p0 =	sgt.u32 s4, $0xC3FF  }
.Ltmp24:
0x17a: {  	s5 =	sshrl.u32 @!p0 s4, $0x3;
	(pc) =	sbr.rel @!p1 .LBB3_23-.Ltmp24, $4  }
0x17b: {  	s3 =	simm.s32 $0xE0;
	s4 =	sand.u32 @!p0 $0x7, s4;
	s5 =	sadd.s32 @!p0 s1, s5  }
0x17c: {  	[hbm4b:s5+s4] =	stream.linear.scatter @!p0 [tilespmem:s3], [sflag:$0x5], $0x1, $0x38;
	[tilespmem:$0x12120] =	vst v63  }
0x17d: {  	s5 =	simm.s32 $0x0  }
0x17e: {  	s4 =	simm.s32 $0xC1;
	s5 =	simm.s32 @!p0 $0x4  }
.LBB3_22:
0x17f: {  	v0 =	vld.msk [tilespmem:s4+$0x0], $0x1;
	s2 =	sadd.s32 $0xFFFFFFFF, s2;
	s0 =	sadd.s32 s0, s5  }
0x180: {  	p0 =	sne.s32 s2, $0x0;
	_ =	sdelay $0x3  }
0x181: {  	(v2sf) =	vpush v0, $0x0;
	_ =	sdelay $0xe  }
.Ltmp25:
0x182: {  	s6 =	spop (v2sf);
	(pc) =	sbr.rel @p0 .LBB3_22-.Ltmp25, $4  }
0x183: {  	s5 =	simm.s32 $0x0;
	p1 =	sgt.u32 s6, $0xC3FF  }
0x184: {  	s3 =	sadd.s32 $0x1, s3;
	s5 =	simm.s32 @!p1 $0x4;
	s7 =	sshrl.u32 @!p1 s6, $0x3  }
0x185: {  	s4 =	sadd.s32 $0x1, s4;
	s6 =	sand.u32 @!p1 $0x7, s6;
	s7 =	sadd.s32 @!p1 s1, s7  }
0x186: {  	[hbm4b:s7+s6] =	stream.linear.scatter @!p1 [tilespmem:s3], [sflag:$0x5], $0x1, $0x38;
	[tilespmem:$0x12120] =	vst v63  }
.LBB3_23:
0x187: {  	s0 =	sadd.s32 s0, s5  }
0x188: {  	s0 =	sshrl.u32 s0, $0x2  }
.LBB3_24:
0x189: {  	s1 =	simm.s32 $0x5  }
0x18a: {  	_ =	swait.ge [sflag:s1], s0  }
0x18b: {  	s28 =	ssub.s32 $0x0, s0;
	[sflag:s1] =	ssyncset.done $0x0  }
0x18c: {  	[sflag:s1] =	ssyncadd.s32 s28  }
0x18d: {  	[sflag:s1] =	ssyncpa.u1 $0x1  }
0x18e: {  	s29 =	simm.s32 $0x1;
	_ =	sfence  }
0x18f: {  	s30 =	simm.s32 $0x2;
	[sflag:s29] =	ssyncpa.u1 $0x1  }
0x190: {  	[sflag:s30] =	ssyncpa.u1 $0x1  }
0x191: {  	_ =	strace $0x9000004D  }
0x192: {  	[bflag:$0x2] =	sbarrier.arrive $0xFFFF  }
0x193: {  	s31 =	rddreg [dreg:$0x1]  }
0x194: {  	s0 =	sadd.s32 $0x100000, s31  }
0x195: {  	[sflag:s0] =	ssyncadd.tile.s32 $0x1;
	_ =	shalt  }
.Lfunc_end3:
_tile_overlayer_lowered:
.L_overlay_start_3:
0x196: {  	(tag) =	ssettag $0x3  }
0x197: {  	s0 =	rddreg [dreg:$0x0];
	s2 =	stileid.u32  }
0x198: {  	s1 =	rddreg [dreg:$0x1];
	p0 =	sne.s32 s2, $0x0  }
0x199: {  	s3 =	rddreg [dreg:$0x2];
	[bflag:$0x3] =	sbarrier.arrive $0xFFFF;
	s2 =	simm.s32 @!p0 $0x1C01  }
0x19a: {  	[timem:s3], [sflag:s2] =	dma.local @!p0 [hbm:s0], s1  }
0x19b: {  	s0 =	simm.s32 @!p0 $0x1  }
0x19c: {  	_ =	swait.ge @!p0 [sflag:s0], s1  }
0x19d: {  	s1 =	ssub.s32 @!p0 $0x0, s1;
	[sflag:s0] =	ssyncset.done @!p0 $0x0  }
0x19e: {  	[sflag:s0] =	ssyncadd.s32 @!p0 s1  }
0x19f: {  	[bflag:$0x3] =	sbarrier.arrive $0xFFFF  }
0x1a0: {  	_ =	shalt  }

</sc_bundles>
